<compile_context>
chip_gen: v7x
topology: tpu7x:2x2x1
jax: 0.10.2.dev20260603
libtpu: 0.0.44.dev20260713+nightly
codegen_flags: <defaults>
</compile_context>

<pallas_src>
import functools

import jax
import jax.numpy as jnp
from jax import lax
from jax.experimental import pallas as pl
from jax.experimental.pallas import tpu as pltpu
from jax.experimental.pallas import tpu_sc as plsc

B = 50000
N_NODES = 100000
N_NEIGHBORS = 16
NBR_DIM = 64
RAW_DIM = 128
MSG_DIM = 64

_INFO = plsc.get_sparse_core_info()
NC = _INFO.num_cores
NS = _INFO.num_subcores
HALF = N_NODES // NC
STAGE_PER_TILE = HALF // NS
N_STAGE = HALF + 8 * NS

E_PER_T = 3328
BPAD = NS * E_PER_T
CS = 256
N_CHUNKS = E_PER_T // CS
GRP = 256


def _sc_gather_sum(nbr_idx, table_bf16):
    mesh = plsc.VectorSubcoreMesh(core_axis_name="c", subcore_axis_name="s")

    @functools.partial(
        pl.kernel,
        out_type=jax.ShapeDtypeStruct((NC * BPAD, NBR_DIM), jnp.bfloat16),
        mesh=mesh,
        compiler_params=pltpu.CompilerParams(use_tc_tiling_on_sc=False),
        scratch_types=[
            pltpu.VMEM_SHARED((N_STAGE, NBR_DIM), jnp.bfloat16),
            pltpu.VMEM((N_NEIGHBORS, CS), jnp.int32),
            pltpu.VMEM((N_NEIGHBORS, CS), jnp.int32),
            pltpu.VMEM((N_NEIGHBORS, CS), jnp.int32),
            pltpu.VMEM((CS, NBR_DIM), jnp.bfloat16),
            pltpu.VMEM((CS, NBR_DIM), jnp.bfloat16),
            pltpu.VMEM((8, NBR_DIM), jnp.bfloat16),
            pltpu.SemaphoreType.DMA,
            pltpu.SemaphoreType.DMA,
            pltpu.SemaphoreType.DMA,
            pltpu.SemaphoreType.DMA,
            pltpu.SemaphoreType.DMA,
        ],
    )
    def body(nbr_hbm, table_hbm, out_hbm, stage_s, idx0_v, idx1_v, idx2_v,
             acc0_v, acc1_v, zrow_v, sem_i, sem_g, sem_a0, sem_a1, sem_o):
        cid = lax.axis_index("c")
        sid = lax.axis_index("s")
        lo = cid * HALF
        dummy = HALF + sid * 8
        obase = cid * BPAD + sid * E_PER_T

        pltpu.sync_copy(
            table_hbm.at[pl.ds(lo + sid * STAGE_PER_TILE, STAGE_PER_TILE)],
            stage_s.at[pl.ds(sid * STAGE_PER_TILE, STAGE_PER_TILE)],
        )
        for r in range(8):
            zrow_v[r, pl.ds(0, 32)] = jnp.zeros((32,), jnp.bfloat16)
            zrow_v[r, pl.ds(32, 32)] = jnp.zeros((32,), jnp.bfloat16)
        pltpu.sync_copy(zrow_v, stage_s.at[pl.ds(dummy, 8)])
        plsc.subcore_barrier()

        idxs = (idx0_v, idx1_v, idx2_v)
        accs = (acc0_v, acc1_v)
        sems = (sem_a0, sem_a1)

        def fire_idx(c):
            return pltpu.async_copy(nbr_hbm.at[sid, c], idxs[c % 3], sem_i)

        def localize(c):
            iv = idxs[c % 3]

            def one(i, carry):
                k = i // (CS // 16)
                j = (i % (CS // 16)) * 16
                raw = iv[k, pl.ds(j, 16)]
                loc = raw - lo
                ok = (raw >= lo) & (loc < HALF)
                fill = jnp.where(k == 0, dummy, -1)
                iv[k, pl.ds(j, 16)] = jnp.where(ok, loc, fill)
                return carry

            lax.fori_loop(0, N_NEIGHBORS * (CS // 16), one, 0)

        def fire_k0(c):
            iv = idxs[c % 3]
            return [
                pltpu.async_copy(
                    stage_s.at[iv.at[0, pl.ds(j * GRP, GRP)]],
                    accs[c % 2].at[pl.ds(j * GRP, GRP)],
                    sem_g,
                )
                for j in range(CS // GRP)
            ]

        def fire_adds(c):
            iv = idxs[c % 3]

            def add_round(k, carry):
                for j in range(CS // GRP):
                    pltpu.async_copy(
                        stage_s.at[plsc.Indices(
                            iv.at[k, pl.ds(j * GRP, GRP)], ignored_value=-1)],
                        accs[c % 2].at[pl.ds(j * GRP, GRP)],
                        sems[c % 2],
                        add=True,
                    )
                return carry

            lax.fori_loop(1, N_NEIGHBORS, add_round, 0)

        def drain_adds(c):
            iv = idxs[c % 3]

            def drain_round(k, carry):
                for j in range(CS // GRP):
                    pltpu.make_async_copy(
                        stage_s.at[plsc.Indices(
                            iv.at[k, pl.ds(j * GRP, GRP)], ignored_value=-1)],
                        accs[c % 2].at[pl.ds(j * GRP, GRP)],
                        sems[c % 2],
                    ).wait()
                return carry

            lax.fori_loop(1, N_NEIGHBORS, drain_round, 0)

        def fire_out(c):
            return pltpu.async_copy(
                accs[c % 2],
                out_hbm.at[pl.ds(obase + c * CS, CS)],
                sem_o,
            )

        fire_idx(0).wait()
        localize(0)
        k0_descs = fire_k0(0)
        idx_desc = fire_idx(1)
        for c in range(N_CHUNKS):
            for d in k0_descs:
                d.wait()
            fire_adds(c)
            if c > 0:
                drain_adds(c - 1)
                fire_out(c - 1).wait()
            if c + 2 < N_CHUNKS:
                next_idx_desc = fire_idx(c + 2)
            if c + 1 < N_CHUNKS:
                idx_desc.wait()
                localize(c + 1)
                k0_descs = fire_k0(c + 1)
                idx_desc = next_idx_desc if c + 2 < N_CHUNKS else None
        drain_adds(N_CHUNKS - 1)
        fire_out(N_CHUNKS - 1).wait()

    return body(nbr_idx, table_bf16)


def _msg_mlp_body(x_ref, w1_ref, b1_ref, w2_ref, b2_ref, a_ref):
    x = x_ref[...]
    h = jnp.maximum(
        jnp.dot(x, w1_ref[...], preferred_element_type=jnp.float32)
        + b1_ref[...], 0.0)
    a_ref[...] = jnp.maximum(
        jnp.dot(h, w2_ref[...], preferred_element_type=jnp.float32)
        + b2_ref[...], 0.0)


def _nbr_mlp_body(a_ref, p_ref, w3_ref, b3_ref, out_ref):
    p = p_ref[...].astype(jnp.float32)
    agg = (p[0] + p[1]) * (1.0 / N_NEIGHBORS)
    b_out = jnp.maximum(
        jnp.dot(agg, w3_ref[...], preferred_element_type=jnp.float32)
        + b3_ref[...], 0.0)
    out_ref[...] = a_ref[...] + b_out


def kernel(raw_messages, neighbors, memory_table, W1, b1, W2, b2, W3, b3):
    nbr = neighbors.astype(jnp.int32)
    nbr = jnp.pad(nbr, ((0, BPAD - B), (0, 0)))
    nbr = nbr.reshape(NS, N_CHUNKS, CS, N_NEIGHBORS)
    nbr = nbr.transpose(0, 1, 3, 2)
    partials = _sc_gather_sum(nbr, memory_table.astype(jnp.bfloat16))
    partials = partials.reshape(NC, BPAD, NBR_DIM)

    blk = 2000
    grid = (B // blk,)
    a = pl.pallas_call(
        _msg_mlp_body,
        grid=grid,
        in_specs=[
            pl.BlockSpec((blk, RAW_DIM), lambda i: (i, 0)),
            pl.BlockSpec((RAW_DIM, RAW_DIM // 2), lambda i: (0, 0)),
            pl.BlockSpec((1, RAW_DIM // 2), lambda i: (0, 0)),
            pl.BlockSpec((RAW_DIM // 2, MSG_DIM), lambda i: (0, 0)),
            pl.BlockSpec((1, MSG_DIM), lambda i: (0, 0)),
        ],
        out_specs=pl.BlockSpec((blk, MSG_DIM), lambda i: (i, 0)),
        out_shape=jax.ShapeDtypeStruct((B, MSG_DIM), jnp.float32),
    )(raw_messages, W1, b1.reshape(1, -1), W2, b2.reshape(1, -1))
    out = pl.pallas_call(
        _nbr_mlp_body,
        grid=grid,
        in_specs=[
            pl.BlockSpec((blk, MSG_DIM), lambda i: (i, 0)),
            pl.BlockSpec((NC, blk, NBR_DIM), lambda i: (0, i, 0)),
            pl.BlockSpec((NBR_DIM, MSG_DIM), lambda i: (0, 0)),
            pl.BlockSpec((1, MSG_DIM), lambda i: (0, 0)),
        ],
        out_specs=pl.BlockSpec((blk, MSG_DIM), lambda i: (i, 0)),
        out_shape=jax.ShapeDtypeStruct((B, MSG_DIM), jnp.float32),
    )(a, partials, W3, b3.reshape(1, -1))
    return out

# --- scband reference (transcript-rebuilt; emitter-appended) ---
"""Pipeline reference for scband-neighbor-message-function-46531675685318 (READ-ONLY COPY).

The authoritative reference and input builder live on the scoring server;
editing this copy changes nothing except your own understanding.
"""

import jax, jax.numpy as jnp
import numpy as np

B = 50000
N_NODES = 100000
N_NEIGHBORS = 16
RAW_DIM = 128
MSG_DIM = 64
NBR_DIM = 64

def setup_inputs(seed: int = 0) -> dict:
    key = jax.random.key(seed)
    ks = jax.random.split(key, 10)
    raw_messages = jax.random.normal(ks[0], (B, RAW_DIM), dtype=jnp.float32)
    # neighbors stand in for neighbor_finder.get_temporal_neighbor(...) output
    neighbors = jax.random.randint(ks[1], (B, N_NEIGHBORS), 0, N_NODES, dtype=jnp.int64)
    memory_table = jax.random.normal(ks[2], (N_NODES, NBR_DIM), dtype=jnp.float32)
    # message_sum MLP: Linear(128->64), ReLU, Linear(64->64), ReLU
    W1 = jax.random.normal(ks[3], (RAW_DIM, RAW_DIM // 2), dtype=jnp.float32) * (1.0 / np.sqrt(RAW_DIM))
    b1 = jnp.zeros((RAW_DIM // 2,), dtype=jnp.float32)
    W2 = jax.random.normal(ks[4], (RAW_DIM // 2, MSG_DIM), dtype=jnp.float32) * (1.0 / np.sqrt(RAW_DIM // 2))
    b2 = jnp.zeros((MSG_DIM,), dtype=jnp.float32)
    # neighbor_sum: Linear(64->64), ReLU
    W3 = jax.random.normal(ks[5], (NBR_DIM, MSG_DIM), dtype=jnp.float32) * (1.0 / np.sqrt(NBR_DIM))
    b3 = jnp.zeros((MSG_DIM,), dtype=jnp.float32)
    return {"raw_messages": raw_messages, "neighbors": neighbors, "memory_table": memory_table,
            "W1": W1, "b1": b1, "W2": W2, "b2": b2, "W3": W3, "b3": b3}

def reference(raw_messages, neighbors, memory_table, W1, b1, W2, b2, W3, b3):
    # gather neighbor memories: [B*K, d] -> [B, K, d]
    flat_nbrs = neighbors.reshape(-1)
    neighbor_memories = jnp.take(memory_table, flat_nbrs, axis=0)
    neighbor_memories = neighbor_memories.reshape((raw_messages.shape[0], N_NEIGHBORS, -1))
    neighbor_agg = neighbor_memories.mean(axis=1)
    # message_sum MLP on raw messages
    h = jax.nn.relu(raw_messages @ W1 + b1)
    a = jax.nn.relu(h @ W2 + b2)
    # neighbor_sum on aggregated neighbor memory
    b_out = jax.nn.relu(neighbor_agg @ W3 + b3)
    messages = a + b_out
    return messages

if __name__ == "__main__":
    import jax
    _d = setup_inputs()
    print(jax.jit(kernel)(*tuple(_d.values())))

</pallas_src>

<mosaic_0001>
#map = affine_map<(d0, d1) -> (0, 0, 0, 0)>
#map1 = affine_map<(d0, d1) -> (0, 0)>
module attributes {stable_mosaic.version = 14 : i64} {
  func.func @body(%arg0: i32, %arg1: i32, %arg2: memref<16x13x16x256xi32, #tpu.memory_space<hbm>>, %arg3: memref<100000x64xbf16, #tpu.memory_space<hbm>>, %arg4: memref<106496x64xbf16, #tpu.memory_space<hbm>>, %arg5: memref<50128x64xbf16, #tpu.memory_space<vmem_shared>>, %arg6: memref<16x256xi32, #tpu.memory_space<vmem>>, %arg7: memref<16x256xi32, #tpu.memory_space<vmem>>, %arg8: memref<16x256xi32, #tpu.memory_space<vmem>>, %arg9: memref<256x64xbf16, #tpu.memory_space<vmem>>, %arg10: memref<256x64xbf16, #tpu.memory_space<vmem>>, %arg11: memref<8x64xbf16, #tpu.memory_space<vmem>>, %arg12: memref<!tpu.dma_semaphore, #tpu.memory_space<semaphore_mem>>, %arg13: memref<!tpu.dma_semaphore, #tpu.memory_space<semaphore_mem>>, %arg14: memref<!tpu.dma_semaphore, #tpu.memory_space<semaphore_mem>>, %arg15: memref<!tpu.dma_semaphore, #tpu.memory_space<semaphore_mem>>, %arg16: memref<!tpu.dma_semaphore, #tpu.memory_space<semaphore_mem>>) attributes {dimension_semantics = [#tpu.dimension_semantics<core_parallel>, #tpu.dimension_semantics<subcore_parallel>], iteration_bounds = array<i64: 2, 16>, scalar_prefetch = 0 : i64, scratch_operands = 12 : i64, tpu.core_type = #tpu.core_type<sc_vector_subcore>, window_params = [{transform_indices = #map}, {transform_indices = #map1}, {transform_indices = #map1}]} {
    %mul3A = arith.constant 50000 : i32
    %mul3A_0 = arith.muli %arg0, %mul3A : i32
    %mul3A_1 = arith.constant 8 : i32
    %mul3A_2 = arith.muli %arg1, %mul3A_1 : i32
    %add3A = arith.constant 50000 : i32
    %add3A_3 = arith.addi %add3A, %mul3A_2 : i32
    %mul3A_4 = arith.constant 53248 : i32
    %mul3A_5 = arith.muli %arg0, %mul3A_4 : i32
    %mul3A_6 = arith.constant 3328 : i32
    %mul3A_7 = arith.muli %arg1, %mul3A_6 : i32
    %add3A_8 = arith.addi %mul3A_5, %mul3A_7 : i32
    %mul3A_9 = arith.constant 3125 : i32
    %mul3A_10 = arith.muli %arg1, %mul3A_9 : i32
    %add3A_11 = arith.addi %mul3A_0, %mul3A_10 : i32
    %mul3A_12 = arith.constant 3125 : i32
    %mul3A_13 = arith.muli %arg1, %mul3A_12 : i32
    "tpu.region"() ({
      %run_scoped3A = tpu.sem_alloc : memref<!tpu.dma_semaphore, #tpu.memory_space<semaphore_mem>>
      %dma_start3A_995 = arith.constant 0 : i32
      %dma_start3A_996 = tpu.memref_slice %arg5[%mul3A_13, %dma_start3A_995] : memref<50128x64xbf16, #tpu.memory_space<vmem_shared>> -> memref<3125x64xbf16, #tpu.memory_space<vmem_shared>>
      %dma_start3A_997 = arith.constant 0 : i32
      %dma_start3A_998 = tpu.memref_slice %arg3[%add3A_11, %dma_start3A_997] : memref<100000x64xbf16, #tpu.memory_space<hbm>> -> memref<3125x64xbf16, #tpu.memory_space<hbm>>
      tpu.enqueue_dma source(%dma_start3A_998 : memref<3125x64xbf16, #tpu.memory_space<hbm>>) target(%dma_start3A_996 : memref<3125x64xbf16, #tpu.memory_space<vmem_shared>>) target_semaphore(%run_scoped3A : memref<!tpu.dma_semaphore, #tpu.memory_space<semaphore_mem>>)
      %dma_wait3A_999 = arith.constant 0 : i32
      %dma_wait3A_1000 = tpu.memref_slice %arg5[%mul3A_13, %dma_wait3A_999] : memref<50128x64xbf16, #tpu.memory_space<vmem_shared>> -> memref<3125x64xbf16, #tpu.memory_space<vmem_shared>>
      %dma_wait3A_1001 = arith.constant 0 : i32
      %dma_wait3A_1002 = tpu.memref_slice %arg3[%add3A_11, %dma_wait3A_1001] : memref<100000x64xbf16, #tpu.memory_space<hbm>> -> memref<3125x64xbf16, #tpu.memory_space<hbm>>
      tpu.wait_dma2 semaphore(%run_scoped3A : memref<!tpu.dma_semaphore, #tpu.memory_space<semaphore_mem>>) src(%dma_wait3A_1002 : memref<3125x64xbf16, #tpu.memory_space<hbm>>) dst(%dma_wait3A_1000 : memref<3125x64xbf16, #tpu.memory_space<vmem_shared>>)
      tpu.yield
    }) : () -> ()
    %broadcast_in_dim3A = arith.constant 0.000000e+00 : bf16
    %broadcast_in_dim3A_14 = vector.broadcast %broadcast_in_dim3A : bf16 to vector<32xbf16>
    %swap3A = arith.constant 0 : i32
    %swap3A_15 = arith.index_cast %swap3A : i32 to index
    %swap3A_16 = arith.constant 0 : index
    %swap3A_17 = tpu.vector_load %arg11[%swap3A_15, %swap3A_16] {strides = array<i32>} : memref<8x64xbf16, #tpu.memory_space<vmem>>, vector<1x32xbf16>,
    %swap3A_18 = vector.shape_cast %swap3A_17 : vector<1x32xbf16> to vector<32xbf16>
    %swap3A_19 = vector.shape_cast %broadcast_in_dim3A_14 : vector<32xbf16> to vector<1x32xbf16>
    tpu.vector_store %arg11[%swap3A_15, %swap3A_16], %swap3A_19 {strides = array<i32>} : memref<8x64xbf16, #tpu.memory_space<vmem>>, vector<1x32xbf16>,
    %broadcast_in_dim3A_20 = arith.constant 0.000000e+00 : bf16
    %broadcast_in_dim3A_21 = vector.broadcast %broadcast_in_dim3A_20 : bf16 to vector<32xbf16>
    %swap3A_22 = arith.constant 0 : i32
    %swap3A_23 = arith.index_cast %swap3A_22 : i32 to index
    %swap3A_24 = arith.constant 32 : index
    %swap3A_25 = tpu.vector_load %arg11[%swap3A_23, %swap3A_24] {strides = array<i32>} : memref<8x64xbf16, #tpu.memory_space<vmem>>, vector<1x32xbf16>,
    %swap3A_26 = vector.shape_cast %swap3A_25 : vector<1x32xbf16> to vector<32xbf16>
    %swap3A_27 = vector.shape_cast %broadcast_in_dim3A_21 : vector<32xbf16> to vector<1x32xbf16>
    tpu.vector_store %arg11[%swap3A_23, %swap3A_24], %swap3A_27 {strides = array<i32>} : memref<8x64xbf16, #tpu.memory_space<vmem>>, vector<1x32xbf16>,
    %broadcast_in_dim3A_28 = arith.constant 0.000000e+00 : bf16
    %broadcast_in_dim3A_29 = vector.broadcast %broadcast_in_dim3A_28 : bf16 to vector<32xbf16>
    %swap3A_30 = arith.constant 1 : i32
    %swap3A_31 = arith.index_cast %swap3A_30 : i32 to index
    %swap3A_32 = arith.constant 0 : index
    %swap3A_33 = tpu.vector_load %arg11[%swap3A_31, %swap3A_32] {strides = array<i32>} : memref<8x64xbf16, #tpu.memory_space<vmem>>, vector<1x32xbf16>,
    %swap3A_34 = vector.shape_cast %swap3A_33 : vector<1x32xbf16> to vector<32xbf16>
    %swap3A_35 = vector.shape_cast %broadcast_in_dim3A_29 : vector<32xbf16> to vector<1x32xbf16>
    tpu.vector_store %arg11[%swap3A_31, %swap3A_32], %swap3A_35 {strides = array<i32>} : memref<8x64xbf16, #tpu.memory_space<vmem>>, vector<1x32xbf16>,
    %broadcast_in_dim3A_36 = arith.constant 0.000000e+00 : bf16
    %broadcast_in_dim3A_37 = vector.broadcast %broadcast_in_dim3A_36 : bf16 to vector<32xbf16>
    %swap3A_38 = arith.constant 1 : i32
    %swap3A_39 = arith.index_cast %swap3A_38 : i32 to index
    %swap3A_40 = arith.constant 32 : index
    %swap3A_41 = tpu.vector_load %arg11[%swap3A_39, %swap3A_40] {strides = array<i32>} : memref<8x64xbf16, #tpu.memory_space<vmem>>, vector<1x32xbf16>,
    %swap3A_42 = vector.shape_cast %swap3A_41 : vector<1x32xbf16> to vector<32xbf16>
    %swap3A_43 = vector.shape_cast %broadcast_in_dim3A_37 : vector<32xbf16> to vector<1x32xbf16>
    tpu.vector_store %arg11[%swap3A_39, %swap3A_40], %swap3A_43 {strides = array<i32>} : memref<8x64xbf16, #tpu.memory_space<vmem>>, vector<1x32xbf16>,
    %broadcast_in_dim3A_44 = arith.constant 0.000000e+00 : bf16
    %broadcast_in_dim3A_45 = vector.broadcast %broadcast_in_dim3A_44 : bf16 to vector<32xbf16>
    %swap3A_46 = arith.constant 2 : i32
    %swap3A_47 = arith.index_cast %swap3A_46 : i32 to index
    %swap3A_48 = arith.constant 0 : index
    %swap3A_49 = tpu.vector_load %arg11[%swap3A_47, %swap3A_48] {strides = array<i32>} : memref<8x64xbf16, #tpu.memory_space<vmem>>, vector<1x32xbf16>,
    %swap3A_50 = vector.shape_cast %swap3A_49 : vector<1x32xbf16> to vector<32xbf16>
    %swap3A_51 = vector.shape_cast %broadcast_in_dim3A_45 : vector<32xbf16> to vector<1x32xbf16>
    tpu.vector_store %arg11[%swap3A_47, %swap3A_48], %swap3A_51 {strides = array<i32>} : memref<8x64xbf16, #tpu.memory_space<vmem>>, vector<1x32xbf16>,
    %broadcast_in_dim3A_52 = arith.constant 0.000000e+00 : bf16
    %broadcast_in_dim3A_53 = vector.broadcast %broadcast_in_dim3A_52 : bf16 to vector<32xbf16>
    %swap3A_54 = arith.constant 2 : i32
    %swap3A_55 = arith.index_cast %swap3A_54 : i32 to index
    %swap3A_56 = arith.constant 32 : index
    %swap3A_57 = tpu.vector_load %arg11[%swap3A_55, %swap3A_56] {strides = array<i32>} : memref<8x64xbf16, #tpu.memory_space<vmem>>, vector<1x32xbf16>,
    %swap3A_58 = vector.shape_cast %swap3A_57 : vector<1x32xbf16> to vector<32xbf16>
    %swap3A_59 = vector.shape_cast %broadcast_in_dim3A_53 : vector<32xbf16> to vector<1x32xbf16>
    tpu.vector_store %arg11[%swap3A_55, %swap3A_56], %swap3A_59 {strides = array<i32>} : memref<8x64xbf16, #tpu.memory_space<vmem>>, vector<1x32xbf16>,
    %broadcast_in_dim3A_60 = arith.constant 0.000000e+00 : bf16
    %broadcast_in_dim3A_61 = vector.broadcast %broadcast_in_dim3A_60 : bf16 to vector<32xbf16>
    %swap3A_62 = arith.constant 3 : i32
    %swap3A_63 = arith.index_cast %swap3A_62 : i32 to index
    %swap3A_64 = arith.constant 0 : index
    %swap3A_65 = tpu.vector_load %arg11[%swap3A_63, %swap3A_64] {strides = array<i32>} : memref<8x64xbf16, #tpu.memory_space<vmem>>, vector<1x32xbf16>,
    %swap3A_66 = vector.shape_cast %swap3A_65 : vector<1x32xbf16> to vector<32xbf16>
    %swap3A_67 = vector.shape_cast %broadcast_in_dim3A_61 : vector<32xbf16> to vector<1x32xbf16>
    tpu.vector_store %arg11[%swap3A_63, %swap3A_64], %swap3A_67 {strides = array<i32>} : memref<8x64xbf16, #tpu.memory_space<vmem>>, vector<1x32xbf16>,
    %broadcast_in_dim3A_68 = arith.constant 0.000000e+00 : bf16
    %broadcast_in_dim3A_69 = vector.broadcast %broadcast_in_dim3A_68 : bf16 to vector<32xbf16>
    %swap3A_70 = arith.constant 3 : i32
    %swap3A_71 = arith.index_cast %swap3A_70 : i32 to index
    %swap3A_72 = arith.constant 32 : index
    %swap3A_73 = tpu.vector_load %arg11[%swap3A_71, %swap3A_72] {strides = array<i32>} : memref<8x64xbf16, #tpu.memory_space<vmem>>, vector<1x32xbf16>,
    %swap3A_74 = vector.shape_cast %swap3A_73 : vector<1x32xbf16> to vector<32xbf16>
    %swap3A_75 = vector.shape_cast %broadcast_in_dim3A_69 : vector<32xbf16> to vector<1x32xbf16>
    tpu.vector_store %arg11[%swap3A_71, %swap3A_72], %swap3A_75 {strides = array<i32>} : memref<8x64xbf16, #tpu.memory_space<vmem>>, vector<1x32xbf16>,
    %broadcast_in_dim3A_76 = arith.constant 0.000000e+00 : bf16
    %broadcast_in_dim3A_77 = vector.broadcast %broadcast_in_dim3A_76 : bf16 to vector<32xbf16>
    %swap3A_78 = arith.constant 4 : i32
    %swap3A_79 = arith.index_cast %swap3A_78 : i32 to index
    %swap3A_80 = arith.constant 0 : index
    %swap3A_81 = tpu.vector_load %arg11[%swap3A_79, %swap3A_80] {strides = array<i32>} : memref<8x64xbf16, #tpu.memory_space<vmem>>, vector<1x32xbf16>,
    %swap3A_82 = vector.shape_cast %swap3A_81 : vector<1x32xbf16> to vector<32xbf16>
    %swap3A_83 = vector.shape_cast %broadcast_in_dim3A_77 : vector<32xbf16> to vector<1x32xbf16>
    tpu.vector_store %arg11[%swap3A_79, %swap3A_80], %swap3A_83 {strides = array<i32>} : memref<8x64xbf16, #tpu.memory_space<vmem>>, vector<1x32xbf16>,
    %broadcast_in_dim3A_84 = arith.constant 0.000000e+00 : bf16
    %broadcast_in_dim3A_85 = vector.broadcast %broadcast_in_dim3A_84 : bf16 to vector<32xbf16>
    %swap3A_86 = arith.constant 4 : i32
    %swap3A_87 = arith.index_cast %swap3A_86 : i32 to index
    %swap3A_88 = arith.constant 32 : index
    %swap3A_89 = tpu.vector_load %arg11[%swap3A_87, %swap3A_88] {strides = array<i32>} : memref<8x64xbf16, #tpu.memory_space<vmem>>, vector<1x32xbf16>,
    %swap3A_90 = vector.shape_cast %swap3A_89 : vector<1x32xbf16> to vector<32xbf16>
    %swap3A_91 = vector.shape_cast %broadcast_in_dim3A_85 : vector<32xbf16> to vector<1x32xbf16>
    tpu.vector_store %arg11[%swap3A_87, %swap3A_88], %swap3A_91 {strides = array<i32>} : memref<8x64xbf16, #tpu.memory_space<vmem>>, vector<1x32xbf16>,
    %broadcast_in_dim3A_92 = arith.constant 0.000000e+00 : bf16
    %broadcast_in_dim3A_93 = vector.broadcast %broadcast_in_dim3A_92 : bf16 to vector<32xbf16>
    %swap3A_94 = arith.constant 5 : i32
    %swap3A_95 = arith.index_cast %swap3A_94 : i32 to index
    %swap3A_96 = arith.constant 0 : index
    %swap3A_97 = tpu.vector_load %arg11[%swap3A_95, %swap3A_96] {strides = array<i32>} : memref<8x64xbf16, #tpu.memory_space<vmem>>, vector<1x32xbf16>,
    %swap3A_98 = vector.shape_cast %swap3A_97 : vector<1x32xbf16> to vector<32xbf16>
    %swap3A_99 = vector.shape_cast %broadcast_in_dim3A_93 : vector<32xbf16> to vector<1x32xbf16>
    tpu.vector_store %arg11[%swap3A_95, %swap3A_96], %swap3A_99 {strides = array<i32>} : memref<8x64xbf16, #tpu.memory_space<vmem>>, vector<1x32xbf16>,
    %broadcast_in_dim3A_100 = arith.constant 0.000000e+00 : bf16
    %broadcast_in_dim3A_101 = vector.broadcast %broadcast_in_dim3A_100 : bf16 to vector<32xbf16>
    %swap3A_102 = arith.constant 5 : i32
    %swap3A_103 = arith.index_cast %swap3A_102 : i32 to index
    %swap3A_104 = arith.constant 32 : index
    %swap3A_105 = tpu.vector_load %arg11[%swap3A_103, %swap3A_104] {strides = array<i32>} : memref<8x64xbf16, #tpu.memory_space<vmem>>, vector<1x32xbf16>,
    %swap3A_106 = vector.shape_cast %swap3A_105 : vector<1x32xbf16> to vector<32xbf16>
    %swap3A_107 = vector.shape_cast %broadcast_in_dim3A_101 : vector<32xbf16> to vector<1x32xbf16>
    tpu.vector_store %arg11[%swap3A_103, %swap3A_104], %swap3A_107 {strides = array<i32>} : memref<8x64xbf16, #tpu.memory_space<vmem>>, vector<1x32xbf16>,
    %broadcast_in_dim3A_108 = arith.constant 0.000000e+00 : bf16
    %broadcast_in_dim3A_109 = vector.broadcast %broadcast_in_dim3A_108 : bf16 to vector<32xbf16>
    %swap3A_110 = arith.constant 6 : i32
    %swap3A_111 = arith.index_cast %swap3A_110 : i32 to index
    %swap3A_112 = arith.constant 0 : index
    %swap3A_113 = tpu.vector_load %arg11[%swap3A_111, %swap3A_112] {strides = array<i32>} : memref<8x64xbf16, #tpu.memory_space<vmem>>, vector<1x32xbf16>,
    %swap3A_114 = vector.shape_cast %swap3A_113 : vector<1x32xbf16> to vector<32xbf16>
    %swap3A_115 = vector.shape_cast %broadcast_in_dim3A_109 : vector<32xbf16> to vector<1x32xbf16>
    tpu.vector_store %arg11[%swap3A_111, %swap3A_112], %swap3A_115 {strides = array<i32>} : memref<8x64xbf16, #tpu.memory_space<vmem>>, vector<1x32xbf16>,
    %broadcast_in_dim3A_116 = arith.constant 0.000000e+00 : bf16
    %broadcast_in_dim3A_117 = vector.broadcast %broadcast_in_dim3A_116 : bf16 to vector<32xbf16>
    %swap3A_118 = arith.constant 6 : i32
    %swap3A_119 = arith.index_cast %swap3A_118 : i32 to index
    %swap3A_120 = arith.constant 32 : index
    %swap3A_121 = tpu.vector_load %arg11[%swap3A_119, %swap3A_120] {strides = array<i32>} : memref<8x64xbf16, #tpu.memory_space<vmem>>, vector<1x32xbf16>,
    %swap3A_122 = vector.shape_cast %swap3A_121 : vector<1x32xbf16> to vector<32xbf16>
    %swap3A_123 = vector.shape_cast %broadcast_in_dim3A_117 : vector<32xbf16> to vector<1x32xbf16>
    tpu.vector_store %arg11[%swap3A_119, %swap3A_120], %swap3A_123 {strides = array<i32>} : memref<8x64xbf16, #tpu.memory_space<vmem>>, vector<1x32xbf16>,
    %broadcast_in_dim3A_124 = arith.constant 0.000000e+00 : bf16
    %broadcast_in_dim3A_125 = vector.broadcast %broadcast_in_dim3A_124 : bf16 to vector<32xbf16>
    %swap3A_126 = arith.constant 7 : i32
    %swap3A_127 = arith.index_cast %swap3A_126 : i32 to index
    %swap3A_128 = arith.constant 0 : index
    %swap3A_129 = tpu.vector_load %arg11[%swap3A_127, %swap3A_128] {strides = array<i32>} : memref<8x64xbf16, #tpu.memory_space<vmem>>, vector<1x32xbf16>,
    %swap3A_130 = vector.shape_cast %swap3A_129 : vector<1x32xbf16> to vector<32xbf16>
    %swap3A_131 = vector.shape_cast %broadcast_in_dim3A_125 : vector<32xbf16> to vector<1x32xbf16>
    tpu.vector_store %arg11[%swap3A_127, %swap3A_128], %swap3A_131 {strides = array<i32>} : memref<8x64xbf16, #tpu.memory_space<vmem>>, vector<1x32xbf16>,
    %broadcast_in_dim3A_132 = arith.constant 0.000000e+00 : bf16
    %broadcast_in_dim3A_133 = vector.broadcast %broadcast_in_dim3A_132 : bf16 to vector<32xbf16>
    %swap3A_134 = arith.constant 7 : i32
    %swap3A_135 = arith.index_cast %swap3A_134 : i32 to index
    %swap3A_136 = arith.constant 32 : index
    %swap3A_137 = tpu.vector_load %arg11[%swap3A_135, %swap3A_136] {strides = array<i32>} : memref<8x64xbf16, #tpu.memory_space<vmem>>, vector<1x32xbf16>,
    %swap3A_138 = vector.shape_cast %swap3A_137 : vector<1x32xbf16> to vector<32xbf16>
    %swap3A_139 = vector.shape_cast %broadcast_in_dim3A_133 : vector<32xbf16> to vector<1x32xbf16>
    tpu.vector_store %arg11[%swap3A_135, %swap3A_136], %swap3A_139 {strides = array<i32>} : memref<8x64xbf16, #tpu.memory_space<vmem>>, vector<1x32xbf16>,
    "tpu.region"() ({
      %run_scoped3A = tpu.sem_alloc : memref<!tpu.dma_semaphore, #tpu.memory_space<semaphore_mem>>
      %dma_start3A_995 = arith.constant 0 : i32
      %dma_start3A_996 = tpu.memref_slice %arg5[%add3A_3, %dma_start3A_995] : memref<50128x64xbf16, #tpu.memory_space<vmem_shared>> -> memref<8x64xbf16, #tpu.memory_space<vmem_shared>>
      %dma_start3A_997 = arith.constant 0 : i32
      %dma_start3A_998 = tpu.memref_slice %arg5[%add3A_3, %dma_start3A_997] : memref<50128x64xbf16, #tpu.memory_space<vmem_shared>> -> memref<8x64xbf16, #tpu.memory_space<vmem_shared>>
      tpu.enqueue_dma source(%arg11 : memref<8x64xbf16, #tpu.memory_space<vmem>>) target(%dma_start3A_998 : memref<8x64xbf16, #tpu.memory_space<vmem_shared>>) target_semaphore(%run_scoped3A : memref<!tpu.dma_semaphore, #tpu.memory_space<semaphore_mem>>)
      %dma_wait3A_999 = arith.constant 0 : i32
      %dma_wait3A_1000 = tpu.memref_slice %arg5[%add3A_3, %dma_wait3A_999] : memref<50128x64xbf16, #tpu.memory_space<vmem_shared>> -> memref<8x64xbf16, #tpu.memory_space<vmem_shared>>
      %dma_wait3A_1001 = arith.constant 0 : i32
      %dma_wait3A_1002 = tpu.memref_slice %arg5[%add3A_3, %dma_wait3A_1001] : memref<50128x64xbf16, #tpu.memory_space<vmem_shared>> -> memref<8x64xbf16, #tpu.memory_space<vmem_shared>>
      tpu.wait_dma2 semaphore(%run_scoped3A : memref<!tpu.dma_semaphore, #tpu.memory_space<semaphore_mem>>) src(%arg11 : memref<8x64xbf16, #tpu.memory_space<vmem>>) dst(%dma_wait3A_1002 : memref<8x64xbf16, #tpu.memory_space<vmem_shared>>)
      tpu.yield
    }) : () -> ()
    %barrier3A = arith.constant 0 : index
    tpu.barrier barrier_id(%barrier3A)
    %dma_start3A = arith.constant 0 : i32
    %dma_start3A_140 = arith.constant 0 : i32
    %dma_start3A_141 = arith.constant 0 : i32
    %dma_start3A_142 = tpu.memref_slice %arg2[%arg1, %dma_start3A, %dma_start3A_140, %dma_start3A_141] : memref<16x13x16x256xi32, #tpu.memory_space<hbm>> -> memref<1x1x16x256xi32, #tpu.memory_space<hbm>>
    %dma_start3A_143 = tpu.memref_squeeze %dma_start3A_142 : memref<1x1x16x256xi32, #tpu.memory_space<hbm>> -> memref<16x256xi32, #tpu.memory_space<hbm>>
    %dma_start3A_144 = arith.constant 0 : i32
    %dma_start3A_145 = arith.constant 0 : i32
    %dma_start3A_146 = tpu.memref_slice %arg2[%arg1, %dma_start3A, %dma_start3A_144, %dma_start3A_145] : memref<16x13x16x256xi32, #tpu.memory_space<hbm>> -> memref<1x1x16x256xi32, #tpu.memory_space<hbm>>
    %dma_start3A_147 = tpu.memref_squeeze %dma_start3A_146 : memref<1x1x16x256xi32, #tpu.memory_space<hbm>> -> memref<16x256xi32, #tpu.memory_space<hbm>>
    tpu.enqueue_dma source(%dma_start3A_147 : memref<16x256xi32, #tpu.memory_space<hbm>>) target(%arg6 : memref<16x256xi32, #tpu.memory_space<vmem>>) target_semaphore(%arg12 : memref<!tpu.dma_semaphore, #tpu.memory_space<semaphore_mem>>)
    %dma_wait3A = arith.constant 0 : i32
    %dma_wait3A_148 = arith.constant 0 : i32
    %dma_wait3A_149 = arith.constant 0 : i32
    %dma_wait3A_150 = tpu.memref_slice %arg2[%arg1, %dma_wait3A, %dma_wait3A_148, %dma_wait3A_149] : memref<16x13x16x256xi32, #tpu.memory_space<hbm>> -> memref<1x1x16x256xi32, #tpu.memory_space<hbm>>
    %dma_wait3A_151 = tpu.memref_squeeze %dma_wait3A_150 : memref<1x1x16x256xi32, #tpu.memory_space<hbm>> -> memref<16x256xi32, #tpu.memory_space<hbm>>
    %dma_wait3A_152 = arith.constant 0 : i32
    %dma_wait3A_153 = arith.constant 0 : i32
    %dma_wait3A_154 = tpu.memref_slice %arg2[%arg1, %dma_wait3A, %dma_wait3A_152, %dma_wait3A_153] : memref<16x13x16x256xi32, #tpu.memory_space<hbm>> -> memref<1x1x16x256xi32, #tpu.memory_space<hbm>>
    %dma_wait3A_155 = tpu.memref_squeeze %dma_wait3A_154 : memref<1x1x16x256xi32, #tpu.memory_space<hbm>> -> memref<16x256xi32, #tpu.memory_space<hbm>>
    tpu.wait_dma2 semaphore(%arg12 : memref<!tpu.dma_semaphore, #tpu.memory_space<semaphore_mem>>) src(%dma_wait3A_155 : memref<16x256xi32, #tpu.memory_space<hbm>>) dst(%arg6 : memref<16x256xi32, #tpu.memory_space<vmem>>)
    %scan3A = arith.constant 0 : i32
    %scan3A_156 = arith.constant 0 : i32
    %scan3A_157 = arith.constant 256 : i32
    %scan3A_158 = arith.addi %scan3A_156, %scan3A_157 : i32
    %scan3A_159 = arith.constant 1 : i32
    scf.for %scan3A_995 = %scan3A_156 to %scan3A_158 step %scan3A_159  : i32 {
      %jit3A = arith.constant 16 : i32
      %div3A = arith.divsi %scan3A_995, %jit3A : i32
      %sign3A = arith.constant 0 : i32
      %sign3A_996 = arith.cmpi sgt, %scan3A_995, %sign3A : i32
      %sign3A_997 = arith.extui %sign3A_996 : i1 to i32
      %sign3A_998 = arith.constant 0 : i32
      %sign3A_999 = arith.cmpi slt, %scan3A_995, %sign3A_998 : i32
      %sign3A_1000 = arith.extui %sign3A_999 : i1 to i32
      %sign3A_1001 = arith.subi %sign3A_997, %sign3A_1000 : i32
      %sign3A_1002 = arith.constant 0 : i32
      %sign3A_1003 = arith.cmpi sgt, %jit3A, %sign3A_1002 : i32
      %sign3A_1004 = arith.extui %sign3A_1003 : i1 to i32
      %sign3A_1005 = arith.constant 0 : i32
      %sign3A_1006 = arith.cmpi slt, %jit3A, %sign3A_1005 : i32
      %sign3A_1007 = arith.extui %sign3A_1006 : i1 to i32
      %sign3A_1008 = arith.subi %sign3A_1004, %sign3A_1007 : i32
      %ne3A = arith.cmpi ne, %sign3A_1001, %sign3A_1008 : i32
      %rem3A = arith.remsi %scan3A_995, %jit3A : i32
      %ne3A_1009 = arith.constant 0 : i32
      %ne3A_1010 = arith.cmpi ne, %rem3A, %ne3A_1009 : i32
      %and3A = arith.andi %ne3A, %ne3A_1010 : i1
      %sub3A = arith.constant 1 : i32
      %sub3A_1011 = arith.subi %div3A, %sub3A : i32
      %select_n3A = arith.select %and3A, %sub3A_1011, %div3A : i32
      %jit3A_1012 = arith.constant 16 : i32
      %eq3A = arith.constant 0 : i32
      %eq3A_1013 = arith.cmpi eq, %jit3A_1012, %eq3A : i32
      %jit3A_1014 = arith.constant 1 : i32
      %select_n3A_1015 = arith.select %eq3A_1013, %jit3A_1014, %jit3A_1012 : i32
      %rem3A_1016 = arith.remsi %scan3A_995, %select_n3A_1015 : i32
      %ne3A_1017 = arith.constant 0 : i32
      %ne3A_1018 = arith.cmpi ne, %rem3A_1016, %ne3A_1017 : i32
      %lt3A = arith.constant 0 : i32
      %lt3A_1019 = arith.cmpi slt, %rem3A_1016, %lt3A : i32
      %lt3A_1020 = arith.constant 0 : i32
      %lt3A_1021 = arith.cmpi slt, %select_n3A_1015, %lt3A_1020 : i32
      %ne3A_1022 = arith.xori %lt3A_1019, %lt3A_1021 : i1
      %and3A_1023 = arith.andi %ne3A_1022, %ne3A_1018 : i1
      %add3A_1024 = arith.addi %rem3A_1016, %select_n3A_1015 : i32
      %select_n3A_1025 = arith.select %and3A_1023, %add3A_1024, %rem3A_1016 : i32
      %mul3A_1026 = arith.constant 16 : i32
      %mul3A_1027 = arith.muli %select_n3A_1025, %mul3A_1026 : i32
      %get3A = arith.index_cast %select_n3A : i32 to index
      %get3A_1028 = arith.index_cast %mul3A_1027 : i32 to index
      %get3A_1029 = tpu.vector_load %arg6[%get3A, %get3A_1028] {strides = array<i32>} : memref<16x256xi32, #tpu.memory_space<vmem>>, vector<1x16xi32>,
      %get3A_1030 = vector.shape_cast %get3A_1029 : vector<1x16xi32> to vector<16xi32>
      %sub3A_1031 = vector.broadcast %mul3A_0 : i32 to vector<16xi32>
      %sub3A_1032 = arith.subi %get3A_1030, %sub3A_1031 : vector<16xi32>
      %ge3A = vector.broadcast %mul3A_0 : i32 to vector<16xi32>
      %ge3A_1033 = arith.cmpi sge, %get3A_1030, %ge3A : vector<16xi32>
      %lt3A_1034 = arith.constant 50000 : i32
      %lt3A_1035 = vector.broadcast %lt3A_1034 : i32 to vector<16xi32>
      %lt3A_1036 = arith.cmpi slt, %sub3A_1032, %lt3A_1035 : vector<16xi32>
      %and3A_1037 = arith.andi %ge3A_1033, %lt3A_1036 : vector<16xi1>
      %eq3A_1038 = arith.constant 0 : i32
      %eq3A_1039 = arith.cmpi eq, %select_n3A, %eq3A_1038 : i32
      %jit3A_1040 = arith.constant -1 : i32
      %select_n3A_1041 = arith.select %eq3A_1039, %add3A_3, %jit3A_1040 : i32
      %broadcast_in_dim3A_1042 = vector.broadcast %select_n3A_1041 : i32 to vector<16xi32>
      %select_n3A_1043 = arith.select %and3A_1037, %sub3A_1032, %broadcast_in_dim3A_1042 : vector<16xi1>, vector<16xi32>
      %swap3A_1044 = arith.index_cast %select_n3A : i32 to index
      %swap3A_1045 = arith.index_cast %mul3A_1027 : i32 to index
      %swap3A_1046 = tpu.vector_load %arg6[%swap3A_1044, %swap3A_1045] {strides = array<i32>} : memref<16x256xi32, #tpu.memory_space<vmem>>, vector<1x16xi32>,
      %swap3A_1047 = vector.shape_cast %swap3A_1046 : vector<1x16xi32> to vector<16xi32>
      %swap3A_1048 = vector.shape_cast %select_n3A_1043 : vector<16xi32> to vector<1x16xi32>
      tpu.vector_store %arg6[%swap3A_1044, %swap3A_1045], %swap3A_1048 {strides = array<i32>} : memref<16x256xi32, #tpu.memory_space<vmem>>, vector<1x16xi32>,
    }
    %scan3A_160 = arith.constant 256 : i32
    %dma_start3A_161 = arith.constant 0 : i32
    %dma_start3A_162 = arith.constant 0 : i32
    %dma_start3A_163 = arith.constant 0 : i32
    %dma_start3A_164 = tpu.memref_slice %arg9[%dma_start3A_162, %dma_start3A_163] : memref<256x64xbf16, #tpu.memory_space<vmem>> -> memref<256x64xbf16, #tpu.memory_space<vmem>>
    %dma_start3A_165 = arith.constant 0 : i32
    %dma_start3A_166 = tpu.memref_slice %arg6[%dma_start3A_161, %dma_start3A_165] : memref<16x256xi32, #tpu.memory_space<vmem>> -> memref<1x256xi32, #tpu.memory_space<vmem>>
    %dma_start3A_167 = tpu.memref_squeeze %dma_start3A_166 : memref<1x256xi32, #tpu.memory_space<vmem>> -> memref<256xi32, #tpu.memory_space<vmem>>
    %dma_start3A_168 = arith.constant 0 : i32
    %dma_start3A_169 = arith.constant 0 : i32
    %dma_start3A_170 = tpu.memref_slice %arg5[%dma_start3A_168, %dma_start3A_169] : memref<50128x64xbf16, #tpu.memory_space<vmem_shared>> -> memref<50128x64xbf16, #tpu.memory_space<vmem_shared>>
    tpu.enqueue_indirect_dma source(%dma_start3A_170 : memref<50128x64xbf16, #tpu.memory_space<vmem_shared>>) target(%dma_start3A_164 : memref<256x64xbf16, #tpu.memory_space<vmem>>) offsets(%dma_start3A_167 : memref<256xi32, #tpu.memory_space<vmem>>) semaphore(%arg13 : memref<!tpu.dma_semaphore, #tpu.memory_space<semaphore_mem>>)
    %dma_start3A_171 = arith.constant 1 : i32
    %dma_start3A_172 = arith.constant 0 : i32
    %dma_start3A_173 = arith.constant 0 : i32
    %dma_start3A_174 = tpu.memref_slice %arg2[%arg1, %dma_start3A_171, %dma_start3A_172, %dma_start3A_173] : memref<16x13x16x256xi32, #tpu.memory_space<hbm>> -> memref<1x1x16x256xi32, #tpu.memory_space<hbm>>
    %dma_start3A_175 = tpu.memref_squeeze %dma_start3A_174 : memref<1x1x16x256xi32, #tpu.memory_space<hbm>> -> memref<16x256xi32, #tpu.memory_space<hbm>>
    %dma_start3A_176 = arith.constant 0 : i32
    %dma_start3A_177 = arith.constant 0 : i32
    %dma_start3A_178 = tpu.memref_slice %arg2[%arg1, %dma_start3A_171, %dma_start3A_176, %dma_start3A_177] : memref<16x13x16x256xi32, #tpu.memory_space<hbm>> -> memref<1x1x16x256xi32, #tpu.memory_space<hbm>>
    %dma_start3A_179 = tpu.memref_squeeze %dma_start3A_178 : memref<1x1x16x256xi32, #tpu.memory_space<hbm>> -> memref<16x256xi32, #tpu.memory_space<hbm>>
    tpu.enqueue_dma source(%dma_start3A_179 : memref<16x256xi32, #tpu.memory_space<hbm>>) target(%arg7 : memref<16x256xi32, #tpu.memory_space<vmem>>) target_semaphore(%arg12 : memref<!tpu.dma_semaphore, #tpu.memory_space<semaphore_mem>>)
    %dma_wait3A_180 = arith.constant 0 : i32
    %dma_wait3A_181 = arith.constant 0 : i32
    %dma_wait3A_182 = arith.constant 0 : i32
    %dma_wait3A_183 = tpu.memref_slice %arg9[%dma_wait3A_181, %dma_wait3A_182] : memref<256x64xbf16, #tpu.memory_space<vmem>> -> memref<256x64xbf16, #tpu.memory_space<vmem>>
    %dma_wait3A_184 = arith.constant 0 : i32
    %dma_wait3A_185 = tpu.memref_slice %arg6[%dma_wait3A_180, %dma_wait3A_184] : memref<16x256xi32, #tpu.memory_space<vmem>> -> memref<1x256xi32, #tpu.memory_space<vmem>>
    %dma_wait3A_186 = tpu.memref_squeeze %dma_wait3A_185 : memref<1x256xi32, #tpu.memory_space<vmem>> -> memref<256xi32, #tpu.memory_space<vmem>>
    %dma_wait3A_187 = arith.constant 0 : i32
    %dma_wait3A_188 = arith.constant 0 : i32
    %dma_wait3A_189 = tpu.memref_slice %arg5[%dma_wait3A_187, %dma_wait3A_188] : memref<50128x64xbf16, #tpu.memory_space<vmem_shared>> -> memref<50128x64xbf16, #tpu.memory_space<vmem_shared>>
    tpu.wait_indirect_dma semaphore(%arg13 : memref<!tpu.dma_semaphore, #tpu.memory_space<semaphore_mem>>) src(%dma_wait3A_189 : memref<50128x64xbf16, #tpu.memory_space<vmem_shared>>) dst(%dma_wait3A_183 : memref<256x64xbf16, #tpu.memory_space<vmem>>)
    %scan3A_190 = arith.constant 0 : i32
    %scan3A_191 = arith.constant 1 : i32
    %scan3A_192 = arith.constant 15 : i32
    %scan3A_193 = arith.addi %scan3A_191, %scan3A_192 : i32
    %scan3A_194 = arith.constant 1 : i32
    scf.for %scan3A_995 = %scan3A_191 to %scan3A_193 step %scan3A_194  : i32 {
      %dma_start3A_996 = arith.constant 0 : i32
      %dma_start3A_997 = arith.constant 0 : i32
      %dma_start3A_998 = tpu.memref_slice %arg9[%dma_start3A_996, %dma_start3A_997] : memref<256x64xbf16, #tpu.memory_space<vmem>> -> memref<256x64xbf16, #tpu.memory_space<vmem>>
      %dma_start3A_999 = arith.constant 0 : i32
      %dma_start3A_1000 = tpu.memref_slice %arg6[%scan3A_995, %dma_start3A_999] : memref<16x256xi32, #tpu.memory_space<vmem>> -> memref<1x256xi32, #tpu.memory_space<vmem>>
      %dma_start3A_1001 = tpu.memref_squeeze %dma_start3A_1000 : memref<1x256xi32, #tpu.memory_space<vmem>> -> memref<256xi32, #tpu.memory_space<vmem>>
      %dma_start3A_1002 = arith.constant 0 : i32
      %dma_start3A_1003 = arith.constant 0 : i32
      %dma_start3A_1004 = tpu.memref_slice %arg5[%dma_start3A_1002, %dma_start3A_1003] : memref<50128x64xbf16, #tpu.memory_space<vmem_shared>> -> memref<50128x64xbf16, #tpu.memory_space<vmem_shared>>
      %dma_start3A_1005 = arith.constant -1 : i32
      tpu.enqueue_indirect_dma source(%dma_start3A_1004 : memref<50128x64xbf16, #tpu.memory_space<vmem_shared>>) target(%dma_start3A_998 : memref<256x64xbf16, #tpu.memory_space<vmem>>) offsets(%dma_start3A_1001 : memref<256xi32, #tpu.memory_space<vmem>>) offset_filter(%dma_start3A_1005) semaphore(%arg14 : memref<!tpu.dma_semaphore, #tpu.memory_space<semaphore_mem>>) {add = true}
    }
    %scan3A_195 = arith.constant 15 : i32
    %dma_start3A_196 = arith.constant 2 : i32
    %dma_start3A_197 = arith.constant 0 : i32
    %dma_start3A_198 = arith.constant 0 : i32
    %dma_start3A_199 = tpu.memref_slice %arg2[%arg1, %dma_start3A_196, %dma_start3A_197, %dma_start3A_198] : memref<16x13x16x256xi32, #tpu.memory_space<hbm>> -> memref<1x1x16x256xi32, #tpu.memory_space<hbm>>
    %dma_start3A_200 = tpu.memref_squeeze %dma_start3A_199 : memref<1x1x16x256xi32, #tpu.memory_space<hbm>> -> memref<16x256xi32, #tpu.memory_space<hbm>>
    %dma_start3A_201 = arith.constant 0 : i32
    %dma_start3A_202 = arith.constant 0 : i32
    %dma_start3A_203 = tpu.memref_slice %arg2[%arg1, %dma_start3A_196, %dma_start3A_201, %dma_start3A_202] : memref<16x13x16x256xi32, #tpu.memory_space<hbm>> -> memref<1x1x16x256xi32, #tpu.memory_space<hbm>>
    %dma_start3A_204 = tpu.memref_squeeze %dma_start3A_203 : memref<1x1x16x256xi32, #tpu.memory_space<hbm>> -> memref<16x256xi32, #tpu.memory_space<hbm>>
    tpu.enqueue_dma source(%dma_start3A_204 : memref<16x256xi32, #tpu.memory_space<hbm>>) target(%arg8 : memref<16x256xi32, #tpu.memory_space<vmem>>) target_semaphore(%arg12 : memref<!tpu.dma_semaphore, #tpu.memory_space<semaphore_mem>>)
    %dma_wait3A_205 = arith.constant 1 : i32
    %dma_wait3A_206 = arith.constant 0 : i32
    %dma_wait3A_207 = arith.constant 0 : i32
    %dma_wait3A_208 = tpu.memref_slice %arg2[%arg1, %dma_wait3A_205, %dma_wait3A_206, %dma_wait3A_207] : memref<16x13x16x256xi32, #tpu.memory_space<hbm>> -> memref<1x1x16x256xi32, #tpu.memory_space<hbm>>
    %dma_wait3A_209 = tpu.memref_squeeze %dma_wait3A_208 : memref<1x1x16x256xi32, #tpu.memory_space<hbm>> -> memref<16x256xi32, #tpu.memory_space<hbm>>
    %dma_wait3A_210 = arith.constant 0 : i32
    %dma_wait3A_211 = arith.constant 0 : i32
    %dma_wait3A_212 = tpu.memref_slice %arg2[%arg1, %dma_wait3A_205, %dma_wait3A_210, %dma_wait3A_211] : memref<16x13x16x256xi32, #tpu.memory_space<hbm>> -> memref<1x1x16x256xi32, #tpu.memory_space<hbm>>
    %dma_wait3A_213 = tpu.memref_squeeze %dma_wait3A_212 : memref<1x1x16x256xi32, #tpu.memory_space<hbm>> -> memref<16x256xi32, #tpu.memory_space<hbm>>
    tpu.wait_dma2 semaphore(%arg12 : memref<!tpu.dma_semaphore, #tpu.memory_space<semaphore_mem>>) src(%dma_wait3A_213 : memref<16x256xi32, #tpu.memory_space<hbm>>) dst(%arg7 : memref<16x256xi32, #tpu.memory_space<vmem>>)
    %scan3A_214 = arith.constant 0 : i32
    %scan3A_215 = arith.constant 0 : i32
    %scan3A_216 = arith.constant 256 : i32
    %scan3A_217 = arith.addi %scan3A_215, %scan3A_216 : i32
    %scan3A_218 = arith.constant 1 : i32
    scf.for %scan3A_995 = %scan3A_215 to %scan3A_217 step %scan3A_218  : i32 {
      %jit3A = arith.constant 16 : i32
      %div3A = arith.divsi %scan3A_995, %jit3A : i32
      %sign3A = arith.constant 0 : i32
      %sign3A_996 = arith.cmpi sgt, %scan3A_995, %sign3A : i32
      %sign3A_997 = arith.extui %sign3A_996 : i1 to i32
      %sign3A_998 = arith.constant 0 : i32
      %sign3A_999 = arith.cmpi slt, %scan3A_995, %sign3A_998 : i32
      %sign3A_1000 = arith.extui %sign3A_999 : i1 to i32
      %sign3A_1001 = arith.subi %sign3A_997, %sign3A_1000 : i32
      %sign3A_1002 = arith.constant 0 : i32
      %sign3A_1003 = arith.cmpi sgt, %jit3A, %sign3A_1002 : i32
      %sign3A_1004 = arith.extui %sign3A_1003 : i1 to i32
      %sign3A_1005 = arith.constant 0 : i32
      %sign3A_1006 = arith.cmpi slt, %jit3A, %sign3A_1005 : i32
      %sign3A_1007 = arith.extui %sign3A_1006 : i1 to i32
      %sign3A_1008 = arith.subi %sign3A_1004, %sign3A_1007 : i32
      %ne3A = arith.cmpi ne, %sign3A_1001, %sign3A_1008 : i32
      %rem3A = arith.remsi %scan3A_995, %jit3A : i32
      %ne3A_1009 = arith.constant 0 : i32
      %ne3A_1010 = arith.cmpi ne, %rem3A, %ne3A_1009 : i32
      %and3A = arith.andi %ne3A, %ne3A_1010 : i1
      %sub3A = arith.constant 1 : i32
      %sub3A_1011 = arith.subi %div3A, %sub3A : i32
      %select_n3A = arith.select %and3A, %sub3A_1011, %div3A : i32
      %jit3A_1012 = arith.constant 16 : i32
      %eq3A = arith.constant 0 : i32
      %eq3A_1013 = arith.cmpi eq, %jit3A_1012, %eq3A : i32
      %jit3A_1014 = arith.constant 1 : i32
      %select_n3A_1015 = arith.select %eq3A_1013, %jit3A_1014, %jit3A_1012 : i32
      %rem3A_1016 = arith.remsi %scan3A_995, %select_n3A_1015 : i32
      %ne3A_1017 = arith.constant 0 : i32
      %ne3A_1018 = arith.cmpi ne, %rem3A_1016, %ne3A_1017 : i32
      %lt3A = arith.constant 0 : i32
      %lt3A_1019 = arith.cmpi slt, %rem3A_1016, %lt3A : i32
      %lt3A_1020 = arith.constant 0 : i32
      %lt3A_1021 = arith.cmpi slt, %select_n3A_1015, %lt3A_1020 : i32
      %ne3A_1022 = arith.xori %lt3A_1019, %lt3A_1021 : i1
      %and3A_1023 = arith.andi %ne3A_1022, %ne3A_1018 : i1
      %add3A_1024 = arith.addi %rem3A_1016, %select_n3A_1015 : i32
      %select_n3A_1025 = arith.select %and3A_1023, %add3A_1024, %rem3A_1016 : i32
      %mul3A_1026 = arith.constant 16 : i32
      %mul3A_1027 = arith.muli %select_n3A_1025, %mul3A_1026 : i32
      %get3A = arith.index_cast %select_n3A : i32 to index
      %get3A_1028 = arith.index_cast %mul3A_1027 : i32 to index
      %get3A_1029 = tpu.vector_load %arg7[%get3A, %get3A_1028] {strides = array<i32>} : memref<16x256xi32, #tpu.memory_space<vmem>>, vector<1x16xi32>,
      %get3A_1030 = vector.shape_cast %get3A_1029 : vector<1x16xi32> to vector<16xi32>
      %sub3A_1031 = vector.broadcast %mul3A_0 : i32 to vector<16xi32>
      %sub3A_1032 = arith.subi %get3A_1030, %sub3A_1031 : vector<16xi32>
      %ge3A = vector.broadcast %mul3A_0 : i32 to vector<16xi32>
      %ge3A_1033 = arith.cmpi sge, %get3A_1030, %ge3A : vector<16xi32>
      %lt3A_1034 = arith.constant 50000 : i32
      %lt3A_1035 = vector.broadcast %lt3A_1034 : i32 to vector<16xi32>
      %lt3A_1036 = arith.cmpi slt, %sub3A_1032, %lt3A_1035 : vector<16xi32>
      %and3A_1037 = arith.andi %ge3A_1033, %lt3A_1036 : vector<16xi1>
      %eq3A_1038 = arith.constant 0 : i32
      %eq3A_1039 = arith.cmpi eq, %select_n3A, %eq3A_1038 : i32
      %jit3A_1040 = arith.constant -1 : i32
      %select_n3A_1041 = arith.select %eq3A_1039, %add3A_3, %jit3A_1040 : i32
      %broadcast_in_dim3A_1042 = vector.broadcast %select_n3A_1041 : i32 to vector<16xi32>
      %select_n3A_1043 = arith.select %and3A_1037, %sub3A_1032, %broadcast_in_dim3A_1042 : vector<16xi1>, vector<16xi32>
      %swap3A_1044 = arith.index_cast %select_n3A : i32 to index
      %swap3A_1045 = arith.index_cast %mul3A_1027 : i32 to index
      %swap3A_1046 = tpu.vector_load %arg7[%swap3A_1044, %swap3A_1045] {strides = array<i32>} : memref<16x256xi32, #tpu.memory_space<vmem>>, vector<1x16xi32>,
      %swap3A_1047 = vector.shape_cast %swap3A_1046 : vector<1x16xi32> to vector<16xi32>
      %swap3A_1048 = vector.shape_cast %select_n3A_1043 : vector<16xi32> to vector<1x16xi32>
      tpu.vector_store %arg7[%swap3A_1044, %swap3A_1045], %swap3A_1048 {strides = array<i32>} : memref<16x256xi32, #tpu.memory_space<vmem>>, vector<1x16xi32>,
    }
    %scan3A_219 = arith.constant 256 : i32
    %dma_start3A_220 = arith.constant 0 : i32
    %dma_start3A_221 = arith.constant 0 : i32
    %dma_start3A_222 = arith.constant 0 : i32
    %dma_start3A_223 = tpu.memref_slice %arg10[%dma_start3A_221, %dma_start3A_222] : memref<256x64xbf16, #tpu.memory_space<vmem>> -> memref<256x64xbf16, #tpu.memory_space<vmem>>
    %dma_start3A_224 = arith.constant 0 : i32
    %dma_start3A_225 = tpu.memref_slice %arg7[%dma_start3A_220, %dma_start3A_224] : memref<16x256xi32, #tpu.memory_space<vmem>> -> memref<1x256xi32, #tpu.memory_space<vmem>>
    %dma_start3A_226 = tpu.memref_squeeze %dma_start3A_225 : memref<1x256xi32, #tpu.memory_space<vmem>> -> memref<256xi32, #tpu.memory_space<vmem>>
    %dma_start3A_227 = arith.constant 0 : i32
    %dma_start3A_228 = arith.constant 0 : i32
    %dma_start3A_229 = tpu.memref_slice %arg5[%dma_start3A_227, %dma_start3A_228] : memref<50128x64xbf16, #tpu.memory_space<vmem_shared>> -> memref<50128x64xbf16, #tpu.memory_space<vmem_shared>>
    tpu.enqueue_indirect_dma source(%dma_start3A_229 : memref<50128x64xbf16, #tpu.memory_space<vmem_shared>>) target(%dma_start3A_223 : memref<256x64xbf16, #tpu.memory_space<vmem>>) offsets(%dma_start3A_226 : memref<256xi32, #tpu.memory_space<vmem>>) semaphore(%arg13 : memref<!tpu.dma_semaphore, #tpu.memory_space<semaphore_mem>>)
    %dma_wait3A_230 = arith.constant 0 : i32
    %dma_wait3A_231 = arith.constant 0 : i32
    %dma_wait3A_232 = arith.constant 0 : i32
    %dma_wait3A_233 = tpu.memref_slice %arg10[%dma_wait3A_231, %dma_wait3A_232] : memref<256x64xbf16, #tpu.memory_space<vmem>> -> memref<256x64xbf16, #tpu.memory_space<vmem>>
    %dma_wait3A_234 = arith.constant 0 : i32
    %dma_wait3A_235 = tpu.memref_slice %arg7[%dma_wait3A_230, %dma_wait3A_234] : memref<16x256xi32, #tpu.memory_space<vmem>> -> memref<1x256xi32, #tpu.memory_space<vmem>>
    %dma_wait3A_236 = tpu.memref_squeeze %dma_wait3A_235 : memref<1x256xi32, #tpu.memory_space<vmem>> -> memref<256xi32, #tpu.memory_space<vmem>>
    %dma_wait3A_237 = arith.constant 0 : i32
    %dma_wait3A_238 = arith.constant 0 : i32
    %dma_wait3A_239 = tpu.memref_slice %arg5[%dma_wait3A_237, %dma_wait3A_238] : memref<50128x64xbf16, #tpu.memory_space<vmem_shared>> -> memref<50128x64xbf16, #tpu.memory_space<vmem_shared>>
    tpu.wait_indirect_dma semaphore(%arg13 : memref<!tpu.dma_semaphore, #tpu.memory_space<semaphore_mem>>) src(%dma_wait3A_239 : memref<50128x64xbf16, #tpu.memory_space<vmem_shared>>) dst(%dma_wait3A_233 : memref<256x64xbf16, #tpu.memory_space<vmem>>)
    %scan3A_240 = arith.constant 0 : i32
    %scan3A_241 = arith.constant 1 : i32
    %scan3A_242 = arith.constant 15 : i32
    %scan3A_243 = arith.addi %scan3A_241, %scan3A_242 : i32
    %scan3A_244 = arith.constant 1 : i32
    scf.for %scan3A_995 = %scan3A_241 to %scan3A_243 step %scan3A_244  : i32 {
      %dma_start3A_996 = arith.constant 0 : i32
      %dma_start3A_997 = arith.constant 0 : i32
      %dma_start3A_998 = tpu.memref_slice %arg10[%dma_start3A_996, %dma_start3A_997] : memref<256x64xbf16, #tpu.memory_space<vmem>> -> memref<256x64xbf16, #tpu.memory_space<vmem>>
      %dma_start3A_999 = arith.constant 0 : i32
      %dma_start3A_1000 = tpu.memref_slice %arg7[%scan3A_995, %dma_start3A_999] : memref<16x256xi32, #tpu.memory_space<vmem>> -> memref<1x256xi32, #tpu.memory_space<vmem>>
      %dma_start3A_1001 = tpu.memref_squeeze %dma_start3A_1000 : memref<1x256xi32, #tpu.memory_space<vmem>> -> memref<256xi32, #tpu.memory_space<vmem>>
      %dma_start3A_1002 = arith.constant 0 : i32
      %dma_start3A_1003 = arith.constant 0 : i32
      %dma_start3A_1004 = tpu.memref_slice %arg5[%dma_start3A_1002, %dma_start3A_1003] : memref<50128x64xbf16, #tpu.memory_space<vmem_shared>> -> memref<50128x64xbf16, #tpu.memory_space<vmem_shared>>
      %dma_start3A_1005 = arith.constant -1 : i32
      tpu.enqueue_indirect_dma source(%dma_start3A_1004 : memref<50128x64xbf16, #tpu.memory_space<vmem_shared>>) target(%dma_start3A_998 : memref<256x64xbf16, #tpu.memory_space<vmem>>) offsets(%dma_start3A_1001 : memref<256xi32, #tpu.memory_space<vmem>>) offset_filter(%dma_start3A_1005) semaphore(%arg15 : memref<!tpu.dma_semaphore, #tpu.memory_space<semaphore_mem>>) {add = true}
    }
    %scan3A_245 = arith.constant 15 : i32
    %scan3A_246 = arith.constant 0 : i32
    %scan3A_247 = arith.constant 1 : i32
    %scan3A_248 = arith.constant 15 : i32
    %scan3A_249 = arith.addi %scan3A_247, %scan3A_248 : i32
    %scan3A_250 = arith.constant 1 : i32
    scf.for %scan3A_995 = %scan3A_247 to %scan3A_249 step %scan3A_250  : i32 {
      %dma_wait3A_996 = arith.constant 0 : i32
      %dma_wait3A_997 = arith.constant 0 : i32
      %dma_wait3A_998 = tpu.memref_slice %arg9[%dma_wait3A_996, %dma_wait3A_997] : memref<256x64xbf16, #tpu.memory_space<vmem>> -> memref<256x64xbf16, #tpu.memory_space<vmem>>
      %dma_wait3A_999 = arith.constant 0 : i32
      %dma_wait3A_1000 = tpu.memref_slice %arg6[%scan3A_995, %dma_wait3A_999] : memref<16x256xi32, #tpu.memory_space<vmem>> -> memref<1x256xi32, #tpu.memory_space<vmem>>
      %dma_wait3A_1001 = tpu.memref_squeeze %dma_wait3A_1000 : memref<1x256xi32, #tpu.memory_space<vmem>> -> memref<256xi32, #tpu.memory_space<vmem>>
      %dma_wait3A_1002 = arith.constant 0 : i32
      %dma_wait3A_1003 = arith.constant 0 : i32
      %dma_wait3A_1004 = tpu.memref_slice %arg5[%dma_wait3A_1002, %dma_wait3A_1003] : memref<50128x64xbf16, #tpu.memory_space<vmem_shared>> -> memref<50128x64xbf16, #tpu.memory_space<vmem_shared>>
      tpu.wait_indirect_dma semaphore(%arg14 : memref<!tpu.dma_semaphore, #tpu.memory_space<semaphore_mem>>) src(%dma_wait3A_1004 : memref<50128x64xbf16, #tpu.memory_space<vmem_shared>>) dst(%dma_wait3A_998 : memref<256x64xbf16, #tpu.memory_space<vmem>>)
    }
    %scan3A_251 = arith.constant 15 : i32
    %add3A_252 = arith.constant 0 : i32
    %add3A_253 = arith.addi %add3A_8, %add3A_252 : i32
    %dma_start3A_254 = arith.constant 0 : i32
    %dma_start3A_255 = tpu.memref_slice %arg4[%add3A_253, %dma_start3A_254] : memref<106496x64xbf16, #tpu.memory_space<hbm>> -> memref<256x64xbf16, #tpu.memory_space<hbm>>
    %dma_start3A_256 = arith.constant 0 : i32
    %dma_start3A_257 = tpu.memref_slice %arg4[%add3A_253, %dma_start3A_256] : memref<106496x64xbf16, #tpu.memory_space<hbm>> -> memref<256x64xbf16, #tpu.memory_space<hbm>>
    tpu.enqueue_dma source(%arg9 : memref<256x64xbf16, #tpu.memory_space<vmem>>) target(%dma_start3A_257 : memref<256x64xbf16, #tpu.memory_space<hbm>>) target_semaphore(%arg16 : memref<!tpu.dma_semaphore, #tpu.memory_space<semaphore_mem>>)
    %dma_wait3A_258 = arith.constant 0 : i32
    %dma_wait3A_259 = tpu.memref_slice %arg4[%add3A_253, %dma_wait3A_258] : memref<106496x64xbf16, #tpu.memory_space<hbm>> -> memref<256x64xbf16, #tpu.memory_space<hbm>>
    %dma_wait3A_260 = arith.constant 0 : i32
    %dma_wait3A_261 = tpu.memref_slice %arg4[%add3A_253, %dma_wait3A_260] : memref<106496x64xbf16, #tpu.memory_space<hbm>> -> memref<256x64xbf16, #tpu.memory_space<hbm>>
    tpu.wait_dma2 semaphore(%arg16 : memref<!tpu.dma_semaphore, #tpu.memory_space<semaphore_mem>>) src(%arg9 : memref<256x64xbf16, #tpu.memory_space<vmem>>) dst(%dma_wait3A_261 : memref<256x64xbf16, #tpu.memory_space<hbm>>)
    %dma_start3A_262 = arith.constant 3 : i32
    %dma_start3A_263 = arith.constant 0 : i32
    %dma_start3A_264 = arith.constant 0 : i32
    %dma_start3A_265 = tpu.memref_slice %arg2[%arg1, %dma_start3A_262, %dma_start3A_263, %dma_start3A_264] : memref<16x13x16x256xi32, #tpu.memory_space<hbm>> -> memref<1x1x16x256xi32, #tpu.memory_space<hbm>>
    %dma_start3A_266 = tpu.memref_squeeze %dma_start3A_265 : memref<1x1x16x256xi32, #tpu.memory_space<hbm>> -> memref<16x256xi32, #tpu.memory_space<hbm>>
    %dma_start3A_267 = arith.constant 0 : i32
    %dma_start3A_268 = arith.constant 0 : i32
    %dma_start3A_269 = tpu.memref_slice %arg2[%arg1, %dma_start3A_262, %dma_start3A_267, %dma_start3A_268] : memref<16x13x16x256xi32, #tpu.memory_space<hbm>> -> memref<1x1x16x256xi32, #tpu.memory_space<hbm>>
    %dma_start3A_270 = tpu.memref_squeeze %dma_start3A_269 : memref<1x1x16x256xi32, #tpu.memory_space<hbm>> -> memref<16x256xi32, #tpu.memory_space<hbm>>
    tpu.enqueue_dma source(%dma_start3A_270 : memref<16x256xi32, #tpu.memory_space<hbm>>) target(%arg6 : memref<16x256xi32, #tpu.memory_space<vmem>>) target_semaphore(%arg12 : memref<!tpu.dma_semaphore, #tpu.memory_space<semaphore_mem>>)
    %dma_wait3A_271 = arith.constant 2 : i32
    %dma_wait3A_272 = arith.constant 0 : i32
    %dma_wait3A_273 = arith.constant 0 : i32
    %dma_wait3A_274 = tpu.memref_slice %arg2[%arg1, %dma_wait3A_271, %dma_wait3A_272, %dma_wait3A_273] : memref<16x13x16x256xi32, #tpu.memory_space<hbm>> -> memref<1x1x16x256xi32, #tpu.memory_space<hbm>>
    %dma_wait3A_275 = tpu.memref_squeeze %dma_wait3A_274 : memref<1x1x16x256xi32, #tpu.memory_space<hbm>> -> memref<16x256xi32, #tpu.memory_space<hbm>>
    %dma_wait3A_276 = arith.constant 0 : i32
    %dma_wait3A_277 = arith.constant 0 : i32
    %dma_wait3A_278 = tpu.memref_slice %arg2[%arg1, %dma_wait3A_271, %dma_wait3A_276, %dma_wait3A_277] : memref<16x13x16x256xi32, #tpu.memory_space<hbm>> -> memref<1x1x16x256xi32, #tpu.memory_space<hbm>>
    %dma_wait3A_279 = tpu.memref_squeeze %dma_wait3A_278 : memref<1x1x16x256xi32, #tpu.memory_space<hbm>> -> memref<16x256xi32, #tpu.memory_space<hbm>>
    tpu.wait_dma2 semaphore(%arg12 : memref<!tpu.dma_semaphore, #tpu.memory_space<semaphore_mem>>) src(%dma_wait3A_279 : memref<16x256xi32, #tpu.memory_space<hbm>>) dst(%arg8 : memref<16x256xi32, #tpu.memory_space<vmem>>)
    %scan3A_280 = arith.constant 0 : i32
    %scan3A_281 = arith.constant 0 : i32
    %scan3A_282 = arith.constant 256 : i32
    %scan3A_283 = arith.addi %scan3A_281, %scan3A_282 : i32
    %scan3A_284 = arith.constant 1 : i32
    scf.for %scan3A_995 = %scan3A_281 to %scan3A_283 step %scan3A_284  : i32 {
      %jit3A = arith.constant 16 : i32
      %div3A = arith.divsi %scan3A_995, %jit3A : i32
      %sign3A = arith.constant 0 : i32
      %sign3A_996 = arith.cmpi sgt, %scan3A_995, %sign3A : i32
      %sign3A_997 = arith.extui %sign3A_996 : i1 to i32
      %sign3A_998 = arith.constant 0 : i32
      %sign3A_999 = arith.cmpi slt, %scan3A_995, %sign3A_998 : i32
      %sign3A_1000 = arith.extui %sign3A_999 : i1 to i32
      %sign3A_1001 = arith.subi %sign3A_997, %sign3A_1000 : i32
      %sign3A_1002 = arith.constant 0 : i32
      %sign3A_1003 = arith.cmpi sgt, %jit3A, %sign3A_1002 : i32
      %sign3A_1004 = arith.extui %sign3A_1003 : i1 to i32
      %sign3A_1005 = arith.constant 0 : i32
      %sign3A_1006 = arith.cmpi slt, %jit3A, %sign3A_1005 : i32
      %sign3A_1007 = arith.extui %sign3A_1006 : i1 to i32
      %sign3A_1008 = arith.subi %sign3A_1004, %sign3A_1007 : i32
      %ne3A = arith.cmpi ne, %sign3A_1001, %sign3A_1008 : i32
      %rem3A = arith.remsi %scan3A_995, %jit3A : i32
      %ne3A_1009 = arith.constant 0 : i32
      %ne3A_1010 = arith.cmpi ne, %rem3A, %ne3A_1009 : i32
      %and3A = arith.andi %ne3A, %ne3A_1010 : i1
      %sub3A = arith.constant 1 : i32
      %sub3A_1011 = arith.subi %div3A, %sub3A : i32
      %select_n3A = arith.select %and3A, %sub3A_1011, %div3A : i32
      %jit3A_1012 = arith.constant 16 : i32
      %eq3A = arith.constant 0 : i32
      %eq3A_1013 = arith.cmpi eq, %jit3A_1012, %eq3A : i32
      %jit3A_1014 = arith.constant 1 : i32
      %select_n3A_1015 = arith.select %eq3A_1013, %jit3A_1014, %jit3A_1012 : i32
      %rem3A_1016 = arith.remsi %scan3A_995, %select_n3A_1015 : i32
      %ne3A_1017 = arith.constant 0 : i32
      %ne3A_1018 = arith.cmpi ne, %rem3A_1016, %ne3A_1017 : i32
      %lt3A = arith.constant 0 : i32
      %lt3A_1019 = arith.cmpi slt, %rem3A_1016, %lt3A : i32
      %lt3A_1020 = arith.constant 0 : i32
      %lt3A_1021 = arith.cmpi slt, %select_n3A_1015, %lt3A_1020 : i32
      %ne3A_1022 = arith.xori %lt3A_1019, %lt3A_1021 : i1
      %and3A_1023 = arith.andi %ne3A_1022, %ne3A_1018 : i1
      %add3A_1024 = arith.addi %rem3A_1016, %select_n3A_1015 : i32
      %select_n3A_1025 = arith.select %and3A_1023, %add3A_1024, %rem3A_1016 : i32
      %mul3A_1026 = arith.constant 16 : i32
      %mul3A_1027 = arith.muli %select_n3A_1025, %mul3A_1026 : i32
      %get3A = arith.index_cast %select_n3A : i32 to index
      %get3A_1028 = arith.index_cast %mul3A_1027 : i32 to index
      %get3A_1029 = tpu.vector_load %arg8[%get3A, %get3A_1028] {strides = array<i32>} : memref<16x256xi32, #tpu.memory_space<vmem>>, vector<1x16xi32>,
      %get3A_1030 = vector.shape_cast %get3A_1029 : vector<1x16xi32> to vector<16xi32>
      %sub3A_1031 = vector.broadcast %mul3A_0 : i32 to vector<16xi32>
      %sub3A_1032 = arith.subi %get3A_1030, %sub3A_1031 : vector<16xi32>
      %ge3A = vector.broadcast %mul3A_0 : i32 to vector<16xi32>
      %ge3A_1033 = arith.cmpi sge, %get3A_1030, %ge3A : vector<16xi32>
      %lt3A_1034 = arith.constant 50000 : i32
      %lt3A_1035 = vector.broadcast %lt3A_1034 : i32 to vector<16xi32>
      %lt3A_1036 = arith.cmpi slt, %sub3A_1032, %lt3A_1035 : vector<16xi32>
      %and3A_1037 = arith.andi %ge3A_1033, %lt3A_1036 : vector<16xi1>
      %eq3A_1038 = arith.constant 0 : i32
      %eq3A_1039 = arith.cmpi eq, %select_n3A, %eq3A_1038 : i32
      %jit3A_1040 = arith.constant -1 : i32
      %select_n3A_1041 = arith.select %eq3A_1039, %add3A_3, %jit3A_1040 : i32
      %broadcast_in_dim3A_1042 = vector.broadcast %select_n3A_1041 : i32 to vector<16xi32>
      %select_n3A_1043 = arith.select %and3A_1037, %sub3A_1032, %broadcast_in_dim3A_1042 : vector<16xi1>, vector<16xi32>
      %swap3A_1044 = arith.index_cast %select_n3A : i32 to index
      %swap3A_1045 = arith.index_cast %mul3A_1027 : i32 to index
      %swap3A_1046 = tpu.vector_load %arg8[%swap3A_1044, %swap3A_1045] {strides = array<i32>} : memref<16x256xi32, #tpu.memory_space<vmem>>, vector<1x16xi32>,
      %swap3A_1047 = vector.shape_cast %swap3A_1046 : vector<1x16xi32> to vector<16xi32>
      %swap3A_1048 = vector.shape_cast %select_n3A_1043 : vector<16xi32> to vector<1x16xi32>
      tpu.vector_store %arg8[%swap3A_1044, %swap3A_1045], %swap3A_1048 {strides = array<i32>} : memref<16x256xi32, #tpu.memory_space<vmem>>, vector<1x16xi32>,
    }
    %scan3A_285 = arith.constant 256 : i32
    %dma_start3A_286 = arith.constant 0 : i32
    %dma_start3A_287 = arith.constant 0 : i32
    %dma_start3A_288 = arith.constant 0 : i32
    %dma_start3A_289 = tpu.memref_slice %arg9[%dma_start3A_287, %dma_start3A_288] : memref<256x64xbf16, #tpu.memory_space<vmem>> -> memref<256x64xbf16, #tpu.memory_space<vmem>>
    %dma_start3A_290 = arith.constant 0 : i32
    %dma_start3A_291 = tpu.memref_slice %arg8[%dma_start3A_286, %dma_start3A_290] : memref<16x256xi32, #tpu.memory_space<vmem>> -> memref<1x256xi32, #tpu.memory_space<vmem>>
    %dma_start3A_292 = tpu.memref_squeeze %dma_start3A_291 : memref<1x256xi32, #tpu.memory_space<vmem>> -> memref<256xi32, #tpu.memory_space<vmem>>
    %dma_start3A_293 = arith.constant 0 : i32
    %dma_start3A_294 = arith.constant 0 : i32
    %dma_start3A_295 = tpu.memref_slice %arg5[%dma_start3A_293, %dma_start3A_294] : memref<50128x64xbf16, #tpu.memory_space<vmem_shared>> -> memref<50128x64xbf16, #tpu.memory_space<vmem_shared>>
    tpu.enqueue_indirect_dma source(%dma_start3A_295 : memref<50128x64xbf16, #tpu.memory_space<vmem_shared>>) target(%dma_start3A_289 : memref<256x64xbf16, #tpu.memory_space<vmem>>) offsets(%dma_start3A_292 : memref<256xi32, #tpu.memory_space<vmem>>) semaphore(%arg13 : memref<!tpu.dma_semaphore, #tpu.memory_space<semaphore_mem>>)
    %dma_wait3A_296 = arith.constant 0 : i32
    %dma_wait3A_297 = arith.constant 0 : i32
    %dma_wait3A_298 = arith.constant 0 : i32
    %dma_wait3A_299 = tpu.memref_slice %arg9[%dma_wait3A_297, %dma_wait3A_298] : memref<256x64xbf16, #tpu.memory_space<vmem>> -> memref<256x64xbf16, #tpu.memory_space<vmem>>
    %dma_wait3A_300 = arith.constant 0 : i32
    %dma_wait3A_301 = tpu.memref_slice %arg8[%dma_wait3A_296, %dma_wait3A_300] : memref<16x256xi32, #tpu.memory_space<vmem>> -> memref<1x256xi32, #tpu.memory_space<vmem>>
    %dma_wait3A_302 = tpu.memref_squeeze %dma_wait3A_301 : memref<1x256xi32, #tpu.memory_space<vmem>> -> memref<256xi32, #tpu.memory_space<vmem>>
    %dma_wait3A_303 = arith.constant 0 : i32
    %dma_wait3A_304 = arith.constant 0 : i32
    %dma_wait3A_305 = tpu.memref_slice %arg5[%dma_wait3A_303, %dma_wait3A_304] : memref<50128x64xbf16, #tpu.memory_space<vmem_shared>> -> memref<50128x64xbf16, #tpu.memory_space<vmem_shared>>
    tpu.wait_indirect_dma semaphore(%arg13 : memref<!tpu.dma_semaphore, #tpu.memory_space<semaphore_mem>>) src(%dma_wait3A_305 : memref<50128x64xbf16, #tpu.memory_space<vmem_shared>>) dst(%dma_wait3A_299 : memref<256x64xbf16, #tpu.memory_space<vmem>>)
    %scan3A_306 = arith.constant 0 : i32
    %scan3A_307 = arith.constant 1 : i32
    %scan3A_308 = arith.constant 15 : i32
    %scan3A_309 = arith.addi %scan3A_307, %scan3A_308 : i32
    %scan3A_310 = arith.constant 1 : i32
    scf.for %scan3A_995 = %scan3A_307 to %scan3A_309 step %scan3A_310  : i32 {
      %dma_start3A_996 = arith.constant 0 : i32
      %dma_start3A_997 = arith.constant 0 : i32
      %dma_start3A_998 = tpu.memref_slice %arg9[%dma_start3A_996, %dma_start3A_997] : memref<256x64xbf16, #tpu.memory_space<vmem>> -> memref<256x64xbf16, #tpu.memory_space<vmem>>
      %dma_start3A_999 = arith.constant 0 : i32
      %dma_start3A_1000 = tpu.memref_slice %arg8[%scan3A_995, %dma_start3A_999] : memref<16x256xi32, #tpu.memory_space<vmem>> -> memref<1x256xi32, #tpu.memory_space<vmem>>
      %dma_start3A_1001 = tpu.memref_squeeze %dma_start3A_1000 : memref<1x256xi32, #tpu.memory_space<vmem>> -> memref<256xi32, #tpu.memory_space<vmem>>
      %dma_start3A_1002 = arith.constant 0 : i32
      %dma_start3A_1003 = arith.constant 0 : i32
      %dma_start3A_1004 = tpu.memref_slice %arg5[%dma_start3A_1002, %dma_start3A_1003] : memref<50128x64xbf16, #tpu.memory_space<vmem_shared>> -> memref<50128x64xbf16, #tpu.memory_space<vmem_shared>>
      %dma_start3A_1005 = arith.constant -1 : i32
      tpu.enqueue_indirect_dma source(%dma_start3A_1004 : memref<50128x64xbf16, #tpu.memory_space<vmem_shared>>) target(%dma_start3A_998 : memref<256x64xbf16, #tpu.memory_space<vmem>>) offsets(%dma_start3A_1001 : memref<256xi32, #tpu.memory_space<vmem>>) offset_filter(%dma_start3A_1005) semaphore(%arg14 : memref<!tpu.dma_semaphore, #tpu.memory_space<semaphore_mem>>) {add = true}
    }
    %scan3A_311 = arith.constant 15 : i32
    %scan3A_312 = arith.constant 0 : i32
    %scan3A_313 = arith.constant 1 : i32
    %scan3A_314 = arith.constant 15 : i32
    %scan3A_315 = arith.addi %scan3A_313, %scan3A_314 : i32
    %scan3A_316 = arith.constant 1 : i32
    scf.for %scan3A_995 = %scan3A_313 to %scan3A_315 step %scan3A_316  : i32 {
      %dma_wait3A_996 = arith.constant 0 : i32
      %dma_wait3A_997 = arith.constant 0 : i32
      %dma_wait3A_998 = tpu.memref_slice %arg10[%dma_wait3A_996, %dma_wait3A_997] : memref<256x64xbf16, #tpu.memory_space<vmem>> -> memref<256x64xbf16, #tpu.memory_space<vmem>>
      %dma_wait3A_999 = arith.constant 0 : i32
      %dma_wait3A_1000 = tpu.memref_slice %arg7[%scan3A_995, %dma_wait3A_999] : memref<16x256xi32, #tpu.memory_space<vmem>> -> memref<1x256xi32, #tpu.memory_space<vmem>>
      %dma_wait3A_1001 = tpu.memref_squeeze %dma_wait3A_1000 : memref<1x256xi32, #tpu.memory_space<vmem>> -> memref<256xi32, #tpu.memory_space<vmem>>
      %dma_wait3A_1002 = arith.constant 0 : i32
      %dma_wait3A_1003 = arith.constant 0 : i32
      %dma_wait3A_1004 = tpu.memref_slice %arg5[%dma_wait3A_1002, %dma_wait3A_1003] : memref<50128x64xbf16, #tpu.memory_space<vmem_shared>> -> memref<50128x64xbf16, #tpu.memory_space<vmem_shared>>
      tpu.wait_indirect_dma semaphore(%arg15 : memref<!tpu.dma_semaphore, #tpu.memory_space<semaphore_mem>>) src(%dma_wait3A_1004 : memref<50128x64xbf16, #tpu.memory_space<vmem_shared>>) dst(%dma_wait3A_998 : memref<256x64xbf16, #tpu.memory_space<vmem>>)
    }
    %scan3A_317 = arith.constant 15 : i32
    %add3A_318 = arith.constant 256 : i32
    %add3A_319 = arith.addi %add3A_8, %add3A_318 : i32
    %dma_start3A_320 = arith.constant 0 : i32
    %dma_start3A_321 = tpu.memref_slice %arg4[%add3A_319, %dma_start3A_320] : memref<106496x64xbf16, #tpu.memory_space<hbm>> -> memref<256x64xbf16, #tpu.memory_space<hbm>>
    %dma_start3A_322 = arith.constant 0 : i32
    %dma_start3A_323 = tpu.memref_slice %arg4[%add3A_319, %dma_start3A_322] : memref<106496x64xbf16, #tpu.memory_space<hbm>> -> memref<256x64xbf16, #tpu.memory_space<hbm>>
    tpu.enqueue_dma source(%arg10 : memref<256x64xbf16, #tpu.memory_space<vmem>>) target(%dma_start3A_323 : memref<256x64xbf16, #tpu.memory_space<hbm>>) target_semaphore(%arg16 : memref<!tpu.dma_semaphore, #tpu.memory_space<semaphore_mem>>)
    %dma_wait3A_324 = arith.constant 0 : i32
    %dma_wait3A_325 = tpu.memref_slice %arg4[%add3A_319, %dma_wait3A_324] : memref<106496x64xbf16, #tpu.memory_space<hbm>> -> memref<256x64xbf16, #tpu.memory_space<hbm>>
    %dma_wait3A_326 = arith.constant 0 : i32
    %dma_wait3A_327 = tpu.memref_slice %arg4[%add3A_319, %dma_wait3A_326] : memref<106496x64xbf16, #tpu.memory_space<hbm>> -> memref<256x64xbf16, #tpu.memory_space<hbm>>
    tpu.wait_dma2 semaphore(%arg16 : memref<!tpu.dma_semaphore, #tpu.memory_space<semaphore_mem>>) src(%arg10 : memref<256x64xbf16, #tpu.memory_space<vmem>>) dst(%dma_wait3A_327 : memref<256x64xbf16, #tpu.memory_space<hbm>>)
    %dma_start3A_328 = arith.constant 4 : i32
    %dma_start3A_329 = arith.constant 0 : i32
    %dma_start3A_330 = arith.constant 0 : i32
    %dma_start3A_331 = tpu.memref_slice %arg2[%arg1, %dma_start3A_328, %dma_start3A_329, %dma_start3A_330] : memref<16x13x16x256xi32, #tpu.memory_space<hbm>> -> memref<1x1x16x256xi32, #tpu.memory_space<hbm>>
    %dma_start3A_332 = tpu.memref_squeeze %dma_start3A_331 : memref<1x1x16x256xi32, #tpu.memory_space<hbm>> -> memref<16x256xi32, #tpu.memory_space<hbm>>
    %dma_start3A_333 = arith.constant 0 : i32
    %dma_start3A_334 = arith.constant 0 : i32
    %dma_start3A_335 = tpu.memref_slice %arg2[%arg1, %dma_start3A_328, %dma_start3A_333, %dma_start3A_334] : memref<16x13x16x256xi32, #tpu.memory_space<hbm>> -> memref<1x1x16x256xi32, #tpu.memory_space<hbm>>
    %dma_start3A_336 = tpu.memref_squeeze %dma_start3A_335 : memref<1x1x16x256xi32, #tpu.memory_space<hbm>> -> memref<16x256xi32, #tpu.memory_space<hbm>>
    tpu.enqueue_dma source(%dma_start3A_336 : memref<16x256xi32, #tpu.memory_space<hbm>>) target(%arg7 : memref<16x256xi32, #tpu.memory_space<vmem>>) target_semaphore(%arg12 : memref<!tpu.dma_semaphore, #tpu.memory_space<semaphore_mem>>)
    %dma_wait3A_337 = arith.constant 3 : i32
    %dma_wait3A_338 = arith.constant 0 : i32
    %dma_wait3A_339 = arith.constant 0 : i32
    %dma_wait3A_340 = tpu.memref_slice %arg2[%arg1, %dma_wait3A_337, %dma_wait3A_338, %dma_wait3A_339] : memref<16x13x16x256xi32, #tpu.memory_space<hbm>> -> memref<1x1x16x256xi32, #tpu.memory_space<hbm>>
    %dma_wait3A_341 = tpu.memref_squeeze %dma_wait3A_340 : memref<1x1x16x256xi32, #tpu.memory_space<hbm>> -> memref<16x256xi32, #tpu.memory_space<hbm>>
    %dma_wait3A_342 = arith.constant 0 : i32
    %dma_wait3A_343 = arith.constant 0 : i32
    %dma_wait3A_344 = tpu.memref_slice %arg2[%arg1, %dma_wait3A_337, %dma_wait3A_342, %dma_wait3A_343] : memref<16x13x16x256xi32, #tpu.memory_space<hbm>> -> memref<1x1x16x256xi32, #tpu.memory_space<hbm>>
    %dma_wait3A_345 = tpu.memref_squeeze %dma_wait3A_344 : memref<1x1x16x256xi32, #tpu.memory_space<hbm>> -> memref<16x256xi32, #tpu.memory_space<hbm>>
    tpu.wait_dma2 semaphore(%arg12 : memref<!tpu.dma_semaphore, #tpu.memory_space<semaphore_mem>>) src(%dma_wait3A_345 : memref<16x256xi32, #tpu.memory_space<hbm>>) dst(%arg6 : memref<16x256xi32, #tpu.memory_space<vmem>>)
    %scan3A_346 = arith.constant 0 : i32
    %scan3A_347 = arith.constant 0 : i32
    %scan3A_348 = arith.constant 256 : i32
    %scan3A_349 = arith.addi %scan3A_347, %scan3A_348 : i32
    %scan3A_350 = arith.constant 1 : i32
    scf.for %scan3A_995 = %scan3A_347 to %scan3A_349 step %scan3A_350  : i32 {
      %jit3A = arith.constant 16 : i32
      %div3A = arith.divsi %scan3A_995, %jit3A : i32
      %sign3A = arith.constant 0 : i32
      %sign3A_996 = arith.cmpi sgt, %scan3A_995, %sign3A : i32
      %sign3A_997 = arith.extui %sign3A_996 : i1 to i32
      %sign3A_998 = arith.constant 0 : i32
      %sign3A_999 = arith.cmpi slt, %scan3A_995, %sign3A_998 : i32
      %sign3A_1000 = arith.extui %sign3A_999 : i1 to i32
      %sign3A_1001 = arith.subi %sign3A_997, %sign3A_1000 : i32
      %sign3A_1002 = arith.constant 0 : i32
      %sign3A_1003 = arith.cmpi sgt, %jit3A, %sign3A_1002 : i32
      %sign3A_1004 = arith.extui %sign3A_1003 : i1 to i32
      %sign3A_1005 = arith.constant 0 : i32
      %sign3A_1006 = arith.cmpi slt, %jit3A, %sign3A_1005 : i32
      %sign3A_1007 = arith.extui %sign3A_1006 : i1 to i32
      %sign3A_1008 = arith.subi %sign3A_1004, %sign3A_1007 : i32
      %ne3A = arith.cmpi ne, %sign3A_1001, %sign3A_1008 : i32
      %rem3A = arith.remsi %scan3A_995, %jit3A : i32
      %ne3A_1009 = arith.constant 0 : i32
      %ne3A_1010 = arith.cmpi ne, %rem3A, %ne3A_1009 : i32
      %and3A = arith.andi %ne3A, %ne3A_1010 : i1
      %sub3A = arith.constant 1 : i32
      %sub3A_1011 = arith.subi %div3A, %sub3A : i32
      %select_n3A = arith.select %and3A, %sub3A_1011, %div3A : i32
      %jit3A_1012 = arith.constant 16 : i32
      %eq3A = arith.constant 0 : i32
      %eq3A_1013 = arith.cmpi eq, %jit3A_1012, %eq3A : i32
      %jit3A_1014 = arith.constant 1 : i32
      %select_n3A_1015 = arith.select %eq3A_1013, %jit3A_1014, %jit3A_1012 : i32
      %rem3A_1016 = arith.remsi %scan3A_995, %select_n3A_1015 : i32
      %ne3A_1017 = arith.constant 0 : i32
      %ne3A_1018 = arith.cmpi ne, %rem3A_1016, %ne3A_1017 : i32
      %lt3A = arith.constant 0 : i32
      %lt3A_1019 = arith.cmpi slt, %rem3A_1016, %lt3A : i32
      %lt3A_1020 = arith.constant 0 : i32
      %lt3A_1021 = arith.cmpi slt, %select_n3A_1015, %lt3A_1020 : i32
      %ne3A_1022 = arith.xori %lt3A_1019, %lt3A_1021 : i1
      %and3A_1023 = arith.andi %ne3A_1022, %ne3A_1018 : i1
      %add3A_1024 = arith.addi %rem3A_1016, %select_n3A_1015 : i32
      %select_n3A_1025 = arith.select %and3A_1023, %add3A_1024, %rem3A_1016 : i32
      %mul3A_1026 = arith.constant 16 : i32
      %mul3A_1027 = arith.muli %select_n3A_1025, %mul3A_1026 : i32
      %get3A = arith.index_cast %select_n3A : i32 to index
      %get3A_1028 = arith.index_cast %mul3A_1027 : i32 to index
      %get3A_1029 = tpu.vector_load %arg6[%get3A, %get3A_1028] {strides = array<i32>} : memref<16x256xi32, #tpu.memory_space<vmem>>, vector<1x16xi32>,
      %get3A_1030 = vector.shape_cast %get3A_1029 : vector<1x16xi32> to vector<16xi32>
      %sub3A_1031 = vector.broadcast %mul3A_0 : i32 to vector<16xi32>
      %sub3A_1032 = arith.subi %get3A_1030, %sub3A_1031 : vector<16xi32>
      %ge3A = vector.broadcast %mul3A_0 : i32 to vector<16xi32>
      %ge3A_1033 = arith.cmpi sge, %get3A_1030, %ge3A : vector<16xi32>
      %lt3A_1034 = arith.constant 50000 : i32
      %lt3A_1035 = vector.broadcast %lt3A_1034 : i32 to vector<16xi32>
      %lt3A_1036 = arith.cmpi slt, %sub3A_1032, %lt3A_1035 : vector<16xi32>
      %and3A_1037 = arith.andi %ge3A_1033, %lt3A_1036 : vector<16xi1>
      %eq3A_1038 = arith.constant 0 : i32
      %eq3A_1039 = arith.cmpi eq, %select_n3A, %eq3A_1038 : i32
      %jit3A_1040 = arith.constant -1 : i32
      %select_n3A_1041 = arith.select %eq3A_1039, %add3A_3, %jit3A_1040 : i32
      %broadcast_in_dim3A_1042 = vector.broadcast %select_n3A_1041 : i32 to vector<16xi32>
      %select_n3A_1043 = arith.select %and3A_1037, %sub3A_1032, %broadcast_in_dim3A_1042 : vector<16xi1>, vector<16xi32>
      %swap3A_1044 = arith.index_cast %select_n3A : i32 to index
      %swap3A_1045 = arith.index_cast %mul3A_1027 : i32 to index
      %swap3A_1046 = tpu.vector_load %arg6[%swap3A_1044, %swap3A_1045] {strides = array<i32>} : memref<16x256xi32, #tpu.memory_space<vmem>>, vector<1x16xi32>,
      %swap3A_1047 = vector.shape_cast %swap3A_1046 : vector<1x16xi32> to vector<16xi32>
      %swap3A_1048 = vector.shape_cast %select_n3A_1043 : vector<16xi32> to vector<1x16xi32>
      tpu.vector_store %arg6[%swap3A_1044, %swap3A_1045], %swap3A_1048 {strides = array<i32>} : memref<16x256xi32, #tpu.memory_space<vmem>>, vector<1x16xi32>,
    }
    %scan3A_351 = arith.constant 256 : i32
    %dma_start3A_352 = arith.constant 0 : i32
    %dma_start3A_353 = arith.constant 0 : i32
    %dma_start3A_354 = arith.constant 0 : i32
    %dma_start3A_355 = tpu.memref_slice %arg10[%dma_start3A_353, %dma_start3A_354] : memref<256x64xbf16, #tpu.memory_space<vmem>> -> memref<256x64xbf16, #tpu.memory_space<vmem>>
    %dma_start3A_356 = arith.constant 0 : i32
    %dma_start3A_357 = tpu.memref_slice %arg6[%dma_start3A_352, %dma_start3A_356] : memref<16x256xi32, #tpu.memory_space<vmem>> -> memref<1x256xi32, #tpu.memory_space<vmem>>
    %dma_start3A_358 = tpu.memref_squeeze %dma_start3A_357 : memref<1x256xi32, #tpu.memory_space<vmem>> -> memref<256xi32, #tpu.memory_space<vmem>>
    %dma_start3A_359 = arith.constant 0 : i32
    %dma_start3A_360 = arith.constant 0 : i32
    %dma_start3A_361 = tpu.memref_slice %arg5[%dma_start3A_359, %dma_start3A_360] : memref<50128x64xbf16, #tpu.memory_space<vmem_shared>> -> memref<50128x64xbf16, #tpu.memory_space<vmem_shared>>
    tpu.enqueue_indirect_dma source(%dma_start3A_361 : memref<50128x64xbf16, #tpu.memory_space<vmem_shared>>) target(%dma_start3A_355 : memref<256x64xbf16, #tpu.memory_space<vmem>>) offsets(%dma_start3A_358 : memref<256xi32, #tpu.memory_space<vmem>>) semaphore(%arg13 : memref<!tpu.dma_semaphore, #tpu.memory_space<semaphore_mem>>)
    %dma_wait3A_362 = arith.constant 0 : i32
    %dma_wait3A_363 = arith.constant 0 : i32
    %dma_wait3A_364 = arith.constant 0 : i32
    %dma_wait3A_365 = tpu.memref_slice %arg10[%dma_wait3A_363, %dma_wait3A_364] : memref<256x64xbf16, #tpu.memory_space<vmem>> -> memref<256x64xbf16, #tpu.memory_space<vmem>>
    %dma_wait3A_366 = arith.constant 0 : i32
    %dma_wait3A_367 = tpu.memref_slice %arg6[%dma_wait3A_362, %dma_wait3A_366] : memref<16x256xi32, #tpu.memory_space<vmem>> -> memref<1x256xi32, #tpu.memory_space<vmem>>
    %dma_wait3A_368 = tpu.memref_squeeze %dma_wait3A_367 : memref<1x256xi32, #tpu.memory_space<vmem>> -> memref<256xi32, #tpu.memory_space<vmem>>
    %dma_wait3A_369 = arith.constant 0 : i32
    %dma_wait3A_370 = arith.constant 0 : i32
    %dma_wait3A_371 = tpu.memref_slice %arg5[%dma_wait3A_369, %dma_wait3A_370] : memref<50128x64xbf16, #tpu.memory_space<vmem_shared>> -> memref<50128x64xbf16, #tpu.memory_space<vmem_shared>>
    tpu.wait_indirect_dma semaphore(%arg13 : memref<!tpu.dma_semaphore, #tpu.memory_space<semaphore_mem>>) src(%dma_wait3A_371 : memref<50128x64xbf16, #tpu.memory_space<vmem_shared>>) dst(%dma_wait3A_365 : memref<256x64xbf16, #tpu.memory_space<vmem>>)
    %scan3A_372 = arith.constant 0 : i32
    %scan3A_373 = arith.constant 1 : i32
    %scan3A_374 = arith.constant 15 : i32
    %scan3A_375 = arith.addi %scan3A_373, %scan3A_374 : i32
    %scan3A_376 = arith.constant 1 : i32
    scf.for %scan3A_995 = %scan3A_373 to %scan3A_375 step %scan3A_376  : i32 {
      %dma_start3A_996 = arith.constant 0 : i32
      %dma_start3A_997 = arith.constant 0 : i32
      %dma_start3A_998 = tpu.memref_slice %arg10[%dma_start3A_996, %dma_start3A_997] : memref<256x64xbf16, #tpu.memory_space<vmem>> -> memref<256x64xbf16, #tpu.memory_space<vmem>>
      %dma_start3A_999 = arith.constant 0 : i32
      %dma_start3A_1000 = tpu.memref_slice %arg6[%scan3A_995, %dma_start3A_999] : memref<16x256xi32, #tpu.memory_space<vmem>> -> memref<1x256xi32, #tpu.memory_space<vmem>>
      %dma_start3A_1001 = tpu.memref_squeeze %dma_start3A_1000 : memref<1x256xi32, #tpu.memory_space<vmem>> -> memref<256xi32, #tpu.memory_space<vmem>>
      %dma_start3A_1002 = arith.constant 0 : i32
      %dma_start3A_1003 = arith.constant 0 : i32
      %dma_start3A_1004 = tpu.memref_slice %arg5[%dma_start3A_1002, %dma_start3A_1003] : memref<50128x64xbf16, #tpu.memory_space<vmem_shared>> -> memref<50128x64xbf16, #tpu.memory_space<vmem_shared>>
      %dma_start3A_1005 = arith.constant -1 : i32
      tpu.enqueue_indirect_dma source(%dma_start3A_1004 : memref<50128x64xbf16, #tpu.memory_space<vmem_shared>>) target(%dma_start3A_998 : memref<256x64xbf16, #tpu.memory_space<vmem>>) offsets(%dma_start3A_1001 : memref<256xi32, #tpu.memory_space<vmem>>) offset_filter(%dma_start3A_1005) semaphore(%arg15 : memref<!tpu.dma_semaphore, #tpu.memory_space<semaphore_mem>>) {add = true}
    }
    %scan3A_377 = arith.constant 15 : i32
    %scan3A_378 = arith.constant 0 : i32
    %scan3A_379 = arith.constant 1 : i32
    %scan3A_380 = arith.constant 15 : i32
    %scan3A_381 = arith.addi %scan3A_379, %scan3A_380 : i32
    %scan3A_382 = arith.constant 1 : i32
    scf.for %scan3A_995 = %scan3A_379 to %scan3A_381 step %scan3A_382  : i32 {
      %dma_wait3A_996 = arith.constant 0 : i32
      %dma_wait3A_997 = arith.constant 0 : i32
      %dma_wait3A_998 = tpu.memref_slice %arg9[%dma_wait3A_996, %dma_wait3A_997] : memref<256x64xbf16, #tpu.memory_space<vmem>> -> memref<256x64xbf16, #tpu.memory_space<vmem>>
      %dma_wait3A_999 = arith.constant 0 : i32
      %dma_wait3A_1000 = tpu.memref_slice %arg8[%scan3A_995, %dma_wait3A_999] : memref<16x256xi32, #tpu.memory_space<vmem>> -> memref<1x256xi32, #tpu.memory_space<vmem>>
      %dma_wait3A_1001 = tpu.memref_squeeze %dma_wait3A_1000 : memref<1x256xi32, #tpu.memory_space<vmem>> -> memref<256xi32, #tpu.memory_space<vmem>>
      %dma_wait3A_1002 = arith.constant 0 : i32
      %dma_wait3A_1003 = arith.constant 0 : i32
      %dma_wait3A_1004 = tpu.memref_slice %arg5[%dma_wait3A_1002, %dma_wait3A_1003] : memref<50128x64xbf16, #tpu.memory_space<vmem_shared>> -> memref<50128x64xbf16, #tpu.memory_space<vmem_shared>>
      tpu.wait_indirect_dma semaphore(%arg14 : memref<!tpu.dma_semaphore, #tpu.memory_space<semaphore_mem>>) src(%dma_wait3A_1004 : memref<50128x64xbf16, #tpu.memory_space<vmem_shared>>) dst(%dma_wait3A_998 : memref<256x64xbf16, #tpu.memory_space<vmem>>)
    }
    %scan3A_383 = arith.constant 15 : i32
    %add3A_384 = arith.constant 512 : i32
    %add3A_385 = arith.addi %add3A_8, %add3A_384 : i32
    %dma_start3A_386 = arith.constant 0 : i32
    %dma_start3A_387 = tpu.memref_slice %arg4[%add3A_385, %dma_start3A_386] : memref<106496x64xbf16, #tpu.memory_space<hbm>> -> memref<256x64xbf16, #tpu.memory_space<hbm>>
    %dma_start3A_388 = arith.constant 0 : i32
    %dma_start3A_389 = tpu.memref_slice %arg4[%add3A_385, %dma_start3A_388] : memref<106496x64xbf16, #tpu.memory_space<hbm>> -> memref<256x64xbf16, #tpu.memory_space<hbm>>
    tpu.enqueue_dma source(%arg9 : memref<256x64xbf16, #tpu.memory_space<vmem>>) target(%dma_start3A_389 : memref<256x64xbf16, #tpu.memory_space<hbm>>) target_semaphore(%arg16 : memref<!tpu.dma_semaphore, #tpu.memory_space<semaphore_mem>>)
    %dma_wait3A_390 = arith.constant 0 : i32
    %dma_wait3A_391 = tpu.memref_slice %arg4[%add3A_385, %dma_wait3A_390] : memref<106496x64xbf16, #tpu.memory_space<hbm>> -> memref<256x64xbf16, #tpu.memory_space<hbm>>
    %dma_wait3A_392 = arith.constant 0 : i32
    %dma_wait3A_393 = tpu.memref_slice %arg4[%add3A_385, %dma_wait3A_392] : memref<106496x64xbf16, #tpu.memory_space<hbm>> -> memref<256x64xbf16, #tpu.memory_space<hbm>>
    tpu.wait_dma2 semaphore(%arg16 : memref<!tpu.dma_semaphore, #tpu.memory_space<semaphore_mem>>) src(%arg9 : memref<256x64xbf16, #tpu.memory_space<vmem>>) dst(%dma_wait3A_393 : memref<256x64xbf16, #tpu.memory_space<hbm>>)
    %dma_start3A_394 = arith.constant 5 : i32
    %dma_start3A_395 = arith.constant 0 : i32
    %dma_start3A_396 = arith.constant 0 : i32
    %dma_start3A_397 = tpu.memref_slice %arg2[%arg1, %dma_start3A_394, %dma_start3A_395, %dma_start3A_396] : memref<16x13x16x256xi32, #tpu.memory_space<hbm>> -> memref<1x1x16x256xi32, #tpu.memory_space<hbm>>
    %dma_start3A_398 = tpu.memref_squeeze %dma_start3A_397 : memref<1x1x16x256xi32, #tpu.memory_space<hbm>> -> memref<16x256xi32, #tpu.memory_space<hbm>>
    %dma_start3A_399 = arith.constant 0 : i32
    %dma_start3A_400 = arith.constant 0 : i32
    %dma_start3A_401 = tpu.memref_slice %arg2[%arg1, %dma_start3A_394, %dma_start3A_399, %dma_start3A_400] : memref<16x13x16x256xi32, #tpu.memory_space<hbm>> -> memref<1x1x16x256xi32, #tpu.memory_space<hbm>>
    %dma_start3A_402 = tpu.memref_squeeze %dma_start3A_401 : memref<1x1x16x256xi32, #tpu.memory_space<hbm>> -> memref<16x256xi32, #tpu.memory_space<hbm>>
    tpu.enqueue_dma source(%dma_start3A_402 : memref<16x256xi32, #tpu.memory_space<hbm>>) target(%arg8 : memref<16x256xi32, #tpu.memory_space<vmem>>) target_semaphore(%arg12 : memref<!tpu.dma_semaphore, #tpu.memory_space<semaphore_mem>>)
    %dma_wait3A_403 = arith.constant 4 : i32
    %dma_wait3A_404 = arith.constant 0 : i32
    %dma_wait3A_405 = arith.constant 0 : i32
    %dma_wait3A_406 = tpu.memref_slice %arg2[%arg1, %dma_wait3A_403, %dma_wait3A_404, %dma_wait3A_405] : memref<16x13x16x256xi32, #tpu.memory_space<hbm>> -> memref<1x1x16x256xi32, #tpu.memory_space<hbm>>
    %dma_wait3A_407 = tpu.memref_squeeze %dma_wait3A_406 : memref<1x1x16x256xi32, #tpu.memory_space<hbm>> -> memref<16x256xi32, #tpu.memory_space<hbm>>
    %dma_wait3A_408 = arith.constant 0 : i32
    %dma_wait3A_409 = arith.constant 0 : i32
    %dma_wait3A_410 = tpu.memref_slice %arg2[%arg1, %dma_wait3A_403, %dma_wait3A_408, %dma_wait3A_409] : memref<16x13x16x256xi32, #tpu.memory_space<hbm>> -> memref<1x1x16x256xi32, #tpu.memory_space<hbm>>
    %dma_wait3A_411 = tpu.memref_squeeze %dma_wait3A_410 : memref<1x1x16x256xi32, #tpu.memory_space<hbm>> -> memref<16x256xi32, #tpu.memory_space<hbm>>
    tpu.wait_dma2 semaphore(%arg12 : memref<!tpu.dma_semaphore, #tpu.memory_space<semaphore_mem>>) src(%dma_wait3A_411 : memref<16x256xi32, #tpu.memory_space<hbm>>) dst(%arg7 : memref<16x256xi32, #tpu.memory_space<vmem>>)
    %scan3A_412 = arith.constant 0 : i32
    %scan3A_413 = arith.constant 0 : i32
    %scan3A_414 = arith.constant 256 : i32
    %scan3A_415 = arith.addi %scan3A_413, %scan3A_414 : i32
    %scan3A_416 = arith.constant 1 : i32
    scf.for %scan3A_995 = %scan3A_413 to %scan3A_415 step %scan3A_416  : i32 {
      %jit3A = arith.constant 16 : i32
      %div3A = arith.divsi %scan3A_995, %jit3A : i32
      %sign3A = arith.constant 0 : i32
      %sign3A_996 = arith.cmpi sgt, %scan3A_995, %sign3A : i32
      %sign3A_997 = arith.extui %sign3A_996 : i1 to i32
      %sign3A_998 = arith.constant 0 : i32
      %sign3A_999 = arith.cmpi slt, %scan3A_995, %sign3A_998 : i32
      %sign3A_1000 = arith.extui %sign3A_999 : i1 to i32
      %sign3A_1001 = arith.subi %sign3A_997, %sign3A_1000 : i32
      %sign3A_1002 = arith.constant 0 : i32
      %sign3A_1003 = arith.cmpi sgt, %jit3A, %sign3A_1002 : i32
      %sign3A_1004 = arith.extui %sign3A_1003 : i1 to i32
      %sign3A_1005 = arith.constant 0 : i32
      %sign3A_1006 = arith.cmpi slt, %jit3A, %sign3A_1005 : i32
      %sign3A_1007 = arith.extui %sign3A_1006 : i1 to i32
      %sign3A_1008 = arith.subi %sign3A_1004, %sign3A_1007 : i32
      %ne3A = arith.cmpi ne, %sign3A_1001, %sign3A_1008 : i32
      %rem3A = arith.remsi %scan3A_995, %jit3A : i32
      %ne3A_1009 = arith.constant 0 : i32
      %ne3A_1010 = arith.cmpi ne, %rem3A, %ne3A_1009 : i32
      %and3A = arith.andi %ne3A, %ne3A_1010 : i1
      %sub3A = arith.constant 1 : i32
      %sub3A_1011 = arith.subi %div3A, %sub3A : i32
      %select_n3A = arith.select %and3A, %sub3A_1011, %div3A : i32
      %jit3A_1012 = arith.constant 16 : i32
      %eq3A = arith.constant 0 : i32
      %eq3A_1013 = arith.cmpi eq, %jit3A_1012, %eq3A : i32
      %jit3A_1014 = arith.constant 1 : i32
      %select_n3A_1015 = arith.select %eq3A_1013, %jit3A_1014, %jit3A_1012 : i32
      %rem3A_1016 = arith.remsi %scan3A_995, %select_n3A_1015 : i32
      %ne3A_1017 = arith.constant 0 : i32
      %ne3A_1018 = arith.cmpi ne, %rem3A_1016, %ne3A_1017 : i32
      %lt3A = arith.constant 0 : i32
      %lt3A_1019 = arith.cmpi slt, %rem3A_1016, %lt3A : i32
      %lt3A_1020 = arith.constant 0 : i32
      %lt3A_1021 = arith.cmpi slt, %select_n3A_1015, %lt3A_1020 : i32
      %ne3A_1022 = arith.xori %lt3A_1019, %lt3A_1021 : i1
      %and3A_1023 = arith.andi %ne3A_1022, %ne3A_1018 : i1
      %add3A_1024 = arith.addi %rem3A_1016, %select_n3A_1015 : i32
      %select_n3A_1025 = arith.select %and3A_1023, %add3A_1024, %rem3A_1016 : i32
      %mul3A_1026 = arith.constant 16 : i32
      %mul3A_1027 = arith.muli %select_n3A_1025, %mul3A_1026 : i32
      %get3A = arith.index_cast %select_n3A : i32 to index
      %get3A_1028 = arith.index_cast %mul3A_1027 : i32 to index
      %get3A_1029 = tpu.vector_load %arg7[%get3A, %get3A_1028] {strides = array<i32>} : memref<16x256xi32, #tpu.memory_space<vmem>>, vector<1x16xi32>,
      %get3A_1030 = vector.shape_cast %get3A_1029 : vector<1x16xi32> to vector<16xi32>
      %sub3A_1031 = vector.broadcast %mul3A_0 : i32 to vector<16xi32>
      %sub3A_1032 = arith.subi %get3A_1030, %sub3A_1031 : vector<16xi32>
      %ge3A = vector.broadcast %mul3A_0 : i32 to vector<16xi32>
      %ge3A_1033 = arith.cmpi sge, %get3A_1030, %ge3A : vector<16xi32>
      %lt3A_1034 = arith.constant 50000 : i32
      %lt3A_1035 = vector.broadcast %lt3A_1034 : i32 to vector<16xi32>
      %lt3A_1036 = arith.cmpi slt, %sub3A_1032, %lt3A_1035 : vector<16xi32>
      %and3A_1037 = arith.andi %ge3A_1033, %lt3A_1036 : vector<16xi1>
      %eq3A_1038 = arith.constant 0 : i32
      %eq3A_1039 = arith.cmpi eq, %select_n3A, %eq3A_1038 : i32
      %jit3A_1040 = arith.constant -1 : i32
      %select_n3A_1041 = arith.select %eq3A_1039, %add3A_3, %jit3A_1040 : i32
      %broadcast_in_dim3A_1042 = vector.broadcast %select_n3A_1041 : i32 to vector<16xi32>
      %select_n3A_1043 = arith.select %and3A_1037, %sub3A_1032, %broadcast_in_dim3A_1042 : vector<16xi1>, vector<16xi32>
      %swap3A_1044 = arith.index_cast %select_n3A : i32 to index
      %swap3A_1045 = arith.index_cast %mul3A_1027 : i32 to index
      %swap3A_1046 = tpu.vector_load %arg7[%swap3A_1044, %swap3A_1045] {strides = array<i32>} : memref<16x256xi32, #tpu.memory_space<vmem>>, vector<1x16xi32>,
      %swap3A_1047 = vector.shape_cast %swap3A_1046 : vector<1x16xi32> to vector<16xi32>
      %swap3A_1048 = vector.shape_cast %select_n3A_1043 : vector<16xi32> to vector<1x16xi32>
      tpu.vector_store %arg7[%swap3A_1044, %swap3A_1045], %swap3A_1048 {strides = array<i32>} : memref<16x256xi32, #tpu.memory_space<vmem>>, vector<1x16xi32>,
    }
    %scan3A_417 = arith.constant 256 : i32
    %dma_start3A_418 = arith.constant 0 : i32
    %dma_start3A_419 = arith.constant 0 : i32
    %dma_start3A_420 = arith.constant 0 : i32
    %dma_start3A_421 = tpu.memref_slice %arg9[%dma_start3A_419, %dma_start3A_420] : memref<256x64xbf16, #tpu.memory_space<vmem>> -> memref<256x64xbf16, #tpu.memory_space<vmem>>
    %dma_start3A_422 = arith.constant 0 : i32
    %dma_start3A_423 = tpu.memref_slice %arg7[%dma_start3A_418, %dma_start3A_422] : memref<16x256xi32, #tpu.memory_space<vmem>> -> memref<1x256xi32, #tpu.memory_space<vmem>>
    %dma_start3A_424 = tpu.memref_squeeze %dma_start3A_423 : memref<1x256xi32, #tpu.memory_space<vmem>> -> memref<256xi32, #tpu.memory_space<vmem>>
    %dma_start3A_425 = arith.constant 0 : i32
    %dma_start3A_426 = arith.constant 0 : i32
    %dma_start3A_427 = tpu.memref_slice %arg5[%dma_start3A_425, %dma_start3A_426] : memref<50128x64xbf16, #tpu.memory_space<vmem_shared>> -> memref<50128x64xbf16, #tpu.memory_space<vmem_shared>>
    tpu.enqueue_indirect_dma source(%dma_start3A_427 : memref<50128x64xbf16, #tpu.memory_space<vmem_shared>>) target(%dma_start3A_421 : memref<256x64xbf16, #tpu.memory_space<vmem>>) offsets(%dma_start3A_424 : memref<256xi32, #tpu.memory_space<vmem>>) semaphore(%arg13 : memref<!tpu.dma_semaphore, #tpu.memory_space<semaphore_mem>>)
    %dma_wait3A_428 = arith.constant 0 : i32
    %dma_wait3A_429 = arith.constant 0 : i32
    %dma_wait3A_430 = arith.constant 0 : i32
    %dma_wait3A_431 = tpu.memref_slice %arg9[%dma_wait3A_429, %dma_wait3A_430] : memref<256x64xbf16, #tpu.memory_space<vmem>> -> memref<256x64xbf16, #tpu.memory_space<vmem>>
    %dma_wait3A_432 = arith.constant 0 : i32
    %dma_wait3A_433 = tpu.memref_slice %arg7[%dma_wait3A_428, %dma_wait3A_432] : memref<16x256xi32, #tpu.memory_space<vmem>> -> memref<1x256xi32, #tpu.memory_space<vmem>>
    %dma_wait3A_434 = tpu.memref_squeeze %dma_wait3A_433 : memref<1x256xi32, #tpu.memory_space<vmem>> -> memref<256xi32, #tpu.memory_space<vmem>>
    %dma_wait3A_435 = arith.constant 0 : i32
    %dma_wait3A_436 = arith.constant 0 : i32
    %dma_wait3A_437 = tpu.memref_slice %arg5[%dma_wait3A_435, %dma_wait3A_436] : memref<50128x64xbf16, #tpu.memory_space<vmem_shared>> -> memref<50128x64xbf16, #tpu.memory_space<vmem_shared>>
    tpu.wait_indirect_dma semaphore(%arg13 : memref<!tpu.dma_semaphore, #tpu.memory_space<semaphore_mem>>) src(%dma_wait3A_437 : memref<50128x64xbf16, #tpu.memory_space<vmem_shared>>) dst(%dma_wait3A_431 : memref<256x64xbf16, #tpu.memory_space<vmem>>)
    %scan3A_438 = arith.constant 0 : i32
    %scan3A_439 = arith.constant 1 : i32
    %scan3A_440 = arith.constant 15 : i32
    %scan3A_441 = arith.addi %scan3A_439, %scan3A_440 : i32
    %scan3A_442 = arith.constant 1 : i32
    scf.for %scan3A_995 = %scan3A_439 to %scan3A_441 step %scan3A_442  : i32 {
      %dma_start3A_996 = arith.constant 0 : i32
      %dma_start3A_997 = arith.constant 0 : i32
      %dma_start3A_998 = tpu.memref_slice %arg9[%dma_start3A_996, %dma_start3A_997] : memref<256x64xbf16, #tpu.memory_space<vmem>> -> memref<256x64xbf16, #tpu.memory_space<vmem>>
      %dma_start3A_999 = arith.constant 0 : i32
      %dma_start3A_1000 = tpu.memref_slice %arg7[%scan3A_995, %dma_start3A_999] : memref<16x256xi32, #tpu.memory_space<vmem>> -> memref<1x256xi32, #tpu.memory_space<vmem>>
      %dma_start3A_1001 = tpu.memref_squeeze %dma_start3A_1000 : memref<1x256xi32, #tpu.memory_space<vmem>> -> memref<256xi32, #tpu.memory_space<vmem>>
      %dma_start3A_1002 = arith.constant 0 : i32
      %dma_start3A_1003 = arith.constant 0 : i32
      %dma_start3A_1004 = tpu.memref_slice %arg5[%dma_start3A_1002, %dma_start3A_1003] : memref<50128x64xbf16, #tpu.memory_space<vmem_shared>> -> memref<50128x64xbf16, #tpu.memory_space<vmem_shared>>
      %dma_start3A_1005 = arith.constant -1 : i32
      tpu.enqueue_indirect_dma source(%dma_start3A_1004 : memref<50128x64xbf16, #tpu.memory_space<vmem_shared>>) target(%dma_start3A_998 : memref<256x64xbf16, #tpu.memory_space<vmem>>) offsets(%dma_start3A_1001 : memref<256xi32, #tpu.memory_space<vmem>>) offset_filter(%dma_start3A_1005) semaphore(%arg14 : memref<!tpu.dma_semaphore, #tpu.memory_space<semaphore_mem>>) {add = true}
    }
    %scan3A_443 = arith.constant 15 : i32
    %scan3A_444 = arith.constant 0 : i32
    %scan3A_445 = arith.constant 1 : i32
    %scan3A_446 = arith.constant 15 : i32
    %scan3A_447 = arith.addi %scan3A_445, %scan3A_446 : i32
    %scan3A_448 = arith.constant 1 : i32
    scf.for %scan3A_995 = %scan3A_445 to %scan3A_447 step %scan3A_448  : i32 {
      %dma_wait3A_996 = arith.constant 0 : i32
      %dma_wait3A_997 = arith.constant 0 : i32
      %dma_wait3A_998 = tpu.memref_slice %arg10[%dma_wait3A_996, %dma_wait3A_997] : memref<256x64xbf16, #tpu.memory_space<vmem>> -> memref<256x64xbf16, #tpu.memory_space<vmem>>
      %dma_wait3A_999 = arith.constant 0 : i32
      %dma_wait3A_1000 = tpu.memref_slice %arg6[%scan3A_995, %dma_wait3A_999] : memref<16x256xi32, #tpu.memory_space<vmem>> -> memref<1x256xi32, #tpu.memory_space<vmem>>
      %dma_wait3A_1001 = tpu.memref_squeeze %dma_wait3A_1000 : memref<1x256xi32, #tpu.memory_space<vmem>> -> memref<256xi32, #tpu.memory_space<vmem>>
      %dma_wait3A_1002 = arith.constant 0 : i32
      %dma_wait3A_1003 = arith.constant 0 : i32
      %dma_wait3A_1004 = tpu.memref_slice %arg5[%dma_wait3A_1002, %dma_wait3A_1003] : memref<50128x64xbf16, #tpu.memory_space<vmem_shared>> -> memref<50128x64xbf16, #tpu.memory_space<vmem_shared>>
      tpu.wait_indirect_dma semaphore(%arg15 : memref<!tpu.dma_semaphore, #tpu.memory_space<semaphore_mem>>) src(%dma_wait3A_1004 : memref<50128x64xbf16, #tpu.memory_space<vmem_shared>>) dst(%dma_wait3A_998 : memref<256x64xbf16, #tpu.memory_space<vmem>>)
    }
    %scan3A_449 = arith.constant 15 : i32
    %add3A_450 = arith.constant 768 : i32
    %add3A_451 = arith.addi %add3A_8, %add3A_450 : i32
    %dma_start3A_452 = arith.constant 0 : i32
    %dma_start3A_453 = tpu.memref_slice %arg4[%add3A_451, %dma_start3A_452] : memref<106496x64xbf16, #tpu.memory_space<hbm>> -> memref<256x64xbf16, #tpu.memory_space<hbm>>
    %dma_start3A_454 = arith.constant 0 : i32
    %dma_start3A_455 = tpu.memref_slice %arg4[%add3A_451, %dma_start3A_454] : memref<106496x64xbf16, #tpu.memory_space<hbm>> -> memref<256x64xbf16, #tpu.memory_space<hbm>>
    tpu.enqueue_dma source(%arg10 : memref<256x64xbf16, #tpu.memory_space<vmem>>) target(%dma_start3A_455 : memref<256x64xbf16, #tpu.memory_space<hbm>>) target_semaphore(%arg16 : memref<!tpu.dma_semaphore, #tpu.memory_space<semaphore_mem>>)
    %dma_wait3A_456 = arith.constant 0 : i32
    %dma_wait3A_457 = tpu.memref_slice %arg4[%add3A_451, %dma_wait3A_456] : memref<106496x64xbf16, #tpu.memory_space<hbm>> -> memref<256x64xbf16, #tpu.memory_space<hbm>>
    %dma_wait3A_458 = arith.constant 0 : i32
    %dma_wait3A_459 = tpu.memref_slice %arg4[%add3A_451, %dma_wait3A_458] : memref<106496x64xbf16, #tpu.memory_space<hbm>> -> memref<256x64xbf16, #tpu.memory_space<hbm>>
    tpu.wait_dma2 semaphore(%arg16 : memref<!tpu.dma_semaphore, #tpu.memory_space<semaphore_mem>>) src(%arg10 : memref<256x64xbf16, #tpu.memory_space<vmem>>) dst(%dma_wait3A_459 : memref<256x64xbf16, #tpu.memory_space<hbm>>)
    %dma_start3A_460 = arith.constant 6 : i32
    %dma_start3A_461 = arith.constant 0 : i32
    %dma_start3A_462 = arith.constant 0 : i32
    %dma_start3A_463 = tpu.memref_slice %arg2[%arg1, %dma_start3A_460, %dma_start3A_461, %dma_start3A_462] : memref<16x13x16x256xi32, #tpu.memory_space<hbm>> -> memref<1x1x16x256xi32, #tpu.memory_space<hbm>>
    %dma_start3A_464 = tpu.memref_squeeze %dma_start3A_463 : memref<1x1x16x256xi32, #tpu.memory_space<hbm>> -> memref<16x256xi32, #tpu.memory_space<hbm>>
    %dma_start3A_465 = arith.constant 0 : i32
    %dma_start3A_466 = arith.constant 0 : i32
    %dma_start3A_467 = tpu.memref_slice %arg2[%arg1, %dma_start3A_460, %dma_start3A_465, %dma_start3A_466] : memref<16x13x16x256xi32, #tpu.memory_space<hbm>> -> memref<1x1x16x256xi32, #tpu.memory_space<hbm>>
    %dma_start3A_468 = tpu.memref_squeeze %dma_start3A_467 : memref<1x1x16x256xi32, #tpu.memory_space<hbm>> -> memref<16x256xi32, #tpu.memory_space<hbm>>
    tpu.enqueue_dma source(%dma_start3A_468 : memref<16x256xi32, #tpu.memory_space<hbm>>) target(%arg6 : memref<16x256xi32, #tpu.memory_space<vmem>>) target_semaphore(%arg12 : memref<!tpu.dma_semaphore, #tpu.memory_space<semaphore_mem>>)
    %dma_wait3A_469 = arith.constant 5 : i32
    %dma_wait3A_470 = arith.constant 0 : i32
    %dma_wait3A_471 = arith.constant 0 : i32
    %dma_wait3A_472 = tpu.memref_slice %arg2[%arg1, %dma_wait3A_469, %dma_wait3A_470, %dma_wait3A_471] : memref<16x13x16x256xi32, #tpu.memory_space<hbm>> -> memref<1x1x16x256xi32, #tpu.memory_space<hbm>>
    %dma_wait3A_473 = tpu.memref_squeeze %dma_wait3A_472 : memref<1x1x16x256xi32, #tpu.memory_space<hbm>> -> memref<16x256xi32, #tpu.memory_space<hbm>>
    %dma_wait3A_474 = arith.constant 0 : i32
    %dma_wait3A_475 = arith.constant 0 : i32
    %dma_wait3A_476 = tpu.memref_slice %arg2[%arg1, %dma_wait3A_469, %dma_wait3A_474, %dma_wait3A_475] : memref<16x13x16x256xi32, #tpu.memory_space<hbm>> -> memref<1x1x16x256xi32, #tpu.memory_space<hbm>>
    %dma_wait3A_477 = tpu.memref_squeeze %dma_wait3A_476 : memref<1x1x16x256xi32, #tpu.memory_space<hbm>> -> memref<16x256xi32, #tpu.memory_space<hbm>>
    tpu.wait_dma2 semaphore(%arg12 : memref<!tpu.dma_semaphore, #tpu.memory_space<semaphore_mem>>) src(%dma_wait3A_477 : memref<16x256xi32, #tpu.memory_space<hbm>>) dst(%arg8 : memref<16x256xi32, #tpu.memory_space<vmem>>)
    %scan3A_478 = arith.constant 0 : i32
    %scan3A_479 = arith.constant 0 : i32
    %scan3A_480 = arith.constant 256 : i32
    %scan3A_481 = arith.addi %scan3A_479, %scan3A_480 : i32
    %scan3A_482 = arith.constant 1 : i32
    scf.for %scan3A_995 = %scan3A_479 to %scan3A_481 step %scan3A_482  : i32 {
      %jit3A = arith.constant 16 : i32
      %div3A = arith.divsi %scan3A_995, %jit3A : i32
      %sign3A = arith.constant 0 : i32
      %sign3A_996 = arith.cmpi sgt, %scan3A_995, %sign3A : i32
      %sign3A_997 = arith.extui %sign3A_996 : i1 to i32
      %sign3A_998 = arith.constant 0 : i32
      %sign3A_999 = arith.cmpi slt, %scan3A_995, %sign3A_998 : i32
      %sign3A_1000 = arith.extui %sign3A_999 : i1 to i32
      %sign3A_1001 = arith.subi %sign3A_997, %sign3A_1000 : i32
      %sign3A_1002 = arith.constant 0 : i32
      %sign3A_1003 = arith.cmpi sgt, %jit3A, %sign3A_1002 : i32
      %sign3A_1004 = arith.extui %sign3A_1003 : i1 to i32
      %sign3A_1005 = arith.constant 0 : i32
      %sign3A_1006 = arith.cmpi slt, %jit3A, %sign3A_1005 : i32
      %sign3A_1007 = arith.extui %sign3A_1006 : i1 to i32
      %sign3A_1008 = arith.subi %sign3A_1004, %sign3A_1007 : i32
      %ne3A = arith.cmpi ne, %sign3A_1001, %sign3A_1008 : i32
      %rem3A = arith.remsi %scan3A_995, %jit3A : i32
      %ne3A_1009 = arith.constant 0 : i32
      %ne3A_1010 = arith.cmpi ne, %rem3A, %ne3A_1009 : i32
      %and3A = arith.andi %ne3A, %ne3A_1010 : i1
      %sub3A = arith.constant 1 : i32
      %sub3A_1011 = arith.subi %div3A, %sub3A : i32
      %select_n3A = arith.select %and3A, %sub3A_1011, %div3A : i32
      %jit3A_1012 = arith.constant 16 : i32
      %eq3A = arith.constant 0 : i32
      %eq3A_1013 = arith.cmpi eq, %jit3A_1012, %eq3A : i32
      %jit3A_1014 = arith.constant 1 : i32
      %select_n3A_1015 = arith.select %eq3A_1013, %jit3A_1014, %jit3A_1012 : i32
      %rem3A_1016 = arith.remsi %scan3A_995, %select_n3A_1015 : i32
      %ne3A_1017 = arith.constant 0 : i32
      %ne3A_1018 = arith.cmpi ne, %rem3A_1016, %ne3A_1017 : i32
      %lt3A = arith.constant 0 : i32
      %lt3A_1019 = arith.cmpi slt, %rem3A_1016, %lt3A : i32
      %lt3A_1020 = arith.constant 0 : i32
      %lt3A_1021 = arith.cmpi slt, %select_n3A_1015, %lt3A_1020 : i32
      %ne3A_1022 = arith.xori %lt3A_1019, %lt3A_1021 : i1
      %and3A_1023 = arith.andi %ne3A_1022, %ne3A_1018 : i1
      %add3A_1024 = arith.addi %rem3A_1016, %select_n3A_1015 : i32
      %select_n3A_1025 = arith.select %and3A_1023, %add3A_1024, %rem3A_1016 : i32
      %mul3A_1026 = arith.constant 16 : i32
      %mul3A_1027 = arith.muli %select_n3A_1025, %mul3A_1026 : i32
      %get3A = arith.index_cast %select_n3A : i32 to index
      %get3A_1028 = arith.index_cast %mul3A_1027 : i32 to index
      %get3A_1029 = tpu.vector_load %arg8[%get3A, %get3A_1028] {strides = array<i32>} : memref<16x256xi32, #tpu.memory_space<vmem>>, vector<1x16xi32>,
      %get3A_1030 = vector.shape_cast %get3A_1029 : vector<1x16xi32> to vector<16xi32>
      %sub3A_1031 = vector.broadcast %mul3A_0 : i32 to vector<16xi32>
      %sub3A_1032 = arith.subi %get3A_1030, %sub3A_1031 : vector<16xi32>
      %ge3A = vector.broadcast %mul3A_0 : i32 to vector<16xi32>
      %ge3A_1033 = arith.cmpi sge, %get3A_1030, %ge3A : vector<16xi32>
      %lt3A_1034 = arith.constant 50000 : i32
      %lt3A_1035 = vector.broadcast %lt3A_1034 : i32 to vector<16xi32>
      %lt3A_1036 = arith.cmpi slt, %sub3A_1032, %lt3A_1035 : vector<16xi32>
      %and3A_1037 = arith.andi %ge3A_1033, %lt3A_1036 : vector<16xi1>
      %eq3A_1038 = arith.constant 0 : i32
      %eq3A_1039 = arith.cmpi eq, %select_n3A, %eq3A_1038 : i32
      %jit3A_1040 = arith.constant -1 : i32
      %select_n3A_1041 = arith.select %eq3A_1039, %add3A_3, %jit3A_1040 : i32
      %broadcast_in_dim3A_1042 = vector.broadcast %select_n3A_1041 : i32 to vector<16xi32>
      %select_n3A_1043 = arith.select %and3A_1037, %sub3A_1032, %broadcast_in_dim3A_1042 : vector<16xi1>, vector<16xi32>
      %swap3A_1044 = arith.index_cast %select_n3A : i32 to index
      %swap3A_1045 = arith.index_cast %mul3A_1027 : i32 to index
      %swap3A_1046 = tpu.vector_load %arg8[%swap3A_1044, %swap3A_1045] {strides = array<i32>} : memref<16x256xi32, #tpu.memory_space<vmem>>, vector<1x16xi32>,
      %swap3A_1047 = vector.shape_cast %swap3A_1046 : vector<1x16xi32> to vector<16xi32>
      %swap3A_1048 = vector.shape_cast %select_n3A_1043 : vector<16xi32> to vector<1x16xi32>
      tpu.vector_store %arg8[%swap3A_1044, %swap3A_1045], %swap3A_1048 {strides = array<i32>} : memref<16x256xi32, #tpu.memory_space<vmem>>, vector<1x16xi32>,
    }
    %scan3A_483 = arith.constant 256 : i32
    %dma_start3A_484 = arith.constant 0 : i32
    %dma_start3A_485 = arith.constant 0 : i32
    %dma_start3A_486 = arith.constant 0 : i32
    %dma_start3A_487 = tpu.memref_slice %arg10[%dma_start3A_485, %dma_start3A_486] : memref<256x64xbf16, #tpu.memory_space<vmem>> -> memref<256x64xbf16, #tpu.memory_space<vmem>>
    %dma_start3A_488 = arith.constant 0 : i32
    %dma_start3A_489 = tpu.memref_slice %arg8[%dma_start3A_484, %dma_start3A_488] : memref<16x256xi32, #tpu.memory_space<vmem>> -> memref<1x256xi32, #tpu.memory_space<vmem>>
    %dma_start3A_490 = tpu.memref_squeeze %dma_start3A_489 : memref<1x256xi32, #tpu.memory_space<vmem>> -> memref<256xi32, #tpu.memory_space<vmem>>
    %dma_start3A_491 = arith.constant 0 : i32
    %dma_start3A_492 = arith.constant 0 : i32
    %dma_start3A_493 = tpu.memref_slice %arg5[%dma_start3A_491, %dma_start3A_492] : memref<50128x64xbf16, #tpu.memory_space<vmem_shared>> -> memref<50128x64xbf16, #tpu.memory_space<vmem_shared>>
    tpu.enqueue_indirect_dma source(%dma_start3A_493 : memref<50128x64xbf16, #tpu.memory_space<vmem_shared>>) target(%dma_start3A_487 : memref<256x64xbf16, #tpu.memory_space<vmem>>) offsets(%dma_start3A_490 : memref<256xi32, #tpu.memory_space<vmem>>) semaphore(%arg13 : memref<!tpu.dma_semaphore, #tpu.memory_space<semaphore_mem>>)
    %dma_wait3A_494 = arith.constant 0 : i32
    %dma_wait3A_495 = arith.constant 0 : i32
    %dma_wait3A_496 = arith.constant 0 : i32
    %dma_wait3A_497 = tpu.memref_slice %arg10[%dma_wait3A_495, %dma_wait3A_496] : memref<256x64xbf16, #tpu.memory_space<vmem>> -> memref<256x64xbf16, #tpu.memory_space<vmem>>
    %dma_wait3A_498 = arith.constant 0 : i32
    %dma_wait3A_499 = tpu.memref_slice %arg8[%dma_wait3A_494, %dma_wait3A_498] : memref<16x256xi32, #tpu.memory_space<vmem>> -> memref<1x256xi32, #tpu.memory_space<vmem>>
    %dma_wait3A_500 = tpu.memref_squeeze %dma_wait3A_499 : memref<1x256xi32, #tpu.memory_space<vmem>> -> memref<256xi32, #tpu.memory_space<vmem>>
    %dma_wait3A_501 = arith.constant 0 : i32
    %dma_wait3A_502 = arith.constant 0 : i32
    %dma_wait3A_503 = tpu.memref_slice %arg5[%dma_wait3A_501, %dma_wait3A_502] : memref<50128x64xbf16, #tpu.memory_space<vmem_shared>> -> memref<50128x64xbf16, #tpu.memory_space<vmem_shared>>
    tpu.wait_indirect_dma semaphore(%arg13 : memref<!tpu.dma_semaphore, #tpu.memory_space<semaphore_mem>>) src(%dma_wait3A_503 : memref<50128x64xbf16, #tpu.memory_space<vmem_shared>>) dst(%dma_wait3A_497 : memref<256x64xbf16, #tpu.memory_space<vmem>>)
    %scan3A_504 = arith.constant 0 : i32
    %scan3A_505 = arith.constant 1 : i32
    %scan3A_506 = arith.constant 15 : i32
    %scan3A_507 = arith.addi %scan3A_505, %scan3A_506 : i32
    %scan3A_508 = arith.constant 1 : i32
    scf.for %scan3A_995 = %scan3A_505 to %scan3A_507 step %scan3A_508  : i32 {
      %dma_start3A_996 = arith.constant 0 : i32
      %dma_start3A_997 = arith.constant 0 : i32
      %dma_start3A_998 = tpu.memref_slice %arg10[%dma_start3A_996, %dma_start3A_997] : memref<256x64xbf16, #tpu.memory_space<vmem>> -> memref<256x64xbf16, #tpu.memory_space<vmem>>
      %dma_start3A_999 = arith.constant 0 : i32
      %dma_start3A_1000 = tpu.memref_slice %arg8[%scan3A_995, %dma_start3A_999] : memref<16x256xi32, #tpu.memory_space<vmem>> -> memref<1x256xi32, #tpu.memory_space<vmem>>
      %dma_start3A_1001 = tpu.memref_squeeze %dma_start3A_1000 : memref<1x256xi32, #tpu.memory_space<vmem>> -> memref<256xi32, #tpu.memory_space<vmem>>
      %dma_start3A_1002 = arith.constant 0 : i32
      %dma_start3A_1003 = arith.constant 0 : i32
      %dma_start3A_1004 = tpu.memref_slice %arg5[%dma_start3A_1002, %dma_start3A_1003] : memref<50128x64xbf16, #tpu.memory_space<vmem_shared>> -> memref<50128x64xbf16, #tpu.memory_space<vmem_shared>>
      %dma_start3A_1005 = arith.constant -1 : i32
      tpu.enqueue_indirect_dma source(%dma_start3A_1004 : memref<50128x64xbf16, #tpu.memory_space<vmem_shared>>) target(%dma_start3A_998 : memref<256x64xbf16, #tpu.memory_space<vmem>>) offsets(%dma_start3A_1001 : memref<256xi32, #tpu.memory_space<vmem>>) offset_filter(%dma_start3A_1005) semaphore(%arg15 : memref<!tpu.dma_semaphore, #tpu.memory_space<semaphore_mem>>) {add = true}
    }
    %scan3A_509 = arith.constant 15 : i32
    %scan3A_510 = arith.constant 0 : i32
    %scan3A_511 = arith.constant 1 : i32
    %scan3A_512 = arith.constant 15 : i32
    %scan3A_513 = arith.addi %scan3A_511, %scan3A_512 : i32
    %scan3A_514 = arith.constant 1 : i32
    scf.for %scan3A_995 = %scan3A_511 to %scan3A_513 step %scan3A_514  : i32 {
      %dma_wait3A_996 = arith.constant 0 : i32
      %dma_wait3A_997 = arith.constant 0 : i32
      %dma_wait3A_998 = tpu.memref_slice %arg9[%dma_wait3A_996, %dma_wait3A_997] : memref<256x64xbf16, #tpu.memory_space<vmem>> -> memref<256x64xbf16, #tpu.memory_space<vmem>>
      %dma_wait3A_999 = arith.constant 0 : i32
      %dma_wait3A_1000 = tpu.memref_slice %arg7[%scan3A_995, %dma_wait3A_999] : memref<16x256xi32, #tpu.memory_space<vmem>> -> memref<1x256xi32, #tpu.memory_space<vmem>>
      %dma_wait3A_1001 = tpu.memref_squeeze %dma_wait3A_1000 : memref<1x256xi32, #tpu.memory_space<vmem>> -> memref<256xi32, #tpu.memory_space<vmem>>
      %dma_wait3A_1002 = arith.constant 0 : i32
      %dma_wait3A_1003 = arith.constant 0 : i32
      %dma_wait3A_1004 = tpu.memref_slice %arg5[%dma_wait3A_1002, %dma_wait3A_1003] : memref<50128x64xbf16, #tpu.memory_space<vmem_shared>> -> memref<50128x64xbf16, #tpu.memory_space<vmem_shared>>
      tpu.wait_indirect_dma semaphore(%arg14 : memref<!tpu.dma_semaphore, #tpu.memory_space<semaphore_mem>>) src(%dma_wait3A_1004 : memref<50128x64xbf16, #tpu.memory_space<vmem_shared>>) dst(%dma_wait3A_998 : memref<256x64xbf16, #tpu.memory_space<vmem>>)
    }
    %scan3A_515 = arith.constant 15 : i32
    %add3A_516 = arith.constant 1024 : i32
    %add3A_517 = arith.addi %add3A_8, %add3A_516 : i32
    %dma_start3A_518 = arith.constant 0 : i32
    %dma_start3A_519 = tpu.memref_slice %arg4[%add3A_517, %dma_start3A_518] : memref<106496x64xbf16, #tpu.memory_space<hbm>> -> memref<256x64xbf16, #tpu.memory_space<hbm>>
    %dma_start3A_520 = arith.constant 0 : i32
    %dma_start3A_521 = tpu.memref_slice %arg4[%add3A_517, %dma_start3A_520] : memref<106496x64xbf16, #tpu.memory_space<hbm>> -> memref<256x64xbf16, #tpu.memory_space<hbm>>
    tpu.enqueue_dma source(%arg9 : memref<256x64xbf16, #tpu.memory_space<vmem>>) target(%dma_start3A_521 : memref<256x64xbf16, #tpu.memory_space<hbm>>) target_semaphore(%arg16 : memref<!tpu.dma_semaphore, #tpu.memory_space<semaphore_mem>>)
    %dma_wait3A_522 = arith.constant 0 : i32
    %dma_wait3A_523 = tpu.memref_slice %arg4[%add3A_517, %dma_wait3A_522] : memref<106496x64xbf16, #tpu.memory_space<hbm>> -> memref<256x64xbf16, #tpu.memory_space<hbm>>
    %dma_wait3A_524 = arith.constant 0 : i32
    %dma_wait3A_525 = tpu.memref_slice %arg4[%add3A_517, %dma_wait3A_524] : memref<106496x64xbf16, #tpu.memory_space<hbm>> -> memref<256x64xbf16, #tpu.memory_space<hbm>>
    tpu.wait_dma2 semaphore(%arg16 : memref<!tpu.dma_semaphore, #tpu.memory_space<semaphore_mem>>) src(%arg9 : memref<256x64xbf16, #tpu.memory_space<vmem>>) dst(%dma_wait3A_525 : memref<256x64xbf16, #tpu.memory_space<hbm>>)
    %dma_start3A_526 = arith.constant 7 : i32
    %dma_start3A_527 = arith.constant 0 : i32
    %dma_start3A_528 = arith.constant 0 : i32
    %dma_start3A_529 = tpu.memref_slice %arg2[%arg1, %dma_start3A_526, %dma_start3A_527, %dma_start3A_528] : memref<16x13x16x256xi32, #tpu.memory_space<hbm>> -> memref<1x1x16x256xi32, #tpu.memory_space<hbm>>
    %dma_start3A_530 = tpu.memref_squeeze %dma_start3A_529 : memref<1x1x16x256xi32, #tpu.memory_space<hbm>> -> memref<16x256xi32, #tpu.memory_space<hbm>>
    %dma_start3A_531 = arith.constant 0 : i32
    %dma_start3A_532 = arith.constant 0 : i32
    %dma_start3A_533 = tpu.memref_slice %arg2[%arg1, %dma_start3A_526, %dma_start3A_531, %dma_start3A_532] : memref<16x13x16x256xi32, #tpu.memory_space<hbm>> -> memref<1x1x16x256xi32, #tpu.memory_space<hbm>>
    %dma_start3A_534 = tpu.memref_squeeze %dma_start3A_533 : memref<1x1x16x256xi32, #tpu.memory_space<hbm>> -> memref<16x256xi32, #tpu.memory_space<hbm>>
    tpu.enqueue_dma source(%dma_start3A_534 : memref<16x256xi32, #tpu.memory_space<hbm>>) target(%arg7 : memref<16x256xi32, #tpu.memory_space<vmem>>) target_semaphore(%arg12 : memref<!tpu.dma_semaphore, #tpu.memory_space<semaphore_mem>>)
    %dma_wait3A_535 = arith.constant 6 : i32
    %dma_wait3A_536 = arith.constant 0 : i32
    %dma_wait3A_537 = arith.constant 0 : i32
    %dma_wait3A_538 = tpu.memref_slice %arg2[%arg1, %dma_wait3A_535, %dma_wait3A_536, %dma_wait3A_537] : memref<16x13x16x256xi32, #tpu.memory_space<hbm>> -> memref<1x1x16x256xi32, #tpu.memory_space<hbm>>
    %dma_wait3A_539 = tpu.memref_squeeze %dma_wait3A_538 : memref<1x1x16x256xi32, #tpu.memory_space<hbm>> -> memref<16x256xi32, #tpu.memory_space<hbm>>
    %dma_wait3A_540 = arith.constant 0 : i32
    %dma_wait3A_541 = arith.constant 0 : i32
    %dma_wait3A_542 = tpu.memref_slice %arg2[%arg1, %dma_wait3A_535, %dma_wait3A_540, %dma_wait3A_541] : memref<16x13x16x256xi32, #tpu.memory_space<hbm>> -> memref<1x1x16x256xi32, #tpu.memory_space<hbm>>
    %dma_wait3A_543 = tpu.memref_squeeze %dma_wait3A_542 : memref<1x1x16x256xi32, #tpu.memory_space<hbm>> -> memref<16x256xi32, #tpu.memory_space<hbm>>
    tpu.wait_dma2 semaphore(%arg12 : memref<!tpu.dma_semaphore, #tpu.memory_space<semaphore_mem>>) src(%dma_wait3A_543 : memref<16x256xi32, #tpu.memory_space<hbm>>) dst(%arg6 : memref<16x256xi32, #tpu.memory_space<vmem>>)
    %scan3A_544 = arith.constant 0 : i32
    %scan3A_545 = arith.constant 0 : i32
    %scan3A_546 = arith.constant 256 : i32
    %scan3A_547 = arith.addi %scan3A_545, %scan3A_546 : i32
    %scan3A_548 = arith.constant 1 : i32
    scf.for %scan3A_995 = %scan3A_545 to %scan3A_547 step %scan3A_548  : i32 {
      %jit3A = arith.constant 16 : i32
      %div3A = arith.divsi %scan3A_995, %jit3A : i32
      %sign3A = arith.constant 0 : i32
      %sign3A_996 = arith.cmpi sgt, %scan3A_995, %sign3A : i32
      %sign3A_997 = arith.extui %sign3A_996 : i1 to i32
      %sign3A_998 = arith.constant 0 : i32
      %sign3A_999 = arith.cmpi slt, %scan3A_995, %sign3A_998 : i32
      %sign3A_1000 = arith.extui %sign3A_999 : i1 to i32
      %sign3A_1001 = arith.subi %sign3A_997, %sign3A_1000 : i32
      %sign3A_1002 = arith.constant 0 : i32
      %sign3A_1003 = arith.cmpi sgt, %jit3A, %sign3A_1002 : i32
      %sign3A_1004 = arith.extui %sign3A_1003 : i1 to i32
      %sign3A_1005 = arith.constant 0 : i32
      %sign3A_1006 = arith.cmpi slt, %jit3A, %sign3A_1005 : i32
      %sign3A_1007 = arith.extui %sign3A_1006 : i1 to i32
      %sign3A_1008 = arith.subi %sign3A_1004, %sign3A_1007 : i32
      %ne3A = arith.cmpi ne, %sign3A_1001, %sign3A_1008 : i32
      %rem3A = arith.remsi %scan3A_995, %jit3A : i32
      %ne3A_1009 = arith.constant 0 : i32
      %ne3A_1010 = arith.cmpi ne, %rem3A, %ne3A_1009 : i32
      %and3A = arith.andi %ne3A, %ne3A_1010 : i1
      %sub3A = arith.constant 1 : i32
      %sub3A_1011 = arith.subi %div3A, %sub3A : i32
      %select_n3A = arith.select %and3A, %sub3A_1011, %div3A : i32
      %jit3A_1012 = arith.constant 16 : i32
      %eq3A = arith.constant 0 : i32
      %eq3A_1013 = arith.cmpi eq, %jit3A_1012, %eq3A : i32
      %jit3A_1014 = arith.constant 1 : i32
      %select_n3A_1015 = arith.select %eq3A_1013, %jit3A_1014, %jit3A_1012 : i32
      %rem3A_1016 = arith.remsi %scan3A_995, %select_n3A_1015 : i32
      %ne3A_1017 = arith.constant 0 : i32
      %ne3A_1018 = arith.cmpi ne, %rem3A_1016, %ne3A_1017 : i32
      %lt3A = arith.constant 0 : i32
      %lt3A_1019 = arith.cmpi slt, %rem3A_1016, %lt3A : i32
      %lt3A_1020 = arith.constant 0 : i32
      %lt3A_1021 = arith.cmpi slt, %select_n3A_1015, %lt3A_1020 : i32
      %ne3A_1022 = arith.xori %lt3A_1019, %lt3A_1021 : i1
      %and3A_1023 = arith.andi %ne3A_1022, %ne3A_1018 : i1
      %add3A_1024 = arith.addi %rem3A_1016, %select_n3A_1015 : i32
      %select_n3A_1025 = arith.select %and3A_1023, %add3A_1024, %rem3A_1016 : i32
      %mul3A_1026 = arith.constant 16 : i32
      %mul3A_1027 = arith.muli %select_n3A_1025, %mul3A_1026 : i32
      %get3A = arith.index_cast %select_n3A : i32 to index
      %get3A_1028 = arith.index_cast %mul3A_1027 : i32 to index
      %get3A_1029 = tpu.vector_load %arg6[%get3A, %get3A_1028] {strides = array<i32>} : memref<16x256xi32, #tpu.memory_space<vmem>>, vector<1x16xi32>,
      %get3A_1030 = vector.shape_cast %get3A_1029 : vector<1x16xi32> to vector<16xi32>
      %sub3A_1031 = vector.broadcast %mul3A_0 : i32 to vector<16xi32>
      %sub3A_1032 = arith.subi %get3A_1030, %sub3A_1031 : vector<16xi32>
      %ge3A = vector.broadcast %mul3A_0 : i32 to vector<16xi32>
      %ge3A_1033 = arith.cmpi sge, %get3A_1030, %ge3A : vector<16xi32>
      %lt3A_1034 = arith.constant 50000 : i32
      %lt3A_1035 = vector.broadcast %lt3A_1034 : i32 to vector<16xi32>
      %lt3A_1036 = arith.cmpi slt, %sub3A_1032, %lt3A_1035 : vector<16xi32>
      %and3A_1037 = arith.andi %ge3A_1033, %lt3A_1036 : vector<16xi1>
      %eq3A_1038 = arith.constant 0 : i32
      %eq3A_1039 = arith.cmpi eq, %select_n3A, %eq3A_1038 : i32
      %jit3A_1040 = arith.constant -1 : i32
      %select_n3A_1041 = arith.select %eq3A_1039, %add3A_3, %jit3A_1040 : i32
      %broadcast_in_dim3A_1042 = vector.broadcast %select_n3A_1041 : i32 to vector<16xi32>
      %select_n3A_1043 = arith.select %and3A_1037, %sub3A_1032, %broadcast_in_dim3A_1042 : vector<16xi1>, vector<16xi32>
      %swap3A_1044 = arith.index_cast %select_n3A : i32 to index
      %swap3A_1045 = arith.index_cast %mul3A_1027 : i32 to index
      %swap3A_1046 = tpu.vector_load %arg6[%swap3A_1044, %swap3A_1045] {strides = array<i32>} : memref<16x256xi32, #tpu.memory_space<vmem>>, vector<1x16xi32>,
      %swap3A_1047 = vector.shape_cast %swap3A_1046 : vector<1x16xi32> to vector<16xi32>
      %swap3A_1048 = vector.shape_cast %select_n3A_1043 : vector<16xi32> to vector<1x16xi32>
      tpu.vector_store %arg6[%swap3A_1044, %swap3A_1045], %swap3A_1048 {strides = array<i32>} : memref<16x256xi32, #tpu.memory_space<vmem>>, vector<1x16xi32>,
    }
    %scan3A_549 = arith.constant 256 : i32
    %dma_start3A_550 = arith.constant 0 : i32
    %dma_start3A_551 = arith.constant 0 : i32
    %dma_start3A_552 = arith.constant 0 : i32
    %dma_start3A_553 = tpu.memref_slice %arg9[%dma_start3A_551, %dma_start3A_552] : memref<256x64xbf16, #tpu.memory_space<vmem>> -> memref<256x64xbf16, #tpu.memory_space<vmem>>
    %dma_start3A_554 = arith.constant 0 : i32
    %dma_start3A_555 = tpu.memref_slice %arg6[%dma_start3A_550, %dma_start3A_554] : memref<16x256xi32, #tpu.memory_space<vmem>> -> memref<1x256xi32, #tpu.memory_space<vmem>>
    %dma_start3A_556 = tpu.memref_squeeze %dma_start3A_555 : memref<1x256xi32, #tpu.memory_space<vmem>> -> memref<256xi32, #tpu.memory_space<vmem>>
    %dma_start3A_557 = arith.constant 0 : i32
    %dma_start3A_558 = arith.constant 0 : i32
    %dma_start3A_559 = tpu.memref_slice %arg5[%dma_start3A_557, %dma_start3A_558] : memref<50128x64xbf16, #tpu.memory_space<vmem_shared>> -> memref<50128x64xbf16, #tpu.memory_space<vmem_shared>>
    tpu.enqueue_indirect_dma source(%dma_start3A_559 : memref<50128x64xbf16, #tpu.memory_space<vmem_shared>>) target(%dma_start3A_553 : memref<256x64xbf16, #tpu.memory_space<vmem>>) offsets(%dma_start3A_556 : memref<256xi32, #tpu.memory_space<vmem>>) semaphore(%arg13 : memref<!tpu.dma_semaphore, #tpu.memory_space<semaphore_mem>>)
    %dma_wait3A_560 = arith.constant 0 : i32
    %dma_wait3A_561 = arith.constant 0 : i32
    %dma_wait3A_562 = arith.constant 0 : i32
    %dma_wait3A_563 = tpu.memref_slice %arg9[%dma_wait3A_561, %dma_wait3A_562] : memref<256x64xbf16, #tpu.memory_space<vmem>> -> memref<256x64xbf16, #tpu.memory_space<vmem>>
    %dma_wait3A_564 = arith.constant 0 : i32
    %dma_wait3A_565 = tpu.memref_slice %arg6[%dma_wait3A_560, %dma_wait3A_564] : memref<16x256xi32, #tpu.memory_space<vmem>> -> memref<1x256xi32, #tpu.memory_space<vmem>>
    %dma_wait3A_566 = tpu.memref_squeeze %dma_wait3A_565 : memref<1x256xi32, #tpu.memory_space<vmem>> -> memref<256xi32, #tpu.memory_space<vmem>>
    %dma_wait3A_567 = arith.constant 0 : i32
    %dma_wait3A_568 = arith.constant 0 : i32
    %dma_wait3A_569 = tpu.memref_slice %arg5[%dma_wait3A_567, %dma_wait3A_568] : memref<50128x64xbf16, #tpu.memory_space<vmem_shared>> -> memref<50128x64xbf16, #tpu.memory_space<vmem_shared>>
    tpu.wait_indirect_dma semaphore(%arg13 : memref<!tpu.dma_semaphore, #tpu.memory_space<semaphore_mem>>) src(%dma_wait3A_569 : memref<50128x64xbf16, #tpu.memory_space<vmem_shared>>) dst(%dma_wait3A_563 : memref<256x64xbf16, #tpu.memory_space<vmem>>)
    %scan3A_570 = arith.constant 0 : i32
    %scan3A_571 = arith.constant 1 : i32
    %scan3A_572 = arith.constant 15 : i32
    %scan3A_573 = arith.addi %scan3A_571, %scan3A_572 : i32
    %scan3A_574 = arith.constant 1 : i32
    scf.for %scan3A_995 = %scan3A_571 to %scan3A_573 step %scan3A_574  : i32 {
      %dma_start3A_996 = arith.constant 0 : i32
      %dma_start3A_997 = arith.constant 0 : i32
      %dma_start3A_998 = tpu.memref_slice %arg9[%dma_start3A_996, %dma_start3A_997] : memref<256x64xbf16, #tpu.memory_space<vmem>> -> memref<256x64xbf16, #tpu.memory_space<vmem>>
      %dma_start3A_999 = arith.constant 0 : i32
      %dma_start3A_1000 = tpu.memref_slice %arg6[%scan3A_995, %dma_start3A_999] : memref<16x256xi32, #tpu.memory_space<vmem>> -> memref<1x256xi32, #tpu.memory_space<vmem>>
      %dma_start3A_1001 = tpu.memref_squeeze %dma_start3A_1000 : memref<1x256xi32, #tpu.memory_space<vmem>> -> memref<256xi32, #tpu.memory_space<vmem>>
      %dma_start3A_1002 = arith.constant 0 : i32
      %dma_start3A_1003 = arith.constant 0 : i32
      %dma_start3A_1004 = tpu.memref_slice %arg5[%dma_start3A_1002, %dma_start3A_1003] : memref<50128x64xbf16, #tpu.memory_space<vmem_shared>> -> memref<50128x64xbf16, #tpu.memory_space<vmem_shared>>
      %dma_start3A_1005 = arith.constant -1 : i32
      tpu.enqueue_indirect_dma source(%dma_start3A_1004 : memref<50128x64xbf16, #tpu.memory_space<vmem_shared>>) target(%dma_start3A_998 : memref<256x64xbf16, #tpu.memory_space<vmem>>) offsets(%dma_start3A_1001 : memref<256xi32, #tpu.memory_space<vmem>>) offset_filter(%dma_start3A_1005) semaphore(%arg14 : memref<!tpu.dma_semaphore, #tpu.memory_space<semaphore_mem>>) {add = true}
    }
    %scan3A_575 = arith.constant 15 : i32
    %scan3A_576 = arith.constant 0 : i32
    %scan3A_577 = arith.constant 1 : i32
    %scan3A_578 = arith.constant 15 : i32
    %scan3A_579 = arith.addi %scan3A_577, %scan3A_578 : i32
    %scan3A_580 = arith.constant 1 : i32
    scf.for %scan3A_995 = %scan3A_577 to %scan3A_579 step %scan3A_580  : i32 {
      %dma_wait3A_996 = arith.constant 0 : i32
      %dma_wait3A_997 = arith.constant 0 : i32
      %dma_wait3A_998 = tpu.memref_slice %arg10[%dma_wait3A_996, %dma_wait3A_997] : memref<256x64xbf16, #tpu.memory_space<vmem>> -> memref<256x64xbf16, #tpu.memory_space<vmem>>
      %dma_wait3A_999 = arith.constant 0 : i32
      %dma_wait3A_1000 = tpu.memref_slice %arg8[%scan3A_995, %dma_wait3A_999] : memref<16x256xi32, #tpu.memory_space<vmem>> -> memref<1x256xi32, #tpu.memory_space<vmem>>
      %dma_wait3A_1001 = tpu.memref_squeeze %dma_wait3A_1000 : memref<1x256xi32, #tpu.memory_space<vmem>> -> memref<256xi32, #tpu.memory_space<vmem>>
      %dma_wait3A_1002 = arith.constant 0 : i32
      %dma_wait3A_1003 = arith.constant 0 : i32
      %dma_wait3A_1004 = tpu.memref_slice %arg5[%dma_wait3A_1002, %dma_wait3A_1003] : memref<50128x64xbf16, #tpu.memory_space<vmem_shared>> -> memref<50128x64xbf16, #tpu.memory_space<vmem_shared>>
      tpu.wait_indirect_dma semaphore(%arg15 : memref<!tpu.dma_semaphore, #tpu.memory_space<semaphore_mem>>) src(%dma_wait3A_1004 : memref<50128x64xbf16, #tpu.memory_space<vmem_shared>>) dst(%dma_wait3A_998 : memref<256x64xbf16, #tpu.memory_space<vmem>>)
    }
    %scan3A_581 = arith.constant 15 : i32
    %add3A_582 = arith.constant 1280 : i32
    %add3A_583 = arith.addi %add3A_8, %add3A_582 : i32
    %dma_start3A_584 = arith.constant 0 : i32
    %dma_start3A_585 = tpu.memref_slice %arg4[%add3A_583, %dma_start3A_584] : memref<106496x64xbf16, #tpu.memory_space<hbm>> -> memref<256x64xbf16, #tpu.memory_space<hbm>>
    %dma_start3A_586 = arith.constant 0 : i32
    %dma_start3A_587 = tpu.memref_slice %arg4[%add3A_583, %dma_start3A_586] : memref<106496x64xbf16, #tpu.memory_space<hbm>> -> memref<256x64xbf16, #tpu.memory_space<hbm>>
    tpu.enqueue_dma source(%arg10 : memref<256x64xbf16, #tpu.memory_space<vmem>>) target(%dma_start3A_587 : memref<256x64xbf16, #tpu.memory_space<hbm>>) target_semaphore(%arg16 : memref<!tpu.dma_semaphore, #tpu.memory_space<semaphore_mem>>)
    %dma_wait3A_588 = arith.constant 0 : i32
    %dma_wait3A_589 = tpu.memref_slice %arg4[%add3A_583, %dma_wait3A_588] : memref<106496x64xbf16, #tpu.memory_space<hbm>> -> memref<256x64xbf16, #tpu.memory_space<hbm>>
    %dma_wait3A_590 = arith.constant 0 : i32
    %dma_wait3A_591 = tpu.memref_slice %arg4[%add3A_583, %dma_wait3A_590] : memref<106496x64xbf16, #tpu.memory_space<hbm>> -> memref<256x64xbf16, #tpu.memory_space<hbm>>
    tpu.wait_dma2 semaphore(%arg16 : memref<!tpu.dma_semaphore, #tpu.memory_space<semaphore_mem>>) src(%arg10 : memref<256x64xbf16, #tpu.memory_space<vmem>>) dst(%dma_wait3A_591 : memref<256x64xbf16, #tpu.memory_space<hbm>>)
    %dma_start3A_592 = arith.constant 8 : i32
    %dma_start3A_593 = arith.constant 0 : i32
    %dma_start3A_594 = arith.constant 0 : i32
    %dma_start3A_595 = tpu.memref_slice %arg2[%arg1, %dma_start3A_592, %dma_start3A_593, %dma_start3A_594] : memref<16x13x16x256xi32, #tpu.memory_space<hbm>> -> memref<1x1x16x256xi32, #tpu.memory_space<hbm>>
    %dma_start3A_596 = tpu.memref_squeeze %dma_start3A_595 : memref<1x1x16x256xi32, #tpu.memory_space<hbm>> -> memref<16x256xi32, #tpu.memory_space<hbm>>
    %dma_start3A_597 = arith.constant 0 : i32
    %dma_start3A_598 = arith.constant 0 : i32
    %dma_start3A_599 = tpu.memref_slice %arg2[%arg1, %dma_start3A_592, %dma_start3A_597, %dma_start3A_598] : memref<16x13x16x256xi32, #tpu.memory_space<hbm>> -> memref<1x1x16x256xi32, #tpu.memory_space<hbm>>
    %dma_start3A_600 = tpu.memref_squeeze %dma_start3A_599 : memref<1x1x16x256xi32, #tpu.memory_space<hbm>> -> memref<16x256xi32, #tpu.memory_space<hbm>>
    tpu.enqueue_dma source(%dma_start3A_600 : memref<16x256xi32, #tpu.memory_space<hbm>>) target(%arg8 : memref<16x256xi32, #tpu.memory_space<vmem>>) target_semaphore(%arg12 : memref<!tpu.dma_semaphore, #tpu.memory_space<semaphore_mem>>)
    %dma_wait3A_601 = arith.constant 7 : i32
    %dma_wait3A_602 = arith.constant 0 : i32
    %dma_wait3A_603 = arith.constant 0 : i32
    %dma_wait3A_604 = tpu.memref_slice %arg2[%arg1, %dma_wait3A_601, %dma_wait3A_602, %dma_wait3A_603] : memref<16x13x16x256xi32, #tpu.memory_space<hbm>> -> memref<1x1x16x256xi32, #tpu.memory_space<hbm>>
    %dma_wait3A_605 = tpu.memref_squeeze %dma_wait3A_604 : memref<1x1x16x256xi32, #tpu.memory_space<hbm>> -> memref<16x256xi32, #tpu.memory_space<hbm>>
    %dma_wait3A_606 = arith.constant 0 : i32
    %dma_wait3A_607 = arith.constant 0 : i32
    %dma_wait3A_608 = tpu.memref_slice %arg2[%arg1, %dma_wait3A_601, %dma_wait3A_606, %dma_wait3A_607] : memref<16x13x16x256xi32, #tpu.memory_space<hbm>> -> memref<1x1x16x256xi32, #tpu.memory_space<hbm>>
    %dma_wait3A_609 = tpu.memref_squeeze %dma_wait3A_608 : memref<1x1x16x256xi32, #tpu.memory_space<hbm>> -> memref<16x256xi32, #tpu.memory_space<hbm>>
    tpu.wait_dma2 semaphore(%arg12 : memref<!tpu.dma_semaphore, #tpu.memory_space<semaphore_mem>>) src(%dma_wait3A_609 : memref<16x256xi32, #tpu.memory_space<hbm>>) dst(%arg7 : memref<16x256xi32, #tpu.memory_space<vmem>>)
    %scan3A_610 = arith.constant 0 : i32
    %scan3A_611 = arith.constant 0 : i32
    %scan3A_612 = arith.constant 256 : i32
    %scan3A_613 = arith.addi %scan3A_611, %scan3A_612 : i32
    %scan3A_614 = arith.constant 1 : i32
    scf.for %scan3A_995 = %scan3A_611 to %scan3A_613 step %scan3A_614  : i32 {
      %jit3A = arith.constant 16 : i32
      %div3A = arith.divsi %scan3A_995, %jit3A : i32
      %sign3A = arith.constant 0 : i32
      %sign3A_996 = arith.cmpi sgt, %scan3A_995, %sign3A : i32
      %sign3A_997 = arith.extui %sign3A_996 : i1 to i32
      %sign3A_998 = arith.constant 0 : i32
      %sign3A_999 = arith.cmpi slt, %scan3A_995, %sign3A_998 : i32
      %sign3A_1000 = arith.extui %sign3A_999 : i1 to i32
      %sign3A_1001 = arith.subi %sign3A_997, %sign3A_1000 : i32
      %sign3A_1002 = arith.constant 0 : i32
      %sign3A_1003 = arith.cmpi sgt, %jit3A, %sign3A_1002 : i32
      %sign3A_1004 = arith.extui %sign3A_1003 : i1 to i32
      %sign3A_1005 = arith.constant 0 : i32
      %sign3A_1006 = arith.cmpi slt, %jit3A, %sign3A_1005 : i32
      %sign3A_1007 = arith.extui %sign3A_1006 : i1 to i32
      %sign3A_1008 = arith.subi %sign3A_1004, %sign3A_1007 : i32
      %ne3A = arith.cmpi ne, %sign3A_1001, %sign3A_1008 : i32
      %rem3A = arith.remsi %scan3A_995, %jit3A : i32
      %ne3A_1009 = arith.constant 0 : i32
      %ne3A_1010 = arith.cmpi ne, %rem3A, %ne3A_1009 : i32
      %and3A = arith.andi %ne3A, %ne3A_1010 : i1
      %sub3A = arith.constant 1 : i32
      %sub3A_1011 = arith.subi %div3A, %sub3A : i32
      %select_n3A = arith.select %and3A, %sub3A_1011, %div3A : i32
      %jit3A_1012 = arith.constant 16 : i32
      %eq3A = arith.constant 0 : i32
      %eq3A_1013 = arith.cmpi eq, %jit3A_1012, %eq3A : i32
      %jit3A_1014 = arith.constant 1 : i32
      %select_n3A_1015 = arith.select %eq3A_1013, %jit3A_1014, %jit3A_1012 : i32
      %rem3A_1016 = arith.remsi %scan3A_995, %select_n3A_1015 : i32
      %ne3A_1017 = arith.constant 0 : i32
      %ne3A_1018 = arith.cmpi ne, %rem3A_1016, %ne3A_1017 : i32
      %lt3A = arith.constant 0 : i32
      %lt3A_1019 = arith.cmpi slt, %rem3A_1016, %lt3A : i32
      %lt3A_1020 = arith.constant 0 : i32
      %lt3A_1021 = arith.cmpi slt, %select_n3A_1015, %lt3A_1020 : i32
      %ne3A_1022 = arith.xori %lt3A_1019, %lt3A_1021 : i1
      %and3A_1023 = arith.andi %ne3A_1022, %ne3A_1018 : i1
      %add3A_1024 = arith.addi %rem3A_1016, %select_n3A_1015 : i32
      %select_n3A_1025 = arith.select %and3A_1023, %add3A_1024, %rem3A_1016 : i32
      %mul3A_1026 = arith.constant 16 : i32
      %mul3A_1027 = arith.muli %select_n3A_1025, %mul3A_1026 : i32
      %get3A = arith.index_cast %select_n3A : i32 to index
      %get3A_1028 = arith.index_cast %mul3A_1027 : i32 to index
      %get3A_1029 = tpu.vector_load %arg7[%get3A, %get3A_1028] {strides = array<i32>} : memref<16x256xi32, #tpu.memory_space<vmem>>, vector<1x16xi32>,
      %get3A_1030 = vector.shape_cast %get3A_1029 : vector<1x16xi32> to vector<16xi32>
      %sub3A_1031 = vector.broadcast %mul3A_0 : i32 to vector<16xi32>
      %sub3A_1032 = arith.subi %get3A_1030, %sub3A_1031 : vector<16xi32>
      %ge3A = vector.broadcast %mul3A_0 : i32 to vector<16xi32>
      %ge3A_1033 = arith.cmpi sge, %get3A_1030, %ge3A : vector<16xi32>
      %lt3A_1034 = arith.constant 50000 : i32
      %lt3A_1035 = vector.broadcast %lt3A_1034 : i32 to vector<16xi32>
      %lt3A_1036 = arith.cmpi slt, %sub3A_1032, %lt3A_1035 : vector<16xi32>
      %and3A_1037 = arith.andi %ge3A_1033, %lt3A_1036 : vector<16xi1>
      %eq3A_1038 = arith.constant 0 : i32
      %eq3A_1039 = arith.cmpi eq, %select_n3A, %eq3A_1038 : i32
      %jit3A_1040 = arith.constant -1 : i32
      %select_n3A_1041 = arith.select %eq3A_1039, %add3A_3, %jit3A_1040 : i32
      %broadcast_in_dim3A_1042 = vector.broadcast %select_n3A_1041 : i32 to vector<16xi32>
      %select_n3A_1043 = arith.select %and3A_1037, %sub3A_1032, %broadcast_in_dim3A_1042 : vector<16xi1>, vector<16xi32>
      %swap3A_1044 = arith.index_cast %select_n3A : i32 to index
      %swap3A_1045 = arith.index_cast %mul3A_1027 : i32 to index
      %swap3A_1046 = tpu.vector_load %arg7[%swap3A_1044, %swap3A_1045] {strides = array<i32>} : memref<16x256xi32, #tpu.memory_space<vmem>>, vector<1x16xi32>,
      %swap3A_1047 = vector.shape_cast %swap3A_1046 : vector<1x16xi32> to vector<16xi32>
      %swap3A_1048 = vector.shape_cast %select_n3A_1043 : vector<16xi32> to vector<1x16xi32>
      tpu.vector_store %arg7[%swap3A_1044, %swap3A_1045], %swap3A_1048 {strides = array<i32>} : memref<16x256xi32, #tpu.memory_space<vmem>>, vector<1x16xi32>,
    }
    %scan3A_615 = arith.constant 256 : i32
    %dma_start3A_616 = arith.constant 0 : i32
    %dma_start3A_617 = arith.constant 0 : i32
    %dma_start3A_618 = arith.constant 0 : i32
    %dma_start3A_619 = tpu.memref_slice %arg10[%dma_start3A_617, %dma_start3A_618] : memref<256x64xbf16, #tpu.memory_space<vmem>> -> memref<256x64xbf16, #tpu.memory_space<vmem>>
    %dma_start3A_620 = arith.constant 0 : i32
    %dma_start3A_621 = tpu.memref_slice %arg7[%dma_start3A_616, %dma_start3A_620] : memref<16x256xi32, #tpu.memory_space<vmem>> -> memref<1x256xi32, #tpu.memory_space<vmem>>
    %dma_start3A_622 = tpu.memref_squeeze %dma_start3A_621 : memref<1x256xi32, #tpu.memory_space<vmem>> -> memref<256xi32, #tpu.memory_space<vmem>>
    %dma_start3A_623 = arith.constant 0 : i32
    %dma_start3A_624 = arith.constant 0 : i32
    %dma_start3A_625 = tpu.memref_slice %arg5[%dma_start3A_623, %dma_start3A_624] : memref<50128x64xbf16, #tpu.memory_space<vmem_shared>> -> memref<50128x64xbf16, #tpu.memory_space<vmem_shared>>
    tpu.enqueue_indirect_dma source(%dma_start3A_625 : memref<50128x64xbf16, #tpu.memory_space<vmem_shared>>) target(%dma_start3A_619 : memref<256x64xbf16, #tpu.memory_space<vmem>>) offsets(%dma_start3A_622 : memref<256xi32, #tpu.memory_space<vmem>>) semaphore(%arg13 : memref<!tpu.dma_semaphore, #tpu.memory_space<semaphore_mem>>)
    %dma_wait3A_626 = arith.constant 0 : i32
    %dma_wait3A_627 = arith.constant 0 : i32
    %dma_wait3A_628 = arith.constant 0 : i32
    %dma_wait3A_629 = tpu.memref_slice %arg10[%dma_wait3A_627, %dma_wait3A_628] : memref<256x64xbf16, #tpu.memory_space<vmem>> -> memref<256x64xbf16, #tpu.memory_space<vmem>>
    %dma_wait3A_630 = arith.constant 0 : i32
    %dma_wait3A_631 = tpu.memref_slice %arg7[%dma_wait3A_626, %dma_wait3A_630] : memref<16x256xi32, #tpu.memory_space<vmem>> -> memref<1x256xi32, #tpu.memory_space<vmem>>
    %dma_wait3A_632 = tpu.memref_squeeze %dma_wait3A_631 : memref<1x256xi32, #tpu.memory_space<vmem>> -> memref<256xi32, #tpu.memory_space<vmem>>
    %dma_wait3A_633 = arith.constant 0 : i32
    %dma_wait3A_634 = arith.constant 0 : i32
    %dma_wait3A_635 = tpu.memref_slice %arg5[%dma_wait3A_633, %dma_wait3A_634] : memref<50128x64xbf16, #tpu.memory_space<vmem_shared>> -> memref<50128x64xbf16, #tpu.memory_space<vmem_shared>>
    tpu.wait_indirect_dma semaphore(%arg13 : memref<!tpu.dma_semaphore, #tpu.memory_space<semaphore_mem>>) src(%dma_wait3A_635 : memref<50128x64xbf16, #tpu.memory_space<vmem_shared>>) dst(%dma_wait3A_629 : memref<256x64xbf16, #tpu.memory_space<vmem>>)
    %scan3A_636 = arith.constant 0 : i32
    %scan3A_637 = arith.constant 1 : i32
    %scan3A_638 = arith.constant 15 : i32
    %scan3A_639 = arith.addi %scan3A_637, %scan3A_638 : i32
    %scan3A_640 = arith.constant 1 : i32
    scf.for %scan3A_995 = %scan3A_637 to %scan3A_639 step %scan3A_640  : i32 {
      %dma_start3A_996 = arith.constant 0 : i32
      %dma_start3A_997 = arith.constant 0 : i32
      %dma_start3A_998 = tpu.memref_slice %arg10[%dma_start3A_996, %dma_start3A_997] : memref<256x64xbf16, #tpu.memory_space<vmem>> -> memref<256x64xbf16, #tpu.memory_space<vmem>>
      %dma_start3A_999 = arith.constant 0 : i32
      %dma_start3A_1000 = tpu.memref_slice %arg7[%scan3A_995, %dma_start3A_999] : memref<16x256xi32, #tpu.memory_space<vmem>> -> memref<1x256xi32, #tpu.memory_space<vmem>>
      %dma_start3A_1001 = tpu.memref_squeeze %dma_start3A_1000 : memref<1x256xi32, #tpu.memory_space<vmem>> -> memref<256xi32, #tpu.memory_space<vmem>>
      %dma_start3A_1002 = arith.constant 0 : i32
      %dma_start3A_1003 = arith.constant 0 : i32
      %dma_start3A_1004 = tpu.memref_slice %arg5[%dma_start3A_1002, %dma_start3A_1003] : memref<50128x64xbf16, #tpu.memory_space<vmem_shared>> -> memref<50128x64xbf16, #tpu.memory_space<vmem_shared>>
      %dma_start3A_1005 = arith.constant -1 : i32
      tpu.enqueue_indirect_dma source(%dma_start3A_1004 : memref<50128x64xbf16, #tpu.memory_space<vmem_shared>>) target(%dma_start3A_998 : memref<256x64xbf16, #tpu.memory_space<vmem>>) offsets(%dma_start3A_1001 : memref<256xi32, #tpu.memory_space<vmem>>) offset_filter(%dma_start3A_1005) semaphore(%arg15 : memref<!tpu.dma_semaphore, #tpu.memory_space<semaphore_mem>>) {add = true}
    }
    %scan3A_641 = arith.constant 15 : i32
    %scan3A_642 = arith.constant 0 : i32
    %scan3A_643 = arith.constant 1 : i32
    %scan3A_644 = arith.constant 15 : i32
    %scan3A_645 = arith.addi %scan3A_643, %scan3A_644 : i32
    %scan3A_646 = arith.constant 1 : i32
    scf.for %scan3A_995 = %scan3A_643 to %scan3A_645 step %scan3A_646  : i32 {
      %dma_wait3A_996 = arith.constant 0 : i32
      %dma_wait3A_997 = arith.constant 0 : i32
      %dma_wait3A_998 = tpu.memref_slice %arg9[%dma_wait3A_996, %dma_wait3A_997] : memref<256x64xbf16, #tpu.memory_space<vmem>> -> memref<256x64xbf16, #tpu.memory_space<vmem>>
      %dma_wait3A_999 = arith.constant 0 : i32
      %dma_wait3A_1000 = tpu.memref_slice %arg6[%scan3A_995, %dma_wait3A_999] : memref<16x256xi32, #tpu.memory_space<vmem>> -> memref<1x256xi32, #tpu.memory_space<vmem>>
      %dma_wait3A_1001 = tpu.memref_squeeze %dma_wait3A_1000 : memref<1x256xi32, #tpu.memory_space<vmem>> -> memref<256xi32, #tpu.memory_space<vmem>>
      %dma_wait3A_1002 = arith.constant 0 : i32
      %dma_wait3A_1003 = arith.constant 0 : i32
      %dma_wait3A_1004 = tpu.memref_slice %arg5[%dma_wait3A_1002, %dma_wait3A_1003] : memref<50128x64xbf16, #tpu.memory_space<vmem_shared>> -> memref<50128x64xbf16, #tpu.memory_space<vmem_shared>>
      tpu.wait_indirect_dma semaphore(%arg14 : memref<!tpu.dma_semaphore, #tpu.memory_space<semaphore_mem>>) src(%dma_wait3A_1004 : memref<50128x64xbf16, #tpu.memory_space<vmem_shared>>) dst(%dma_wait3A_998 : memref<256x64xbf16, #tpu.memory_space<vmem>>)
    }
    %scan3A_647 = arith.constant 15 : i32
    %add3A_648 = arith.constant 1536 : i32
    %add3A_649 = arith.addi %add3A_8, %add3A_648 : i32
    %dma_start3A_650 = arith.constant 0 : i32
    %dma_start3A_651 = tpu.memref_slice %arg4[%add3A_649, %dma_start3A_650] : memref<106496x64xbf16, #tpu.memory_space<hbm>> -> memref<256x64xbf16, #tpu.memory_space<hbm>>
    %dma_start3A_652 = arith.constant 0 : i32
    %dma_start3A_653 = tpu.memref_slice %arg4[%add3A_649, %dma_start3A_652] : memref<106496x64xbf16, #tpu.memory_space<hbm>> -> memref<256x64xbf16, #tpu.memory_space<hbm>>
    tpu.enqueue_dma source(%arg9 : memref<256x64xbf16, #tpu.memory_space<vmem>>) target(%dma_start3A_653 : memref<256x64xbf16, #tpu.memory_space<hbm>>) target_semaphore(%arg16 : memref<!tpu.dma_semaphore, #tpu.memory_space<semaphore_mem>>)
    %dma_wait3A_654 = arith.constant 0 : i32
    %dma_wait3A_655 = tpu.memref_slice %arg4[%add3A_649, %dma_wait3A_654] : memref<106496x64xbf16, #tpu.memory_space<hbm>> -> memref<256x64xbf16, #tpu.memory_space<hbm>>
    %dma_wait3A_656 = arith.constant 0 : i32
    %dma_wait3A_657 = tpu.memref_slice %arg4[%add3A_649, %dma_wait3A_656] : memref<106496x64xbf16, #tpu.memory_space<hbm>> -> memref<256x64xbf16, #tpu.memory_space<hbm>>
    tpu.wait_dma2 semaphore(%arg16 : memref<!tpu.dma_semaphore, #tpu.memory_space<semaphore_mem>>) src(%arg9 : memref<256x64xbf16, #tpu.memory_space<vmem>>) dst(%dma_wait3A_657 : memref<256x64xbf16, #tpu.memory_space<hbm>>)
    %dma_start3A_658 = arith.constant 9 : i32
    %dma_start3A_659 = arith.constant 0 : i32
    %dma_start3A_660 = arith.constant 0 : i32
    %dma_start3A_661 = tpu.memref_slice %arg2[%arg1, %dma_start3A_658, %dma_start3A_659, %dma_start3A_660] : memref<16x13x16x256xi32, #tpu.memory_space<hbm>> -> memref<1x1x16x256xi32, #tpu.memory_space<hbm>>
    %dma_start3A_662 = tpu.memref_squeeze %dma_start3A_661 : memref<1x1x16x256xi32, #tpu.memory_space<hbm>> -> memref<16x256xi32, #tpu.memory_space<hbm>>
    %dma_start3A_663 = arith.constant 0 : i32
    %dma_start3A_664 = arith.constant 0 : i32
    %dma_start3A_665 = tpu.memref_slice %arg2[%arg1, %dma_start3A_658, %dma_start3A_663, %dma_start3A_664] : memref<16x13x16x256xi32, #tpu.memory_space<hbm>> -> memref<1x1x16x256xi32, #tpu.memory_space<hbm>>
    %dma_start3A_666 = tpu.memref_squeeze %dma_start3A_665 : memref<1x1x16x256xi32, #tpu.memory_space<hbm>> -> memref<16x256xi32, #tpu.memory_space<hbm>>
    tpu.enqueue_dma source(%dma_start3A_666 : memref<16x256xi32, #tpu.memory_space<hbm>>) target(%arg6 : memref<16x256xi32, #tpu.memory_space<vmem>>) target_semaphore(%arg12 : memref<!tpu.dma_semaphore, #tpu.memory_space<semaphore_mem>>)
    %dma_wait3A_667 = arith.constant 8 : i32
    %dma_wait3A_668 = arith.constant 0 : i32
    %dma_wait3A_669 = arith.constant 0 : i32
    %dma_wait3A_670 = tpu.memref_slice %arg2[%arg1, %dma_wait3A_667, %dma_wait3A_668, %dma_wait3A_669] : memref<16x13x16x256xi32, #tpu.memory_space<hbm>> -> memref<1x1x16x256xi32, #tpu.memory_space<hbm>>
    %dma_wait3A_671 = tpu.memref_squeeze %dma_wait3A_670 : memref<1x1x16x256xi32, #tpu.memory_space<hbm>> -> memref<16x256xi32, #tpu.memory_space<hbm>>
    %dma_wait3A_672 = arith.constant 0 : i32
    %dma_wait3A_673 = arith.constant 0 : i32
    %dma_wait3A_674 = tpu.memref_slice %arg2[%arg1, %dma_wait3A_667, %dma_wait3A_672, %dma_wait3A_673] : memref<16x13x16x256xi32, #tpu.memory_space<hbm>> -> memref<1x1x16x256xi32, #tpu.memory_space<hbm>>
    %dma_wait3A_675 = tpu.memref_squeeze %dma_wait3A_674 : memref<1x1x16x256xi32, #tpu.memory_space<hbm>> -> memref<16x256xi32, #tpu.memory_space<hbm>>
    tpu.wait_dma2 semaphore(%arg12 : memref<!tpu.dma_semaphore, #tpu.memory_space<semaphore_mem>>) src(%dma_wait3A_675 : memref<16x256xi32, #tpu.memory_space<hbm>>) dst(%arg8 : memref<16x256xi32, #tpu.memory_space<vmem>>)
    %scan3A_676 = arith.constant 0 : i32
    %scan3A_677 = arith.constant 0 : i32
    %scan3A_678 = arith.constant 256 : i32
    %scan3A_679 = arith.addi %scan3A_677, %scan3A_678 : i32
    %scan3A_680 = arith.constant 1 : i32
    scf.for %scan3A_995 = %scan3A_677 to %scan3A_679 step %scan3A_680  : i32 {
      %jit3A = arith.constant 16 : i32
      %div3A = arith.divsi %scan3A_995, %jit3A : i32
      %sign3A = arith.constant 0 : i32
      %sign3A_996 = arith.cmpi sgt, %scan3A_995, %sign3A : i32
      %sign3A_997 = arith.extui %sign3A_996 : i1 to i32
      %sign3A_998 = arith.constant 0 : i32
      %sign3A_999 = arith.cmpi slt, %scan3A_995, %sign3A_998 : i32
      %sign3A_1000 = arith.extui %sign3A_999 : i1 to i32
      %sign3A_1001 = arith.subi %sign3A_997, %sign3A_1000 : i32
      %sign3A_1002 = arith.constant 0 : i32
      %sign3A_1003 = arith.cmpi sgt, %jit3A, %sign3A_1002 : i32
      %sign3A_1004 = arith.extui %sign3A_1003 : i1 to i32
      %sign3A_1005 = arith.constant 0 : i32
      %sign3A_1006 = arith.cmpi slt, %jit3A, %sign3A_1005 : i32
      %sign3A_1007 = arith.extui %sign3A_1006 : i1 to i32
      %sign3A_1008 = arith.subi %sign3A_1004, %sign3A_1007 : i32
      %ne3A = arith.cmpi ne, %sign3A_1001, %sign3A_1008 : i32
      %rem3A = arith.remsi %scan3A_995, %jit3A : i32
      %ne3A_1009 = arith.constant 0 : i32
      %ne3A_1010 = arith.cmpi ne, %rem3A, %ne3A_1009 : i32
      %and3A = arith.andi %ne3A, %ne3A_1010 : i1
      %sub3A = arith.constant 1 : i32
      %sub3A_1011 = arith.subi %div3A, %sub3A : i32
      %select_n3A = arith.select %and3A, %sub3A_1011, %div3A : i32
      %jit3A_1012 = arith.constant 16 : i32
      %eq3A = arith.constant 0 : i32
      %eq3A_1013 = arith.cmpi eq, %jit3A_1012, %eq3A : i32
      %jit3A_1014 = arith.constant 1 : i32
      %select_n3A_1015 = arith.select %eq3A_1013, %jit3A_1014, %jit3A_1012 : i32
      %rem3A_1016 = arith.remsi %scan3A_995, %select_n3A_1015 : i32
      %ne3A_1017 = arith.constant 0 : i32
      %ne3A_1018 = arith.cmpi ne, %rem3A_1016, %ne3A_1017 : i32
      %lt3A = arith.constant 0 : i32
      %lt3A_1019 = arith.cmpi slt, %rem3A_1016, %lt3A : i32
      %lt3A_1020 = arith.constant 0 : i32
      %lt3A_1021 = arith.cmpi slt, %select_n3A_1015, %lt3A_1020 : i32
      %ne3A_1022 = arith.xori %lt3A_1019, %lt3A_1021 : i1
      %and3A_1023 = arith.andi %ne3A_1022, %ne3A_1018 : i1
      %add3A_1024 = arith.addi %rem3A_1016, %select_n3A_1015 : i32
      %select_n3A_1025 = arith.select %and3A_1023, %add3A_1024, %rem3A_1016 : i32
      %mul3A_1026 = arith.constant 16 : i32
      %mul3A_1027 = arith.muli %select_n3A_1025, %mul3A_1026 : i32
      %get3A = arith.index_cast %select_n3A : i32 to index
      %get3A_1028 = arith.index_cast %mul3A_1027 : i32 to index
      %get3A_1029 = tpu.vector_load %arg8[%get3A, %get3A_1028] {strides = array<i32>} : memref<16x256xi32, #tpu.memory_space<vmem>>, vector<1x16xi32>,
      %get3A_1030 = vector.shape_cast %get3A_1029 : vector<1x16xi32> to vector<16xi32>
      %sub3A_1031 = vector.broadcast %mul3A_0 : i32 to vector<16xi32>
      %sub3A_1032 = arith.subi %get3A_1030, %sub3A_1031 : vector<16xi32>
      %ge3A = vector.broadcast %mul3A_0 : i32 to vector<16xi32>
      %ge3A_1033 = arith.cmpi sge, %get3A_1030, %ge3A : vector<16xi32>
      %lt3A_1034 = arith.constant 50000 : i32
      %lt3A_1035 = vector.broadcast %lt3A_1034 : i32 to vector<16xi32>
      %lt3A_1036 = arith.cmpi slt, %sub3A_1032, %lt3A_1035 : vector<16xi32>
      %and3A_1037 = arith.andi %ge3A_1033, %lt3A_1036 : vector<16xi1>
      %eq3A_1038 = arith.constant 0 : i32
      %eq3A_1039 = arith.cmpi eq, %select_n3A, %eq3A_1038 : i32
      %jit3A_1040 = arith.constant -1 : i32
      %select_n3A_1041 = arith.select %eq3A_1039, %add3A_3, %jit3A_1040 : i32
      %broadcast_in_dim3A_1042 = vector.broadcast %select_n3A_1041 : i32 to vector<16xi32>
      %select_n3A_1043 = arith.select %and3A_1037, %sub3A_1032, %broadcast_in_dim3A_1042 : vector<16xi1>, vector<16xi32>
      %swap3A_1044 = arith.index_cast %select_n3A : i32 to index
      %swap3A_1045 = arith.index_cast %mul3A_1027 : i32 to index
      %swap3A_1046 = tpu.vector_load %arg8[%swap3A_1044, %swap3A_1045] {strides = array<i32>} : memref<16x256xi32, #tpu.memory_space<vmem>>, vector<1x16xi32>,
      %swap3A_1047 = vector.shape_cast %swap3A_1046 : vector<1x16xi32> to vector<16xi32>
      %swap3A_1048 = vector.shape_cast %select_n3A_1043 : vector<16xi32> to vector<1x16xi32>
      tpu.vector_store %arg8[%swap3A_1044, %swap3A_1045], %swap3A_1048 {strides = array<i32>} : memref<16x256xi32, #tpu.memory_space<vmem>>, vector<1x16xi32>,
    }
    %scan3A_681 = arith.constant 256 : i32
    %dma_start3A_682 = arith.constant 0 : i32
    %dma_start3A_683 = arith.constant 0 : i32
    %dma_start3A_684 = arith.constant 0 : i32
    %dma_start3A_685 = tpu.memref_slice %arg9[%dma_start3A_683, %dma_start3A_684] : memref<256x64xbf16, #tpu.memory_space<vmem>> -> memref<256x64xbf16, #tpu.memory_space<vmem>>
    %dma_start3A_686 = arith.constant 0 : i32
    %dma_start3A_687 = tpu.memref_slice %arg8[%dma_start3A_682, %dma_start3A_686] : memref<16x256xi32, #tpu.memory_space<vmem>> -> memref<1x256xi32, #tpu.memory_space<vmem>>
    %dma_start3A_688 = tpu.memref_squeeze %dma_start3A_687 : memref<1x256xi32, #tpu.memory_space<vmem>> -> memref<256xi32, #tpu.memory_space<vmem>>
    %dma_start3A_689 = arith.constant 0 : i32
    %dma_start3A_690 = arith.constant 0 : i32
    %dma_start3A_691 = tpu.memref_slice %arg5[%dma_start3A_689, %dma_start3A_690] : memref<50128x64xbf16, #tpu.memory_space<vmem_shared>> -> memref<50128x64xbf16, #tpu.memory_space<vmem_shared>>
    tpu.enqueue_indirect_dma source(%dma_start3A_691 : memref<50128x64xbf16, #tpu.memory_space<vmem_shared>>) target(%dma_start3A_685 : memref<256x64xbf16, #tpu.memory_space<vmem>>) offsets(%dma_start3A_688 : memref<256xi32, #tpu.memory_space<vmem>>) semaphore(%arg13 : memref<!tpu.dma_semaphore, #tpu.memory_space<semaphore_mem>>)
    %dma_wait3A_692 = arith.constant 0 : i32
    %dma_wait3A_693 = arith.constant 0 : i32
    %dma_wait3A_694 = arith.constant 0 : i32
    %dma_wait3A_695 = tpu.memref_slice %arg9[%dma_wait3A_693, %dma_wait3A_694] : memref<256x64xbf16, #tpu.memory_space<vmem>> -> memref<256x64xbf16, #tpu.memory_space<vmem>>
    %dma_wait3A_696 = arith.constant 0 : i32
    %dma_wait3A_697 = tpu.memref_slice %arg8[%dma_wait3A_692, %dma_wait3A_696] : memref<16x256xi32, #tpu.memory_space<vmem>> -> memref<1x256xi32, #tpu.memory_space<vmem>>
    %dma_wait3A_698 = tpu.memref_squeeze %dma_wait3A_697 : memref<1x256xi32, #tpu.memory_space<vmem>> -> memref<256xi32, #tpu.memory_space<vmem>>
    %dma_wait3A_699 = arith.constant 0 : i32
    %dma_wait3A_700 = arith.constant 0 : i32
    %dma_wait3A_701 = tpu.memref_slice %arg5[%dma_wait3A_699, %dma_wait3A_700] : memref<50128x64xbf16, #tpu.memory_space<vmem_shared>> -> memref<50128x64xbf16, #tpu.memory_space<vmem_shared>>
    tpu.wait_indirect_dma semaphore(%arg13 : memref<!tpu.dma_semaphore, #tpu.memory_space<semaphore_mem>>) src(%dma_wait3A_701 : memref<50128x64xbf16, #tpu.memory_space<vmem_shared>>) dst(%dma_wait3A_695 : memref<256x64xbf16, #tpu.memory_space<vmem>>)
    %scan3A_702 = arith.constant 0 : i32
    %scan3A_703 = arith.constant 1 : i32
    %scan3A_704 = arith.constant 15 : i32
    %scan3A_705 = arith.addi %scan3A_703, %scan3A_704 : i32
    %scan3A_706 = arith.constant 1 : i32
    scf.for %scan3A_995 = %scan3A_703 to %scan3A_705 step %scan3A_706  : i32 {
      %dma_start3A_996 = arith.constant 0 : i32
      %dma_start3A_997 = arith.constant 0 : i32
      %dma_start3A_998 = tpu.memref_slice %arg9[%dma_start3A_996, %dma_start3A_997] : memref<256x64xbf16, #tpu.memory_space<vmem>> -> memref<256x64xbf16, #tpu.memory_space<vmem>>
      %dma_start3A_999 = arith.constant 0 : i32
      %dma_start3A_1000 = tpu.memref_slice %arg8[%scan3A_995, %dma_start3A_999] : memref<16x256xi32, #tpu.memory_space<vmem>> -> memref<1x256xi32, #tpu.memory_space<vmem>>
      %dma_start3A_1001 = tpu.memref_squeeze %dma_start3A_1000 : memref<1x256xi32, #tpu.memory_space<vmem>> -> memref<256xi32, #tpu.memory_space<vmem>>
      %dma_start3A_1002 = arith.constant 0 : i32
      %dma_start3A_1003 = arith.constant 0 : i32
      %dma_start3A_1004 = tpu.memref_slice %arg5[%dma_start3A_1002, %dma_start3A_1003] : memref<50128x64xbf16, #tpu.memory_space<vmem_shared>> -> memref<50128x64xbf16, #tpu.memory_space<vmem_shared>>
      %dma_start3A_1005 = arith.constant -1 : i32
      tpu.enqueue_indirect_dma source(%dma_start3A_1004 : memref<50128x64xbf16, #tpu.memory_space<vmem_shared>>) target(%dma_start3A_998 : memref<256x64xbf16, #tpu.memory_space<vmem>>) offsets(%dma_start3A_1001 : memref<256xi32, #tpu.memory_space<vmem>>) offset_filter(%dma_start3A_1005) semaphore(%arg14 : memref<!tpu.dma_semaphore, #tpu.memory_space<semaphore_mem>>) {add = true}
    }
    %scan3A_707 = arith.constant 15 : i32
    %scan3A_708 = arith.constant 0 : i32
    %scan3A_709 = arith.constant 1 : i32
    %scan3A_710 = arith.constant 15 : i32
    %scan3A_711 = arith.addi %scan3A_709, %scan3A_710 : i32
    %scan3A_712 = arith.constant 1 : i32
    scf.for %scan3A_995 = %scan3A_709 to %scan3A_711 step %scan3A_712  : i32 {
      %dma_wait3A_996 = arith.constant 0 : i32
      %dma_wait3A_997 = arith.constant 0 : i32
      %dma_wait3A_998 = tpu.memref_slice %arg10[%dma_wait3A_996, %dma_wait3A_997] : memref<256x64xbf16, #tpu.memory_space<vmem>> -> memref<256x64xbf16, #tpu.memory_space<vmem>>
      %dma_wait3A_999 = arith.constant 0 : i32
      %dma_wait3A_1000 = tpu.memref_slice %arg7[%scan3A_995, %dma_wait3A_999] : memref<16x256xi32, #tpu.memory_space<vmem>> -> memref<1x256xi32, #tpu.memory_space<vmem>>
      %dma_wait3A_1001 = tpu.memref_squeeze %dma_wait3A_1000 : memref<1x256xi32, #tpu.memory_space<vmem>> -> memref<256xi32, #tpu.memory_space<vmem>>
      %dma_wait3A_1002 = arith.constant 0 : i32
      %dma_wait3A_1003 = arith.constant 0 : i32
      %dma_wait3A_1004 = tpu.memref_slice %arg5[%dma_wait3A_1002, %dma_wait3A_1003] : memref<50128x64xbf16, #tpu.memory_space<vmem_shared>> -> memref<50128x64xbf16, #tpu.memory_space<vmem_shared>>
      tpu.wait_indirect_dma semaphore(%arg15 : memref<!tpu.dma_semaphore, #tpu.memory_space<semaphore_mem>>) src(%dma_wait3A_1004 : memref<50128x64xbf16, #tpu.memory_space<vmem_shared>>) dst(%dma_wait3A_998 : memref<256x64xbf16, #tpu.memory_space<vmem>>)
    }
    %scan3A_713 = arith.constant 15 : i32
    %add3A_714 = arith.constant 1792 : i32
    %add3A_715 = arith.addi %add3A_8, %add3A_714 : i32
    %dma_start3A_716 = arith.constant 0 : i32
    %dma_start3A_717 = tpu.memref_slice %arg4[%add3A_715, %dma_start3A_716] : memref<106496x64xbf16, #tpu.memory_space<hbm>> -> memref<256x64xbf16, #tpu.memory_space<hbm>>
    %dma_start3A_718 = arith.constant 0 : i32
    %dma_start3A_719 = tpu.memref_slice %arg4[%add3A_715, %dma_start3A_718] : memref<106496x64xbf16, #tpu.memory_space<hbm>> -> memref<256x64xbf16, #tpu.memory_space<hbm>>
    tpu.enqueue_dma source(%arg10 : memref<256x64xbf16, #tpu.memory_space<vmem>>) target(%dma_start3A_719 : memref<256x64xbf16, #tpu.memory_space<hbm>>) target_semaphore(%arg16 : memref<!tpu.dma_semaphore, #tpu.memory_space<semaphore_mem>>)
    %dma_wait3A_720 = arith.constant 0 : i32
    %dma_wait3A_721 = tpu.memref_slice %arg4[%add3A_715, %dma_wait3A_720] : memref<106496x64xbf16, #tpu.memory_space<hbm>> -> memref<256x64xbf16, #tpu.memory_space<hbm>>
    %dma_wait3A_722 = arith.constant 0 : i32
    %dma_wait3A_723 = tpu.memref_slice %arg4[%add3A_715, %dma_wait3A_722] : memref<106496x64xbf16, #tpu.memory_space<hbm>> -> memref<256x64xbf16, #tpu.memory_space<hbm>>
    tpu.wait_dma2 semaphore(%arg16 : memref<!tpu.dma_semaphore, #tpu.memory_space<semaphore_mem>>) src(%arg10 : memref<256x64xbf16, #tpu.memory_space<vmem>>) dst(%dma_wait3A_723 : memref<256x64xbf16, #tpu.memory_space<hbm>>)
    %dma_start3A_724 = arith.constant 10 : i32
    %dma_start3A_725 = arith.constant 0 : i32
    %dma_start3A_726 = arith.constant 0 : i32
    %dma_start3A_727 = tpu.memref_slice %arg2[%arg1, %dma_start3A_724, %dma_start3A_725, %dma_start3A_726] : memref<16x13x16x256xi32, #tpu.memory_space<hbm>> -> memref<1x1x16x256xi32, #tpu.memory_space<hbm>>
    %dma_start3A_728 = tpu.memref_squeeze %dma_start3A_727 : memref<1x1x16x256xi32, #tpu.memory_space<hbm>> -> memref<16x256xi32, #tpu.memory_space<hbm>>
    %dma_start3A_729 = arith.constant 0 : i32
    %dma_start3A_730 = arith.constant 0 : i32
    %dma_start3A_731 = tpu.memref_slice %arg2[%arg1, %dma_start3A_724, %dma_start3A_729, %dma_start3A_730] : memref<16x13x16x256xi32, #tpu.memory_space<hbm>> -> memref<1x1x16x256xi32, #tpu.memory_space<hbm>>
    %dma_start3A_732 = tpu.memref_squeeze %dma_start3A_731 : memref<1x1x16x256xi32, #tpu.memory_space<hbm>> -> memref<16x256xi32, #tpu.memory_space<hbm>>
    tpu.enqueue_dma source(%dma_start3A_732 : memref<16x256xi32, #tpu.memory_space<hbm>>) target(%arg7 : memref<16x256xi32, #tpu.memory_space<vmem>>) target_semaphore(%arg12 : memref<!tpu.dma_semaphore, #tpu.memory_space<semaphore_mem>>)
    %dma_wait3A_733 = arith.constant 9 : i32
    %dma_wait3A_734 = arith.constant 0 : i32
    %dma_wait3A_735 = arith.constant 0 : i32
    %dma_wait3A_736 = tpu.memref_slice %arg2[%arg1, %dma_wait3A_733, %dma_wait3A_734, %dma_wait3A_735] : memref<16x13x16x256xi32, #tpu.memory_space<hbm>> -> memref<1x1x16x256xi32, #tpu.memory_space<hbm>>
    %dma_wait3A_737 = tpu.memref_squeeze %dma_wait3A_736 : memref<1x1x16x256xi32, #tpu.memory_space<hbm>> -> memref<16x256xi32, #tpu.memory_space<hbm>>
    %dma_wait3A_738 = arith.constant 0 : i32
    %dma_wait3A_739 = arith.constant 0 : i32
    %dma_wait3A_740 = tpu.memref_slice %arg2[%arg1, %dma_wait3A_733, %dma_wait3A_738, %dma_wait3A_739] : memref<16x13x16x256xi32, #tpu.memory_space<hbm>> -> memref<1x1x16x256xi32, #tpu.memory_space<hbm>>
    %dma_wait3A_741 = tpu.memref_squeeze %dma_wait3A_740 : memref<1x1x16x256xi32, #tpu.memory_space<hbm>> -> memref<16x256xi32, #tpu.memory_space<hbm>>
    tpu.wait_dma2 semaphore(%arg12 : memref<!tpu.dma_semaphore, #tpu.memory_space<semaphore_mem>>) src(%dma_wait3A_741 : memref<16x256xi32, #tpu.memory_space<hbm>>) dst(%arg6 : memref<16x256xi32, #tpu.memory_space<vmem>>)
    %scan3A_742 = arith.constant 0 : i32
    %scan3A_743 = arith.constant 0 : i32
    %scan3A_744 = arith.constant 256 : i32
    %scan3A_745 = arith.addi %scan3A_743, %scan3A_744 : i32
    %scan3A_746 = arith.constant 1 : i32
    scf.for %scan3A_995 = %scan3A_743 to %scan3A_745 step %scan3A_746  : i32 {
      %jit3A = arith.constant 16 : i32
      %div3A = arith.divsi %scan3A_995, %jit3A : i32
      %sign3A = arith.constant 0 : i32
      %sign3A_996 = arith.cmpi sgt, %scan3A_995, %sign3A : i32
      %sign3A_997 = arith.extui %sign3A_996 : i1 to i32
      %sign3A_998 = arith.constant 0 : i32
      %sign3A_999 = arith.cmpi slt, %scan3A_995, %sign3A_998 : i32
      %sign3A_1000 = arith.extui %sign3A_999 : i1 to i32
      %sign3A_1001 = arith.subi %sign3A_997, %sign3A_1000 : i32
      %sign3A_1002 = arith.constant 0 : i32
      %sign3A_1003 = arith.cmpi sgt, %jit3A, %sign3A_1002 : i32
      %sign3A_1004 = arith.extui %sign3A_1003 : i1 to i32
      %sign3A_1005 = arith.constant 0 : i32
      %sign3A_1006 = arith.cmpi slt, %jit3A, %sign3A_1005 : i32
      %sign3A_1007 = arith.extui %sign3A_1006 : i1 to i32
      %sign3A_1008 = arith.subi %sign3A_1004, %sign3A_1007 : i32
      %ne3A = arith.cmpi ne, %sign3A_1001, %sign3A_1008 : i32
      %rem3A = arith.remsi %scan3A_995, %jit3A : i32
      %ne3A_1009 = arith.constant 0 : i32
      %ne3A_1010 = arith.cmpi ne, %rem3A, %ne3A_1009 : i32
      %and3A = arith.andi %ne3A, %ne3A_1010 : i1
      %sub3A = arith.constant 1 : i32
      %sub3A_1011 = arith.subi %div3A, %sub3A : i32
      %select_n3A = arith.select %and3A, %sub3A_1011, %div3A : i32
      %jit3A_1012 = arith.constant 16 : i32
      %eq3A = arith.constant 0 : i32
      %eq3A_1013 = arith.cmpi eq, %jit3A_1012, %eq3A : i32
      %jit3A_1014 = arith.constant 1 : i32
      %select_n3A_1015 = arith.select %eq3A_1013, %jit3A_1014, %jit3A_1012 : i32
      %rem3A_1016 = arith.remsi %scan3A_995, %select_n3A_1015 : i32
      %ne3A_1017 = arith.constant 0 : i32
      %ne3A_1018 = arith.cmpi ne, %rem3A_1016, %ne3A_1017 : i32
      %lt3A = arith.constant 0 : i32
      %lt3A_1019 = arith.cmpi slt, %rem3A_1016, %lt3A : i32
      %lt3A_1020 = arith.constant 0 : i32
      %lt3A_1021 = arith.cmpi slt, %select_n3A_1015, %lt3A_1020 : i32
      %ne3A_1022 = arith.xori %lt3A_1019, %lt3A_1021 : i1
      %and3A_1023 = arith.andi %ne3A_1022, %ne3A_1018 : i1
      %add3A_1024 = arith.addi %rem3A_1016, %select_n3A_1015 : i32
      %select_n3A_1025 = arith.select %and3A_1023, %add3A_1024, %rem3A_1016 : i32
      %mul3A_1026 = arith.constant 16 : i32
      %mul3A_1027 = arith.muli %select_n3A_1025, %mul3A_1026 : i32
      %get3A = arith.index_cast %select_n3A : i32 to index
      %get3A_1028 = arith.index_cast %mul3A_1027 : i32 to index
      %get3A_1029 = tpu.vector_load %arg6[%get3A, %get3A_1028] {strides = array<i32>} : memref<16x256xi32, #tpu.memory_space<vmem>>, vector<1x16xi32>,
      %get3A_1030 = vector.shape_cast %get3A_1029 : vector<1x16xi32> to vector<16xi32>
      %sub3A_1031 = vector.broadcast %mul3A_0 : i32 to vector<16xi32>
      %sub3A_1032 = arith.subi %get3A_1030, %sub3A_1031 : vector<16xi32>
      %ge3A = vector.broadcast %mul3A_0 : i32 to vector<16xi32>
      %ge3A_1033 = arith.cmpi sge, %get3A_1030, %ge3A : vector<16xi32>
      %lt3A_1034 = arith.constant 50000 : i32
      %lt3A_1035 = vector.broadcast %lt3A_1034 : i32 to vector<16xi32>
      %lt3A_1036 = arith.cmpi slt, %sub3A_1032, %lt3A_1035 : vector<16xi32>
      %and3A_1037 = arith.andi %ge3A_1033, %lt3A_1036 : vector<16xi1>
      %eq3A_1038 = arith.constant 0 : i32
      %eq3A_1039 = arith.cmpi eq, %select_n3A, %eq3A_1038 : i32
      %jit3A_1040 = arith.constant -1 : i32
      %select_n3A_1041 = arith.select %eq3A_1039, %add3A_3, %jit3A_1040 : i32
      %broadcast_in_dim3A_1042 = vector.broadcast %select_n3A_1041 : i32 to vector<16xi32>
      %select_n3A_1043 = arith.select %and3A_1037, %sub3A_1032, %broadcast_in_dim3A_1042 : vector<16xi1>, vector<16xi32>
      %swap3A_1044 = arith.index_cast %select_n3A : i32 to index
      %swap3A_1045 = arith.index_cast %mul3A_1027 : i32 to index
      %swap3A_1046 = tpu.vector_load %arg6[%swap3A_1044, %swap3A_1045] {strides = array<i32>} : memref<16x256xi32, #tpu.memory_space<vmem>>, vector<1x16xi32>,
      %swap3A_1047 = vector.shape_cast %swap3A_1046 : vector<1x16xi32> to vector<16xi32>
      %swap3A_1048 = vector.shape_cast %select_n3A_1043 : vector<16xi32> to vector<1x16xi32>
      tpu.vector_store %arg6[%swap3A_1044, %swap3A_1045], %swap3A_1048 {strides = array<i32>} : memref<16x256xi32, #tpu.memory_space<vmem>>, vector<1x16xi32>,
    }
    %scan3A_747 = arith.constant 256 : i32
    %dma_start3A_748 = arith.constant 0 : i32
    %dma_start3A_749 = arith.constant 0 : i32
    %dma_start3A_750 = arith.constant 0 : i32
    %dma_start3A_751 = tpu.memref_slice %arg10[%dma_start3A_749, %dma_start3A_750] : memref<256x64xbf16, #tpu.memory_space<vmem>> -> memref<256x64xbf16, #tpu.memory_space<vmem>>
    %dma_start3A_752 = arith.constant 0 : i32
    %dma_start3A_753 = tpu.memref_slice %arg6[%dma_start3A_748, %dma_start3A_752] : memref<16x256xi32, #tpu.memory_space<vmem>> -> memref<1x256xi32, #tpu.memory_space<vmem>>
    %dma_start3A_754 = tpu.memref_squeeze %dma_start3A_753 : memref<1x256xi32, #tpu.memory_space<vmem>> -> memref<256xi32, #tpu.memory_space<vmem>>
    %dma_start3A_755 = arith.constant 0 : i32
    %dma_start3A_756 = arith.constant 0 : i32
    %dma_start3A_757 = tpu.memref_slice %arg5[%dma_start3A_755, %dma_start3A_756] : memref<50128x64xbf16, #tpu.memory_space<vmem_shared>> -> memref<50128x64xbf16, #tpu.memory_space<vmem_shared>>
    tpu.enqueue_indirect_dma source(%dma_start3A_757 : memref<50128x64xbf16, #tpu.memory_space<vmem_shared>>) target(%dma_start3A_751 : memref<256x64xbf16, #tpu.memory_space<vmem>>) offsets(%dma_start3A_754 : memref<256xi32, #tpu.memory_space<vmem>>) semaphore(%arg13 : memref<!tpu.dma_semaphore, #tpu.memory_space<semaphore_mem>>)
    %dma_wait3A_758 = arith.constant 0 : i32
    %dma_wait3A_759 = arith.constant 0 : i32
    %dma_wait3A_760 = arith.constant 0 : i32
    %dma_wait3A_761 = tpu.memref_slice %arg10[%dma_wait3A_759, %dma_wait3A_760] : memref<256x64xbf16, #tpu.memory_space<vmem>> -> memref<256x64xbf16, #tpu.memory_space<vmem>>
    %dma_wait3A_762 = arith.constant 0 : i32
    %dma_wait3A_763 = tpu.memref_slice %arg6[%dma_wait3A_758, %dma_wait3A_762] : memref<16x256xi32, #tpu.memory_space<vmem>> -> memref<1x256xi32, #tpu.memory_space<vmem>>
    %dma_wait3A_764 = tpu.memref_squeeze %dma_wait3A_763 : memref<1x256xi32, #tpu.memory_space<vmem>> -> memref<256xi32, #tpu.memory_space<vmem>>
    %dma_wait3A_765 = arith.constant 0 : i32
    %dma_wait3A_766 = arith.constant 0 : i32
    %dma_wait3A_767 = tpu.memref_slice %arg5[%dma_wait3A_765, %dma_wait3A_766] : memref<50128x64xbf16, #tpu.memory_space<vmem_shared>> -> memref<50128x64xbf16, #tpu.memory_space<vmem_shared>>
    tpu.wait_indirect_dma semaphore(%arg13 : memref<!tpu.dma_semaphore, #tpu.memory_space<semaphore_mem>>) src(%dma_wait3A_767 : memref<50128x64xbf16, #tpu.memory_space<vmem_shared>>) dst(%dma_wait3A_761 : memref<256x64xbf16, #tpu.memory_space<vmem>>)
    %scan3A_768 = arith.constant 0 : i32
    %scan3A_769 = arith.constant 1 : i32
    %scan3A_770 = arith.constant 15 : i32
    %scan3A_771 = arith.addi %scan3A_769, %scan3A_770 : i32
    %scan3A_772 = arith.constant 1 : i32
    scf.for %scan3A_995 = %scan3A_769 to %scan3A_771 step %scan3A_772  : i32 {
      %dma_start3A_996 = arith.constant 0 : i32
      %dma_start3A_997 = arith.constant 0 : i32
      %dma_start3A_998 = tpu.memref_slice %arg10[%dma_start3A_996, %dma_start3A_997] : memref<256x64xbf16, #tpu.memory_space<vmem>> -> memref<256x64xbf16, #tpu.memory_space<vmem>>
      %dma_start3A_999 = arith.constant 0 : i32
      %dma_start3A_1000 = tpu.memref_slice %arg6[%scan3A_995, %dma_start3A_999] : memref<16x256xi32, #tpu.memory_space<vmem>> -> memref<1x256xi32, #tpu.memory_space<vmem>>
      %dma_start3A_1001 = tpu.memref_squeeze %dma_start3A_1000 : memref<1x256xi32, #tpu.memory_space<vmem>> -> memref<256xi32, #tpu.memory_space<vmem>>
      %dma_start3A_1002 = arith.constant 0 : i32
      %dma_start3A_1003 = arith.constant 0 : i32
      %dma_start3A_1004 = tpu.memref_slice %arg5[%dma_start3A_1002, %dma_start3A_1003] : memref<50128x64xbf16, #tpu.memory_space<vmem_shared>> -> memref<50128x64xbf16, #tpu.memory_space<vmem_shared>>
      %dma_start3A_1005 = arith.constant -1 : i32
      tpu.enqueue_indirect_dma source(%dma_start3A_1004 : memref<50128x64xbf16, #tpu.memory_space<vmem_shared>>) target(%dma_start3A_998 : memref<256x64xbf16, #tpu.memory_space<vmem>>) offsets(%dma_start3A_1001 : memref<256xi32, #tpu.memory_space<vmem>>) offset_filter(%dma_start3A_1005) semaphore(%arg15 : memref<!tpu.dma_semaphore, #tpu.memory_space<semaphore_mem>>) {add = true}
    }
    %scan3A_773 = arith.constant 15 : i32
    %scan3A_774 = arith.constant 0 : i32
    %scan3A_775 = arith.constant 1 : i32
    %scan3A_776 = arith.constant 15 : i32
    %scan3A_777 = arith.addi %scan3A_775, %scan3A_776 : i32
    %scan3A_778 = arith.constant 1 : i32
    scf.for %scan3A_995 = %scan3A_775 to %scan3A_777 step %scan3A_778  : i32 {
      %dma_wait3A_996 = arith.constant 0 : i32
      %dma_wait3A_997 = arith.constant 0 : i32
      %dma_wait3A_998 = tpu.memref_slice %arg9[%dma_wait3A_996, %dma_wait3A_997] : memref<256x64xbf16, #tpu.memory_space<vmem>> -> memref<256x64xbf16, #tpu.memory_space<vmem>>
      %dma_wait3A_999 = arith.constant 0 : i32
      %dma_wait3A_1000 = tpu.memref_slice %arg8[%scan3A_995, %dma_wait3A_999] : memref<16x256xi32, #tpu.memory_space<vmem>> -> memref<1x256xi32, #tpu.memory_space<vmem>>
      %dma_wait3A_1001 = tpu.memref_squeeze %dma_wait3A_1000 : memref<1x256xi32, #tpu.memory_space<vmem>> -> memref<256xi32, #tpu.memory_space<vmem>>
      %dma_wait3A_1002 = arith.constant 0 : i32
      %dma_wait3A_1003 = arith.constant 0 : i32
      %dma_wait3A_1004 = tpu.memref_slice %arg5[%dma_wait3A_1002, %dma_wait3A_1003] : memref<50128x64xbf16, #tpu.memory_space<vmem_shared>> -> memref<50128x64xbf16, #tpu.memory_space<vmem_shared>>
      tpu.wait_indirect_dma semaphore(%arg14 : memref<!tpu.dma_semaphore, #tpu.memory_space<semaphore_mem>>) src(%dma_wait3A_1004 : memref<50128x64xbf16, #tpu.memory_space<vmem_shared>>) dst(%dma_wait3A_998 : memref<256x64xbf16, #tpu.memory_space<vmem>>)
    }
    %scan3A_779 = arith.constant 15 : i32
    %add3A_780 = arith.constant 2048 : i32
    %add3A_781 = arith.addi %add3A_8, %add3A_780 : i32
    %dma_start3A_782 = arith.constant 0 : i32
    %dma_start3A_783 = tpu.memref_slice %arg4[%add3A_781, %dma_start3A_782] : memref<106496x64xbf16, #tpu.memory_space<hbm>> -> memref<256x64xbf16, #tpu.memory_space<hbm>>
    %dma_start3A_784 = arith.constant 0 : i32
    %dma_start3A_785 = tpu.memref_slice %arg4[%add3A_781, %dma_start3A_784] : memref<106496x64xbf16, #tpu.memory_space<hbm>> -> memref<256x64xbf16, #tpu.memory_space<hbm>>
    tpu.enqueue_dma source(%arg9 : memref<256x64xbf16, #tpu.memory_space<vmem>>) target(%dma_start3A_785 : memref<256x64xbf16, #tpu.memory_space<hbm>>) target_semaphore(%arg16 : memref<!tpu.dma_semaphore, #tpu.memory_space<semaphore_mem>>)
    %dma_wait3A_786 = arith.constant 0 : i32
    %dma_wait3A_787 = tpu.memref_slice %arg4[%add3A_781, %dma_wait3A_786] : memref<106496x64xbf16, #tpu.memory_space<hbm>> -> memref<256x64xbf16, #tpu.memory_space<hbm>>
    %dma_wait3A_788 = arith.constant 0 : i32
    %dma_wait3A_789 = tpu.memref_slice %arg4[%add3A_781, %dma_wait3A_788] : memref<106496x64xbf16, #tpu.memory_space<hbm>> -> memref<256x64xbf16, #tpu.memory_space<hbm>>
    tpu.wait_dma2 semaphore(%arg16 : memref<!tpu.dma_semaphore, #tpu.memory_space<semaphore_mem>>) src(%arg9 : memref<256x64xbf16, #tpu.memory_space<vmem>>) dst(%dma_wait3A_789 : memref<256x64xbf16, #tpu.memory_space<hbm>>)
    %dma_start3A_790 = arith.constant 11 : i32
    %dma_start3A_791 = arith.constant 0 : i32
    %dma_start3A_792 = arith.constant 0 : i32
    %dma_start3A_793 = tpu.memref_slice %arg2[%arg1, %dma_start3A_790, %dma_start3A_791, %dma_start3A_792] : memref<16x13x16x256xi32, #tpu.memory_space<hbm>> -> memref<1x1x16x256xi32, #tpu.memory_space<hbm>>
    %dma_start3A_794 = tpu.memref_squeeze %dma_start3A_793 : memref<1x1x16x256xi32, #tpu.memory_space<hbm>> -> memref<16x256xi32, #tpu.memory_space<hbm>>
    %dma_start3A_795 = arith.constant 0 : i32
    %dma_start3A_796 = arith.constant 0 : i32
    %dma_start3A_797 = tpu.memref_slice %arg2[%arg1, %dma_start3A_790, %dma_start3A_795, %dma_start3A_796] : memref<16x13x16x256xi32, #tpu.memory_space<hbm>> -> memref<1x1x16x256xi32, #tpu.memory_space<hbm>>
    %dma_start3A_798 = tpu.memref_squeeze %dma_start3A_797 : memref<1x1x16x256xi32, #tpu.memory_space<hbm>> -> memref<16x256xi32, #tpu.memory_space<hbm>>
    tpu.enqueue_dma source(%dma_start3A_798 : memref<16x256xi32, #tpu.memory_space<hbm>>) target(%arg8 : memref<16x256xi32, #tpu.memory_space<vmem>>) target_semaphore(%arg12 : memref<!tpu.dma_semaphore, #tpu.memory_space<semaphore_mem>>)
    %dma_wait3A_799 = arith.constant 10 : i32
    %dma_wait3A_800 = arith.constant 0 : i32
    %dma_wait3A_801 = arith.constant 0 : i32
    %dma_wait3A_802 = tpu.memref_slice %arg2[%arg1, %dma_wait3A_799, %dma_wait3A_800, %dma_wait3A_801] : memref<16x13x16x256xi32, #tpu.memory_space<hbm>> -> memref<1x1x16x256xi32, #tpu.memory_space<hbm>>
    %dma_wait3A_803 = tpu.memref_squeeze %dma_wait3A_802 : memref<1x1x16x256xi32, #tpu.memory_space<hbm>> -> memref<16x256xi32, #tpu.memory_space<hbm>>
    %dma_wait3A_804 = arith.constant 0 : i32
    %dma_wait3A_805 = arith.constant 0 : i32
    %dma_wait3A_806 = tpu.memref_slice %arg2[%arg1, %dma_wait3A_799, %dma_wait3A_804, %dma_wait3A_805] : memref<16x13x16x256xi32, #tpu.memory_space<hbm>> -> memref<1x1x16x256xi32, #tpu.memory_space<hbm>>
    %dma_wait3A_807 = tpu.memref_squeeze %dma_wait3A_806 : memref<1x1x16x256xi32, #tpu.memory_space<hbm>> -> memref<16x256xi32, #tpu.memory_space<hbm>>
    tpu.wait_dma2 semaphore(%arg12 : memref<!tpu.dma_semaphore, #tpu.memory_space<semaphore_mem>>) src(%dma_wait3A_807 : memref<16x256xi32, #tpu.memory_space<hbm>>) dst(%arg7 : memref<16x256xi32, #tpu.memory_space<vmem>>)
    %scan3A_808 = arith.constant 0 : i32
    %scan3A_809 = arith.constant 0 : i32
    %scan3A_810 = arith.constant 256 : i32
    %scan3A_811 = arith.addi %scan3A_809, %scan3A_810 : i32
    %scan3A_812 = arith.constant 1 : i32
    scf.for %scan3A_995 = %scan3A_809 to %scan3A_811 step %scan3A_812  : i32 {
      %jit3A = arith.constant 16 : i32
      %div3A = arith.divsi %scan3A_995, %jit3A : i32
      %sign3A = arith.constant 0 : i32
      %sign3A_996 = arith.cmpi sgt, %scan3A_995, %sign3A : i32
      %sign3A_997 = arith.extui %sign3A_996 : i1 to i32
      %sign3A_998 = arith.constant 0 : i32
      %sign3A_999 = arith.cmpi slt, %scan3A_995, %sign3A_998 : i32
      %sign3A_1000 = arith.extui %sign3A_999 : i1 to i32
      %sign3A_1001 = arith.subi %sign3A_997, %sign3A_1000 : i32
      %sign3A_1002 = arith.constant 0 : i32
      %sign3A_1003 = arith.cmpi sgt, %jit3A, %sign3A_1002 : i32
      %sign3A_1004 = arith.extui %sign3A_1003 : i1 to i32
      %sign3A_1005 = arith.constant 0 : i32
      %sign3A_1006 = arith.cmpi slt, %jit3A, %sign3A_1005 : i32
      %sign3A_1007 = arith.extui %sign3A_1006 : i1 to i32
      %sign3A_1008 = arith.subi %sign3A_1004, %sign3A_1007 : i32
      %ne3A = arith.cmpi ne, %sign3A_1001, %sign3A_1008 : i32
      %rem3A = arith.remsi %scan3A_995, %jit3A : i32
      %ne3A_1009 = arith.constant 0 : i32
      %ne3A_1010 = arith.cmpi ne, %rem3A, %ne3A_1009 : i32
      %and3A = arith.andi %ne3A, %ne3A_1010 : i1
      %sub3A = arith.constant 1 : i32
      %sub3A_1011 = arith.subi %div3A, %sub3A : i32
      %select_n3A = arith.select %and3A, %sub3A_1011, %div3A : i32
      %jit3A_1012 = arith.constant 16 : i32
      %eq3A = arith.constant 0 : i32
      %eq3A_1013 = arith.cmpi eq, %jit3A_1012, %eq3A : i32
      %jit3A_1014 = arith.constant 1 : i32
      %select_n3A_1015 = arith.select %eq3A_1013, %jit3A_1014, %jit3A_1012 : i32
      %rem3A_1016 = arith.remsi %scan3A_995, %select_n3A_1015 : i32
      %ne3A_1017 = arith.constant 0 : i32
      %ne3A_1018 = arith.cmpi ne, %rem3A_1016, %ne3A_1017 : i32
      %lt3A = arith.constant 0 : i32
      %lt3A_1019 = arith.cmpi slt, %rem3A_1016, %lt3A : i32
      %lt3A_1020 = arith.constant 0 : i32
      %lt3A_1021 = arith.cmpi slt, %select_n3A_1015, %lt3A_1020 : i32
      %ne3A_1022 = arith.xori %lt3A_1019, %lt3A_1021 : i1
      %and3A_1023 = arith.andi %ne3A_1022, %ne3A_1018 : i1
      %add3A_1024 = arith.addi %rem3A_1016, %select_n3A_1015 : i32
      %select_n3A_1025 = arith.select %and3A_1023, %add3A_1024, %rem3A_1016 : i32
      %mul3A_1026 = arith.constant 16 : i32
      %mul3A_1027 = arith.muli %select_n3A_1025, %mul3A_1026 : i32
      %get3A = arith.index_cast %select_n3A : i32 to index
      %get3A_1028 = arith.index_cast %mul3A_1027 : i32 to index
      %get3A_1029 = tpu.vector_load %arg7[%get3A, %get3A_1028] {strides = array<i32>} : memref<16x256xi32, #tpu.memory_space<vmem>>, vector<1x16xi32>,
      %get3A_1030 = vector.shape_cast %get3A_1029 : vector<1x16xi32> to vector<16xi32>
      %sub3A_1031 = vector.broadcast %mul3A_0 : i32 to vector<16xi32>
      %sub3A_1032 = arith.subi %get3A_1030, %sub3A_1031 : vector<16xi32>
      %ge3A = vector.broadcast %mul3A_0 : i32 to vector<16xi32>
      %ge3A_1033 = arith.cmpi sge, %get3A_1030, %ge3A : vector<16xi32>
      %lt3A_1034 = arith.constant 50000 : i32
      %lt3A_1035 = vector.broadcast %lt3A_1034 : i32 to vector<16xi32>
      %lt3A_1036 = arith.cmpi slt, %sub3A_1032, %lt3A_1035 : vector<16xi32>
      %and3A_1037 = arith.andi %ge3A_1033, %lt3A_1036 : vector<16xi1>
      %eq3A_1038 = arith.constant 0 : i32
      %eq3A_1039 = arith.cmpi eq, %select_n3A, %eq3A_1038 : i32
      %jit3A_1040 = arith.constant -1 : i32
      %select_n3A_1041 = arith.select %eq3A_1039, %add3A_3, %jit3A_1040 : i32
      %broadcast_in_dim3A_1042 = vector.broadcast %select_n3A_1041 : i32 to vector<16xi32>
      %select_n3A_1043 = arith.select %and3A_1037, %sub3A_1032, %broadcast_in_dim3A_1042 : vector<16xi1>, vector<16xi32>
      %swap3A_1044 = arith.index_cast %select_n3A : i32 to index
      %swap3A_1045 = arith.index_cast %mul3A_1027 : i32 to index
      %swap3A_1046 = tpu.vector_load %arg7[%swap3A_1044, %swap3A_1045] {strides = array<i32>} : memref<16x256xi32, #tpu.memory_space<vmem>>, vector<1x16xi32>,
      %swap3A_1047 = vector.shape_cast %swap3A_1046 : vector<1x16xi32> to vector<16xi32>
      %swap3A_1048 = vector.shape_cast %select_n3A_1043 : vector<16xi32> to vector<1x16xi32>
      tpu.vector_store %arg7[%swap3A_1044, %swap3A_1045], %swap3A_1048 {strides = array<i32>} : memref<16x256xi32, #tpu.memory_space<vmem>>, vector<1x16xi32>,
    }
    %scan3A_813 = arith.constant 256 : i32
    %dma_start3A_814 = arith.constant 0 : i32
    %dma_start3A_815 = arith.constant 0 : i32
    %dma_start3A_816 = arith.constant 0 : i32
    %dma_start3A_817 = tpu.memref_slice %arg9[%dma_start3A_815, %dma_start3A_816] : memref<256x64xbf16, #tpu.memory_space<vmem>> -> memref<256x64xbf16, #tpu.memory_space<vmem>>
    %dma_start3A_818 = arith.constant 0 : i32
    %dma_start3A_819 = tpu.memref_slice %arg7[%dma_start3A_814, %dma_start3A_818] : memref<16x256xi32, #tpu.memory_space<vmem>> -> memref<1x256xi32, #tpu.memory_space<vmem>>
    %dma_start3A_820 = tpu.memref_squeeze %dma_start3A_819 : memref<1x256xi32, #tpu.memory_space<vmem>> -> memref<256xi32, #tpu.memory_space<vmem>>
    %dma_start3A_821 = arith.constant 0 : i32
    %dma_start3A_822 = arith.constant 0 : i32
    %dma_start3A_823 = tpu.memref_slice %arg5[%dma_start3A_821, %dma_start3A_822] : memref<50128x64xbf16, #tpu.memory_space<vmem_shared>> -> memref<50128x64xbf16, #tpu.memory_space<vmem_shared>>
    tpu.enqueue_indirect_dma source(%dma_start3A_823 : memref<50128x64xbf16, #tpu.memory_space<vmem_shared>>) target(%dma_start3A_817 : memref<256x64xbf16, #tpu.memory_space<vmem>>) offsets(%dma_start3A_820 : memref<256xi32, #tpu.memory_space<vmem>>) semaphore(%arg13 : memref<!tpu.dma_semaphore, #tpu.memory_space<semaphore_mem>>)
    %dma_wait3A_824 = arith.constant 0 : i32
    %dma_wait3A_825 = arith.constant 0 : i32
    %dma_wait3A_826 = arith.constant 0 : i32
    %dma_wait3A_827 = tpu.memref_slice %arg9[%dma_wait3A_825, %dma_wait3A_826] : memref<256x64xbf16, #tpu.memory_space<vmem>> -> memref<256x64xbf16, #tpu.memory_space<vmem>>
    %dma_wait3A_828 = arith.constant 0 : i32
    %dma_wait3A_829 = tpu.memref_slice %arg7[%dma_wait3A_824, %dma_wait3A_828] : memref<16x256xi32, #tpu.memory_space<vmem>> -> memref<1x256xi32, #tpu.memory_space<vmem>>
    %dma_wait3A_830 = tpu.memref_squeeze %dma_wait3A_829 : memref<1x256xi32, #tpu.memory_space<vmem>> -> memref<256xi32, #tpu.memory_space<vmem>>
    %dma_wait3A_831 = arith.constant 0 : i32
    %dma_wait3A_832 = arith.constant 0 : i32
    %dma_wait3A_833 = tpu.memref_slice %arg5[%dma_wait3A_831, %dma_wait3A_832] : memref<50128x64xbf16, #tpu.memory_space<vmem_shared>> -> memref<50128x64xbf16, #tpu.memory_space<vmem_shared>>
    tpu.wait_indirect_dma semaphore(%arg13 : memref<!tpu.dma_semaphore, #tpu.memory_space<semaphore_mem>>) src(%dma_wait3A_833 : memref<50128x64xbf16, #tpu.memory_space<vmem_shared>>) dst(%dma_wait3A_827 : memref<256x64xbf16, #tpu.memory_space<vmem>>)
    %scan3A_834 = arith.constant 0 : i32
    %scan3A_835 = arith.constant 1 : i32
    %scan3A_836 = arith.constant 15 : i32
    %scan3A_837 = arith.addi %scan3A_835, %scan3A_836 : i32
    %scan3A_838 = arith.constant 1 : i32
    scf.for %scan3A_995 = %scan3A_835 to %scan3A_837 step %scan3A_838  : i32 {
      %dma_start3A_996 = arith.constant 0 : i32
      %dma_start3A_997 = arith.constant 0 : i32
      %dma_start3A_998 = tpu.memref_slice %arg9[%dma_start3A_996, %dma_start3A_997] : memref<256x64xbf16, #tpu.memory_space<vmem>> -> memref<256x64xbf16, #tpu.memory_space<vmem>>
      %dma_start3A_999 = arith.constant 0 : i32
      %dma_start3A_1000 = tpu.memref_slice %arg7[%scan3A_995, %dma_start3A_999] : memref<16x256xi32, #tpu.memory_space<vmem>> -> memref<1x256xi32, #tpu.memory_space<vmem>>
      %dma_start3A_1001 = tpu.memref_squeeze %dma_start3A_1000 : memref<1x256xi32, #tpu.memory_space<vmem>> -> memref<256xi32, #tpu.memory_space<vmem>>
      %dma_start3A_1002 = arith.constant 0 : i32
      %dma_start3A_1003 = arith.constant 0 : i32
      %dma_start3A_1004 = tpu.memref_slice %arg5[%dma_start3A_1002, %dma_start3A_1003] : memref<50128x64xbf16, #tpu.memory_space<vmem_shared>> -> memref<50128x64xbf16, #tpu.memory_space<vmem_shared>>
      %dma_start3A_1005 = arith.constant -1 : i32
      tpu.enqueue_indirect_dma source(%dma_start3A_1004 : memref<50128x64xbf16, #tpu.memory_space<vmem_shared>>) target(%dma_start3A_998 : memref<256x64xbf16, #tpu.memory_space<vmem>>) offsets(%dma_start3A_1001 : memref<256xi32, #tpu.memory_space<vmem>>) offset_filter(%dma_start3A_1005) semaphore(%arg14 : memref<!tpu.dma_semaphore, #tpu.memory_space<semaphore_mem>>) {add = true}
    }
    %scan3A_839 = arith.constant 15 : i32
    %scan3A_840 = arith.constant 0 : i32
    %scan3A_841 = arith.constant 1 : i32
    %scan3A_842 = arith.constant 15 : i32
    %scan3A_843 = arith.addi %scan3A_841, %scan3A_842 : i32
    %scan3A_844 = arith.constant 1 : i32
    scf.for %scan3A_995 = %scan3A_841 to %scan3A_843 step %scan3A_844  : i32 {
      %dma_wait3A_996 = arith.constant 0 : i32
      %dma_wait3A_997 = arith.constant 0 : i32
      %dma_wait3A_998 = tpu.memref_slice %arg10[%dma_wait3A_996, %dma_wait3A_997] : memref<256x64xbf16, #tpu.memory_space<vmem>> -> memref<256x64xbf16, #tpu.memory_space<vmem>>
      %dma_wait3A_999 = arith.constant 0 : i32
      %dma_wait3A_1000 = tpu.memref_slice %arg6[%scan3A_995, %dma_wait3A_999] : memref<16x256xi32, #tpu.memory_space<vmem>> -> memref<1x256xi32, #tpu.memory_space<vmem>>
      %dma_wait3A_1001 = tpu.memref_squeeze %dma_wait3A_1000 : memref<1x256xi32, #tpu.memory_space<vmem>> -> memref<256xi32, #tpu.memory_space<vmem>>
      %dma_wait3A_1002 = arith.constant 0 : i32
      %dma_wait3A_1003 = arith.constant 0 : i32
      %dma_wait3A_1004 = tpu.memref_slice %arg5[%dma_wait3A_1002, %dma_wait3A_1003] : memref<50128x64xbf16, #tpu.memory_space<vmem_shared>> -> memref<50128x64xbf16, #tpu.memory_space<vmem_shared>>
      tpu.wait_indirect_dma semaphore(%arg15 : memref<!tpu.dma_semaphore, #tpu.memory_space<semaphore_mem>>) src(%dma_wait3A_1004 : memref<50128x64xbf16, #tpu.memory_space<vmem_shared>>) dst(%dma_wait3A_998 : memref<256x64xbf16, #tpu.memory_space<vmem>>)
    }
    %scan3A_845 = arith.constant 15 : i32
    %add3A_846 = arith.constant 2304 : i32
    %add3A_847 = arith.addi %add3A_8, %add3A_846 : i32
    %dma_start3A_848 = arith.constant 0 : i32
    %dma_start3A_849 = tpu.memref_slice %arg4[%add3A_847, %dma_start3A_848] : memref<106496x64xbf16, #tpu.memory_space<hbm>> -> memref<256x64xbf16, #tpu.memory_space<hbm>>
    %dma_start3A_850 = arith.constant 0 : i32
    %dma_start3A_851 = tpu.memref_slice %arg4[%add3A_847, %dma_start3A_850] : memref<106496x64xbf16, #tpu.memory_space<hbm>> -> memref<256x64xbf16, #tpu.memory_space<hbm>>
    tpu.enqueue_dma source(%arg10 : memref<256x64xbf16, #tpu.memory_space<vmem>>) target(%dma_start3A_851 : memref<256x64xbf16, #tpu.memory_space<hbm>>) target_semaphore(%arg16 : memref<!tpu.dma_semaphore, #tpu.memory_space<semaphore_mem>>)
    %dma_wait3A_852 = arith.constant 0 : i32
    %dma_wait3A_853 = tpu.memref_slice %arg4[%add3A_847, %dma_wait3A_852] : memref<106496x64xbf16, #tpu.memory_space<hbm>> -> memref<256x64xbf16, #tpu.memory_space<hbm>>
    %dma_wait3A_854 = arith.constant 0 : i32
    %dma_wait3A_855 = tpu.memref_slice %arg4[%add3A_847, %dma_wait3A_854] : memref<106496x64xbf16, #tpu.memory_space<hbm>> -> memref<256x64xbf16, #tpu.memory_space<hbm>>
    tpu.wait_dma2 semaphore(%arg16 : memref<!tpu.dma_semaphore, #tpu.memory_space<semaphore_mem>>) src(%arg10 : memref<256x64xbf16, #tpu.memory_space<vmem>>) dst(%dma_wait3A_855 : memref<256x64xbf16, #tpu.memory_space<hbm>>)
    %dma_start3A_856 = arith.constant 12 : i32
    %dma_start3A_857 = arith.constant 0 : i32
    %dma_start3A_858 = arith.constant 0 : i32
    %dma_start3A_859 = tpu.memref_slice %arg2[%arg1, %dma_start3A_856, %dma_start3A_857, %dma_start3A_858] : memref<16x13x16x256xi32, #tpu.memory_space<hbm>> -> memref<1x1x16x256xi32, #tpu.memory_space<hbm>>
    %dma_start3A_860 = tpu.memref_squeeze %dma_start3A_859 : memref<1x1x16x256xi32, #tpu.memory_space<hbm>> -> memref<16x256xi32, #tpu.memory_space<hbm>>
    %dma_start3A_861 = arith.constant 0 : i32
    %dma_start3A_862 = arith.constant 0 : i32
    %dma_start3A_863 = tpu.memref_slice %arg2[%arg1, %dma_start3A_856, %dma_start3A_861, %dma_start3A_862] : memref<16x13x16x256xi32, #tpu.memory_space<hbm>> -> memref<1x1x16x256xi32, #tpu.memory_space<hbm>>
    %dma_start3A_864 = tpu.memref_squeeze %dma_start3A_863 : memref<1x1x16x256xi32, #tpu.memory_space<hbm>> -> memref<16x256xi32, #tpu.memory_space<hbm>>
    tpu.enqueue_dma source(%dma_start3A_864 : memref<16x256xi32, #tpu.memory_space<hbm>>) target(%arg6 : memref<16x256xi32, #tpu.memory_space<vmem>>) target_semaphore(%arg12 : memref<!tpu.dma_semaphore, #tpu.memory_space<semaphore_mem>>)
    %dma_wait3A_865 = arith.constant 11 : i32
    %dma_wait3A_866 = arith.constant 0 : i32
    %dma_wait3A_867 = arith.constant 0 : i32
    %dma_wait3A_868 = tpu.memref_slice %arg2[%arg1, %dma_wait3A_865, %dma_wait3A_866, %dma_wait3A_867] : memref<16x13x16x256xi32, #tpu.memory_space<hbm>> -> memref<1x1x16x256xi32, #tpu.memory_space<hbm>>
    %dma_wait3A_869 = tpu.memref_squeeze %dma_wait3A_868 : memref<1x1x16x256xi32, #tpu.memory_space<hbm>> -> memref<16x256xi32, #tpu.memory_space<hbm>>
    %dma_wait3A_870 = arith.constant 0 : i32
    %dma_wait3A_871 = arith.constant 0 : i32
    %dma_wait3A_872 = tpu.memref_slice %arg2[%arg1, %dma_wait3A_865, %dma_wait3A_870, %dma_wait3A_871] : memref<16x13x16x256xi32, #tpu.memory_space<hbm>> -> memref<1x1x16x256xi32, #tpu.memory_space<hbm>>
    %dma_wait3A_873 = tpu.memref_squeeze %dma_wait3A_872 : memref<1x1x16x256xi32, #tpu.memory_space<hbm>> -> memref<16x256xi32, #tpu.memory_space<hbm>>
    tpu.wait_dma2 semaphore(%arg12 : memref<!tpu.dma_semaphore, #tpu.memory_space<semaphore_mem>>) src(%dma_wait3A_873 : memref<16x256xi32, #tpu.memory_space<hbm>>) dst(%arg8 : memref<16x256xi32, #tpu.memory_space<vmem>>)
    %scan3A_874 = arith.constant 0 : i32
    %scan3A_875 = arith.constant 0 : i32
    %scan3A_876 = arith.constant 256 : i32
    %scan3A_877 = arith.addi %scan3A_875, %scan3A_876 : i32
    %scan3A_878 = arith.constant 1 : i32
    scf.for %scan3A_995 = %scan3A_875 to %scan3A_877 step %scan3A_878  : i32 {
      %jit3A = arith.constant 16 : i32
      %div3A = arith.divsi %scan3A_995, %jit3A : i32
      %sign3A = arith.constant 0 : i32
      %sign3A_996 = arith.cmpi sgt, %scan3A_995, %sign3A : i32
      %sign3A_997 = arith.extui %sign3A_996 : i1 to i32
      %sign3A_998 = arith.constant 0 : i32
      %sign3A_999 = arith.cmpi slt, %scan3A_995, %sign3A_998 : i32
      %sign3A_1000 = arith.extui %sign3A_999 : i1 to i32
      %sign3A_1001 = arith.subi %sign3A_997, %sign3A_1000 : i32
      %sign3A_1002 = arith.constant 0 : i32
      %sign3A_1003 = arith.cmpi sgt, %jit3A, %sign3A_1002 : i32
      %sign3A_1004 = arith.extui %sign3A_1003 : i1 to i32
      %sign3A_1005 = arith.constant 0 : i32
      %sign3A_1006 = arith.cmpi slt, %jit3A, %sign3A_1005 : i32
      %sign3A_1007 = arith.extui %sign3A_1006 : i1 to i32
      %sign3A_1008 = arith.subi %sign3A_1004, %sign3A_1007 : i32
      %ne3A = arith.cmpi ne, %sign3A_1001, %sign3A_1008 : i32
      %rem3A = arith.remsi %scan3A_995, %jit3A : i32
      %ne3A_1009 = arith.constant 0 : i32
      %ne3A_1010 = arith.cmpi ne, %rem3A, %ne3A_1009 : i32
      %and3A = arith.andi %ne3A, %ne3A_1010 : i1
      %sub3A = arith.constant 1 : i32
      %sub3A_1011 = arith.subi %div3A, %sub3A : i32
      %select_n3A = arith.select %and3A, %sub3A_1011, %div3A : i32
      %jit3A_1012 = arith.constant 16 : i32
      %eq3A = arith.constant 0 : i32
      %eq3A_1013 = arith.cmpi eq, %jit3A_1012, %eq3A : i32
      %jit3A_1014 = arith.constant 1 : i32
      %select_n3A_1015 = arith.select %eq3A_1013, %jit3A_1014, %jit3A_1012 : i32
      %rem3A_1016 = arith.remsi %scan3A_995, %select_n3A_1015 : i32
      %ne3A_1017 = arith.constant 0 : i32
      %ne3A_1018 = arith.cmpi ne, %rem3A_1016, %ne3A_1017 : i32
      %lt3A = arith.constant 0 : i32
      %lt3A_1019 = arith.cmpi slt, %rem3A_1016, %lt3A : i32
      %lt3A_1020 = arith.constant 0 : i32
      %lt3A_1021 = arith.cmpi slt, %select_n3A_1015, %lt3A_1020 : i32
      %ne3A_1022 = arith.xori %lt3A_1019, %lt3A_1021 : i1
      %and3A_1023 = arith.andi %ne3A_1022, %ne3A_1018 : i1
      %add3A_1024 = arith.addi %rem3A_1016, %select_n3A_1015 : i32
      %select_n3A_1025 = arith.select %and3A_1023, %add3A_1024, %rem3A_1016 : i32
      %mul3A_1026 = arith.constant 16 : i32
      %mul3A_1027 = arith.muli %select_n3A_1025, %mul3A_1026 : i32
      %get3A = arith.index_cast %select_n3A : i32 to index
      %get3A_1028 = arith.index_cast %mul3A_1027 : i32 to index
      %get3A_1029 = tpu.vector_load %arg8[%get3A, %get3A_1028] {strides = array<i32>} : memref<16x256xi32, #tpu.memory_space<vmem>>, vector<1x16xi32>,
      %get3A_1030 = vector.shape_cast %get3A_1029 : vector<1x16xi32> to vector<16xi32>
      %sub3A_1031 = vector.broadcast %mul3A_0 : i32 to vector<16xi32>
      %sub3A_1032 = arith.subi %get3A_1030, %sub3A_1031 : vector<16xi32>
      %ge3A = vector.broadcast %mul3A_0 : i32 to vector<16xi32>
      %ge3A_1033 = arith.cmpi sge, %get3A_1030, %ge3A : vector<16xi32>
      %lt3A_1034 = arith.constant 50000 : i32
      %lt3A_1035 = vector.broadcast %lt3A_1034 : i32 to vector<16xi32>
      %lt3A_1036 = arith.cmpi slt, %sub3A_1032, %lt3A_1035 : vector<16xi32>
      %and3A_1037 = arith.andi %ge3A_1033, %lt3A_1036 : vector<16xi1>
      %eq3A_1038 = arith.constant 0 : i32
      %eq3A_1039 = arith.cmpi eq, %select_n3A, %eq3A_1038 : i32
      %jit3A_1040 = arith.constant -1 : i32
      %select_n3A_1041 = arith.select %eq3A_1039, %add3A_3, %jit3A_1040 : i32
      %broadcast_in_dim3A_1042 = vector.broadcast %select_n3A_1041 : i32 to vector<16xi32>
      %select_n3A_1043 = arith.select %and3A_1037, %sub3A_1032, %broadcast_in_dim3A_1042 : vector<16xi1>, vector<16xi32>
      %swap3A_1044 = arith.index_cast %select_n3A : i32 to index
      %swap3A_1045 = arith.index_cast %mul3A_1027 : i32 to index
      %swap3A_1046 = tpu.vector_load %arg8[%swap3A_1044, %swap3A_1045] {strides = array<i32>} : memref<16x256xi32, #tpu.memory_space<vmem>>, vector<1x16xi32>,
      %swap3A_1047 = vector.shape_cast %swap3A_1046 : vector<1x16xi32> to vector<16xi32>
      %swap3A_1048 = vector.shape_cast %select_n3A_1043 : vector<16xi32> to vector<1x16xi32>
      tpu.vector_store %arg8[%swap3A_1044, %swap3A_1045], %swap3A_1048 {strides = array<i32>} : memref<16x256xi32, #tpu.memory_space<vmem>>, vector<1x16xi32>,
    }
    %scan3A_879 = arith.constant 256 : i32
    %dma_start3A_880 = arith.constant 0 : i32
    %dma_start3A_881 = arith.constant 0 : i32
    %dma_start3A_882 = arith.constant 0 : i32
    %dma_start3A_883 = tpu.memref_slice %arg10[%dma_start3A_881, %dma_start3A_882] : memref<256x64xbf16, #tpu.memory_space<vmem>> -> memref<256x64xbf16, #tpu.memory_space<vmem>>
    %dma_start3A_884 = arith.constant 0 : i32
    %dma_start3A_885 = tpu.memref_slice %arg8[%dma_start3A_880, %dma_start3A_884] : memref<16x256xi32, #tpu.memory_space<vmem>> -> memref<1x256xi32, #tpu.memory_space<vmem>>
    %dma_start3A_886 = tpu.memref_squeeze %dma_start3A_885 : memref<1x256xi32, #tpu.memory_space<vmem>> -> memref<256xi32, #tpu.memory_space<vmem>>
    %dma_start3A_887 = arith.constant 0 : i32
    %dma_start3A_888 = arith.constant 0 : i32
    %dma_start3A_889 = tpu.memref_slice %arg5[%dma_start3A_887, %dma_start3A_888] : memref<50128x64xbf16, #tpu.memory_space<vmem_shared>> -> memref<50128x64xbf16, #tpu.memory_space<vmem_shared>>
    tpu.enqueue_indirect_dma source(%dma_start3A_889 : memref<50128x64xbf16, #tpu.memory_space<vmem_shared>>) target(%dma_start3A_883 : memref<256x64xbf16, #tpu.memory_space<vmem>>) offsets(%dma_start3A_886 : memref<256xi32, #tpu.memory_space<vmem>>) semaphore(%arg13 : memref<!tpu.dma_semaphore, #tpu.memory_space<semaphore_mem>>)
    %dma_wait3A_890 = arith.constant 0 : i32
    %dma_wait3A_891 = arith.constant 0 : i32
    %dma_wait3A_892 = arith.constant 0 : i32
    %dma_wait3A_893 = tpu.memref_slice %arg10[%dma_wait3A_891, %dma_wait3A_892] : memref<256x64xbf16, #tpu.memory_space<vmem>> -> memref<256x64xbf16, #tpu.memory_space<vmem>>
    %dma_wait3A_894 = arith.constant 0 : i32
    %dma_wait3A_895 = tpu.memref_slice %arg8[%dma_wait3A_890, %dma_wait3A_894] : memref<16x256xi32, #tpu.memory_space<vmem>> -> memref<1x256xi32, #tpu.memory_space<vmem>>
    %dma_wait3A_896 = tpu.memref_squeeze %dma_wait3A_895 : memref<1x256xi32, #tpu.memory_space<vmem>> -> memref<256xi32, #tpu.memory_space<vmem>>
    %dma_wait3A_897 = arith.constant 0 : i32
    %dma_wait3A_898 = arith.constant 0 : i32
    %dma_wait3A_899 = tpu.memref_slice %arg5[%dma_wait3A_897, %dma_wait3A_898] : memref<50128x64xbf16, #tpu.memory_space<vmem_shared>> -> memref<50128x64xbf16, #tpu.memory_space<vmem_shared>>
    tpu.wait_indirect_dma semaphore(%arg13 : memref<!tpu.dma_semaphore, #tpu.memory_space<semaphore_mem>>) src(%dma_wait3A_899 : memref<50128x64xbf16, #tpu.memory_space<vmem_shared>>) dst(%dma_wait3A_893 : memref<256x64xbf16, #tpu.memory_space<vmem>>)
    %scan3A_900 = arith.constant 0 : i32
    %scan3A_901 = arith.constant 1 : i32
    %scan3A_902 = arith.constant 15 : i32
    %scan3A_903 = arith.addi %scan3A_901, %scan3A_902 : i32
    %scan3A_904 = arith.constant 1 : i32
    scf.for %scan3A_995 = %scan3A_901 to %scan3A_903 step %scan3A_904  : i32 {
      %dma_start3A_996 = arith.constant 0 : i32
      %dma_start3A_997 = arith.constant 0 : i32
      %dma_start3A_998 = tpu.memref_slice %arg10[%dma_start3A_996, %dma_start3A_997] : memref<256x64xbf16, #tpu.memory_space<vmem>> -> memref<256x64xbf16, #tpu.memory_space<vmem>>
      %dma_start3A_999 = arith.constant 0 : i32
      %dma_start3A_1000 = tpu.memref_slice %arg8[%scan3A_995, %dma_start3A_999] : memref<16x256xi32, #tpu.memory_space<vmem>> -> memref<1x256xi32, #tpu.memory_space<vmem>>
      %dma_start3A_1001 = tpu.memref_squeeze %dma_start3A_1000 : memref<1x256xi32, #tpu.memory_space<vmem>> -> memref<256xi32, #tpu.memory_space<vmem>>
      %dma_start3A_1002 = arith.constant 0 : i32
      %dma_start3A_1003 = arith.constant 0 : i32
      %dma_start3A_1004 = tpu.memref_slice %arg5[%dma_start3A_1002, %dma_start3A_1003] : memref<50128x64xbf16, #tpu.memory_space<vmem_shared>> -> memref<50128x64xbf16, #tpu.memory_space<vmem_shared>>
      %dma_start3A_1005 = arith.constant -1 : i32
      tpu.enqueue_indirect_dma source(%dma_start3A_1004 : memref<50128x64xbf16, #tpu.memory_space<vmem_shared>>) target(%dma_start3A_998 : memref<256x64xbf16, #tpu.memory_space<vmem>>) offsets(%dma_start3A_1001 : memref<256xi32, #tpu.memory_space<vmem>>) offset_filter(%dma_start3A_1005) semaphore(%arg15 : memref<!tpu.dma_semaphore, #tpu.memory_space<semaphore_mem>>) {add = true}
    }
    %scan3A_905 = arith.constant 15 : i32
    %scan3A_906 = arith.constant 0 : i32
    %scan3A_907 = arith.constant 1 : i32
    %scan3A_908 = arith.constant 15 : i32
    %scan3A_909 = arith.addi %scan3A_907, %scan3A_908 : i32
    %scan3A_910 = arith.constant 1 : i32
    scf.for %scan3A_995 = %scan3A_907 to %scan3A_909 step %scan3A_910  : i32 {
      %dma_wait3A_996 = arith.constant 0 : i32
      %dma_wait3A_997 = arith.constant 0 : i32
      %dma_wait3A_998 = tpu.memref_slice %arg9[%dma_wait3A_996, %dma_wait3A_997] : memref<256x64xbf16, #tpu.memory_space<vmem>> -> memref<256x64xbf16, #tpu.memory_space<vmem>>
      %dma_wait3A_999 = arith.constant 0 : i32
      %dma_wait3A_1000 = tpu.memref_slice %arg7[%scan3A_995, %dma_wait3A_999] : memref<16x256xi32, #tpu.memory_space<vmem>> -> memref<1x256xi32, #tpu.memory_space<vmem>>
      %dma_wait3A_1001 = tpu.memref_squeeze %dma_wait3A_1000 : memref<1x256xi32, #tpu.memory_space<vmem>> -> memref<256xi32, #tpu.memory_space<vmem>>
      %dma_wait3A_1002 = arith.constant 0 : i32
      %dma_wait3A_1003 = arith.constant 0 : i32
      %dma_wait3A_1004 = tpu.memref_slice %arg5[%dma_wait3A_1002, %dma_wait3A_1003] : memref<50128x64xbf16, #tpu.memory_space<vmem_shared>> -> memref<50128x64xbf16, #tpu.memory_space<vmem_shared>>
      tpu.wait_indirect_dma semaphore(%arg14 : memref<!tpu.dma_semaphore, #tpu.memory_space<semaphore_mem>>) src(%dma_wait3A_1004 : memref<50128x64xbf16, #tpu.memory_space<vmem_shared>>) dst(%dma_wait3A_998 : memref<256x64xbf16, #tpu.memory_space<vmem>>)
    }
    %scan3A_911 = arith.constant 15 : i32
    %add3A_912 = arith.constant 2560 : i32
    %add3A_913 = arith.addi %add3A_8, %add3A_912 : i32
    %dma_start3A_914 = arith.constant 0 : i32
    %dma_start3A_915 = tpu.memref_slice %arg4[%add3A_913, %dma_start3A_914] : memref<106496x64xbf16, #tpu.memory_space<hbm>> -> memref<256x64xbf16, #tpu.memory_space<hbm>>
    %dma_start3A_916 = arith.constant 0 : i32
    %dma_start3A_917 = tpu.memref_slice %arg4[%add3A_913, %dma_start3A_916] : memref<106496x64xbf16, #tpu.memory_space<hbm>> -> memref<256x64xbf16, #tpu.memory_space<hbm>>
    tpu.enqueue_dma source(%arg9 : memref<256x64xbf16, #tpu.memory_space<vmem>>) target(%dma_start3A_917 : memref<256x64xbf16, #tpu.memory_space<hbm>>) target_semaphore(%arg16 : memref<!tpu.dma_semaphore, #tpu.memory_space<semaphore_mem>>)
    %dma_wait3A_918 = arith.constant 0 : i32
    %dma_wait3A_919 = tpu.memref_slice %arg4[%add3A_913, %dma_wait3A_918] : memref<106496x64xbf16, #tpu.memory_space<hbm>> -> memref<256x64xbf16, #tpu.memory_space<hbm>>
    %dma_wait3A_920 = arith.constant 0 : i32
    %dma_wait3A_921 = tpu.memref_slice %arg4[%add3A_913, %dma_wait3A_920] : memref<106496x64xbf16, #tpu.memory_space<hbm>> -> memref<256x64xbf16, #tpu.memory_space<hbm>>
    tpu.wait_dma2 semaphore(%arg16 : memref<!tpu.dma_semaphore, #tpu.memory_space<semaphore_mem>>) src(%arg9 : memref<256x64xbf16, #tpu.memory_space<vmem>>) dst(%dma_wait3A_921 : memref<256x64xbf16, #tpu.memory_space<hbm>>)
    %dma_wait3A_922 = arith.constant 12 : i32
    %dma_wait3A_923 = arith.constant 0 : i32
    %dma_wait3A_924 = arith.constant 0 : i32
    %dma_wait3A_925 = tpu.memref_slice %arg2[%arg1, %dma_wait3A_922, %dma_wait3A_923, %dma_wait3A_924] : memref<16x13x16x256xi32, #tpu.memory_space<hbm>> -> memref<1x1x16x256xi32, #tpu.memory_space<hbm>>
    %dma_wait3A_926 = tpu.memref_squeeze %dma_wait3A_925 : memref<1x1x16x256xi32, #tpu.memory_space<hbm>> -> memref<16x256xi32, #tpu.memory_space<hbm>>
    %dma_wait3A_927 = arith.constant 0 : i32
    %dma_wait3A_928 = arith.constant 0 : i32
    %dma_wait3A_929 = tpu.memref_slice %arg2[%arg1, %dma_wait3A_922, %dma_wait3A_927, %dma_wait3A_928] : memref<16x13x16x256xi32, #tpu.memory_space<hbm>> -> memref<1x1x16x256xi32, #tpu.memory_space<hbm>>
    %dma_wait3A_930 = tpu.memref_squeeze %dma_wait3A_929 : memref<1x1x16x256xi32, #tpu.memory_space<hbm>> -> memref<16x256xi32, #tpu.memory_space<hbm>>
    tpu.wait_dma2 semaphore(%arg12 : memref<!tpu.dma_semaphore, #tpu.memory_space<semaphore_mem>>) src(%dma_wait3A_930 : memref<16x256xi32, #tpu.memory_space<hbm>>) dst(%arg6 : memref<16x256xi32, #tpu.memory_space<vmem>>)
    %scan3A_931 = arith.constant 0 : i32
    %scan3A_932 = arith.constant 0 : i32
    %scan3A_933 = arith.constant 256 : i32
    %scan3A_934 = arith.addi %scan3A_932, %scan3A_933 : i32
    %scan3A_935 = arith.constant 1 : i32
    scf.for %scan3A_995 = %scan3A_932 to %scan3A_934 step %scan3A_935  : i32 {
      %jit3A = arith.constant 16 : i32
      %div3A = arith.divsi %scan3A_995, %jit3A : i32
      %sign3A = arith.constant 0 : i32
      %sign3A_996 = arith.cmpi sgt, %scan3A_995, %sign3A : i32
      %sign3A_997 = arith.extui %sign3A_996 : i1 to i32
      %sign3A_998 = arith.constant 0 : i32
      %sign3A_999 = arith.cmpi slt, %scan3A_995, %sign3A_998 : i32
      %sign3A_1000 = arith.extui %sign3A_999 : i1 to i32
      %sign3A_1001 = arith.subi %sign3A_997, %sign3A_1000 : i32
      %sign3A_1002 = arith.constant 0 : i32
      %sign3A_1003 = arith.cmpi sgt, %jit3A, %sign3A_1002 : i32
      %sign3A_1004 = arith.extui %sign3A_1003 : i1 to i32
      %sign3A_1005 = arith.constant 0 : i32
      %sign3A_1006 = arith.cmpi slt, %jit3A, %sign3A_1005 : i32
      %sign3A_1007 = arith.extui %sign3A_1006 : i1 to i32
      %sign3A_1008 = arith.subi %sign3A_1004, %sign3A_1007 : i32
      %ne3A = arith.cmpi ne, %sign3A_1001, %sign3A_1008 : i32
      %rem3A = arith.remsi %scan3A_995, %jit3A : i32
      %ne3A_1009 = arith.constant 0 : i32
      %ne3A_1010 = arith.cmpi ne, %rem3A, %ne3A_1009 : i32
      %and3A = arith.andi %ne3A, %ne3A_1010 : i1
      %sub3A = arith.constant 1 : i32
      %sub3A_1011 = arith.subi %div3A, %sub3A : i32
      %select_n3A = arith.select %and3A, %sub3A_1011, %div3A : i32
      %jit3A_1012 = arith.constant 16 : i32
      %eq3A = arith.constant 0 : i32
      %eq3A_1013 = arith.cmpi eq, %jit3A_1012, %eq3A : i32
      %jit3A_1014 = arith.constant 1 : i32
      %select_n3A_1015 = arith.select %eq3A_1013, %jit3A_1014, %jit3A_1012 : i32
      %rem3A_1016 = arith.remsi %scan3A_995, %select_n3A_1015 : i32
      %ne3A_1017 = arith.constant 0 : i32
      %ne3A_1018 = arith.cmpi ne, %rem3A_1016, %ne3A_1017 : i32
      %lt3A = arith.constant 0 : i32
      %lt3A_1019 = arith.cmpi slt, %rem3A_1016, %lt3A : i32
      %lt3A_1020 = arith.constant 0 : i32
      %lt3A_1021 = arith.cmpi slt, %select_n3A_1015, %lt3A_1020 : i32
      %ne3A_1022 = arith.xori %lt3A_1019, %lt3A_1021 : i1
      %and3A_1023 = arith.andi %ne3A_1022, %ne3A_1018 : i1
      %add3A_1024 = arith.addi %rem3A_1016, %select_n3A_1015 : i32
      %select_n3A_1025 = arith.select %and3A_1023, %add3A_1024, %rem3A_1016 : i32
      %mul3A_1026 = arith.constant 16 : i32
      %mul3A_1027 = arith.muli %select_n3A_1025, %mul3A_1026 : i32
      %get3A = arith.index_cast %select_n3A : i32 to index
      %get3A_1028 = arith.index_cast %mul3A_1027 : i32 to index
      %get3A_1029 = tpu.vector_load %arg6[%get3A, %get3A_1028] {strides = array<i32>} : memref<16x256xi32, #tpu.memory_space<vmem>>, vector<1x16xi32>,
      %get3A_1030 = vector.shape_cast %get3A_1029 : vector<1x16xi32> to vector<16xi32>
      %sub3A_1031 = vector.broadcast %mul3A_0 : i32 to vector<16xi32>
      %sub3A_1032 = arith.subi %get3A_1030, %sub3A_1031 : vector<16xi32>
      %ge3A = vector.broadcast %mul3A_0 : i32 to vector<16xi32>
      %ge3A_1033 = arith.cmpi sge, %get3A_1030, %ge3A : vector<16xi32>
      %lt3A_1034 = arith.constant 50000 : i32
      %lt3A_1035 = vector.broadcast %lt3A_1034 : i32 to vector<16xi32>
      %lt3A_1036 = arith.cmpi slt, %sub3A_1032, %lt3A_1035 : vector<16xi32>
      %and3A_1037 = arith.andi %ge3A_1033, %lt3A_1036 : vector<16xi1>
      %eq3A_1038 = arith.constant 0 : i32
      %eq3A_1039 = arith.cmpi eq, %select_n3A, %eq3A_1038 : i32
      %jit3A_1040 = arith.constant -1 : i32
      %select_n3A_1041 = arith.select %eq3A_1039, %add3A_3, %jit3A_1040 : i32
      %broadcast_in_dim3A_1042 = vector.broadcast %select_n3A_1041 : i32 to vector<16xi32>
      %select_n3A_1043 = arith.select %and3A_1037, %sub3A_1032, %broadcast_in_dim3A_1042 : vector<16xi1>, vector<16xi32>
      %swap3A_1044 = arith.index_cast %select_n3A : i32 to index
      %swap3A_1045 = arith.index_cast %mul3A_1027 : i32 to index
      %swap3A_1046 = tpu.vector_load %arg6[%swap3A_1044, %swap3A_1045] {strides = array<i32>} : memref<16x256xi32, #tpu.memory_space<vmem>>, vector<1x16xi32>,
      %swap3A_1047 = vector.shape_cast %swap3A_1046 : vector<1x16xi32> to vector<16xi32>
      %swap3A_1048 = vector.shape_cast %select_n3A_1043 : vector<16xi32> to vector<1x16xi32>
      tpu.vector_store %arg6[%swap3A_1044, %swap3A_1045], %swap3A_1048 {strides = array<i32>} : memref<16x256xi32, #tpu.memory_space<vmem>>, vector<1x16xi32>,
    }
    %scan3A_936 = arith.constant 256 : i32
    %dma_start3A_937 = arith.constant 0 : i32
    %dma_start3A_938 = arith.constant 0 : i32
    %dma_start3A_939 = arith.constant 0 : i32
    %dma_start3A_940 = tpu.memref_slice %arg9[%dma_start3A_938, %dma_start3A_939] : memref<256x64xbf16, #tpu.memory_space<vmem>> -> memref<256x64xbf16, #tpu.memory_space<vmem>>
    %dma_start3A_941 = arith.constant 0 : i32
    %dma_start3A_942 = tpu.memref_slice %arg6[%dma_start3A_937, %dma_start3A_941] : memref<16x256xi32, #tpu.memory_space<vmem>> -> memref<1x256xi32, #tpu.memory_space<vmem>>
    %dma_start3A_943 = tpu.memref_squeeze %dma_start3A_942 : memref<1x256xi32, #tpu.memory_space<vmem>> -> memref<256xi32, #tpu.memory_space<vmem>>
    %dma_start3A_944 = arith.constant 0 : i32
    %dma_start3A_945 = arith.constant 0 : i32
    %dma_start3A_946 = tpu.memref_slice %arg5[%dma_start3A_944, %dma_start3A_945] : memref<50128x64xbf16, #tpu.memory_space<vmem_shared>> -> memref<50128x64xbf16, #tpu.memory_space<vmem_shared>>
    tpu.enqueue_indirect_dma source(%dma_start3A_946 : memref<50128x64xbf16, #tpu.memory_space<vmem_shared>>) target(%dma_start3A_940 : memref<256x64xbf16, #tpu.memory_space<vmem>>) offsets(%dma_start3A_943 : memref<256xi32, #tpu.memory_space<vmem>>) semaphore(%arg13 : memref<!tpu.dma_semaphore, #tpu.memory_space<semaphore_mem>>)
    %dma_wait3A_947 = arith.constant 0 : i32
    %dma_wait3A_948 = arith.constant 0 : i32
    %dma_wait3A_949 = arith.constant 0 : i32
    %dma_wait3A_950 = tpu.memref_slice %arg9[%dma_wait3A_948, %dma_wait3A_949] : memref<256x64xbf16, #tpu.memory_space<vmem>> -> memref<256x64xbf16, #tpu.memory_space<vmem>>
    %dma_wait3A_951 = arith.constant 0 : i32
    %dma_wait3A_952 = tpu.memref_slice %arg6[%dma_wait3A_947, %dma_wait3A_951] : memref<16x256xi32, #tpu.memory_space<vmem>> -> memref<1x256xi32, #tpu.memory_space<vmem>>
    %dma_wait3A_953 = tpu.memref_squeeze %dma_wait3A_952 : memref<1x256xi32, #tpu.memory_space<vmem>> -> memref<256xi32, #tpu.memory_space<vmem>>
    %dma_wait3A_954 = arith.constant 0 : i32
    %dma_wait3A_955 = arith.constant 0 : i32
    %dma_wait3A_956 = tpu.memref_slice %arg5[%dma_wait3A_954, %dma_wait3A_955] : memref<50128x64xbf16, #tpu.memory_space<vmem_shared>> -> memref<50128x64xbf16, #tpu.memory_space<vmem_shared>>
    tpu.wait_indirect_dma semaphore(%arg13 : memref<!tpu.dma_semaphore, #tpu.memory_space<semaphore_mem>>) src(%dma_wait3A_956 : memref<50128x64xbf16, #tpu.memory_space<vmem_shared>>) dst(%dma_wait3A_950 : memref<256x64xbf16, #tpu.memory_space<vmem>>)
    %scan3A_957 = arith.constant 0 : i32
    %scan3A_958 = arith.constant 1 : i32
    %scan3A_959 = arith.constant 15 : i32
    %scan3A_960 = arith.addi %scan3A_958, %scan3A_959 : i32
    %scan3A_961 = arith.constant 1 : i32
    scf.for %scan3A_995 = %scan3A_958 to %scan3A_960 step %scan3A_961  : i32 {
      %dma_start3A_996 = arith.constant 0 : i32
      %dma_start3A_997 = arith.constant 0 : i32
      %dma_start3A_998 = tpu.memref_slice %arg9[%dma_start3A_996, %dma_start3A_997] : memref<256x64xbf16, #tpu.memory_space<vmem>> -> memref<256x64xbf16, #tpu.memory_space<vmem>>
      %dma_start3A_999 = arith.constant 0 : i32
      %dma_start3A_1000 = tpu.memref_slice %arg6[%scan3A_995, %dma_start3A_999] : memref<16x256xi32, #tpu.memory_space<vmem>> -> memref<1x256xi32, #tpu.memory_space<vmem>>
      %dma_start3A_1001 = tpu.memref_squeeze %dma_start3A_1000 : memref<1x256xi32, #tpu.memory_space<vmem>> -> memref<256xi32, #tpu.memory_space<vmem>>
      %dma_start3A_1002 = arith.constant 0 : i32
      %dma_start3A_1003 = arith.constant 0 : i32
      %dma_start3A_1004 = tpu.memref_slice %arg5[%dma_start3A_1002, %dma_start3A_1003] : memref<50128x64xbf16, #tpu.memory_space<vmem_shared>> -> memref<50128x64xbf16, #tpu.memory_space<vmem_shared>>
      %dma_start3A_1005 = arith.constant -1 : i32
      tpu.enqueue_indirect_dma source(%dma_start3A_1004 : memref<50128x64xbf16, #tpu.memory_space<vmem_shared>>) target(%dma_start3A_998 : memref<256x64xbf16, #tpu.memory_space<vmem>>) offsets(%dma_start3A_1001 : memref<256xi32, #tpu.memory_space<vmem>>) offset_filter(%dma_start3A_1005) semaphore(%arg14 : memref<!tpu.dma_semaphore, #tpu.memory_space<semaphore_mem>>) {add = true}
    }
    %scan3A_962 = arith.constant 15 : i32
    %scan3A_963 = arith.constant 0 : i32
    %scan3A_964 = arith.constant 1 : i32
    %scan3A_965 = arith.constant 15 : i32
    %scan3A_966 = arith.addi %scan3A_964, %scan3A_965 : i32
    %scan3A_967 = arith.constant 1 : i32
    scf.for %scan3A_995 = %scan3A_964 to %scan3A_966 step %scan3A_967  : i32 {
      %dma_wait3A_996 = arith.constant 0 : i32
      %dma_wait3A_997 = arith.constant 0 : i32
      %dma_wait3A_998 = tpu.memref_slice %arg10[%dma_wait3A_996, %dma_wait3A_997] : memref<256x64xbf16, #tpu.memory_space<vmem>> -> memref<256x64xbf16, #tpu.memory_space<vmem>>
      %dma_wait3A_999 = arith.constant 0 : i32
      %dma_wait3A_1000 = tpu.memref_slice %arg8[%scan3A_995, %dma_wait3A_999] : memref<16x256xi32, #tpu.memory_space<vmem>> -> memref<1x256xi32, #tpu.memory_space<vmem>>
      %dma_wait3A_1001 = tpu.memref_squeeze %dma_wait3A_1000 : memref<1x256xi32, #tpu.memory_space<vmem>> -> memref<256xi32, #tpu.memory_space<vmem>>
      %dma_wait3A_1002 = arith.constant 0 : i32
      %dma_wait3A_1003 = arith.constant 0 : i32
      %dma_wait3A_1004 = tpu.memref_slice %arg5[%dma_wait3A_1002, %dma_wait3A_1003] : memref<50128x64xbf16, #tpu.memory_space<vmem_shared>> -> memref<50128x64xbf16, #tpu.memory_space<vmem_shared>>
      tpu.wait_indirect_dma semaphore(%arg15 : memref<!tpu.dma_semaphore, #tpu.memory_space<semaphore_mem>>) src(%dma_wait3A_1004 : memref<50128x64xbf16, #tpu.memory_space<vmem_shared>>) dst(%dma_wait3A_998 : memref<256x64xbf16, #tpu.memory_space<vmem>>)
    }
    %scan3A_968 = arith.constant 15 : i32
    %add3A_969 = arith.constant 2816 : i32
    %add3A_970 = arith.addi %add3A_8, %add3A_969 : i32
    %dma_start3A_971 = arith.constant 0 : i32
    %dma_start3A_972 = tpu.memref_slice %arg4[%add3A_970, %dma_start3A_971] : memref<106496x64xbf16, #tpu.memory_space<hbm>> -> memref<256x64xbf16, #tpu.memory_space<hbm>>
    %dma_start3A_973 = arith.constant 0 : i32
    %dma_start3A_974 = tpu.memref_slice %arg4[%add3A_970, %dma_start3A_973] : memref<106496x64xbf16, #tpu.memory_space<hbm>> -> memref<256x64xbf16, #tpu.memory_space<hbm>>
    tpu.enqueue_dma source(%arg10 : memref<256x64xbf16, #tpu.memory_space<vmem>>) target(%dma_start3A_974 : memref<256x64xbf16, #tpu.memory_space<hbm>>) target_semaphore(%arg16 : memref<!tpu.dma_semaphore, #tpu.memory_space<semaphore_mem>>)
    %dma_wait3A_975 = arith.constant 0 : i32
    %dma_wait3A_976 = tpu.memref_slice %arg4[%add3A_970, %dma_wait3A_975] : memref<106496x64xbf16, #tpu.memory_space<hbm>> -> memref<256x64xbf16, #tpu.memory_space<hbm>>
    %dma_wait3A_977 = arith.constant 0 : i32
    %dma_wait3A_978 = tpu.memref_slice %arg4[%add3A_970, %dma_wait3A_977] : memref<106496x64xbf16, #tpu.memory_space<hbm>> -> memref<256x64xbf16, #tpu.memory_space<hbm>>
    tpu.wait_dma2 semaphore(%arg16 : memref<!tpu.dma_semaphore, #tpu.memory_space<semaphore_mem>>) src(%arg10 : memref<256x64xbf16, #tpu.memory_space<vmem>>) dst(%dma_wait3A_978 : memref<256x64xbf16, #tpu.memory_space<hbm>>)
    %scan3A_979 = arith.constant 0 : i32
    %scan3A_980 = arith.constant 1 : i32
    %scan3A_981 = arith.constant 15 : i32
    %scan3A_982 = arith.addi %scan3A_980, %scan3A_981 : i32
    %scan3A_983 = arith.constant 1 : i32
    scf.for %scan3A_995 = %scan3A_980 to %scan3A_982 step %scan3A_983  : i32 {
      %dma_wait3A_996 = arith.constant 0 : i32
      %dma_wait3A_997 = arith.constant 0 : i32
      %dma_wait3A_998 = tpu.memref_slice %arg9[%dma_wait3A_996, %dma_wait3A_997] : memref<256x64xbf16, #tpu.memory_space<vmem>> -> memref<256x64xbf16, #tpu.memory_space<vmem>>
      %dma_wait3A_999 = arith.constant 0 : i32
      %dma_wait3A_1000 = tpu.memref_slice %arg6[%scan3A_995, %dma_wait3A_999] : memref<16x256xi32, #tpu.memory_space<vmem>> -> memref<1x256xi32, #tpu.memory_space<vmem>>
      %dma_wait3A_1001 = tpu.memref_squeeze %dma_wait3A_1000 : memref<1x256xi32, #tpu.memory_space<vmem>> -> memref<256xi32, #tpu.memory_space<vmem>>
      %dma_wait3A_1002 = arith.constant 0 : i32
      %dma_wait3A_1003 = arith.constant 0 : i32
      %dma_wait3A_1004 = tpu.memref_slice %arg5[%dma_wait3A_1002, %dma_wait3A_1003] : memref<50128x64xbf16, #tpu.memory_space<vmem_shared>> -> memref<50128x64xbf16, #tpu.memory_space<vmem_shared>>
      tpu.wait_indirect_dma semaphore(%arg14 : memref<!tpu.dma_semaphore, #tpu.memory_space<semaphore_mem>>) src(%dma_wait3A_1004 : memref<50128x64xbf16, #tpu.memory_space<vmem_shared>>) dst(%dma_wait3A_998 : memref<256x64xbf16, #tpu.memory_space<vmem>>)
    }
    %scan3A_984 = arith.constant 15 : i32
    %add3A_985 = arith.constant 3072 : i32
    %add3A_986 = arith.addi %add3A_8, %add3A_985 : i32
    %dma_start3A_987 = arith.constant 0 : i32
    %dma_start3A_988 = tpu.memref_slice %arg4[%add3A_986, %dma_start3A_987] : memref<106496x64xbf16, #tpu.memory_space<hbm>> -> memref<256x64xbf16, #tpu.memory_space<hbm>>
    %dma_start3A_989 = arith.constant 0 : i32
    %dma_start3A_990 = tpu.memref_slice %arg4[%add3A_986, %dma_start3A_989] : memref<106496x64xbf16, #tpu.memory_space<hbm>> -> memref<256x64xbf16, #tpu.memory_space<hbm>>
    tpu.enqueue_dma source(%arg9 : memref<256x64xbf16, #tpu.memory_space<vmem>>) target(%dma_start3A_990 : memref<256x64xbf16, #tpu.memory_space<hbm>>) target_semaphore(%arg16 : memref<!tpu.dma_semaphore, #tpu.memory_space<semaphore_mem>>)
    %dma_wait3A_991 = arith.constant 0 : i32
    %dma_wait3A_992 = tpu.memref_slice %arg4[%add3A_986, %dma_wait3A_991] : memref<106496x64xbf16, #tpu.memory_space<hbm>> -> memref<256x64xbf16, #tpu.memory_space<hbm>>
    %dma_wait3A_993 = arith.constant 0 : i32
    %dma_wait3A_994 = tpu.memref_slice %arg4[%add3A_986, %dma_wait3A_993] : memref<106496x64xbf16, #tpu.memory_space<hbm>> -> memref<256x64xbf16, #tpu.memory_space<hbm>>
    tpu.wait_dma2 semaphore(%arg16 : memref<!tpu.dma_semaphore, #tpu.memory_space<semaphore_mem>>) src(%arg9 : memref<256x64xbf16, #tpu.memory_space<vmem>>) dst(%dma_wait3A_994 : memref<256x64xbf16, #tpu.memory_space<hbm>>)
    return
  }
}

module attributes {stable_mosaic.version = 14 : i64} {
  func.func @_msg_mlp_body(%arg0: i32, %arg1: memref<2000x128xf32, #tpu.memory_space<vmem>>, %arg2: memref<128x64xf32, #tpu.memory_space<vmem>>, %arg3: memref<1x64xf32, #tpu.memory_space<vmem>>, %arg4: memref<64x64xf32, #tpu.memory_space<vmem>>, %arg5: memref<1x64xf32, #tpu.memory_space<vmem>>, %arg6: memref<2000x64xf32, #tpu.memory_space<vmem>>) attributes {dimension_semantics = [#tpu.dimension_semantics<arbitrary>], iteration_bounds = array<i64: 25>, scalar_prefetch = 0 : i64, scratch_operands = 0 : i64, tpu.core_type = #tpu.core_type<tc>, window_params = [{transform_indices = @transform_0, window_bounds = array<i64: 2000, 128>}, {pipeline_mode = #tpu.pipeline_mode<synchronous>, transform_indices = @transform_1, window_bounds = array<i64: 128, 64>}, {pipeline_mode = #tpu.pipeline_mode<synchronous>, transform_indices = @transform_2, window_bounds = array<i64: 1, 64>}, {pipeline_mode = #tpu.pipeline_mode<synchronous>, transform_indices = @transform_3, window_bounds = array<i64: 64, 64>}, {pipeline_mode = #tpu.pipeline_mode<synchronous>, transform_indices = @transform_4, window_bounds = array<i64: 1, 64>}, {transform_indices = @transform_5, window_bounds = array<i64: 2000, 64>}]} {
    %get3A = arith.constant 0 : index
    %get3A_0 = arith.constant 0 : index
    %get3A_1 = vector.load %arg1[%get3A, %get3A_0] : memref<2000x128xf32, #tpu.memory_space<vmem>>, vector<2000x128xf32>
    %get3A_2 = arith.constant 0 : index
    %get3A_3 = arith.constant 0 : index
    %get3A_4 = vector.load %arg2[%get3A_2, %get3A_3] : memref<128x64xf32, #tpu.memory_space<vmem>>, vector<128x64xf32>
    %dot_general3A = arith.constant dense<0.000000e+00> : vector<2000x64xf32>
    %dot_general3A_5 = tpu.matmul %get3A_1, %get3A_4, %dot_general3A {dimension_numbers = #tpu.dot_dimension_numbers<[1], [0], [0], [1], [0, 0, 1, 1], [], []>, transpose_lhs_hint = false} : vector<2000x128xf32>, vector<128x64xf32>, vector<2000x64xf32> -> vector<2000x64xf32>
    %get3A_6 = arith.constant 0 : index
    %get3A_7 = arith.constant 0 : index
    %get3A_8 = vector.load %arg3[%get3A_6, %get3A_7] : memref<1x64xf32, #tpu.memory_space<vmem>>, vector<1x64xf32>
    %add3A = vector.broadcast %get3A_8 : vector<1x64xf32> to vector<2000x64xf32>
    %add3A_9 = arith.addf %dot_general3A_5, %add3A : vector<2000x64xf32>
    %max3A = arith.constant 0.000000e+00 : f32
    %max3A_10 = vector.broadcast %max3A : f32 to vector<2000x64xf32>
    %max3A_11 = arith.maximumf %add3A_9, %max3A_10 : vector<2000x64xf32>
    %get3A_12 = arith.constant 0 : index
    %get3A_13 = arith.constant 0 : index
    %get3A_14 = vector.load %arg4[%get3A_12, %get3A_13] : memref<64x64xf32, #tpu.memory_space<vmem>>, vector<64x64xf32>
    %dot_general3A_15 = arith.constant dense<0.000000e+00> : vector<2000x64xf32>
    %dot_general3A_16 = tpu.matmul %max3A_11, %get3A_14, %dot_general3A_15 {dimension_numbers = #tpu.dot_dimension_numbers<[1], [0], [0], [1], [0, 0, 1, 1], [], []>, transpose_lhs_hint = false} : vector<2000x64xf32>, vector<64x64xf32>, vector<2000x64xf32> -> vector<2000x64xf32>
    %get3A_17 = arith.constant 0 : index
    %get3A_18 = arith.constant 0 : index
    %get3A_19 = vector.load %arg5[%get3A_17, %get3A_18] : memref<1x64xf32, #tpu.memory_space<vmem>>, vector<1x64xf32>
    %add3A_20 = vector.broadcast %get3A_19 : vector<1x64xf32> to vector<2000x64xf32>
    %add3A_21 = arith.addf %dot_general3A_16, %add3A_20 : vector<2000x64xf32>
    %max3A_22 = arith.constant 0.000000e+00 : f32
    %max3A_23 = vector.broadcast %max3A_22 : f32 to vector<2000x64xf32>
    %max3A_24 = arith.maximumf %add3A_21, %max3A_23 : vector<2000x64xf32>
    %swap3A = arith.constant 0 : index
    %swap3A_25 = arith.constant 0 : index
    %swap3A_26 = vector.load %arg6[%swap3A, %swap3A_25] : memref<2000x64xf32, #tpu.memory_space<vmem>>, vector<2000x64xf32>
    tpu.vector_store %arg6[%swap3A, %swap3A_25], %max3A_24 {strides = array<i32>} : memref<2000x64xf32, #tpu.memory_space<vmem>>, vector<2000x64xf32>,
    return
  }
  func.func @transform_0(%arg0: i32) -> (i32, i32) {
    %c0_i32 = arith.constant 0 : i32
    %c0_i32_0 = arith.constant 0 : i32
    return %arg0, %c0_i32 : i32, i32
  }
  func.func @transform_1(%arg0: i32) -> (i32, i32) {
    %c0_i32 = arith.constant 0 : i32
    %c0_i32_0 = arith.constant 0 : i32
    %c0_i32_1 = arith.constant 0 : i32
    return %c0_i32, %c0_i32_0 : i32, i32
  }
  func.func @transform_2(%arg0: i32) -> (i32, i32) {
    %c0_i32 = arith.constant 0 : i32
    %c0_i32_0 = arith.constant 0 : i32
    %c0_i32_1 = arith.constant 0 : i32
    return %c0_i32, %c0_i32_0 : i32, i32
  }
  func.func @transform_3(%arg0: i32) -> (i32, i32) {
    %c0_i32 = arith.constant 0 : i32
    %c0_i32_0 = arith.constant 0 : i32
    %c0_i32_1 = arith.constant 0 : i32
    return %c0_i32, %c0_i32_0 : i32, i32
  }
  func.func @transform_4(%arg0: i32) -> (i32, i32) {
    %c0_i32 = arith.constant 0 : i32
    %c0_i32_0 = arith.constant 0 : i32
    %c0_i32_1 = arith.constant 0 : i32
    return %c0_i32, %c0_i32_0 : i32, i32
  }
  func.func @transform_5(%arg0: i32) -> (i32, i32) {
    %c0_i32 = arith.constant 0 : i32
    %c0_i32_0 = arith.constant 0 : i32
    return %arg0, %c0_i32 : i32, i32
  }
}

module attributes {stable_mosaic.version = 14 : i64} {
  func.func @_nbr_mlp_body(%arg0: i32, %arg1: memref<2000x64xf32, #tpu.memory_space<vmem>>, %arg2: memref<2x2000x64xbf16, #tpu.memory_space<vmem>>, %arg3: memref<64x64xf32, #tpu.memory_space<vmem>>, %arg4: memref<1x64xf32, #tpu.memory_space<vmem>>, %arg5: memref<2000x64xf32, #tpu.memory_space<vmem>>) attributes {dimension_semantics = [#tpu.dimension_semantics<arbitrary>], iteration_bounds = array<i64: 25>, scalar_prefetch = 0 : i64, scratch_operands = 0 : i64, tpu.core_type = #tpu.core_type<tc>, window_params = [{transform_indices = @transform_0, window_bounds = array<i64: 2000, 64>}, {transform_indices = @transform_1, window_bounds = array<i64: 2, 2000, 64>}, {pipeline_mode = #tpu.pipeline_mode<synchronous>, transform_indices = @transform_2, window_bounds = array<i64: 64, 64>}, {pipeline_mode = #tpu.pipeline_mode<synchronous>, transform_indices = @transform_3, window_bounds = array<i64: 1, 64>}, {transform_indices = @transform_4, window_bounds = array<i64: 2000, 64>}]} {
    %get3A = arith.constant 0 : index
    %get3A_0 = arith.constant 0 : index
    %get3A_1 = arith.constant 0 : index
    %get3A_2 = vector.load %arg2[%get3A, %get3A_0, %get3A_1] : memref<2x2000x64xbf16, #tpu.memory_space<vmem>>, vector<2x2000x64xbf16>
    %convert_element_type3A = arith.extf %get3A_2 : vector<2x2000x64xbf16> to vector<2x2000x64xf32>
    %slice3A = vector.extract_strided_slice %convert_element_type3A {offsets = [0, 0, 0], sizes = [1, 2000, 64], strides = [1, 1, 1]} : vector<2x2000x64xf32> to vector<1x2000x64xf32>
    %squeeze3A = vector.shape_cast %slice3A : vector<1x2000x64xf32> to vector<2000x64xf32>
    %slice3A_3 = vector.extract_strided_slice %convert_element_type3A {offsets = [1, 0, 0], sizes = [1, 2000, 64], strides = [1, 1, 1]} : vector<2x2000x64xf32> to vector<1x2000x64xf32>
    %squeeze3A_4 = vector.shape_cast %slice3A_3 : vector<1x2000x64xf32> to vector<2000x64xf32>
    %add3A = arith.addf %squeeze3A, %squeeze3A_4 : vector<2000x64xf32>
    %mul3A = arith.constant 6.250000e-02 : f32
    %mul3A_5 = vector.broadcast %mul3A : f32 to vector<2000x64xf32>
    %mul3A_6 = arith.mulf %add3A, %mul3A_5 : vector<2000x64xf32>
    %get3A_7 = arith.constant 0 : index
    %get3A_8 = arith.constant 0 : index
    %get3A_9 = vector.load %arg3[%get3A_7, %get3A_8] : memref<64x64xf32, #tpu.memory_space<vmem>>, vector<64x64xf32>
    %dot_general3A = arith.constant dense<0.000000e+00> : vector<2000x64xf32>
    %dot_general3A_10 = tpu.matmul %mul3A_6, %get3A_9, %dot_general3A {dimension_numbers = #tpu.dot_dimension_numbers<[1], [0], [0], [1], [0, 0, 1, 1], [], []>, transpose_lhs_hint = false} : vector<2000x64xf32>, vector<64x64xf32>, vector<2000x64xf32> -> vector<2000x64xf32>
    %get3A_11 = arith.constant 0 : index
    %get3A_12 = arith.constant 0 : index
    %get3A_13 = vector.load %arg4[%get3A_11, %get3A_12] : memref<1x64xf32, #tpu.memory_space<vmem>>, vector<1x64xf32>
    %add3A_14 = vector.broadcast %get3A_13 : vector<1x64xf32> to vector<2000x64xf32>
    %add3A_15 = arith.addf %dot_general3A_10, %add3A_14 : vector<2000x64xf32>
    %max3A = arith.constant 0.000000e+00 : f32
    %max3A_16 = vector.broadcast %max3A : f32 to vector<2000x64xf32>
    %max3A_17 = arith.maximumf %add3A_15, %max3A_16 : vector<2000x64xf32>
    %get3A_18 = arith.constant 0 : index
    %get3A_19 = arith.constant 0 : index
    %get3A_20 = vector.load %arg1[%get3A_18, %get3A_19] : memref<2000x64xf32, #tpu.memory_space<vmem>>, vector<2000x64xf32>
    %add3A_21 = arith.addf %get3A_20, %max3A_17 : vector<2000x64xf32>
    %swap3A = arith.constant 0 : index
    %swap3A_22 = arith.constant 0 : index
    %swap3A_23 = vector.load %arg5[%swap3A, %swap3A_22] : memref<2000x64xf32, #tpu.memory_space<vmem>>, vector<2000x64xf32>
    tpu.vector_store %arg5[%swap3A, %swap3A_22], %add3A_21 {strides = array<i32>} : memref<2000x64xf32, #tpu.memory_space<vmem>>, vector<2000x64xf32>,
    return
  }
  func.func @transform_0(%arg0: i32) -> (i32, i32) {
    %c0_i32 = arith.constant 0 : i32
    %c0_i32_0 = arith.constant 0 : i32
    return %arg0, %c0_i32 : i32, i32
  }
  func.func @transform_1(%arg0: i32) -> (i32, i32, i32) {
    %c0_i32 = arith.constant 0 : i32
    %c0_i32_0 = arith.constant 0 : i32
    %c0_i32_1 = arith.constant 0 : i32
    return %c0_i32, %arg0, %c0_i32_0 : i32, i32, i32
  }
  func.func @transform_2(%arg0: i32) -> (i32, i32) {
    %c0_i32 = arith.constant 0 : i32
    %c0_i32_0 = arith.constant 0 : i32
    %c0_i32_1 = arith.constant 0 : i32
    return %c0_i32, %c0_i32_0 : i32, i32
  }
  func.func @transform_3(%arg0: i32) -> (i32, i32) {
    %c0_i32 = arith.constant 0 : i32
    %c0_i32_0 = arith.constant 0 : i32
    %c0_i32_1 = arith.constant 0 : i32
    return %c0_i32, %c0_i32_0 : i32, i32
  }
  func.func @transform_4(%arg0: i32) -> (i32, i32) {
    %c0_i32 = arith.constant 0 : i32
    %c0_i32_0 = arith.constant 0 : i32
    return %arg0, %c0_i32 : i32, i32
  }
}

</mosaic_0001>

<sc_bundles>
// kernel: kernel.5.cloned.1.call-start
scs
__scs_entry_jumppad:
0x0: {  	(pc) =	sbr.rel $0x88, $3  }
0x1: {  	(tag) =	ssettag $0x0;
	lr =	simm.s32 $0x1  }
0x2: {  	[smem:$0x3F98] =	sst lr;
	_ =	strace $0xD0000000  }
0x3: {  	_ = 	snop  }
0x4: {  	_ = 	snop  }
0x5: {  	_ = 	snop  }
0x6: {  	_ = 	snop  }
0x7: {  	_ = 	snop  }
__scs_overlays_trampoline_lowered:
0x8: {  	[smem:$0x3FA7] =	sst s0  }
0x9: {  	[smem:$0x3FA8] =	sst s1  }
0xa: {  	[smem:$0x3FA9] =	sst s2  }
0xb: {  	[smem:$0x3FAA] =	sst s3  }
0xc: {  	[smem:$0x3FAB] =	sst s4  }
0xd: {  	[smem:$0x3FAC] =	sst s5  }
0xe: {  	[smem:$0x3FAD] =	sst s6  }
0xf: {  	[smem:$0x3FAE] =	sst s7  }
0x10: {  	[smem:$0x3FAF] =	sst s8  }
0x11: {  	[smem:$0x3FB0] =	sst s9;
	s0 =	simm.s32 @!p0 $0x0  }
0x12: {  	s1 =	sld [smem:$0x3F96];
	s0 =	simm.s32 @p0 $0x1  }
0x13: {  	[smem:$0x3FB1] =	sst s0;
	s0 =	simm.s32 @!p1 $0x0  }
0x14: {  	s2 =	sld [smem:$0x3F95];
	s0 =	simm.s32 @p1 $0x1  }
0x15: {  	[smem:$0x3FB2] =	sst s0;
	s0 =	simm.s32 @!p2 $0x0  }
0x16: {  	s3 =	sld [smem:$0x3FDB];
	s0 =	simm.s32 @p2 $0x1  }
0x17: {  	s4 =	simm.s32 $0x1BF5;
	[smem:$0x3FB4] =	sst s0  }
0x18: {  	s0 =	sld [smem:$0x3F97];
	_ =	swait.ge [sflag:s4], $0x0  }
0x19: {  	s7 =	sld [smem:$0x3F98]  }
0x1a: {  	s8 =	sadd.s32 $0xFFFFE003, lr  }
0x1b: {  	s9 =	sadd.s32 $0xFFFFFEF7, lr;
	s5 =	simm.s32 $0xFFFFFFFF;
	p2 =	slt.u32 s8, $0xFFFFF086  }
0x1c: {  	p1 =	slt.u32 s9, $0xF7A;
	s5 =	simm.s32 @!p2 $0x0  }
0x1d: {  	s5 =	simm.s32 @p1 $0x1;
	p0 =	seq.s32 s7, s2  }
0x1e: {  	s7 =	smul.u32 @!p0 $0xF7A, s2;
	p2 =	seq.s32 @!p0 s5, $0x0  }
0x1f: {  	s9 =	smul.u32 $0xF7A, s1;
	s8 =	simm.s32 @!p0 $0x1BF5;
	p2 =	por !p2, p0  }
0x20: {  	[sflag:s8] =	ssyncset.s32 @!p0 $0xFFFFF086;
	s6 =	sadd.s32 @!p0 s3, s7;
	s7 =	simm.s32 @!p0 $0x108  }
0x21: {  	s3 =	sadd.s32 s3, s9;
	s6 =	sadd.s32 @!p0 $0x88, s6;
	s7 =	simm.s32 @p2 $0x1082  }
0x22: {  	[simem:s7], [sflag:s8] =	dma.local @!p0 [hbm:s6], $0xF7A  }
0x23: {  	s9 =	sor.u32 $0xD0000000, s2;
	s6 =	simm.s32 $0x108;
	_ =	swait.ge @!p0 [sflag:s8], $0x0  }
0x24: {  	s3 =	sadd.s32 $0x88, s3;
	s6 =	simm.s32 @!p1 $0x1082;
	[sflag:s4] =	ssyncset.s32 $0xFFFFF086  }
0x25: {  	[simem:s6], [sflag:s4] =	dma.local [hbm:s3], $0xF7A  }
0x26: {  	[smem:$0x3F98] =	sst s1;
	(tag) =	ssettag s2;
	_ =	strace s9  }
0x27: {  	s1 =	sld [smem:$0x3FA8]  }
0x28: {  	s2 =	sld [smem:$0x3FA9]  }
0x29: {  	s4 =	sld [smem:$0x3FAB]  }
0x2a: {  	p0 =	seq.s32 s5, $0x0;
	s5 =	sld [smem:$0x3FAC]  }
0x2b: {  	s6 =	sld [smem:$0x3FAD]  }
0x2c: {  	s7 =	sld [smem:$0x3FAE]  }
0x2d: {  	s3 =	simm.s32 $0x108;
	s8 =	sld [smem:$0x3FAF]  }
0x2e: {  	s3 =	simm.s32 @!p0 $0x1082;
	s9 =	sld [smem:$0x3FB0]  }
0x2f: {  	lr =	sadd.s32 s0, s3;
	s0 =	sld [smem:$0x3FA7]  }
0x30: {  	s3 =	sld [smem:$0x3FAA]  }
0x31: {  	[smem:$0x3FB3] =	sst s10  }
0x32: {  	s10 =	sld [smem:$0x3FB1];
	_ =	sdelay $0x3  }
0x33: {  	p0 =	seq.s32 s10, $0x1;
	s10 =	sld [smem:$0x3FB3];
	_ =	sdelay $0x3  }
0x34: {  	[smem:$0x3FB3] =	sst s10  }
0x35: {  	s10 =	sld [smem:$0x3FB2];
	_ =	sdelay $0x3  }
0x36: {  	p1 =	seq.s32 s10, $0x1;
	s10 =	sld [smem:$0x3FB3];
	_ =	sdelay $0x3  }
0x37: {  	[smem:$0x3FB3] =	sst s10  }
0x38: {  	s10 =	sld [smem:$0x3FB4]  }
0x39: {  	_ = 	snop;
	(pc) =	sbr.ind lr, $3  }
0x3a: {  	_ = 	snop  }
0x3b: {  	_ = 	snop  }
0x3c: {  	p2 =	seq.s32 s10, $0x1;
	s10 =	sld [smem:$0x3FB3]  }
0x3d: {  	_ =	shalt  }
0x3e: {  	_ =	shalt  }
0x3f: {  	_ =	shalt  }
0x40: {  	_ =	shalt  }
0x41: {  	_ =	shalt  }
0x42: {  	_ =	shalt  }
0x43: {  	_ =	shalt  }
0x44: {  	_ =	shalt  }
0x45: {  	_ =	shalt  }
0x46: {  	_ =	shalt  }
0x47: {  	_ =	shalt  }
0x48: {  	_ =	shalt  }
0x49: {  	_ =	shalt  }
0x4a: {  	_ =	shalt  }
0x4b: {  	_ =	shalt  }
0x4c: {  	_ =	shalt  }
0x4d: {  	_ =	shalt  }
0x4e: {  	_ =	shalt  }
0x4f: {  	_ =	shalt  }
0x50: {  	_ =	shalt  }
0x51: {  	_ =	shalt  }
0x52: {  	_ =	shalt  }
0x53: {  	_ =	shalt  }
0x54: {  	_ =	shalt  }
0x55: {  	_ =	shalt  }
0x56: {  	_ =	shalt  }
0x57: {  	_ =	shalt  }
0x58: {  	_ =	shalt  }
0x59: {  	_ =	shalt  }
0x5a: {  	_ =	shalt  }
0x5b: {  	_ =	shalt  }
0x5c: {  	_ =	shalt  }
0x5d: {  	_ =	shalt  }
0x5e: {  	_ =	shalt  }
0x5f: {  	_ =	shalt  }
0x60: {  	_ =	shalt  }
0x61: {  	_ =	shalt  }
0x62: {  	_ =	shalt  }
0x63: {  	_ =	shalt  }
0x64: {  	_ =	shalt  }
0x65: {  	_ =	shalt  }
0x66: {  	_ =	shalt  }
0x67: {  	_ =	shalt  }
0x68: {  	_ =	shalt  }
0x69: {  	_ =	shalt  }
0x6a: {  	_ =	shalt  }
0x6b: {  	_ =	shalt  }
0x6c: {  	_ =	shalt  }
0x6d: {  	_ =	shalt  }
0x6e: {  	_ =	shalt  }
0x6f: {  	_ =	shalt  }
0x70: {  	_ =	shalt  }
0x71: {  	_ =	shalt  }
0x72: {  	_ =	shalt  }
0x73: {  	_ =	shalt  }
0x74: {  	_ =	shalt  }
0x75: {  	_ =	shalt  }
0x76: {  	_ =	shalt  }
0x77: {  	_ =	shalt  }
0x78: {  	_ =	shalt  }
0x79: {  	_ =	shalt  }
0x7a: {  	_ =	shalt  }
0x7b: {  	_ =	shalt  }
0x7c: {  	_ =	shalt  }
0x7d: {  	_ =	shalt  }
0x7e: {  	_ =	shalt  }
0x7f: {  	_ =	shalt  }
0x80: {  	_ =	shalt  }
0x81: {  	_ =	shalt  }
0x82: {  	_ =	shalt  }
0x83: {  	_ =	shalt  }
0x84: {  	_ =	shalt  }
0x85: {  	_ =	shalt  }
0x86: {  	_ =	shalt  }
0x87: {  	_ =	shalt  }
.Lfunc_end0:
.L_simem_size_0:
called_computation_lowered:
.L_overlay_start_0:
0x88: {  	s2 =	sld [smem:$0x3FD9]  }
0x89: {  	s3 =	sld [smem:$0x3FFE];
	_ =	sdelay $0x1  }
0x8a: {  	s1 =	srdreg.scid  }
0x8b: {  	s0 =	sand.u32 $0x1, s1  }
0x8c: {  	s17 =	sshll.u32 s0, $0xA;
	s2 =	sadd.s32 s3, s2  }
0x8d: {  	s2 =	sadd.s32 s2, s17  }
0x8e: {  	[smem:$0x3FBF] =	sst s2  }
0x8f: {  	_ = 	snop  }
0x90: {  	s2 =	sld [smem:$0x3FD0];
	(tm) =	ssettm $0x1  }
0x91: {  	s18 =	sld [smem:$0x3FFB];
	_ =	sdelay $0x3  }
0x92: {  	_ =	strace s18  }
0x93: {  	s3 =	sld [smem:$0x3FFC];
	_ =	sdelay $0x3  }
0x94: {  	_ =	strace s3  }
0x95: {  	s3 =	sld [smem:$0x3FFD];
	_ =	sdelay $0x3  }
0x96: {  	_ =	strace s3  }
0x97: {  	_ =	strace $0x8FFFFFFF  }
0x98: {  	s19 =	sld [smem:$0x3FDB];
	_ =	sdelay $0x1  }
0x99: {  	s4 =	simm.s32 $_scs_section_size  }
0x9a: {  	s5 =	simm.s32 $_size__tile_overlayer_lowered;
	s6 =	simm.s32 $_tile_overlayer_lowered  }
0x9b: {  	s22 =	simm.s32 $0x1BFF;
	s21 =	sshll.u32 s6, $0x1;
	s3 =	sadd.s32 s4, s19  }
0x9c: {  	s7 =	simm.s32 $0x0;
	s20 =	sshll.u32 s5, $0x1;
	s5 =	sadd.s32 s21, s3  }
0x9d: {  	[timem:s7], [sflag:s22] =	dma.local [hbm:s5], s20  }
0x9e: {  	_ =	swait.ge [sflag:s22], s20  }
0x9f: {  	s4 =	ssub.s32 $0x0, s20;
	[sflag:s22] =	ssyncset.done $0x0  }
0xa0: {  	[sflag:s22] =	ssyncadd.s32 s4;
	_ =	sdelay $0x1  }
0xa1: {  	s23 =	simm.s32 $0x1B8B  }
0xa2: {  	_ =	swait.ge [sflag:s23], $0x1  }
0xa3: {  	[sflag:s23] =	ssyncset.done $0x0  }
0xa4: {  	s25 =	simm.s32 $0x1B8E;
	s24 =	sld [smem:$0x3FFE];
	[sflag:s23] =	ssyncadd.s32 $0xFFFFFFFF  }
0xa5: {  	s26 =	simm.s32 $execute0_lowered;
	[smem:$0x3FD2] =	sst s25  }
0xa6: {  	s5 =	sshll.u32 s26, $0x1;
	_ =	strace $0x80000046;
	[dreg:$0x1] =	wrdreg $0xFFFFFFFF  }
0xa7: {  	s28 =	simm.s32 $_size_execute0_lowered;
	s3 =	sadd.s32 s3, s5;
	[dreg:$0x0] =	wrdreg $0x0  }
0xa8: {  	s5 =	sshll.u32 s28, $0x1;
	[dreg:$0x2] =	wrdreg s3  }
0xa9: {  	[dreg:$0x3] =	wrdreg s5  }
0xaa: {  	[dreg:$0x4] =	wrdreg $0xC0  }
0xab: {  	_ =	task [dreg:s7], $0x5FFFF  }
0xac: {  	[dreg:$0x1] =	wrdreg $0xFFFFFFFF  }
0xad: {  	[dreg:$0x0] =	wrdreg $0x60  }
0xae: {  	[dreg:$0x2] =	wrdreg s24  }
0xaf: {  	[dreg:$0x3] =	wrdreg s2  }
0xb0: {  	[dreg:$0x4] =	wrdreg $0x0  }
0xb1: {  	[dreg:$0x5] =	wrdreg $0x9  }
0xb2: {  	_ =	task.clear_ibuf [dreg:s7], $0x6FFFF;
	_ =	strace $0x90000046  }
0xb3: {  	s29 =	simm.s32 $0x9;
	_ =	strace $0x80000048  }
0xb4: {  	_ =	swait.ge [sflag:s29], $0x1  }
0xb5: {  	[sflag:s29] =	ssyncadd.s32 $0xFFFFFFFF  }
0xb6: {  	_ =	strace $0x90000048  }
0xb7: {  	_ =	sfence  }
0xb8: {  	s30 =	sld [smem:$0x0];
	_ =	sdelay $0x2  }
0xb9: {  	s31 =	sshll.u32 s1, $0xD;
	s1 =	sshrl.u32 s1, $0x2  }
0xba: {  	s3 =	sand.u32 $0x4000, s31;
	s1 =	sadd.s32 s1, s30  }
0xbb: {  	s0 =	sor.u32 s3, s0;
	s1 =	sshll.u32 s1, $0x11  }
0xbc: {  	s0 =	sor.u32 s1, s0  }
0xbd: {  	s0 =	sadd.s32 $0x8F2B, s0  }
0xbe: {  	[sflag:s0] =	ssyncadd.remote.s32 $0x1  }
0xbf: {  	_ =	sfence.sel $0xFFFF  }
0xc0: {  	[dreg:$0x0] =	wrdreg $0xFFFFFFFF;
	(pc) =	sbr.abs _section_cstart, $3  }
0xc1: {  	[dreg:$0x1] =	wrdreg $0xFFFFFFFF  }
0xc2: {  	_ =	task.clear_ibuf [dreg:s7], $0x2FFFF;
	_ =	strace $0x9FFFFFFF  }
0xc3: {  	(tm) =	ssettm $0x7FFFFFFF  }
tec
execute0_lowered:
.L_overlay_start_1:
0x0: {  	(tag) =	ssettag $0x1  }
0x1: {  	s0 =	rddreg [dreg:$0x0]  }
0x2: {  	s1 =	rddreg [dreg:$0x1]  }
0x3: {  	s9 =	stileid.u32;
	s3 =	srdreg.scid  }
0x4: {  	s2 =	rddreg [dreg:$0x2];
	s15 =	simm.s32 $0x0;
	s4 =	smul.u32 $0xD000, s9  }
0x5: {  	s28 =	simm.s32 $0x194A0;
	s5 =	sand.u32 $0x1, s3;
	s6 =	smul.u32 $0xD00, s9  }
0x6: {  	[smem:$0x7FF] =	sst s15;
	s7 =	smul.u32 $0x61A80, s9;
	s10 =	sshll.u32 s9, $0x3  }
0x7: {  	s12 =	sshll.u32 s9, $0x6;
	_ =	strace $0x80000047;
	s19 =	sadd.s32 $0xC350, s10  }
0x8: {  	s14 =	sor.u32 $0x1C06, s12;
	s4 =	sshrl.u32 s4, $0x3;
	s13 =	sshll.u32 s19, $0x5  }
0x9: {  	[dreg:$0x5] =	wrdreg s14;
	s4 =	sadd.s32 s4, s0;
	s16 =	sadd.s32 s13, s2  }
0xa: {  	s8 =	smul.u32 $0xC35, s9;
	[dreg:$0x6] =	wrdreg s16;
	s17 =	sadd.s32 $0x1200, s4  }
0xb: {  	s3 =	smul.u32 $0xD000, s5;
	s18 =	sadd.s32 $0x1400, s4;
	[dreg:$0x7] =	wrdreg s17  }
0xc: {  	s7 =	sshrl.u32 s7, $0x2;
	s20 =	sadd.s32 $0x1600, s4;
	[dreg:$0x8] =	wrdreg s18  }
0xd: {  	s6 =	sadd.s32 s6, s3;
	s22 =	sadd.s32 $0x1800, s4;
	[dreg:$0x9] =	wrdreg s20  }
0xe: {  	s3 =	smul.u32 $0xC350, s5;
	s23 =	sadd.s32 $0x1A00, s4;
	[dreg:$0xb] =	wrdreg s22  }
0xf: {  	s5 =	ssub.s32 $0x2, s5;
	s24 =	sadd.s32 $0x1C00, s4;
	[dreg:$0xc] =	wrdreg s23  }
0x10: {  	s6 =	sshll.u32 s6, $0x2;
	s25 =	sadd.s32 $0x1E00, s4;
	[dreg:$0xd] =	wrdreg s24  }
0x11: {  	s26 =	sshrl.u32 s5, $0x1;
	s9 =	sadd.s32 $0x2600, s4;
	[dreg:$0xe] =	wrdreg s25  }
0x12: {  	s10 =	sadd.s32 $0x2800, s4;
	s0 =	sadd.s32 s6, s0;
	[dreg:$0x12] =	wrdreg s9  }
0x13: {  	s5 =	ssub.s32 s5, s26;
	s26 =	sadd.s32 $0x2000, s4;
	[dreg:$0x13] =	wrdreg s10  }
0x14: {  	s11 =	sadd.s32 s8, s3;
	s8 =	sadd.s32 $0x2400, s4;
	[dreg:$0xf] =	wrdreg s26  }
0x15: {  	s6 =	sadd.s32 s7, s2;
	s21 =	sadd.s32 $0x1B200, s0;
	[dreg:$0x11] =	wrdreg s8  }
0x16: {  	s7 =	sshll.u32 s11, $0x2;
	s11 =	sadd.s32 $0x2A00, s4;
	[dreg:$0xa] =	wrdreg s21  }
0x17: {  	s29 =	simm.s32 $0x195A0;
	s12 =	sadd.s32 $0x1B600, s0;
	[dreg:$0x14] =	wrdreg s11  }
0x18: {  	s30 =	simm.s32 $0x196A0;
	s13 =	sadd.s32 $0x1BA00, s0;
	[dreg:$0x15] =	wrdreg s12  }
0x19: {  	s31 =	simm.s32 $0x1A7A0;
	s14 =	sadd.s32 $0x1BE00, s0;
	[dreg:$0x16] =	wrdreg s13  }
0x1a: {  	s9 =	simm.s32 $0x187A0;
	s16 =	sadd.s32 $0x1C200, s0;
	[dreg:$0x17] =	wrdreg s14  }
0x1b: {  	s10 =	simm.s32 $0x1;
	s17 =	sadd.s32 $0x1C600, s0;
	[dreg:$0x18] =	wrdreg s16  }
0x1c: {  	s18 =	sadd.s32 $0x1CA00, s0;
	s20 =	sadd.s32 $0x1CE00, s0;
	[dreg:$0x19] =	wrdreg s17  }
0x1d: {  	s22 =	sadd.s32 $0x1D600, s0;
	s23 =	sadd.s32 $0x1DA00, s0;
	[dreg:$0x1a] =	wrdreg s18  }
0x1e: {  	s24 =	sadd.s32 $0x1DE00, s0;
	s25 =	smax.u32 s5, $0x1;
	[dreg:$0x1b] =	wrdreg s20  }
0x1f: {  	s26 =	sshrl.u32 s6, $0x3;
	s8 =	simm.s32 $0x6;
	[dreg:$0x1d] =	wrdreg s22  }
0x20: {  	s5 =	simm.s32 $0x5;
	s6 =	simm.s32 $0x4;
	[dreg:$0x1e] =	wrdreg s23  }
0x21: {  	s1 =	sadd.s32 s1, s7;
	s7 =	sadd.s32 $0x2200, s4;
	[dreg:$0x1f] =	wrdreg s24  }
0x22: {  	s21 =	sadd.s32 $0x1D200, s0;
	s0 =	sadd.s32 $0x1E200, s0;
	[smem:$0x7FC] =	sst s25  }
0x23: {  	[smem:$0x7FD] =	sst s26;
	s11 =	simm.s32 $0x100;
	s12 =	simm.s32 $0x1B7A0  }
0x24: {  	s13 =	simm.s32 $0x197A0;
	s14 =	simm.s32 $0x2;
	[dreg:$0x4] =	wrdreg s1  }
0x25: {  	s22 =	simm.s32 $0x18FA0;
	s23 =	simm.s32 $0x190A0;
	[dreg:$0x10] =	wrdreg s7  }
0x26: {  	s24 =	simm.s32 $0x191A0;
	s25 =	simm.s32 $0x192A0;
	[dreg:$0x1c] =	wrdreg s21  }
0x27: {  	s26 =	simm.s32 $0x193A0;
	[smem:$0x7FB] =	sst s0;
	s21 =	simm.s32 $0x18EA0  }
0x28: {  	v1 =	vimm.bf16 $0.0e+00;
	v0 =	vmov s3;
	s1 =	simm.s32 $0x1D7A0;
	s0 =	simm.s32 $0x3;
	s7 =	simm.s32 $0x0  }
.LBB2_1:
0x29: {  	s16 =	sld [smem:$0x7FD]  }
0x2a: {  	s3 =	rddreg [dreg:$0x4]  }
0x2b: {  	s4 =	rddreg [dreg:$0x5]  }
0x2c: {  	[spmem:s16], [sflag:s4] =	dma.local [hbm:s3], $0x30D4  }
0x2d: {  	_ =	swait.ge [sflag:s8], $0x30D4  }
0x2e: {  	[sflag:s8] =	ssyncset.done $0x0  }
0x2f: {  	[sflag:s8] =	ssyncadd.s32 $0xFFFFCF2C  }
0x30: {  	[tilespmem:$0x1F7A0] =	vst v1  }
0x31: {  	[tilespmem:$0x1F7B0] =	vst v1  }
0x32: {  	[tilespmem:$0x1F7C0] =	vst v1  }
0x33: {  	[tilespmem:$0x1F7D0] =	vst v1  }
0x34: {  	[tilespmem:$0x1F7E0] =	vst v1  }
0x35: {  	[tilespmem:$0x1F7F0] =	vst v1  }
0x36: {  	[tilespmem:$0x1F800] =	vst v1  }
0x37: {  	[tilespmem:$0x1F810] =	vst v1  }
0x38: {  	[tilespmem:$0x1F820] =	vst v1  }
0x39: {  	[tilespmem:$0x1F830] =	vst v1  }
0x3a: {  	[tilespmem:$0x1F840] =	vst v1  }
0x3b: {  	[tilespmem:$0x1F850] =	vst v1  }
0x3c: {  	[tilespmem:$0x1F860] =	vst v1  }
0x3d: {  	[tilespmem:$0x1F870] =	vst v1  }
0x3e: {  	[tilespmem:$0x1F880] =	vst v1  }
0x3f: {  	s16 =	simm.s32 $0x1F7A0;
	s4 =	rddreg [dreg:$0x6];
	[tilespmem:$0x1F890] =	vst v1  }
0x40: {  	[spmem:s4] =	stream.linear.scatter [tilespmem:s16], [sflag:$0x6], $0x100, $0x38;
	[tilespmem:$0x1F8A0] =	vst v63  }
0x41: {  	_ =	swait.ge [sflag:s8], $0x100  }
0x42: {  	[sflag:s8] =	ssyncset.done $0x0  }
0x43: {  	[sflag:s8] =	ssyncadd.s32 $0xFFFFFF00  }
0x44: {  	[bflag:$0x0] =	sbarrier.arrive $0xFFFF  }
0x45: {  	s17 =	rddreg [dreg:$0x7]  }
0x46: {  	[tilespmem:s9], [sflag:$0x1] =	stream.linear.gather [hbm4b:s17+s15], $0x1000, $0x38;
	[tilespmem:$0x1F8A0] =	vst v63  }
0x47: {  	s18 =	simm.s32 $0x0;
	_ =	swait.ge [sflag:s10], $0x1000  }
0x48: {  	s20 =	sand.u32 $0xF0, s15;
	s3 =	sand.u32 $0x3FFFFF00, s18;
	[sflag:s10] =	ssyncset.done $0x0  }
0x49: {  	s3 =	sor.u32 s20, s3;
	[sflag:s10] =	ssyncadd.s32 $0xFFFFF000  }
0x4a: {  	v3 =	vld [tilespmem:s3+$0x187A0];
	_ =	sdelay $0x4  }
0x4b: {  	p0 =	por $0x1, $0x1;
	v2 =	vsub.s32 v3, v0  }
0x4c: {  	s18 =	simm.s32 $0x10;
	s16 =	simm.s32 $0x10;
	s4 =	smov.u32 s19;
	vm0 =	vge.s32 v3, v0;
	vm1 =	vlt.s32 v2, $0xC350  }
0x4d: {  	s4 =	simm.s32 @!p0 $0xFFFFFFFF;
	s15 =	simm.s32 $0x1;
	s17 =	simm.s32 $0x2;
	vm0 =	vmand vm0, vm1  }
.LBB2_2:
0x4e: {  	p0 =	sne.s32 s17, $0xFF;
	s20 =	sand.u32 $0xF0, s16;
	s18 =	sand.u32 $0x3FFFFF00, s18;
	v2 =	vnsel vm0, s4, v2  }
0x4f: {  	[tilespmem:s3+$0x187A0] =	vst v2;
	s3 =	sor.u32 s20, s18  }
0x50: {  	v3 =	vld [tilespmem:s3+$0x187A0];
	_ =	sdelay $0x2  }
.Ltmp0:
0x51: {  	(pc) =	sbr.rel @p0 .LBB2_2-.Ltmp0, $4  }
0x52: {  	_ = 	snop  }
0x53: {  	s4 =	sshrl.u32 s15, $0x4;
	s15 =	smov.u32 s17;
	v2 =	vsub.s32 v3, v0  }
0x54: {  	s16 =	sadd.s32 $0x10, s16;
	p1 =	seq.s32 s4, $0x0;
	s4 =	smov.u32 s19;
	vm0 =	vge.s32 v3, v0;
	vm1 =	vlt.s32 v2, $0xC350  }
0x55: {  	s17 =	sadd.s32 $0x1, s17;
	s18 =	sshll.u32 s15, $0x4;
	s4 =	simm.s32 @!p1 $0xFFFFFFFF;
	vm0 =	vmand vm0, vm1  }
0x56: {  	s16 =	sand.u32 $0xF0, s16;
	s17 =	sand.u32 $0x3FFFFF00, s18;
	v2 =	vnsel vm0, s4, v2  }
0x57: {  	s20 =	sor.u32 s16, s17;
	[tilespmem:s3+$0x187A0] =	vst v2  }
0x58: {  	v2 =	vld [tilespmem:s20+$0x187A0];
	_ =	sdelay $0x4  }
0x59: {  	s15 =	sshrl.u32 s15, $0x4;
	v3 =	vsub.s32 v2, v0  }
0x5a: {  	p0 =	seq.s32 s15, $0x0;
	s3 =	smov.u32 s19;
	vm0 =	vge.s32 v2, v0;
	vm1 =	vlt.s32 v3, $0xC350  }
0x5b: {  	s3 =	simm.s32 @!p0 $0xFFFFFFFF;
	vm0 =	vmand vm0, vm1  }
0x5c: {  	v2 =	vnsel vm0, s3, v3  }
0x5d: {  	[tilespmem:s20+$0x187A0] =	vst v2  }
0x5e: {  	[tilespmem:s12], [sflag:$0x2] =	stream.indirect.gather [spmem:s2], $0x20, s9, s11, $0xb8;
	[tilespmem:$0x1F8A0] =	vst v63  }
0x5f: {  	s16 =	rddreg [dreg:$0x8];
	s3 =	simm.s32 $0x0  }
0x60: {  	[tilespmem:s13], [sflag:$0x1] =	stream.linear.gather [hbm4b:s16+s3], $0x1000, $0x38;
	[tilespmem:$0x1F8A0] =	vst v63  }
0x61: {  	_ =	swait.ge [sflag:s14], $0x2000  }
0x62: {  	[sflag:s14] =	ssyncset.done $0x0  }
0x63: {  	s17 =	simm.s32 $0x188A0;
	[sflag:s14] =	ssyncadd.s32 $0xFFFFE000;
	(ifvalue) =	ssetifvalue $0xFFFFFFFF  }
0x64: {  	[tilespmem:s12], [sflag:$0x3] =	stream.indirect.gather.add.bf16 [spmem:s2], $0x20, s17, s11, $0x40b8;
	[tilespmem:$0x1F8A0] =	vst v63  }
0x65: {  	s18 =	simm.s32 $0x189A0;
	(ifvalue) =	ssetifvalue $0xFFFFFFFF  }
0x66: {  	[tilespmem:s12], [sflag:$0x3] =	stream.indirect.gather.add.bf16 [spmem:s2], $0x20, s18, s11, $0x40b8;
	[tilespmem:$0x1F8A0] =	vst v63  }
0x67: {  	s20 =	simm.s32 $0x18AA0;
	(ifvalue) =	ssetifvalue $0xFFFFFFFF  }
0x68: {  	[tilespmem:s12], [sflag:$0x3] =	stream.indirect.gather.add.bf16 [spmem:s2], $0x20, s20, s11, $0x40b8;
	[tilespmem:$0x1F8A0] =	vst v63  }
0x69: {  	s15 =	simm.s32 $0x18BA0;
	(ifvalue) =	ssetifvalue $0xFFFFFFFF  }
0x6a: {  	[tilespmem:s12], [sflag:$0x3] =	stream.indirect.gather.add.bf16 [spmem:s2], $0x20, s15, s11, $0x40b8;
	[tilespmem:$0x1F8A0] =	vst v63  }
0x6b: {  	s16 =	simm.s32 $0x18CA0;
	(ifvalue) =	ssetifvalue $0xFFFFFFFF  }
0x6c: {  	[tilespmem:s12], [sflag:$0x3] =	stream.indirect.gather.add.bf16 [spmem:s2], $0x20, s16, s11, $0x40b8;
	[tilespmem:$0x1F8A0] =	vst v63  }
0x6d: {  	s17 =	simm.s32 $0x18DA0;
	(ifvalue) =	ssetifvalue $0xFFFFFFFF  }
0x6e: {  	[tilespmem:s12], [sflag:$0x3] =	stream.indirect.gather.add.bf16 [spmem:s2], $0x20, s17, s11, $0x40b8;
	[tilespmem:$0x1F8A0] =	vst v63  }
0x6f: {  	(ifvalue) =	ssetifvalue $0xFFFFFFFF  }
0x70: {  	[tilespmem:s12], [sflag:$0x3] =	stream.indirect.gather.add.bf16 [spmem:s2], $0x20, s21, s11, $0x40b8;
	[tilespmem:$0x1F8A0] =	vst v63  }
0x71: {  	(ifvalue) =	ssetifvalue $0xFFFFFFFF  }
0x72: {  	[tilespmem:s12], [sflag:$0x3] =	stream.indirect.gather.add.bf16 [spmem:s2], $0x20, s22, s11, $0x40b8;
	[tilespmem:$0x1F8A0] =	vst v63  }
0x73: {  	(ifvalue) =	ssetifvalue $0xFFFFFFFF  }
0x74: {  	[tilespmem:s12], [sflag:$0x3] =	stream.indirect.gather.add.bf16 [spmem:s2], $0x20, s23, s11, $0x40b8;
	[tilespmem:$0x1F8A0] =	vst v63  }
0x75: {  	(ifvalue) =	ssetifvalue $0xFFFFFFFF  }
0x76: {  	[tilespmem:s12], [sflag:$0x3] =	stream.indirect.gather.add.bf16 [spmem:s2], $0x20, s24, s11, $0x40b8;
	[tilespmem:$0x1F8A0] =	vst v63  }
0x77: {  	(ifvalue) =	ssetifvalue $0xFFFFFFFF  }
0x78: {  	[tilespmem:s12], [sflag:$0x3] =	stream.indirect.gather.add.bf16 [spmem:s2], $0x20, s25, s11, $0x40b8;
	[tilespmem:$0x1F8A0] =	vst v63  }
0x79: {  	(ifvalue) =	ssetifvalue $0xFFFFFFFF  }
0x7a: {  	[tilespmem:s12], [sflag:$0x3] =	stream.indirect.gather.add.bf16 [spmem:s2], $0x20, s26, s11, $0x40b8;
	[tilespmem:$0x1F8A0] =	vst v63  }
0x7b: {  	(ifvalue) =	ssetifvalue $0xFFFFFFFF  }
0x7c: {  	[tilespmem:s12], [sflag:$0x3] =	stream.indirect.gather.add.bf16 [spmem:s2], $0x20, s28, s11, $0x40b8;
	[tilespmem:$0x1F8A0] =	vst v63  }
0x7d: {  	(ifvalue) =	ssetifvalue $0xFFFFFFFF  }
0x7e: {  	[tilespmem:s12], [sflag:$0x3] =	stream.indirect.gather.add.bf16 [spmem:s2], $0x20, s29, s11, $0x40b8;
	[tilespmem:$0x1F8A0] =	vst v63  }
0x7f: {  	(ifvalue) =	ssetifvalue $0xFFFFFFFF  }
0x80: {  	[tilespmem:s12], [sflag:$0x3] =	stream.indirect.gather.add.bf16 [spmem:s2], $0x20, s30, s11, $0x40b8;
	[tilespmem:$0x1F8A0] =	vst v63  }
0x81: {  	s18 =	rddreg [dreg:$0x9]  }
0x82: {  	[tilespmem:s31], [sflag:$0x1] =	stream.linear.gather [hbm4b:s18+s3], $0x1000, $0x38;
	[tilespmem:$0x1F8A0] =	vst v63  }
0x83: {  	s20 =	simm.s32 $0x0;
	_ =	swait.ge [sflag:s10], $0x1000  }
0x84: {  	s4 =	sand.u32 $0x3FFFFF00, s20;
	s3 =	sand.u32 $0xF0, s3;
	[sflag:s10] =	ssyncset.done $0x0  }
0x85: {  	s3 =	sor.u32 s3, s4;
	[sflag:s10] =	ssyncadd.s32 $0xFFFFF000  }
0x86: {  	v3 =	vld [tilespmem:s3+$0x197A0];
	_ =	sdelay $0x4  }
0x87: {  	p0 =	por $0x1, $0x1;
	v2 =	vsub.s32 v3, v0  }
0x88: {  	s15 =	simm.s32 $0x1;
	s16 =	simm.s32 $0x10;
	s18 =	smov.u32 s19;
	vm0 =	vge.s32 v3, v0;
	vm1 =	vlt.s32 v2, $0xC350  }
0x89: {  	s17 =	simm.s32 $0x2;
	s4 =	simm.s32 $0x10;
	s18 =	simm.s32 @!p0 $0xFFFFFFFF;
	vm0 =	vmand vm0, vm1  }
.LBB2_4:
0x8a: {  	p0 =	sne.s32 s17, $0xFF;
	s20 =	sand.u32 $0xF0, s16;
	s4 =	sand.u32 $0x3FFFFF00, s4;
	v2 =	vnsel vm0, s18, v2  }
0x8b: {  	[tilespmem:s3+$0x197A0] =	vst v2;
	s3 =	sor.u32 s20, s4  }
0x8c: {  	v3 =	vld [tilespmem:s3+$0x197A0];
	_ =	sdelay $0x2  }
.Ltmp1:
0x8d: {  	(pc) =	sbr.rel @p0 .LBB2_4-.Ltmp1, $4  }
0x8e: {  	_ = 	snop  }
0x8f: {  	s4 =	sshrl.u32 s15, $0x4;
	s15 =	smov.u32 s17;
	v2 =	vsub.s32 v3, v0  }
0x90: {  	s16 =	sadd.s32 $0x10, s16;
	s18 =	smov.u32 s19;
	p1 =	seq.s32 s4, $0x0;
	vm0 =	vge.s32 v3, v0;
	vm1 =	vlt.s32 v2, $0xC350  }
0x91: {  	s17 =	sadd.s32 $0x1, s17;
	s4 =	sshll.u32 s15, $0x4;
	s18 =	simm.s32 @!p1 $0xFFFFFFFF;
	vm0 =	vmand vm0, vm1  }
0x92: {  	s16 =	sand.u32 $0xF0, s16;
	s4 =	sand.u32 $0x3FFFFF00, s4;
	v2 =	vnsel vm0, s18, v2  }
0x93: {  	s4 =	sor.u32 s16, s4;
	[tilespmem:s3+$0x197A0] =	vst v2  }
0x94: {  	v2 =	vld [tilespmem:s4+$0x197A0];
	_ =	sdelay $0x4  }
0x95: {  	s18 =	sshrl.u32 s15, $0x4;
	v3 =	vsub.s32 v2, v0  }
0x96: {  	p0 =	seq.s32 s18, $0x0;
	s3 =	smov.u32 s19;
	vm0 =	vge.s32 v2, v0;
	vm1 =	vlt.s32 v3, $0xC350  }
0x97: {  	s3 =	simm.s32 @!p0 $0xFFFFFFFF;
	vm0 =	vmand vm0, vm1  }
0x98: {  	v2 =	vnsel vm0, s3, v3  }
0x99: {  	[tilespmem:s4+$0x197A0] =	vst v2  }
0x9a: {  	[tilespmem:s1], [sflag:$0x2] =	stream.indirect.gather [spmem:s2], $0x20, s13, s11, $0xb8;
	[tilespmem:$0x1F8A0] =	vst v63  }
0x9b: {  	_ =	swait.ge [sflag:s14], $0x2000  }
0x9c: {  	[sflag:s14] =	ssyncset.done $0x0  }
0x9d: {  	s20 =	simm.s32 $0x198A0;
	[sflag:s14] =	ssyncadd.s32 $0xFFFFE000;
	(ifvalue) =	ssetifvalue $0xFFFFFFFF  }
0x9e: {  	[tilespmem:s1], [sflag:$0x4] =	stream.indirect.gather.add.bf16 [spmem:s2], $0x20, s20, s11, $0x40b8;
	[tilespmem:$0x1F8A0] =	vst v63  }
0x9f: {  	s4 =	simm.s32 $0x199A0;
	(ifvalue) =	ssetifvalue $0xFFFFFFFF  }
0xa0: {  	[tilespmem:s1], [sflag:$0x4] =	stream.indirect.gather.add.bf16 [spmem:s2], $0x20, s4, s11, $0x40b8;
	[tilespmem:$0x1F8A0] =	vst v63  }
0xa1: {  	s15 =	simm.s32 $0x19AA0;
	(ifvalue) =	ssetifvalue $0xFFFFFFFF  }
0xa2: {  	[tilespmem:s1], [sflag:$0x4] =	stream.indirect.gather.add.bf16 [spmem:s2], $0x20, s15, s11, $0x40b8;
	[tilespmem:$0x1F8A0] =	vst v63  }
0xa3: {  	s16 =	simm.s32 $0x19BA0;
	(ifvalue) =	ssetifvalue $0xFFFFFFFF  }
0xa4: {  	[tilespmem:s1], [sflag:$0x4] =	stream.indirect.gather.add.bf16 [spmem:s2], $0x20, s16, s11, $0x40b8;
	[tilespmem:$0x1F8A0] =	vst v63  }
0xa5: {  	s17 =	simm.s32 $0x19CA0;
	(ifvalue) =	ssetifvalue $0xFFFFFFFF  }
0xa6: {  	[tilespmem:s1], [sflag:$0x4] =	stream.indirect.gather.add.bf16 [spmem:s2], $0x20, s17, s11, $0x40b8;
	[tilespmem:$0x1F8A0] =	vst v63  }
0xa7: {  	s18 =	simm.s32 $0x19DA0;
	(ifvalue) =	ssetifvalue $0xFFFFFFFF  }
0xa8: {  	[tilespmem:s1], [sflag:$0x4] =	stream.indirect.gather.add.bf16 [spmem:s2], $0x20, s18, s11, $0x40b8;
	[tilespmem:$0x1F8A0] =	vst v63  }
0xa9: {  	s20 =	simm.s32 $0x19EA0;
	(ifvalue) =	ssetifvalue $0xFFFFFFFF  }
0xaa: {  	[tilespmem:s1], [sflag:$0x4] =	stream.indirect.gather.add.bf16 [spmem:s2], $0x20, s20, s11, $0x40b8;
	[tilespmem:$0x1F8A0] =	vst v63  }
0xab: {  	s4 =	simm.s32 $0x19FA0;
	(ifvalue) =	ssetifvalue $0xFFFFFFFF  }
0xac: {  	[tilespmem:s1], [sflag:$0x4] =	stream.indirect.gather.add.bf16 [spmem:s2], $0x20, s4, s11, $0x40b8;
	[tilespmem:$0x1F8A0] =	vst v63  }
0xad: {  	s15 =	simm.s32 $0x1A0A0;
	(ifvalue) =	ssetifvalue $0xFFFFFFFF  }
0xae: {  	[tilespmem:s1], [sflag:$0x4] =	stream.indirect.gather.add.bf16 [spmem:s2], $0x20, s15, s11, $0x40b8;
	[tilespmem:$0x1F8A0] =	vst v63  }
0xaf: {  	s16 =	simm.s32 $0x1A1A0;
	(ifvalue) =	ssetifvalue $0xFFFFFFFF  }
0xb0: {  	[tilespmem:s1], [sflag:$0x4] =	stream.indirect.gather.add.bf16 [spmem:s2], $0x20, s16, s11, $0x40b8;
	[tilespmem:$0x1F8A0] =	vst v63  }
0xb1: {  	s17 =	simm.s32 $0x1A2A0;
	(ifvalue) =	ssetifvalue $0xFFFFFFFF  }
0xb2: {  	[tilespmem:s1], [sflag:$0x4] =	stream.indirect.gather.add.bf16 [spmem:s2], $0x20, s17, s11, $0x40b8;
	[tilespmem:$0x1F8A0] =	vst v63  }
0xb3: {  	s18 =	simm.s32 $0x1A3A0;
	(ifvalue) =	ssetifvalue $0xFFFFFFFF  }
0xb4: {  	[tilespmem:s1], [sflag:$0x4] =	stream.indirect.gather.add.bf16 [spmem:s2], $0x20, s18, s11, $0x40b8;
	[tilespmem:$0x1F8A0] =	vst v63  }
0xb5: {  	s20 =	simm.s32 $0x1A4A0;
	(ifvalue) =	ssetifvalue $0xFFFFFFFF  }
0xb6: {  	[tilespmem:s1], [sflag:$0x4] =	stream.indirect.gather.add.bf16 [spmem:s2], $0x20, s20, s11, $0x40b8;
	[tilespmem:$0x1F8A0] =	vst v63  }
0xb7: {  	s4 =	simm.s32 $0x1A5A0;
	(ifvalue) =	ssetifvalue $0xFFFFFFFF  }
0xb8: {  	[tilespmem:s1], [sflag:$0x4] =	stream.indirect.gather.add.bf16 [spmem:s2], $0x20, s4, s11, $0x40b8;
	[tilespmem:$0x1F8A0] =	vst v63  }
0xb9: {  	s15 =	simm.s32 $0x1A6A0;
	(ifvalue) =	ssetifvalue $0xFFFFFFFF  }
0xba: {  	[tilespmem:s1], [sflag:$0x4] =	stream.indirect.gather.add.bf16 [spmem:s2], $0x20, s15, s11, $0x40b8;
	[tilespmem:$0x1F8A0] =	vst v63  }
0xbb: {  	_ =	swait.ge [sflag:s0], $0x2000  }
0xbc: {  	[sflag:s0] =	ssyncset.done $0x0  }
0xbd: {  	[sflag:s0] =	ssyncadd.s32 $0xFFFFE000  }
0xbe: {  	_ =	swait.ge [sflag:s0], $0x2000  }
0xbf: {  	[sflag:s0] =	ssyncset.done $0x0  }
0xc0: {  	[sflag:s0] =	ssyncadd.s32 $0xFFFFE000  }
0xc1: {  	_ =	swait.ge [sflag:s0], $0x2000  }
0xc2: {  	[sflag:s0] =	ssyncset.done $0x0  }
0xc3: {  	[sflag:s0] =	ssyncadd.s32 $0xFFFFE000  }
0xc4: {  	_ =	swait.ge [sflag:s0], $0x2000  }
0xc5: {  	[sflag:s0] =	ssyncset.done $0x0  }
0xc6: {  	[sflag:s0] =	ssyncadd.s32 $0xFFFFE000  }
0xc7: {  	_ =	swait.ge [sflag:s0], $0x2000  }
0xc8: {  	[sflag:s0] =	ssyncset.done $0x0  }
0xc9: {  	[sflag:s0] =	ssyncadd.s32 $0xFFFFE000  }
0xca: {  	_ =	swait.ge [sflag:s0], $0x2000  }
0xcb: {  	[sflag:s0] =	ssyncset.done $0x0  }
0xcc: {  	[sflag:s0] =	ssyncadd.s32 $0xFFFFE000  }
0xcd: {  	_ =	swait.ge [sflag:s0], $0x2000  }
0xce: {  	[sflag:s0] =	ssyncset.done $0x0  }
0xcf: {  	[sflag:s0] =	ssyncadd.s32 $0xFFFFE000  }
0xd0: {  	_ =	swait.ge [sflag:s0], $0x2000  }
0xd1: {  	[sflag:s0] =	ssyncset.done $0x0  }
0xd2: {  	[sflag:s0] =	ssyncadd.s32 $0xFFFFE000  }
0xd3: {  	_ =	swait.ge [sflag:s0], $0x2000  }
0xd4: {  	[sflag:s0] =	ssyncset.done $0x0  }
0xd5: {  	[sflag:s0] =	ssyncadd.s32 $0xFFFFE000  }
0xd6: {  	_ =	swait.ge [sflag:s0], $0x2000  }
0xd7: {  	[sflag:s0] =	ssyncset.done $0x0  }
0xd8: {  	[sflag:s0] =	ssyncadd.s32 $0xFFFFE000  }
0xd9: {  	_ =	swait.ge [sflag:s0], $0x2000  }
0xda: {  	[sflag:s0] =	ssyncset.done $0x0  }
0xdb: {  	[sflag:s0] =	ssyncadd.s32 $0xFFFFE000  }
0xdc: {  	_ =	swait.ge [sflag:s0], $0x2000  }
0xdd: {  	[sflag:s0] =	ssyncset.done $0x0  }
0xde: {  	[sflag:s0] =	ssyncadd.s32 $0xFFFFE000  }
0xdf: {  	_ =	swait.ge [sflag:s0], $0x2000  }
0xe0: {  	[sflag:s0] =	ssyncset.done $0x0  }
0xe1: {  	[sflag:s0] =	ssyncadd.s32 $0xFFFFE000  }
0xe2: {  	_ =	swait.ge [sflag:s0], $0x2000  }
0xe3: {  	[sflag:s0] =	ssyncset.done $0x0  }
0xe4: {  	[sflag:s0] =	ssyncadd.s32 $0xFFFFE000  }
0xe5: {  	_ =	swait.ge [sflag:s0], $0x2000  }
0xe6: {  	[sflag:s0] =	ssyncset.done $0x0  }
0xe7: {  	s16 =	simm.s32 $0x0;
	s17 =	rddreg [dreg:$0xa];
	[sflag:s0] =	ssyncadd.s32 $0xFFFFE000  }
0xe8: {  	[hbm4b:s17+s16] =	stream.linear.scatter [tilespmem:s12], [sflag:$0x5], $0x2000, $0x38;
	[tilespmem:$0x1F8A0] =	vst v63  }
0xe9: {  	_ =	swait.ge [sflag:s5], $0x2000  }
0xea: {  	[sflag:s5] =	ssyncset.done $0x0  }
0xeb: {  	s18 =	rddreg [dreg:$0xb];
	[sflag:s5] =	ssyncadd.s32 $0xFFFFE000  }
0xec: {  	[tilespmem:s9], [sflag:$0x1] =	stream.linear.gather [hbm4b:s18+s16], $0x1000, $0x38;
	[tilespmem:$0x1F8A0] =	vst v63  }
0xed: {  	s20 =	simm.s32 $0x0;
	_ =	swait.ge [sflag:s10], $0x1000  }
0xee: {  	s3 =	sand.u32 $0xF0, s16;
	s4 =	sand.u32 $0x3FFFFF00, s20;
	[sflag:s10] =	ssyncset.done $0x0  }
0xef: {  	s3 =	sor.u32 s3, s4;
	[sflag:s10] =	ssyncadd.s32 $0xFFFFF000  }
0xf0: {  	v3 =	vld [tilespmem:s3+$0x1A7A0];
	_ =	sdelay $0x4  }
0xf1: {  	p0 =	por $0x1, $0x1;
	v2 =	vsub.s32 v3, v0  }
0xf2: {  	s15 =	simm.s32 $0x1;
	s4 =	simm.s32 $0x10;
	s18 =	smov.u32 s19;
	vm0 =	vge.s32 v3, v0;
	vm1 =	vlt.s32 v2, $0xC350  }
0xf3: {  	s17 =	simm.s32 $0x2;
	s16 =	simm.s32 $0x10;
	s18 =	simm.s32 @!p0 $0xFFFFFFFF;
	vm0 =	vmand vm0, vm1  }
.LBB2_6:
0xf4: {  	p0 =	sne.s32 s17, $0xFF;
	s20 =	sand.u32 $0xF0, s16;
	s4 =	sand.u32 $0x3FFFFF00, s4;
	v2 =	vnsel vm0, s18, v2  }
0xf5: {  	[tilespmem:s3+$0x1A7A0] =	vst v2;
	s3 =	sor.u32 s20, s4  }
0xf6: {  	v3 =	vld [tilespmem:s3+$0x1A7A0];
	_ =	sdelay $0x2  }
.Ltmp2:
0xf7: {  	(pc) =	sbr.rel @p0 .LBB2_6-.Ltmp2, $4  }
0xf8: {  	_ = 	snop  }
0xf9: {  	s4 =	sshrl.u32 s15, $0x4;
	s15 =	smov.u32 s17;
	v2 =	vsub.s32 v3, v0  }
0xfa: {  	s16 =	sadd.s32 $0x10, s16;
	s18 =	smov.u32 s19;
	p1 =	seq.s32 s4, $0x0;
	vm0 =	vge.s32 v3, v0;
	vm1 =	vlt.s32 v2, $0xC350  }
0xfb: {  	s17 =	sadd.s32 $0x1, s17;
	s4 =	sshll.u32 s15, $0x4;
	s18 =	simm.s32 @!p1 $0xFFFFFFFF;
	vm0 =	vmand vm0, vm1  }
0xfc: {  	s16 =	sand.u32 $0xF0, s16;
	s4 =	sand.u32 $0x3FFFFF00, s4;
	v2 =	vnsel vm0, s18, v2  }
0xfd: {  	s4 =	sor.u32 s16, s4;
	[tilespmem:s3+$0x1A7A0] =	vst v2  }
0xfe: {  	v2 =	vld [tilespmem:s4+$0x1A7A0];
	_ =	sdelay $0x4  }
0xff: {  	s18 =	sshrl.u32 s15, $0x4;
	v3 =	vsub.s32 v2, v0  }
0x100: {  	p0 =	seq.s32 s18, $0x0;
	s3 =	smov.u32 s19;
	vm0 =	vge.s32 v2, v0;
	vm1 =	vlt.s32 v3, $0xC350  }
0x101: {  	s3 =	simm.s32 @!p0 $0xFFFFFFFF;
	vm0 =	vmand vm0, vm1  }
0x102: {  	v2 =	vnsel vm0, s3, v3  }
0x103: {  	[tilespmem:s4+$0x1A7A0] =	vst v2  }
0x104: {  	[tilespmem:s12], [sflag:$0x2] =	stream.indirect.gather [spmem:s2], $0x20, s31, s11, $0xb8;
	[tilespmem:$0x1F8A0] =	vst v63  }
0x105: {  	_ =	swait.ge [sflag:s14], $0x2000  }
0x106: {  	[sflag:s14] =	ssyncset.done $0x0  }
0x107: {  	s20 =	simm.s32 $0x1A8A0;
	[sflag:s14] =	ssyncadd.s32 $0xFFFFE000;
	(ifvalue) =	ssetifvalue $0xFFFFFFFF  }
0x108: {  	[tilespmem:s12], [sflag:$0x3] =	stream.indirect.gather.add.bf16 [spmem:s2], $0x20, s20, s11, $0x40b8;
	[tilespmem:$0x1F8A0] =	vst v63  }
0x109: {  	s4 =	simm.s32 $0x1A9A0;
	(ifvalue) =	ssetifvalue $0xFFFFFFFF  }
0x10a: {  	[tilespmem:s12], [sflag:$0x3] =	stream.indirect.gather.add.bf16 [spmem:s2], $0x20, s4, s11, $0x40b8;
	[tilespmem:$0x1F8A0] =	vst v63  }
0x10b: {  	s15 =	simm.s32 $0x1AAA0;
	(ifvalue) =	ssetifvalue $0xFFFFFFFF  }
0x10c: {  	[tilespmem:s12], [sflag:$0x3] =	stream.indirect.gather.add.bf16 [spmem:s2], $0x20, s15, s11, $0x40b8;
	[tilespmem:$0x1F8A0] =	vst v63  }
0x10d: {  	s16 =	simm.s32 $0x1ABA0;
	(ifvalue) =	ssetifvalue $0xFFFFFFFF  }
0x10e: {  	[tilespmem:s12], [sflag:$0x3] =	stream.indirect.gather.add.bf16 [spmem:s2], $0x20, s16, s11, $0x40b8;
	[tilespmem:$0x1F8A0] =	vst v63  }
0x10f: {  	s17 =	simm.s32 $0x1ACA0;
	(ifvalue) =	ssetifvalue $0xFFFFFFFF  }
0x110: {  	[tilespmem:s12], [sflag:$0x3] =	stream.indirect.gather.add.bf16 [spmem:s2], $0x20, s17, s11, $0x40b8;
	[tilespmem:$0x1F8A0] =	vst v63  }
0x111: {  	s18 =	simm.s32 $0x1ADA0;
	(ifvalue) =	ssetifvalue $0xFFFFFFFF  }
0x112: {  	[tilespmem:s12], [sflag:$0x3] =	stream.indirect.gather.add.bf16 [spmem:s2], $0x20, s18, s11, $0x40b8;
	[tilespmem:$0x1F8A0] =	vst v63  }
0x113: {  	s20 =	simm.s32 $0x1AEA0;
	(ifvalue) =	ssetifvalue $0xFFFFFFFF  }
0x114: {  	[tilespmem:s12], [sflag:$0x3] =	stream.indirect.gather.add.bf16 [spmem:s2], $0x20, s20, s11, $0x40b8;
	[tilespmem:$0x1F8A0] =	vst v63  }
0x115: {  	s4 =	simm.s32 $0x1AFA0;
	(ifvalue) =	ssetifvalue $0xFFFFFFFF  }
0x116: {  	[tilespmem:s12], [sflag:$0x3] =	stream.indirect.gather.add.bf16 [spmem:s2], $0x20, s4, s11, $0x40b8;
	[tilespmem:$0x1F8A0] =	vst v63  }
0x117: {  	s15 =	simm.s32 $0x1B0A0;
	(ifvalue) =	ssetifvalue $0xFFFFFFFF  }
0x118: {  	[tilespmem:s12], [sflag:$0x3] =	stream.indirect.gather.add.bf16 [spmem:s2], $0x20, s15, s11, $0x40b8;
	[tilespmem:$0x1F8A0] =	vst v63  }
0x119: {  	s16 =	simm.s32 $0x1B1A0;
	(ifvalue) =	ssetifvalue $0xFFFFFFFF  }
0x11a: {  	[tilespmem:s12], [sflag:$0x3] =	stream.indirect.gather.add.bf16 [spmem:s2], $0x20, s16, s11, $0x40b8;
	[tilespmem:$0x1F8A0] =	vst v63  }
0x11b: {  	s17 =	simm.s32 $0x1B2A0;
	(ifvalue) =	ssetifvalue $0xFFFFFFFF  }
0x11c: {  	[tilespmem:s12], [sflag:$0x3] =	stream.indirect.gather.add.bf16 [spmem:s2], $0x20, s17, s11, $0x40b8;
	[tilespmem:$0x1F8A0] =	vst v63  }
0x11d: {  	s18 =	simm.s32 $0x1B3A0;
	(ifvalue) =	ssetifvalue $0xFFFFFFFF  }
0x11e: {  	[tilespmem:s12], [sflag:$0x3] =	stream.indirect.gather.add.bf16 [spmem:s2], $0x20, s18, s11, $0x40b8;
	[tilespmem:$0x1F8A0] =	vst v63  }
0x11f: {  	s20 =	simm.s32 $0x1B4A0;
	(ifvalue) =	ssetifvalue $0xFFFFFFFF  }
0x120: {  	[tilespmem:s12], [sflag:$0x3] =	stream.indirect.gather.add.bf16 [spmem:s2], $0x20, s20, s11, $0x40b8;
	[tilespmem:$0x1F8A0] =	vst v63  }
0x121: {  	s4 =	simm.s32 $0x1B5A0;
	(ifvalue) =	ssetifvalue $0xFFFFFFFF  }
0x122: {  	[tilespmem:s12], [sflag:$0x3] =	stream.indirect.gather.add.bf16 [spmem:s2], $0x20, s4, s11, $0x40b8;
	[tilespmem:$0x1F8A0] =	vst v63  }
0x123: {  	s15 =	simm.s32 $0x1B6A0;
	(ifvalue) =	ssetifvalue $0xFFFFFFFF  }
0x124: {  	[tilespmem:s12], [sflag:$0x3] =	stream.indirect.gather.add.bf16 [spmem:s2], $0x20, s15, s11, $0x40b8;
	[tilespmem:$0x1F8A0] =	vst v63  }
0x125: {  	_ =	swait.ge [sflag:s6], $0x2000  }
0x126: {  	[sflag:s6] =	ssyncset.done $0x0  }
0x127: {  	[sflag:s6] =	ssyncadd.s32 $0xFFFFE000  }
0x128: {  	_ =	swait.ge [sflag:s6], $0x2000  }
0x129: {  	[sflag:s6] =	ssyncset.done $0x0  }
0x12a: {  	[sflag:s6] =	ssyncadd.s32 $0xFFFFE000  }
0x12b: {  	_ =	swait.ge [sflag:s6], $0x2000  }
0x12c: {  	[sflag:s6] =	ssyncset.done $0x0  }
0x12d: {  	[sflag:s6] =	ssyncadd.s32 $0xFFFFE000  }
0x12e: {  	_ =	swait.ge [sflag:s6], $0x2000  }
0x12f: {  	[sflag:s6] =	ssyncset.done $0x0  }
0x130: {  	[sflag:s6] =	ssyncadd.s32 $0xFFFFE000  }
0x131: {  	_ =	swait.ge [sflag:s6], $0x2000  }
0x132: {  	[sflag:s6] =	ssyncset.done $0x0  }
0x133: {  	[sflag:s6] =	ssyncadd.s32 $0xFFFFE000  }
0x134: {  	_ =	swait.ge [sflag:s6], $0x2000  }
0x135: {  	[sflag:s6] =	ssyncset.done $0x0  }
0x136: {  	[sflag:s6] =	ssyncadd.s32 $0xFFFFE000  }
0x137: {  	_ =	swait.ge [sflag:s6], $0x2000  }
0x138: {  	[sflag:s6] =	ssyncset.done $0x0  }
0x139: {  	[sflag:s6] =	ssyncadd.s32 $0xFFFFE000  }
0x13a: {  	_ =	swait.ge [sflag:s6], $0x2000  }
0x13b: {  	[sflag:s6] =	ssyncset.done $0x0  }
0x13c: {  	[sflag:s6] =	ssyncadd.s32 $0xFFFFE000  }
0x13d: {  	_ =	swait.ge [sflag:s6], $0x2000  }
0x13e: {  	[sflag:s6] =	ssyncset.done $0x0  }
0x13f: {  	[sflag:s6] =	ssyncadd.s32 $0xFFFFE000  }
0x140: {  	_ =	swait.ge [sflag:s6], $0x2000  }
0x141: {  	[sflag:s6] =	ssyncset.done $0x0  }
0x142: {  	[sflag:s6] =	ssyncadd.s32 $0xFFFFE000  }
0x143: {  	_ =	swait.ge [sflag:s6], $0x2000  }
0x144: {  	[sflag:s6] =	ssyncset.done $0x0  }
0x145: {  	[sflag:s6] =	ssyncadd.s32 $0xFFFFE000  }
0x146: {  	_ =	swait.ge [sflag:s6], $0x2000  }
0x147: {  	[sflag:s6] =	ssyncset.done $0x0  }
0x148: {  	[sflag:s6] =	ssyncadd.s32 $0xFFFFE000  }
0x149: {  	_ =	swait.ge [sflag:s6], $0x2000  }
0x14a: {  	[sflag:s6] =	ssyncset.done $0x0  }
0x14b: {  	[sflag:s6] =	ssyncadd.s32 $0xFFFFE000  }
0x14c: {  	_ =	swait.ge [sflag:s6], $0x2000  }
0x14d: {  	[sflag:s6] =	ssyncset.done $0x0  }
0x14e: {  	[sflag:s6] =	ssyncadd.s32 $0xFFFFE000  }
0x14f: {  	_ =	swait.ge [sflag:s6], $0x2000  }
0x150: {  	[sflag:s6] =	ssyncset.done $0x0  }
0x151: {  	s16 =	simm.s32 $0x0;
	s17 =	rddreg [dreg:$0x15];
	[sflag:s6] =	ssyncadd.s32 $0xFFFFE000  }
0x152: {  	[hbm4b:s17+s16] =	stream.linear.scatter [tilespmem:s1], [sflag:$0x5], $0x2000, $0x38;
	[tilespmem:$0x1F8A0] =	vst v63  }
0x153: {  	_ =	swait.ge [sflag:s5], $0x2000  }
0x154: {  	[sflag:s5] =	ssyncset.done $0x0  }
0x155: {  	s18 =	rddreg [dreg:$0xc];
	[sflag:s5] =	ssyncadd.s32 $0xFFFFE000  }
0x156: {  	[tilespmem:s13], [sflag:$0x1] =	stream.linear.gather [hbm4b:s18+s16], $0x1000, $0x38;
	[tilespmem:$0x1F8A0] =	vst v63  }
0x157: {  	s20 =	simm.s32 $0x0;
	_ =	swait.ge [sflag:s10], $0x1000  }
0x158: {  	s3 =	sand.u32 $0xF0, s16;
	s4 =	sand.u32 $0x3FFFFF00, s20;
	[sflag:s10] =	ssyncset.done $0x0  }
0x159: {  	s3 =	sor.u32 s3, s4;
	[sflag:s10] =	ssyncadd.s32 $0xFFFFF000  }
0x15a: {  	v3 =	vld [tilespmem:s3+$0x187A0];
	_ =	sdelay $0x4  }
0x15b: {  	p0 =	por $0x1, $0x1;
	v2 =	vsub.s32 v3, v0  }
0x15c: {  	s15 =	simm.s32 $0x1;
	s4 =	simm.s32 $0x10;
	s18 =	smov.u32 s19;
	vm0 =	vge.s32 v3, v0;
	vm1 =	vlt.s32 v2, $0xC350  }
0x15d: {  	s17 =	simm.s32 $0x2;
	s16 =	simm.s32 $0x10;
	s18 =	simm.s32 @!p0 $0xFFFFFFFF;
	vm0 =	vmand vm0, vm1  }
.LBB2_8:
0x15e: {  	p0 =	sne.s32 s17, $0xFF;
	s20 =	sand.u32 $0xF0, s16;
	s4 =	sand.u32 $0x3FFFFF00, s4;
	v2 =	vnsel vm0, s18, v2  }
0x15f: {  	[tilespmem:s3+$0x187A0] =	vst v2;
	s3 =	sor.u32 s20, s4  }
0x160: {  	v3 =	vld [tilespmem:s3+$0x187A0];
	_ =	sdelay $0x2  }
.Ltmp3:
0x161: {  	(pc) =	sbr.rel @p0 .LBB2_8-.Ltmp3, $4  }
0x162: {  	_ = 	snop  }
0x163: {  	s4 =	sshrl.u32 s15, $0x4;
	s15 =	smov.u32 s17;
	v2 =	vsub.s32 v3, v0  }
0x164: {  	s16 =	sadd.s32 $0x10, s16;
	s18 =	smov.u32 s19;
	p1 =	seq.s32 s4, $0x0;
	vm0 =	vge.s32 v3, v0;
	vm1 =	vlt.s32 v2, $0xC350  }
0x165: {  	s17 =	sadd.s32 $0x1, s17;
	s4 =	sshll.u32 s15, $0x4;
	s18 =	simm.s32 @!p1 $0xFFFFFFFF;
	vm0 =	vmand vm0, vm1  }
0x166: {  	s16 =	sand.u32 $0xF0, s16;
	s4 =	sand.u32 $0x3FFFFF00, s4;
	v2 =	vnsel vm0, s18, v2  }
0x167: {  	s4 =	sor.u32 s16, s4;
	[tilespmem:s3+$0x187A0] =	vst v2  }
0x168: {  	v2 =	vld [tilespmem:s4+$0x187A0];
	_ =	sdelay $0x4  }
0x169: {  	s15 =	sshrl.u32 s15, $0x4;
	v3 =	vsub.s32 v2, v0  }
0x16a: {  	p0 =	seq.s32 s15, $0x0;
	s3 =	smov.u32 s19;
	vm0 =	vge.s32 v2, v0;
	vm1 =	vlt.s32 v3, $0xC350  }
0x16b: {  	s3 =	simm.s32 @!p0 $0xFFFFFFFF;
	vm0 =	vmand vm0, vm1  }
0x16c: {  	v2 =	vnsel vm0, s3, v3  }
0x16d: {  	[tilespmem:s4+$0x187A0] =	vst v2  }
0x16e: {  	[tilespmem:s1], [sflag:$0x2] =	stream.indirect.gather [spmem:s2], $0x20, s9, s11, $0xb8;
	[tilespmem:$0x1F8A0] =	vst v63  }
0x16f: {  	_ =	swait.ge [sflag:s14], $0x2000  }
0x170: {  	[sflag:s14] =	ssyncset.done $0x0  }
0x171: {  	s16 =	simm.s32 $0x188A0;
	[sflag:s14] =	ssyncadd.s32 $0xFFFFE000;
	(ifvalue) =	ssetifvalue $0xFFFFFFFF  }
0x172: {  	[tilespmem:s1], [sflag:$0x4] =	stream.indirect.gather.add.bf16 [spmem:s2], $0x20, s16, s11, $0x40b8;
	[tilespmem:$0x1F8A0] =	vst v63  }
0x173: {  	s17 =	simm.s32 $0x189A0;
	(ifvalue) =	ssetifvalue $0xFFFFFFFF  }
0x174: {  	[tilespmem:s1], [sflag:$0x4] =	stream.indirect.gather.add.bf16 [spmem:s2], $0x20, s17, s11, $0x40b8;
	[tilespmem:$0x1F8A0] =	vst v63  }
0x175: {  	s18 =	simm.s32 $0x18AA0;
	(ifvalue) =	ssetifvalue $0xFFFFFFFF  }
0x176: {  	[tilespmem:s1], [sflag:$0x4] =	stream.indirect.gather.add.bf16 [spmem:s2], $0x20, s18, s11, $0x40b8;
	[tilespmem:$0x1F8A0] =	vst v63  }
0x177: {  	s20 =	simm.s32 $0x18BA0;
	(ifvalue) =	ssetifvalue $0xFFFFFFFF  }
0x178: {  	[tilespmem:s1], [sflag:$0x4] =	stream.indirect.gather.add.bf16 [spmem:s2], $0x20, s20, s11, $0x40b8;
	[tilespmem:$0x1F8A0] =	vst v63  }
0x179: {  	s4 =	simm.s32 $0x18CA0;
	(ifvalue) =	ssetifvalue $0xFFFFFFFF  }
0x17a: {  	[tilespmem:s1], [sflag:$0x4] =	stream.indirect.gather.add.bf16 [spmem:s2], $0x20, s4, s11, $0x40b8;
	[tilespmem:$0x1F8A0] =	vst v63  }
0x17b: {  	s15 =	simm.s32 $0x18DA0;
	(ifvalue) =	ssetifvalue $0xFFFFFFFF  }
0x17c: {  	[tilespmem:s1], [sflag:$0x4] =	stream.indirect.gather.add.bf16 [spmem:s2], $0x20, s15, s11, $0x40b8;
	[tilespmem:$0x1F8A0] =	vst v63  }
0x17d: {  	(ifvalue) =	ssetifvalue $0xFFFFFFFF  }
0x17e: {  	[tilespmem:s1], [sflag:$0x4] =	stream.indirect.gather.add.bf16 [spmem:s2], $0x20, s21, s11, $0x40b8;
	[tilespmem:$0x1F8A0] =	vst v63  }
0x17f: {  	(ifvalue) =	ssetifvalue $0xFFFFFFFF  }
0x180: {  	[tilespmem:s1], [sflag:$0x4] =	stream.indirect.gather.add.bf16 [spmem:s2], $0x20, s22, s11, $0x40b8;
	[tilespmem:$0x1F8A0] =	vst v63  }
0x181: {  	(ifvalue) =	ssetifvalue $0xFFFFFFFF  }
0x182: {  	[tilespmem:s1], [sflag:$0x4] =	stream.indirect.gather.add.bf16 [spmem:s2], $0x20, s23, s11, $0x40b8;
	[tilespmem:$0x1F8A0] =	vst v63  }
0x183: {  	(ifvalue) =	ssetifvalue $0xFFFFFFFF  }
0x184: {  	[tilespmem:s1], [sflag:$0x4] =	stream.indirect.gather.add.bf16 [spmem:s2], $0x20, s24, s11, $0x40b8;
	[tilespmem:$0x1F8A0] =	vst v63  }
0x185: {  	(ifvalue) =	ssetifvalue $0xFFFFFFFF  }
0x186: {  	[tilespmem:s1], [sflag:$0x4] =	stream.indirect.gather.add.bf16 [spmem:s2], $0x20, s25, s11, $0x40b8;
	[tilespmem:$0x1F8A0] =	vst v63  }
0x187: {  	(ifvalue) =	ssetifvalue $0xFFFFFFFF  }
0x188: {  	[tilespmem:s1], [sflag:$0x4] =	stream.indirect.gather.add.bf16 [spmem:s2], $0x20, s26, s11, $0x40b8;
	[tilespmem:$0x1F8A0] =	vst v63  }
0x189: {  	(ifvalue) =	ssetifvalue $0xFFFFFFFF  }
0x18a: {  	[tilespmem:s1], [sflag:$0x4] =	stream.indirect.gather.add.bf16 [spmem:s2], $0x20, s28, s11, $0x40b8;
	[tilespmem:$0x1F8A0] =	vst v63  }
0x18b: {  	(ifvalue) =	ssetifvalue $0xFFFFFFFF  }
0x18c: {  	[tilespmem:s1], [sflag:$0x4] =	stream.indirect.gather.add.bf16 [spmem:s2], $0x20, s29, s11, $0x40b8;
	[tilespmem:$0x1F8A0] =	vst v63  }
0x18d: {  	(ifvalue) =	ssetifvalue $0xFFFFFFFF  }
0x18e: {  	[tilespmem:s1], [sflag:$0x4] =	stream.indirect.gather.add.bf16 [spmem:s2], $0x20, s30, s11, $0x40b8;
	[tilespmem:$0x1F8A0] =	vst v63  }
0x18f: {  	_ =	swait.ge [sflag:s0], $0x2000  }
0x190: {  	[sflag:s0] =	ssyncset.done $0x0  }
0x191: {  	[sflag:s0] =	ssyncadd.s32 $0xFFFFE000  }
0x192: {  	_ =	swait.ge [sflag:s0], $0x2000  }
0x193: {  	[sflag:s0] =	ssyncset.done $0x0  }
0x194: {  	[sflag:s0] =	ssyncadd.s32 $0xFFFFE000  }
0x195: {  	_ =	swait.ge [sflag:s0], $0x2000  }
0x196: {  	[sflag:s0] =	ssyncset.done $0x0  }
0x197: {  	[sflag:s0] =	ssyncadd.s32 $0xFFFFE000  }
0x198: {  	_ =	swait.ge [sflag:s0], $0x2000  }
0x199: {  	[sflag:s0] =	ssyncset.done $0x0  }
0x19a: {  	[sflag:s0] =	ssyncadd.s32 $0xFFFFE000  }
0x19b: {  	_ =	swait.ge [sflag:s0], $0x2000  }
0x19c: {  	[sflag:s0] =	ssyncset.done $0x0  }
0x19d: {  	[sflag:s0] =	ssyncadd.s32 $0xFFFFE000  }
0x19e: {  	_ =	swait.ge [sflag:s0], $0x2000  }
0x19f: {  	[sflag:s0] =	ssyncset.done $0x0  }
0x1a0: {  	[sflag:s0] =	ssyncadd.s32 $0xFFFFE000  }
0x1a1: {  	_ =	swait.ge [sflag:s0], $0x2000  }
0x1a2: {  	[sflag:s0] =	ssyncset.done $0x0  }
0x1a3: {  	[sflag:s0] =	ssyncadd.s32 $0xFFFFE000  }
0x1a4: {  	_ =	swait.ge [sflag:s0], $0x2000  }
0x1a5: {  	[sflag:s0] =	ssyncset.done $0x0  }
0x1a6: {  	[sflag:s0] =	ssyncadd.s32 $0xFFFFE000  }
0x1a7: {  	_ =	swait.ge [sflag:s0], $0x2000  }
0x1a8: {  	[sflag:s0] =	ssyncset.done $0x0  }
0x1a9: {  	[sflag:s0] =	ssyncadd.s32 $0xFFFFE000  }
0x1aa: {  	_ =	swait.ge [sflag:s0], $0x2000  }
0x1ab: {  	[sflag:s0] =	ssyncset.done $0x0  }
0x1ac: {  	[sflag:s0] =	ssyncadd.s32 $0xFFFFE000  }
0x1ad: {  	_ =	swait.ge [sflag:s0], $0x2000  }
0x1ae: {  	[sflag:s0] =	ssyncset.done $0x0  }
0x1af: {  	[sflag:s0] =	ssyncadd.s32 $0xFFFFE000  }
0x1b0: {  	_ =	swait.ge [sflag:s0], $0x2000  }
0x1b1: {  	[sflag:s0] =	ssyncset.done $0x0  }
0x1b2: {  	[sflag:s0] =	ssyncadd.s32 $0xFFFFE000  }
0x1b3: {  	_ =	swait.ge [sflag:s0], $0x2000  }
0x1b4: {  	[sflag:s0] =	ssyncset.done $0x0  }
0x1b5: {  	[sflag:s0] =	ssyncadd.s32 $0xFFFFE000  }
0x1b6: {  	_ =	swait.ge [sflag:s0], $0x2000  }
0x1b7: {  	[sflag:s0] =	ssyncset.done $0x0  }
0x1b8: {  	[sflag:s0] =	ssyncadd.s32 $0xFFFFE000  }
0x1b9: {  	_ =	swait.ge [sflag:s0], $0x2000  }
0x1ba: {  	[sflag:s0] =	ssyncset.done $0x0  }
0x1bb: {  	s16 =	simm.s32 $0x0;
	s17 =	rddreg [dreg:$0x16];
	[sflag:s0] =	ssyncadd.s32 $0xFFFFE000  }
0x1bc: {  	[hbm4b:s17+s16] =	stream.linear.scatter [tilespmem:s12], [sflag:$0x5], $0x2000, $0x38;
	[tilespmem:$0x1F8A0] =	vst v63  }
0x1bd: {  	_ =	swait.ge [sflag:s5], $0x2000  }
0x1be: {  	[sflag:s5] =	ssyncset.done $0x0  }
0x1bf: {  	s18 =	rddreg [dreg:$0xd];
	[sflag:s5] =	ssyncadd.s32 $0xFFFFE000  }
0x1c0: {  	[tilespmem:s31], [sflag:$0x1] =	stream.linear.gather [hbm4b:s18+s16], $0x1000, $0x38;
	[tilespmem:$0x1F8A0] =	vst v63  }
0x1c1: {  	s20 =	simm.s32 $0x0;
	_ =	swait.ge [sflag:s10], $0x1000  }
0x1c2: {  	s3 =	sand.u32 $0xF0, s16;
	s4 =	sand.u32 $0x3FFFFF00, s20;
	[sflag:s10] =	ssyncset.done $0x0  }
0x1c3: {  	s3 =	sor.u32 s3, s4;
	[sflag:s10] =	ssyncadd.s32 $0xFFFFF000  }
0x1c4: {  	v3 =	vld [tilespmem:s3+$0x197A0];
	_ =	sdelay $0x4  }
0x1c5: {  	p0 =	por $0x1, $0x1;
	v2 =	vsub.s32 v3, v0  }
0x1c6: {  	s15 =	simm.s32 $0x1;
	s4 =	simm.s32 $0x10;
	s18 =	smov.u32 s19;
	vm0 =	vge.s32 v3, v0;
	vm1 =	vlt.s32 v2, $0xC350  }
0x1c7: {  	s17 =	simm.s32 $0x2;
	s16 =	simm.s32 $0x10;
	s18 =	simm.s32 @!p0 $0xFFFFFFFF;
	vm0 =	vmand vm0, vm1  }
.LBB2_10:
0x1c8: {  	p0 =	sne.s32 s17, $0xFF;
	s20 =	sand.u32 $0xF0, s16;
	s4 =	sand.u32 $0x3FFFFF00, s4;
	v2 =	vnsel vm0, s18, v2  }
0x1c9: {  	[tilespmem:s3+$0x197A0] =	vst v2;
	s3 =	sor.u32 s20, s4  }
0x1ca: {  	v3 =	vld [tilespmem:s3+$0x197A0];
	_ =	sdelay $0x2  }
.Ltmp4:
0x1cb: {  	(pc) =	sbr.rel @p0 .LBB2_10-.Ltmp4, $4  }
0x1cc: {  	_ = 	snop  }
0x1cd: {  	s4 =	sshrl.u32 s15, $0x4;
	s15 =	smov.u32 s17;
	v2 =	vsub.s32 v3, v0  }
0x1ce: {  	s16 =	sadd.s32 $0x10, s16;
	s18 =	smov.u32 s19;
	p1 =	seq.s32 s4, $0x0;
	vm0 =	vge.s32 v3, v0;
	vm1 =	vlt.s32 v2, $0xC350  }
0x1cf: {  	s17 =	sadd.s32 $0x1, s17;
	s4 =	sshll.u32 s15, $0x4;
	s18 =	simm.s32 @!p1 $0xFFFFFFFF;
	vm0 =	vmand vm0, vm1  }
0x1d0: {  	s16 =	sand.u32 $0xF0, s16;
	s4 =	sand.u32 $0x3FFFFF00, s4;
	v2 =	vnsel vm0, s18, v2  }
0x1d1: {  	s4 =	sor.u32 s16, s4;
	[tilespmem:s3+$0x197A0] =	vst v2  }
0x1d2: {  	v2 =	vld [tilespmem:s4+$0x197A0];
	_ =	sdelay $0x4  }
0x1d3: {  	s18 =	sshrl.u32 s15, $0x4;
	v3 =	vsub.s32 v2, v0  }
0x1d4: {  	p0 =	seq.s32 s18, $0x0;
	s3 =	smov.u32 s19;
	vm0 =	vge.s32 v2, v0;
	vm1 =	vlt.s32 v3, $0xC350  }
0x1d5: {  	s3 =	simm.s32 @!p0 $0xFFFFFFFF;
	vm0 =	vmand vm0, vm1  }
0x1d6: {  	v2 =	vnsel vm0, s3, v3  }
0x1d7: {  	[tilespmem:s4+$0x197A0] =	vst v2  }
0x1d8: {  	[tilespmem:s12], [sflag:$0x2] =	stream.indirect.gather [spmem:s2], $0x20, s13, s11, $0xb8;
	[tilespmem:$0x1F8A0] =	vst v63  }
0x1d9: {  	_ =	swait.ge [sflag:s14], $0x2000  }
0x1da: {  	[sflag:s14] =	ssyncset.done $0x0  }
0x1db: {  	s20 =	simm.s32 $0x198A0;
	[sflag:s14] =	ssyncadd.s32 $0xFFFFE000;
	(ifvalue) =	ssetifvalue $0xFFFFFFFF  }
0x1dc: {  	[tilespmem:s12], [sflag:$0x3] =	stream.indirect.gather.add.bf16 [spmem:s2], $0x20, s20, s11, $0x40b8;
	[tilespmem:$0x1F8A0] =	vst v63  }
0x1dd: {  	s4 =	simm.s32 $0x199A0;
	(ifvalue) =	ssetifvalue $0xFFFFFFFF  }
0x1de: {  	[tilespmem:s12], [sflag:$0x3] =	stream.indirect.gather.add.bf16 [spmem:s2], $0x20, s4, s11, $0x40b8;
	[tilespmem:$0x1F8A0] =	vst v63  }
0x1df: {  	s15 =	simm.s32 $0x19AA0;
	(ifvalue) =	ssetifvalue $0xFFFFFFFF  }
0x1e0: {  	[tilespmem:s12], [sflag:$0x3] =	stream.indirect.gather.add.bf16 [spmem:s2], $0x20, s15, s11, $0x40b8;
	[tilespmem:$0x1F8A0] =	vst v63  }
0x1e1: {  	s16 =	simm.s32 $0x19BA0;
	(ifvalue) =	ssetifvalue $0xFFFFFFFF  }
0x1e2: {  	[tilespmem:s12], [sflag:$0x3] =	stream.indirect.gather.add.bf16 [spmem:s2], $0x20, s16, s11, $0x40b8;
	[tilespmem:$0x1F8A0] =	vst v63  }
0x1e3: {  	s17 =	simm.s32 $0x19CA0;
	(ifvalue) =	ssetifvalue $0xFFFFFFFF  }
0x1e4: {  	[tilespmem:s12], [sflag:$0x3] =	stream.indirect.gather.add.bf16 [spmem:s2], $0x20, s17, s11, $0x40b8;
	[tilespmem:$0x1F8A0] =	vst v63  }
0x1e5: {  	s18 =	simm.s32 $0x19DA0;
	(ifvalue) =	ssetifvalue $0xFFFFFFFF  }
0x1e6: {  	[tilespmem:s12], [sflag:$0x3] =	stream.indirect.gather.add.bf16 [spmem:s2], $0x20, s18, s11, $0x40b8;
	[tilespmem:$0x1F8A0] =	vst v63  }
0x1e7: {  	s20 =	simm.s32 $0x19EA0;
	(ifvalue) =	ssetifvalue $0xFFFFFFFF  }
0x1e8: {  	[tilespmem:s12], [sflag:$0x3] =	stream.indirect.gather.add.bf16 [spmem:s2], $0x20, s20, s11, $0x40b8;
	[tilespmem:$0x1F8A0] =	vst v63  }
0x1e9: {  	s4 =	simm.s32 $0x19FA0;
	(ifvalue) =	ssetifvalue $0xFFFFFFFF  }
0x1ea: {  	[tilespmem:s12], [sflag:$0x3] =	stream.indirect.gather.add.bf16 [spmem:s2], $0x20, s4, s11, $0x40b8;
	[tilespmem:$0x1F8A0] =	vst v63  }
0x1eb: {  	s15 =	simm.s32 $0x1A0A0;
	(ifvalue) =	ssetifvalue $0xFFFFFFFF  }
0x1ec: {  	[tilespmem:s12], [sflag:$0x3] =	stream.indirect.gather.add.bf16 [spmem:s2], $0x20, s15, s11, $0x40b8;
	[tilespmem:$0x1F8A0] =	vst v63  }
0x1ed: {  	s16 =	simm.s32 $0x1A1A0;
	(ifvalue) =	ssetifvalue $0xFFFFFFFF  }
0x1ee: {  	[tilespmem:s12], [sflag:$0x3] =	stream.indirect.gather.add.bf16 [spmem:s2], $0x20, s16, s11, $0x40b8;
	[tilespmem:$0x1F8A0] =	vst v63  }
0x1ef: {  	s17 =	simm.s32 $0x1A2A0;
	(ifvalue) =	ssetifvalue $0xFFFFFFFF  }
0x1f0: {  	[tilespmem:s12], [sflag:$0x3] =	stream.indirect.gather.add.bf16 [spmem:s2], $0x20, s17, s11, $0x40b8;
	[tilespmem:$0x1F8A0] =	vst v63  }
0x1f1: {  	s18 =	simm.s32 $0x1A3A0;
	(ifvalue) =	ssetifvalue $0xFFFFFFFF  }
0x1f2: {  	[tilespmem:s12], [sflag:$0x3] =	stream.indirect.gather.add.bf16 [spmem:s2], $0x20, s18, s11, $0x40b8;
	[tilespmem:$0x1F8A0] =	vst v63  }
0x1f3: {  	s20 =	simm.s32 $0x1A4A0;
	(ifvalue) =	ssetifvalue $0xFFFFFFFF  }
0x1f4: {  	[tilespmem:s12], [sflag:$0x3] =	stream.indirect.gather.add.bf16 [spmem:s2], $0x20, s20, s11, $0x40b8;
	[tilespmem:$0x1F8A0] =	vst v63  }
0x1f5: {  	s4 =	simm.s32 $0x1A5A0;
	(ifvalue) =	ssetifvalue $0xFFFFFFFF  }
0x1f6: {  	[tilespmem:s12], [sflag:$0x3] =	stream.indirect.gather.add.bf16 [spmem:s2], $0x20, s4, s11, $0x40b8;
	[tilespmem:$0x1F8A0] =	vst v63  }
0x1f7: {  	s15 =	simm.s32 $0x1A6A0;
	(ifvalue) =	ssetifvalue $0xFFFFFFFF  }
0x1f8: {  	[tilespmem:s12], [sflag:$0x3] =	stream.indirect.gather.add.bf16 [spmem:s2], $0x20, s15, s11, $0x40b8;
	[tilespmem:$0x1F8A0] =	vst v63  }
0x1f9: {  	_ =	swait.ge [sflag:s6], $0x2000  }
0x1fa: {  	[sflag:s6] =	ssyncset.done $0x0  }
0x1fb: {  	[sflag:s6] =	ssyncadd.s32 $0xFFFFE000  }
0x1fc: {  	_ =	swait.ge [sflag:s6], $0x2000  }
0x1fd: {  	[sflag:s6] =	ssyncset.done $0x0  }
0x1fe: {  	[sflag:s6] =	ssyncadd.s32 $0xFFFFE000  }
0x1ff: {  	_ =	swait.ge [sflag:s6], $0x2000  }
0x200: {  	[sflag:s6] =	ssyncset.done $0x0  }
0x201: {  	[sflag:s6] =	ssyncadd.s32 $0xFFFFE000  }
0x202: {  	_ =	swait.ge [sflag:s6], $0x2000  }
0x203: {  	[sflag:s6] =	ssyncset.done $0x0  }
0x204: {  	[sflag:s6] =	ssyncadd.s32 $0xFFFFE000  }
0x205: {  	_ =	swait.ge [sflag:s6], $0x2000  }
0x206: {  	[sflag:s6] =	ssyncset.done $0x0  }
0x207: {  	[sflag:s6] =	ssyncadd.s32 $0xFFFFE000  }
0x208: {  	_ =	swait.ge [sflag:s6], $0x2000  }
0x209: {  	[sflag:s6] =	ssyncset.done $0x0  }
0x20a: {  	[sflag:s6] =	ssyncadd.s32 $0xFFFFE000  }
0x20b: {  	_ =	swait.ge [sflag:s6], $0x2000  }
0x20c: {  	[sflag:s6] =	ssyncset.done $0x0  }
0x20d: {  	[sflag:s6] =	ssyncadd.s32 $0xFFFFE000  }
0x20e: {  	_ =	swait.ge [sflag:s6], $0x2000  }
0x20f: {  	[sflag:s6] =	ssyncset.done $0x0  }
0x210: {  	[sflag:s6] =	ssyncadd.s32 $0xFFFFE000  }
0x211: {  	_ =	swait.ge [sflag:s6], $0x2000  }
0x212: {  	[sflag:s6] =	ssyncset.done $0x0  }
0x213: {  	[sflag:s6] =	ssyncadd.s32 $0xFFFFE000  }
0x214: {  	_ =	swait.ge [sflag:s6], $0x2000  }
0x215: {  	[sflag:s6] =	ssyncset.done $0x0  }
0x216: {  	[sflag:s6] =	ssyncadd.s32 $0xFFFFE000  }
0x217: {  	_ =	swait.ge [sflag:s6], $0x2000  }
0x218: {  	[sflag:s6] =	ssyncset.done $0x0  }
0x219: {  	[sflag:s6] =	ssyncadd.s32 $0xFFFFE000  }
0x21a: {  	_ =	swait.ge [sflag:s6], $0x2000  }
0x21b: {  	[sflag:s6] =	ssyncset.done $0x0  }
0x21c: {  	[sflag:s6] =	ssyncadd.s32 $0xFFFFE000  }
0x21d: {  	_ =	swait.ge [sflag:s6], $0x2000  }
0x21e: {  	[sflag:s6] =	ssyncset.done $0x0  }
0x21f: {  	[sflag:s6] =	ssyncadd.s32 $0xFFFFE000  }
0x220: {  	_ =	swait.ge [sflag:s6], $0x2000  }
0x221: {  	[sflag:s6] =	ssyncset.done $0x0  }
0x222: {  	[sflag:s6] =	ssyncadd.s32 $0xFFFFE000  }
0x223: {  	_ =	swait.ge [sflag:s6], $0x2000  }
0x224: {  	[sflag:s6] =	ssyncset.done $0x0  }
0x225: {  	s16 =	simm.s32 $0x0;
	s17 =	rddreg [dreg:$0x17];
	[sflag:s6] =	ssyncadd.s32 $0xFFFFE000  }
0x226: {  	[hbm4b:s17+s16] =	stream.linear.scatter [tilespmem:s1], [sflag:$0x5], $0x2000, $0x38;
	[tilespmem:$0x1F8A0] =	vst v63  }
0x227: {  	_ =	swait.ge [sflag:s5], $0x2000  }
0x228: {  	[sflag:s5] =	ssyncset.done $0x0  }
0x229: {  	s18 =	rddreg [dreg:$0xe];
	[sflag:s5] =	ssyncadd.s32 $0xFFFFE000  }
0x22a: {  	[tilespmem:s9], [sflag:$0x1] =	stream.linear.gather [hbm4b:s18+s16], $0x1000, $0x38;
	[tilespmem:$0x1F8A0] =	vst v63  }
0x22b: {  	s20 =	simm.s32 $0x0;
	_ =	swait.ge [sflag:s10], $0x1000  }
0x22c: {  	s3 =	sand.u32 $0xF0, s16;
	s4 =	sand.u32 $0x3FFFFF00, s20;
	[sflag:s10] =	ssyncset.done $0x0  }
0x22d: {  	s3 =	sor.u32 s3, s4;
	[sflag:s10] =	ssyncadd.s32 $0xFFFFF000  }
0x22e: {  	v3 =	vld [tilespmem:s3+$0x1A7A0];
	_ =	sdelay $0x4  }
0x22f: {  	p0 =	por $0x1, $0x1;
	v2 =	vsub.s32 v3, v0  }
0x230: {  	s15 =	simm.s32 $0x1;
	s4 =	simm.s32 $0x10;
	s18 =	smov.u32 s19;
	vm0 =	vge.s32 v3, v0;
	vm1 =	vlt.s32 v2, $0xC350  }
0x231: {  	s17 =	simm.s32 $0x2;
	s16 =	simm.s32 $0x10;
	s18 =	simm.s32 @!p0 $0xFFFFFFFF;
	vm0 =	vmand vm0, vm1  }
.LBB2_12:
0x232: {  	p0 =	sne.s32 s17, $0xFF;
	s20 =	sand.u32 $0xF0, s16;
	s4 =	sand.u32 $0x3FFFFF00, s4;
	v2 =	vnsel vm0, s18, v2  }
0x233: {  	[tilespmem:s3+$0x1A7A0] =	vst v2;
	s3 =	sor.u32 s20, s4  }
0x234: {  	v3 =	vld [tilespmem:s3+$0x1A7A0];
	_ =	sdelay $0x2  }
.Ltmp5:
0x235: {  	(pc) =	sbr.rel @p0 .LBB2_12-.Ltmp5, $4  }
0x236: {  	_ = 	snop  }
0x237: {  	s4 =	sshrl.u32 s15, $0x4;
	s15 =	smov.u32 s17;
	v2 =	vsub.s32 v3, v0  }
0x238: {  	s16 =	sadd.s32 $0x10, s16;
	s18 =	smov.u32 s19;
	p1 =	seq.s32 s4, $0x0;
	vm0 =	vge.s32 v3, v0;
	vm1 =	vlt.s32 v2, $0xC350  }
0x239: {  	s17 =	sadd.s32 $0x1, s17;
	s4 =	sshll.u32 s15, $0x4;
	s18 =	simm.s32 @!p1 $0xFFFFFFFF;
	vm0 =	vmand vm0, vm1  }
0x23a: {  	s16 =	sand.u32 $0xF0, s16;
	s4 =	sand.u32 $0x3FFFFF00, s4;
	v2 =	vnsel vm0, s18, v2  }
0x23b: {  	s4 =	sor.u32 s16, s4;
	[tilespmem:s3+$0x1A7A0] =	vst v2  }
0x23c: {  	v2 =	vld [tilespmem:s4+$0x1A7A0];
	_ =	sdelay $0x4  }
0x23d: {  	s18 =	sshrl.u32 s15, $0x4;
	v3 =	vsub.s32 v2, v0  }
0x23e: {  	p0 =	seq.s32 s18, $0x0;
	s3 =	smov.u32 s19;
	vm0 =	vge.s32 v2, v0;
	vm1 =	vlt.s32 v3, $0xC350  }
0x23f: {  	s3 =	simm.s32 @!p0 $0xFFFFFFFF;
	vm0 =	vmand vm0, vm1  }
0x240: {  	v2 =	vnsel vm0, s3, v3  }
0x241: {  	[tilespmem:s4+$0x1A7A0] =	vst v2  }
0x242: {  	[tilespmem:s1], [sflag:$0x2] =	stream.indirect.gather [spmem:s2], $0x20, s31, s11, $0xb8;
	[tilespmem:$0x1F8A0] =	vst v63  }
0x243: {  	_ =	swait.ge [sflag:s14], $0x2000  }
0x244: {  	[sflag:s14] =	ssyncset.done $0x0  }
0x245: {  	s20 =	simm.s32 $0x1A8A0;
	[sflag:s14] =	ssyncadd.s32 $0xFFFFE000;
	(ifvalue) =	ssetifvalue $0xFFFFFFFF  }
0x246: {  	[tilespmem:s1], [sflag:$0x4] =	stream.indirect.gather.add.bf16 [spmem:s2], $0x20, s20, s11, $0x40b8;
	[tilespmem:$0x1F8A0] =	vst v63  }
0x247: {  	s4 =	simm.s32 $0x1A9A0;
	(ifvalue) =	ssetifvalue $0xFFFFFFFF  }
0x248: {  	[tilespmem:s1], [sflag:$0x4] =	stream.indirect.gather.add.bf16 [spmem:s2], $0x20, s4, s11, $0x40b8;
	[tilespmem:$0x1F8A0] =	vst v63  }
0x249: {  	s15 =	simm.s32 $0x1AAA0;
	(ifvalue) =	ssetifvalue $0xFFFFFFFF  }
0x24a: {  	[tilespmem:s1], [sflag:$0x4] =	stream.indirect.gather.add.bf16 [spmem:s2], $0x20, s15, s11, $0x40b8;
	[tilespmem:$0x1F8A0] =	vst v63  }
0x24b: {  	s16 =	simm.s32 $0x1ABA0;
	(ifvalue) =	ssetifvalue $0xFFFFFFFF  }
0x24c: {  	[tilespmem:s1], [sflag:$0x4] =	stream.indirect.gather.add.bf16 [spmem:s2], $0x20, s16, s11, $0x40b8;
	[tilespmem:$0x1F8A0] =	vst v63  }
0x24d: {  	s17 =	simm.s32 $0x1ACA0;
	(ifvalue) =	ssetifvalue $0xFFFFFFFF  }
0x24e: {  	[tilespmem:s1], [sflag:$0x4] =	stream.indirect.gather.add.bf16 [spmem:s2], $0x20, s17, s11, $0x40b8;
	[tilespmem:$0x1F8A0] =	vst v63  }
0x24f: {  	s18 =	simm.s32 $0x1ADA0;
	(ifvalue) =	ssetifvalue $0xFFFFFFFF  }
0x250: {  	[tilespmem:s1], [sflag:$0x4] =	stream.indirect.gather.add.bf16 [spmem:s2], $0x20, s18, s11, $0x40b8;
	[tilespmem:$0x1F8A0] =	vst v63  }
0x251: {  	s20 =	simm.s32 $0x1AEA0;
	(ifvalue) =	ssetifvalue $0xFFFFFFFF  }
0x252: {  	[tilespmem:s1], [sflag:$0x4] =	stream.indirect.gather.add.bf16 [spmem:s2], $0x20, s20, s11, $0x40b8;
	[tilespmem:$0x1F8A0] =	vst v63  }
0x253: {  	s4 =	simm.s32 $0x1AFA0;
	(ifvalue) =	ssetifvalue $0xFFFFFFFF  }
0x254: {  	[tilespmem:s1], [sflag:$0x4] =	stream.indirect.gather.add.bf16 [spmem:s2], $0x20, s4, s11, $0x40b8;
	[tilespmem:$0x1F8A0] =	vst v63  }
0x255: {  	s15 =	simm.s32 $0x1B0A0;
	(ifvalue) =	ssetifvalue $0xFFFFFFFF  }
0x256: {  	[tilespmem:s1], [sflag:$0x4] =	stream.indirect.gather.add.bf16 [spmem:s2], $0x20, s15, s11, $0x40b8;
	[tilespmem:$0x1F8A0] =	vst v63  }
0x257: {  	s16 =	simm.s32 $0x1B1A0;
	(ifvalue) =	ssetifvalue $0xFFFFFFFF  }
0x258: {  	[tilespmem:s1], [sflag:$0x4] =	stream.indirect.gather.add.bf16 [spmem:s2], $0x20, s16, s11, $0x40b8;
	[tilespmem:$0x1F8A0] =	vst v63  }
0x259: {  	s17 =	simm.s32 $0x1B2A0;
	(ifvalue) =	ssetifvalue $0xFFFFFFFF  }
0x25a: {  	[tilespmem:s1], [sflag:$0x4] =	stream.indirect.gather.add.bf16 [spmem:s2], $0x20, s17, s11, $0x40b8;
	[tilespmem:$0x1F8A0] =	vst v63  }
0x25b: {  	s18 =	simm.s32 $0x1B3A0;
	(ifvalue) =	ssetifvalue $0xFFFFFFFF  }
0x25c: {  	[tilespmem:s1], [sflag:$0x4] =	stream.indirect.gather.add.bf16 [spmem:s2], $0x20, s18, s11, $0x40b8;
	[tilespmem:$0x1F8A0] =	vst v63  }
0x25d: {  	s20 =	simm.s32 $0x1B4A0;
	(ifvalue) =	ssetifvalue $0xFFFFFFFF  }
0x25e: {  	[tilespmem:s1], [sflag:$0x4] =	stream.indirect.gather.add.bf16 [spmem:s2], $0x20, s20, s11, $0x40b8;
	[tilespmem:$0x1F8A0] =	vst v63  }
0x25f: {  	s4 =	simm.s32 $0x1B5A0;
	(ifvalue) =	ssetifvalue $0xFFFFFFFF  }
0x260: {  	[tilespmem:s1], [sflag:$0x4] =	stream.indirect.gather.add.bf16 [spmem:s2], $0x20, s4, s11, $0x40b8;
	[tilespmem:$0x1F8A0] =	vst v63  }
0x261: {  	s15 =	simm.s32 $0x1B6A0;
	(ifvalue) =	ssetifvalue $0xFFFFFFFF  }
0x262: {  	[tilespmem:s1], [sflag:$0x4] =	stream.indirect.gather.add.bf16 [spmem:s2], $0x20, s15, s11, $0x40b8;
	[tilespmem:$0x1F8A0] =	vst v63  }
0x263: {  	_ =	swait.ge [sflag:s0], $0x2000  }
0x264: {  	[sflag:s0] =	ssyncset.done $0x0  }
0x265: {  	[sflag:s0] =	ssyncadd.s32 $0xFFFFE000  }
0x266: {  	_ =	swait.ge [sflag:s0], $0x2000  }
0x267: {  	[sflag:s0] =	ssyncset.done $0x0  }
0x268: {  	[sflag:s0] =	ssyncadd.s32 $0xFFFFE000  }
0x269: {  	_ =	swait.ge [sflag:s0], $0x2000  }
0x26a: {  	[sflag:s0] =	ssyncset.done $0x0  }
0x26b: {  	[sflag:s0] =	ssyncadd.s32 $0xFFFFE000  }
0x26c: {  	_ =	swait.ge [sflag:s0], $0x2000  }
0x26d: {  	[sflag:s0] =	ssyncset.done $0x0  }
0x26e: {  	[sflag:s0] =	ssyncadd.s32 $0xFFFFE000  }
0x26f: {  	_ =	swait.ge [sflag:s0], $0x2000  }
0x270: {  	[sflag:s0] =	ssyncset.done $0x0  }
0x271: {  	[sflag:s0] =	ssyncadd.s32 $0xFFFFE000  }
0x272: {  	_ =	swait.ge [sflag:s0], $0x2000  }
0x273: {  	[sflag:s0] =	ssyncset.done $0x0  }
0x274: {  	[sflag:s0] =	ssyncadd.s32 $0xFFFFE000  }
0x275: {  	_ =	swait.ge [sflag:s0], $0x2000  }
0x276: {  	[sflag:s0] =	ssyncset.done $0x0  }
0x277: {  	[sflag:s0] =	ssyncadd.s32 $0xFFFFE000  }
0x278: {  	_ =	swait.ge [sflag:s0], $0x2000  }
0x279: {  	[sflag:s0] =	ssyncset.done $0x0  }
0x27a: {  	[sflag:s0] =	ssyncadd.s32 $0xFFFFE000  }
0x27b: {  	_ =	swait.ge [sflag:s0], $0x2000  }
0x27c: {  	[sflag:s0] =	ssyncset.done $0x0  }
0x27d: {  	[sflag:s0] =	ssyncadd.s32 $0xFFFFE000  }
0x27e: {  	_ =	swait.ge [sflag:s0], $0x2000  }
0x27f: {  	[sflag:s0] =	ssyncset.done $0x0  }
0x280: {  	[sflag:s0] =	ssyncadd.s32 $0xFFFFE000  }
0x281: {  	_ =	swait.ge [sflag:s0], $0x2000  }
0x282: {  	[sflag:s0] =	ssyncset.done $0x0  }
0x283: {  	[sflag:s0] =	ssyncadd.s32 $0xFFFFE000  }
0x284: {  	_ =	swait.ge [sflag:s0], $0x2000  }
0x285: {  	[sflag:s0] =	ssyncset.done $0x0  }
0x286: {  	[sflag:s0] =	ssyncadd.s32 $0xFFFFE000  }
0x287: {  	_ =	swait.ge [sflag:s0], $0x2000  }
0x288: {  	[sflag:s0] =	ssyncset.done $0x0  }
0x289: {  	[sflag:s0] =	ssyncadd.s32 $0xFFFFE000  }
0x28a: {  	_ =	swait.ge [sflag:s0], $0x2000  }
0x28b: {  	[sflag:s0] =	ssyncset.done $0x0  }
0x28c: {  	[sflag:s0] =	ssyncadd.s32 $0xFFFFE000  }
0x28d: {  	_ =	swait.ge [sflag:s0], $0x2000  }
0x28e: {  	[sflag:s0] =	ssyncset.done $0x0  }
0x28f: {  	s16 =	simm.s32 $0x0;
	s17 =	rddreg [dreg:$0x18];
	[sflag:s0] =	ssyncadd.s32 $0xFFFFE000  }
0x290: {  	[hbm4b:s17+s16] =	stream.linear.scatter [tilespmem:s12], [sflag:$0x5], $0x2000, $0x38;
	[tilespmem:$0x1F8A0] =	vst v63  }
0x291: {  	_ =	swait.ge [sflag:s5], $0x2000  }
0x292: {  	[sflag:s5] =	ssyncset.done $0x0  }
0x293: {  	s18 =	rddreg [dreg:$0xf];
	[sflag:s5] =	ssyncadd.s32 $0xFFFFE000  }
0x294: {  	[tilespmem:s13], [sflag:$0x1] =	stream.linear.gather [hbm4b:s18+s16], $0x1000, $0x38;
	[tilespmem:$0x1F8A0] =	vst v63  }
0x295: {  	s20 =	simm.s32 $0x0;
	_ =	swait.ge [sflag:s10], $0x1000  }
0x296: {  	s3 =	sand.u32 $0xF0, s16;
	s4 =	sand.u32 $0x3FFFFF00, s20;
	[sflag:s10] =	ssyncset.done $0x0  }
0x297: {  	s3 =	sor.u32 s3, s4;
	[sflag:s10] =	ssyncadd.s32 $0xFFFFF000  }
0x298: {  	v3 =	vld [tilespmem:s3+$0x187A0];
	_ =	sdelay $0x4  }
0x299: {  	p0 =	por $0x1, $0x1;
	v2 =	vsub.s32 v3, v0  }
0x29a: {  	s15 =	simm.s32 $0x1;
	s4 =	simm.s32 $0x10;
	s18 =	smov.u32 s19;
	vm0 =	vge.s32 v3, v0;
	vm1 =	vlt.s32 v2, $0xC350  }
0x29b: {  	s17 =	simm.s32 $0x2;
	s16 =	simm.s32 $0x10;
	s18 =	simm.s32 @!p0 $0xFFFFFFFF;
	vm0 =	vmand vm0, vm1  }
.LBB2_14:
0x29c: {  	p0 =	sne.s32 s17, $0xFF;
	s20 =	sand.u32 $0xF0, s16;
	s4 =	sand.u32 $0x3FFFFF00, s4;
	v2 =	vnsel vm0, s18, v2  }
0x29d: {  	[tilespmem:s3+$0x187A0] =	vst v2;
	s3 =	sor.u32 s20, s4  }
0x29e: {  	v3 =	vld [tilespmem:s3+$0x187A0];
	_ =	sdelay $0x2  }
.Ltmp6:
0x29f: {  	(pc) =	sbr.rel @p0 .LBB2_14-.Ltmp6, $4  }
0x2a0: {  	_ = 	snop  }
0x2a1: {  	s4 =	sshrl.u32 s15, $0x4;
	s15 =	smov.u32 s17;
	v2 =	vsub.s32 v3, v0  }
0x2a2: {  	s16 =	sadd.s32 $0x10, s16;
	s18 =	smov.u32 s19;
	p1 =	seq.s32 s4, $0x0;
	vm0 =	vge.s32 v3, v0;
	vm1 =	vlt.s32 v2, $0xC350  }
0x2a3: {  	s17 =	sadd.s32 $0x1, s17;
	s4 =	sshll.u32 s15, $0x4;
	s18 =	simm.s32 @!p1 $0xFFFFFFFF;
	vm0 =	vmand vm0, vm1  }
0x2a4: {  	s16 =	sand.u32 $0xF0, s16;
	s4 =	sand.u32 $0x3FFFFF00, s4;
	v2 =	vnsel vm0, s18, v2  }
0x2a5: {  	s4 =	sor.u32 s16, s4;
	[tilespmem:s3+$0x187A0] =	vst v2  }
0x2a6: {  	v2 =	vld [tilespmem:s4+$0x187A0];
	_ =	sdelay $0x4  }
0x2a7: {  	s15 =	sshrl.u32 s15, $0x4;
	v3 =	vsub.s32 v2, v0  }
0x2a8: {  	p0 =	seq.s32 s15, $0x0;
	s3 =	smov.u32 s19;
	vm0 =	vge.s32 v2, v0;
	vm1 =	vlt.s32 v3, $0xC350  }
0x2a9: {  	s3 =	simm.s32 @!p0 $0xFFFFFFFF;
	vm0 =	vmand vm0, vm1  }
0x2aa: {  	v2 =	vnsel vm0, s3, v3  }
0x2ab: {  	[tilespmem:s4+$0x187A0] =	vst v2  }
0x2ac: {  	[tilespmem:s12], [sflag:$0x2] =	stream.indirect.gather [spmem:s2], $0x20, s9, s11, $0xb8;
	[tilespmem:$0x1F8A0] =	vst v63  }
0x2ad: {  	_ =	swait.ge [sflag:s14], $0x2000  }
0x2ae: {  	[sflag:s14] =	ssyncset.done $0x0  }
0x2af: {  	s16 =	simm.s32 $0x188A0;
	[sflag:s14] =	ssyncadd.s32 $0xFFFFE000;
	(ifvalue) =	ssetifvalue $0xFFFFFFFF  }
0x2b0: {  	[tilespmem:s12], [sflag:$0x3] =	stream.indirect.gather.add.bf16 [spmem:s2], $0x20, s16, s11, $0x40b8;
	[tilespmem:$0x1F8A0] =	vst v63  }
0x2b1: {  	s17 =	simm.s32 $0x189A0;
	(ifvalue) =	ssetifvalue $0xFFFFFFFF  }
0x2b2: {  	[tilespmem:s12], [sflag:$0x3] =	stream.indirect.gather.add.bf16 [spmem:s2], $0x20, s17, s11, $0x40b8;
	[tilespmem:$0x1F8A0] =	vst v63  }
0x2b3: {  	s18 =	simm.s32 $0x18AA0;
	(ifvalue) =	ssetifvalue $0xFFFFFFFF  }
0x2b4: {  	[tilespmem:s12], [sflag:$0x3] =	stream.indirect.gather.add.bf16 [spmem:s2], $0x20, s18, s11, $0x40b8;
	[tilespmem:$0x1F8A0] =	vst v63  }
0x2b5: {  	s20 =	simm.s32 $0x18BA0;
	(ifvalue) =	ssetifvalue $0xFFFFFFFF  }
0x2b6: {  	[tilespmem:s12], [sflag:$0x3] =	stream.indirect.gather.add.bf16 [spmem:s2], $0x20, s20, s11, $0x40b8;
	[tilespmem:$0x1F8A0] =	vst v63  }
0x2b7: {  	s4 =	simm.s32 $0x18CA0;
	(ifvalue) =	ssetifvalue $0xFFFFFFFF  }
0x2b8: {  	[tilespmem:s12], [sflag:$0x3] =	stream.indirect.gather.add.bf16 [spmem:s2], $0x20, s4, s11, $0x40b8;
	[tilespmem:$0x1F8A0] =	vst v63  }
0x2b9: {  	s15 =	simm.s32 $0x18DA0;
	(ifvalue) =	ssetifvalue $0xFFFFFFFF  }
0x2ba: {  	[tilespmem:s12], [sflag:$0x3] =	stream.indirect.gather.add.bf16 [spmem:s2], $0x20, s15, s11, $0x40b8;
	[tilespmem:$0x1F8A0] =	vst v63  }
0x2bb: {  	(ifvalue) =	ssetifvalue $0xFFFFFFFF  }
0x2bc: {  	[tilespmem:s12], [sflag:$0x3] =	stream.indirect.gather.add.bf16 [spmem:s2], $0x20, s21, s11, $0x40b8;
	[tilespmem:$0x1F8A0] =	vst v63  }
0x2bd: {  	(ifvalue) =	ssetifvalue $0xFFFFFFFF  }
0x2be: {  	[tilespmem:s12], [sflag:$0x3] =	stream.indirect.gather.add.bf16 [spmem:s2], $0x20, s22, s11, $0x40b8;
	[tilespmem:$0x1F8A0] =	vst v63  }
0x2bf: {  	(ifvalue) =	ssetifvalue $0xFFFFFFFF  }
0x2c0: {  	[tilespmem:s12], [sflag:$0x3] =	stream.indirect.gather.add.bf16 [spmem:s2], $0x20, s23, s11, $0x40b8;
	[tilespmem:$0x1F8A0] =	vst v63  }
0x2c1: {  	(ifvalue) =	ssetifvalue $0xFFFFFFFF  }
0x2c2: {  	[tilespmem:s12], [sflag:$0x3] =	stream.indirect.gather.add.bf16 [spmem:s2], $0x20, s24, s11, $0x40b8;
	[tilespmem:$0x1F8A0] =	vst v63  }
0x2c3: {  	(ifvalue) =	ssetifvalue $0xFFFFFFFF  }
0x2c4: {  	[tilespmem:s12], [sflag:$0x3] =	stream.indirect.gather.add.bf16 [spmem:s2], $0x20, s25, s11, $0x40b8;
	[tilespmem:$0x1F8A0] =	vst v63  }
0x2c5: {  	(ifvalue) =	ssetifvalue $0xFFFFFFFF  }
0x2c6: {  	[tilespmem:s12], [sflag:$0x3] =	stream.indirect.gather.add.bf16 [spmem:s2], $0x20, s26, s11, $0x40b8;
	[tilespmem:$0x1F8A0] =	vst v63  }
0x2c7: {  	(ifvalue) =	ssetifvalue $0xFFFFFFFF  }
0x2c8: {  	[tilespmem:s12], [sflag:$0x3] =	stream.indirect.gather.add.bf16 [spmem:s2], $0x20, s28, s11, $0x40b8;
	[tilespmem:$0x1F8A0] =	vst v63  }
0x2c9: {  	(ifvalue) =	ssetifvalue $0xFFFFFFFF  }
0x2ca: {  	[tilespmem:s12], [sflag:$0x3] =	stream.indirect.gather.add.bf16 [spmem:s2], $0x20, s29, s11, $0x40b8;
	[tilespmem:$0x1F8A0] =	vst v63  }
0x2cb: {  	(ifvalue) =	ssetifvalue $0xFFFFFFFF  }
0x2cc: {  	[tilespmem:s12], [sflag:$0x3] =	stream.indirect.gather.add.bf16 [spmem:s2], $0x20, s30, s11, $0x40b8;
	[tilespmem:$0x1F8A0] =	vst v63  }
0x2cd: {  	_ =	swait.ge [sflag:s6], $0x2000  }
0x2ce: {  	[sflag:s6] =	ssyncset.done $0x0  }
0x2cf: {  	[sflag:s6] =	ssyncadd.s32 $0xFFFFE000  }
0x2d0: {  	_ =	swait.ge [sflag:s6], $0x2000  }
0x2d1: {  	[sflag:s6] =	ssyncset.done $0x0  }
0x2d2: {  	[sflag:s6] =	ssyncadd.s32 $0xFFFFE000  }
0x2d3: {  	_ =	swait.ge [sflag:s6], $0x2000  }
0x2d4: {  	[sflag:s6] =	ssyncset.done $0x0  }
0x2d5: {  	[sflag:s6] =	ssyncadd.s32 $0xFFFFE000  }
0x2d6: {  	_ =	swait.ge [sflag:s6], $0x2000  }
0x2d7: {  	[sflag:s6] =	ssyncset.done $0x0  }
0x2d8: {  	[sflag:s6] =	ssyncadd.s32 $0xFFFFE000  }
0x2d9: {  	_ =	swait.ge [sflag:s6], $0x2000  }
0x2da: {  	[sflag:s6] =	ssyncset.done $0x0  }
0x2db: {  	[sflag:s6] =	ssyncadd.s32 $0xFFFFE000  }
0x2dc: {  	_ =	swait.ge [sflag:s6], $0x2000  }
0x2dd: {  	[sflag:s6] =	ssyncset.done $0x0  }
0x2de: {  	[sflag:s6] =	ssyncadd.s32 $0xFFFFE000  }
0x2df: {  	_ =	swait.ge [sflag:s6], $0x2000  }
0x2e0: {  	[sflag:s6] =	ssyncset.done $0x0  }
0x2e1: {  	[sflag:s6] =	ssyncadd.s32 $0xFFFFE000  }
0x2e2: {  	_ =	swait.ge [sflag:s6], $0x2000  }
0x2e3: {  	[sflag:s6] =	ssyncset.done $0x0  }
0x2e4: {  	[sflag:s6] =	ssyncadd.s32 $0xFFFFE000  }
0x2e5: {  	_ =	swait.ge [sflag:s6], $0x2000  }
0x2e6: {  	[sflag:s6] =	ssyncset.done $0x0  }
0x2e7: {  	[sflag:s6] =	ssyncadd.s32 $0xFFFFE000  }
0x2e8: {  	_ =	swait.ge [sflag:s6], $0x2000  }
0x2e9: {  	[sflag:s6] =	ssyncset.done $0x0  }
0x2ea: {  	[sflag:s6] =	ssyncadd.s32 $0xFFFFE000  }
0x2eb: {  	_ =	swait.ge [sflag:s6], $0x2000  }
0x2ec: {  	[sflag:s6] =	ssyncset.done $0x0  }
0x2ed: {  	[sflag:s6] =	ssyncadd.s32 $0xFFFFE000  }
0x2ee: {  	_ =	swait.ge [sflag:s6], $0x2000  }
0x2ef: {  	[sflag:s6] =	ssyncset.done $0x0  }
0x2f0: {  	[sflag:s6] =	ssyncadd.s32 $0xFFFFE000  }
0x2f1: {  	_ =	swait.ge [sflag:s6], $0x2000  }
0x2f2: {  	[sflag:s6] =	ssyncset.done $0x0  }
0x2f3: {  	[sflag:s6] =	ssyncadd.s32 $0xFFFFE000  }
0x2f4: {  	_ =	swait.ge [sflag:s6], $0x2000  }
0x2f5: {  	[sflag:s6] =	ssyncset.done $0x0  }
0x2f6: {  	[sflag:s6] =	ssyncadd.s32 $0xFFFFE000  }
0x2f7: {  	_ =	swait.ge [sflag:s6], $0x2000  }
0x2f8: {  	[sflag:s6] =	ssyncset.done $0x0  }
0x2f9: {  	s16 =	simm.s32 $0x0;
	s17 =	rddreg [dreg:$0x19];
	[sflag:s6] =	ssyncadd.s32 $0xFFFFE000  }
0x2fa: {  	[hbm4b:s17+s16] =	stream.linear.scatter [tilespmem:s1], [sflag:$0x5], $0x2000, $0x38;
	[tilespmem:$0x1F8A0] =	vst v63  }
0x2fb: {  	_ =	swait.ge [sflag:s5], $0x2000  }
0x2fc: {  	[sflag:s5] =	ssyncset.done $0x0  }
0x2fd: {  	s18 =	rddreg [dreg:$0x10];
	[sflag:s5] =	ssyncadd.s32 $0xFFFFE000  }
0x2fe: {  	[tilespmem:s31], [sflag:$0x1] =	stream.linear.gather [hbm4b:s18+s16], $0x1000, $0x38;
	[tilespmem:$0x1F8A0] =	vst v63  }
0x2ff: {  	s20 =	simm.s32 $0x0;
	_ =	swait.ge [sflag:s10], $0x1000  }
0x300: {  	s3 =	sand.u32 $0xF0, s16;
	s4 =	sand.u32 $0x3FFFFF00, s20;
	[sflag:s10] =	ssyncset.done $0x0  }
0x301: {  	s3 =	sor.u32 s3, s4;
	[sflag:s10] =	ssyncadd.s32 $0xFFFFF000  }
0x302: {  	v3 =	vld [tilespmem:s3+$0x197A0];
	_ =	sdelay $0x4  }
0x303: {  	p0 =	por $0x1, $0x1;
	v2 =	vsub.s32 v3, v0  }
0x304: {  	s15 =	simm.s32 $0x1;
	s4 =	simm.s32 $0x10;
	s18 =	smov.u32 s19;
	vm0 =	vge.s32 v3, v0;
	vm1 =	vlt.s32 v2, $0xC350  }
0x305: {  	s17 =	simm.s32 $0x2;
	s16 =	simm.s32 $0x10;
	s18 =	simm.s32 @!p0 $0xFFFFFFFF;
	vm0 =	vmand vm0, vm1  }
.LBB2_16:
0x306: {  	p0 =	sne.s32 s17, $0xFF;
	s20 =	sand.u32 $0xF0, s16;
	s4 =	sand.u32 $0x3FFFFF00, s4;
	v2 =	vnsel vm0, s18, v2  }
0x307: {  	[tilespmem:s3+$0x197A0] =	vst v2;
	s3 =	sor.u32 s20, s4  }
0x308: {  	v3 =	vld [tilespmem:s3+$0x197A0];
	_ =	sdelay $0x2  }
.Ltmp7:
0x309: {  	(pc) =	sbr.rel @p0 .LBB2_16-.Ltmp7, $4  }
0x30a: {  	_ = 	snop  }
0x30b: {  	s4 =	sshrl.u32 s15, $0x4;
	s15 =	smov.u32 s17;
	v2 =	vsub.s32 v3, v0  }
0x30c: {  	s16 =	sadd.s32 $0x10, s16;
	s18 =	smov.u32 s19;
	p1 =	seq.s32 s4, $0x0;
	vm0 =	vge.s32 v3, v0;
	vm1 =	vlt.s32 v2, $0xC350  }
0x30d: {  	s17 =	sadd.s32 $0x1, s17;
	s4 =	sshll.u32 s15, $0x4;
	s18 =	simm.s32 @!p1 $0xFFFFFFFF;
	vm0 =	vmand vm0, vm1  }
0x30e: {  	s16 =	sand.u32 $0xF0, s16;
	s4 =	sand.u32 $0x3FFFFF00, s4;
	v2 =	vnsel vm0, s18, v2  }
0x30f: {  	s4 =	sor.u32 s16, s4;
	[tilespmem:s3+$0x197A0] =	vst v2  }
0x310: {  	v2 =	vld [tilespmem:s4+$0x197A0];
	_ =	sdelay $0x4  }
0x311: {  	s18 =	sshrl.u32 s15, $0x4;
	v3 =	vsub.s32 v2, v0  }
0x312: {  	p0 =	seq.s32 s18, $0x0;
	s3 =	smov.u32 s19;
	vm0 =	vge.s32 v2, v0;
	vm1 =	vlt.s32 v3, $0xC350  }
0x313: {  	s3 =	simm.s32 @!p0 $0xFFFFFFFF;
	vm0 =	vmand vm0, vm1  }
0x314: {  	v2 =	vnsel vm0, s3, v3  }
0x315: {  	[tilespmem:s4+$0x197A0] =	vst v2  }
0x316: {  	[tilespmem:s1], [sflag:$0x2] =	stream.indirect.gather [spmem:s2], $0x20, s13, s11, $0xb8;
	[tilespmem:$0x1F8A0] =	vst v63  }
0x317: {  	_ =	swait.ge [sflag:s14], $0x2000  }
0x318: {  	[sflag:s14] =	ssyncset.done $0x0  }
0x319: {  	s20 =	simm.s32 $0x198A0;
	[sflag:s14] =	ssyncadd.s32 $0xFFFFE000;
	(ifvalue) =	ssetifvalue $0xFFFFFFFF  }
0x31a: {  	[tilespmem:s1], [sflag:$0x4] =	stream.indirect.gather.add.bf16 [spmem:s2], $0x20, s20, s11, $0x40b8;
	[tilespmem:$0x1F8A0] =	vst v63  }
0x31b: {  	s4 =	simm.s32 $0x199A0;
	(ifvalue) =	ssetifvalue $0xFFFFFFFF  }
0x31c: {  	[tilespmem:s1], [sflag:$0x4] =	stream.indirect.gather.add.bf16 [spmem:s2], $0x20, s4, s11, $0x40b8;
	[tilespmem:$0x1F8A0] =	vst v63  }
0x31d: {  	s15 =	simm.s32 $0x19AA0;
	(ifvalue) =	ssetifvalue $0xFFFFFFFF  }
0x31e: {  	[tilespmem:s1], [sflag:$0x4] =	stream.indirect.gather.add.bf16 [spmem:s2], $0x20, s15, s11, $0x40b8;
	[tilespmem:$0x1F8A0] =	vst v63  }
0x31f: {  	s16 =	simm.s32 $0x19BA0;
	(ifvalue) =	ssetifvalue $0xFFFFFFFF  }
0x320: {  	[tilespmem:s1], [sflag:$0x4] =	stream.indirect.gather.add.bf16 [spmem:s2], $0x20, s16, s11, $0x40b8;
	[tilespmem:$0x1F8A0] =	vst v63  }
0x321: {  	s17 =	simm.s32 $0x19CA0;
	(ifvalue) =	ssetifvalue $0xFFFFFFFF  }
0x322: {  	[tilespmem:s1], [sflag:$0x4] =	stream.indirect.gather.add.bf16 [spmem:s2], $0x20, s17, s11, $0x40b8;
	[tilespmem:$0x1F8A0] =	vst v63  }
0x323: {  	s18 =	simm.s32 $0x19DA0;
	(ifvalue) =	ssetifvalue $0xFFFFFFFF  }
0x324: {  	[tilespmem:s1], [sflag:$0x4] =	stream.indirect.gather.add.bf16 [spmem:s2], $0x20, s18, s11, $0x40b8;
	[tilespmem:$0x1F8A0] =	vst v63  }
0x325: {  	s20 =	simm.s32 $0x19EA0;
	(ifvalue) =	ssetifvalue $0xFFFFFFFF  }
0x326: {  	[tilespmem:s1], [sflag:$0x4] =	stream.indirect.gather.add.bf16 [spmem:s2], $0x20, s20, s11, $0x40b8;
	[tilespmem:$0x1F8A0] =	vst v63  }
0x327: {  	s4 =	simm.s32 $0x19FA0;
	(ifvalue) =	ssetifvalue $0xFFFFFFFF  }
0x328: {  	[tilespmem:s1], [sflag:$0x4] =	stream.indirect.gather.add.bf16 [spmem:s2], $0x20, s4, s11, $0x40b8;
	[tilespmem:$0x1F8A0] =	vst v63  }
0x329: {  	s15 =	simm.s32 $0x1A0A0;
	(ifvalue) =	ssetifvalue $0xFFFFFFFF  }
0x32a: {  	[tilespmem:s1], [sflag:$0x4] =	stream.indirect.gather.add.bf16 [spmem:s2], $0x20, s15, s11, $0x40b8;
	[tilespmem:$0x1F8A0] =	vst v63  }
0x32b: {  	s16 =	simm.s32 $0x1A1A0;
	(ifvalue) =	ssetifvalue $0xFFFFFFFF  }
0x32c: {  	[tilespmem:s1], [sflag:$0x4] =	stream.indirect.gather.add.bf16 [spmem:s2], $0x20, s16, s11, $0x40b8;
	[tilespmem:$0x1F8A0] =	vst v63  }
0x32d: {  	s17 =	simm.s32 $0x1A2A0;
	(ifvalue) =	ssetifvalue $0xFFFFFFFF  }
0x32e: {  	[tilespmem:s1], [sflag:$0x4] =	stream.indirect.gather.add.bf16 [spmem:s2], $0x20, s17, s11, $0x40b8;
	[tilespmem:$0x1F8A0] =	vst v63  }
0x32f: {  	s18 =	simm.s32 $0x1A3A0;
	(ifvalue) =	ssetifvalue $0xFFFFFFFF  }
0x330: {  	[tilespmem:s1], [sflag:$0x4] =	stream.indirect.gather.add.bf16 [spmem:s2], $0x20, s18, s11, $0x40b8;
	[tilespmem:$0x1F8A0] =	vst v63  }
0x331: {  	s20 =	simm.s32 $0x1A4A0;
	(ifvalue) =	ssetifvalue $0xFFFFFFFF  }
0x332: {  	[tilespmem:s1], [sflag:$0x4] =	stream.indirect.gather.add.bf16 [spmem:s2], $0x20, s20, s11, $0x40b8;
	[tilespmem:$0x1F8A0] =	vst v63  }
0x333: {  	s4 =	simm.s32 $0x1A5A0;
	(ifvalue) =	ssetifvalue $0xFFFFFFFF  }
0x334: {  	[tilespmem:s1], [sflag:$0x4] =	stream.indirect.gather.add.bf16 [spmem:s2], $0x20, s4, s11, $0x40b8;
	[tilespmem:$0x1F8A0] =	vst v63  }
0x335: {  	s15 =	simm.s32 $0x1A6A0;
	(ifvalue) =	ssetifvalue $0xFFFFFFFF  }
0x336: {  	[tilespmem:s1], [sflag:$0x4] =	stream.indirect.gather.add.bf16 [spmem:s2], $0x20, s15, s11, $0x40b8;
	[tilespmem:$0x1F8A0] =	vst v63  }
0x337: {  	_ =	swait.ge [sflag:s0], $0x2000  }
0x338: {  	[sflag:s0] =	ssyncset.done $0x0  }
0x339: {  	[sflag:s0] =	ssyncadd.s32 $0xFFFFE000  }
0x33a: {  	_ =	swait.ge [sflag:s0], $0x2000  }
0x33b: {  	[sflag:s0] =	ssyncset.done $0x0  }
0x33c: {  	[sflag:s0] =	ssyncadd.s32 $0xFFFFE000  }
0x33d: {  	_ =	swait.ge [sflag:s0], $0x2000  }
0x33e: {  	[sflag:s0] =	ssyncset.done $0x0  }
0x33f: {  	[sflag:s0] =	ssyncadd.s32 $0xFFFFE000  }
0x340: {  	_ =	swait.ge [sflag:s0], $0x2000  }
0x341: {  	[sflag:s0] =	ssyncset.done $0x0  }
0x342: {  	[sflag:s0] =	ssyncadd.s32 $0xFFFFE000  }
0x343: {  	_ =	swait.ge [sflag:s0], $0x2000  }
0x344: {  	[sflag:s0] =	ssyncset.done $0x0  }
0x345: {  	[sflag:s0] =	ssyncadd.s32 $0xFFFFE000  }
0x346: {  	_ =	swait.ge [sflag:s0], $0x2000  }
0x347: {  	[sflag:s0] =	ssyncset.done $0x0  }
0x348: {  	[sflag:s0] =	ssyncadd.s32 $0xFFFFE000  }
0x349: {  	_ =	swait.ge [sflag:s0], $0x2000  }
0x34a: {  	[sflag:s0] =	ssyncset.done $0x0  }
0x34b: {  	[sflag:s0] =	ssyncadd.s32 $0xFFFFE000  }
0x34c: {  	_ =	swait.ge [sflag:s0], $0x2000  }
0x34d: {  	[sflag:s0] =	ssyncset.done $0x0  }
0x34e: {  	[sflag:s0] =	ssyncadd.s32 $0xFFFFE000  }
0x34f: {  	_ =	swait.ge [sflag:s0], $0x2000  }
0x350: {  	[sflag:s0] =	ssyncset.done $0x0  }
0x351: {  	[sflag:s0] =	ssyncadd.s32 $0xFFFFE000  }
0x352: {  	_ =	swait.ge [sflag:s0], $0x2000  }
0x353: {  	[sflag:s0] =	ssyncset.done $0x0  }
0x354: {  	[sflag:s0] =	ssyncadd.s32 $0xFFFFE000  }
0x355: {  	_ =	swait.ge [sflag:s0], $0x2000  }
0x356: {  	[sflag:s0] =	ssyncset.done $0x0  }
0x357: {  	[sflag:s0] =	ssyncadd.s32 $0xFFFFE000  }
0x358: {  	_ =	swait.ge [sflag:s0], $0x2000  }
0x359: {  	[sflag:s0] =	ssyncset.done $0x0  }
0x35a: {  	[sflag:s0] =	ssyncadd.s32 $0xFFFFE000  }
0x35b: {  	_ =	swait.ge [sflag:s0], $0x2000  }
0x35c: {  	[sflag:s0] =	ssyncset.done $0x0  }
0x35d: {  	[sflag:s0] =	ssyncadd.s32 $0xFFFFE000  }
0x35e: {  	_ =	swait.ge [sflag:s0], $0x2000  }
0x35f: {  	[sflag:s0] =	ssyncset.done $0x0  }
0x360: {  	[sflag:s0] =	ssyncadd.s32 $0xFFFFE000  }
0x361: {  	_ =	swait.ge [sflag:s0], $0x2000  }
0x362: {  	[sflag:s0] =	ssyncset.done $0x0  }
0x363: {  	s16 =	simm.s32 $0x0;
	s17 =	rddreg [dreg:$0x1a];
	[sflag:s0] =	ssyncadd.s32 $0xFFFFE000  }
0x364: {  	[hbm4b:s17+s16] =	stream.linear.scatter [tilespmem:s12], [sflag:$0x5], $0x2000, $0x38;
	[tilespmem:$0x1F8A0] =	vst v63  }
0x365: {  	_ =	swait.ge [sflag:s5], $0x2000  }
0x366: {  	[sflag:s5] =	ssyncset.done $0x0  }
0x367: {  	s18 =	rddreg [dreg:$0x11];
	[sflag:s5] =	ssyncadd.s32 $0xFFFFE000  }
0x368: {  	[tilespmem:s9], [sflag:$0x1] =	stream.linear.gather [hbm4b:s18+s16], $0x1000, $0x38;
	[tilespmem:$0x1F8A0] =	vst v63  }
0x369: {  	s20 =	simm.s32 $0x0;
	_ =	swait.ge [sflag:s10], $0x1000  }
0x36a: {  	s3 =	sand.u32 $0xF0, s16;
	s4 =	sand.u32 $0x3FFFFF00, s20;
	[sflag:s10] =	ssyncset.done $0x0  }
0x36b: {  	s3 =	sor.u32 s3, s4;
	[sflag:s10] =	ssyncadd.s32 $0xFFFFF000  }
0x36c: {  	v3 =	vld [tilespmem:s3+$0x1A7A0];
	_ =	sdelay $0x4  }
0x36d: {  	p0 =	por $0x1, $0x1;
	v2 =	vsub.s32 v3, v0  }
0x36e: {  	s15 =	simm.s32 $0x1;
	s4 =	simm.s32 $0x10;
	s18 =	smov.u32 s19;
	vm0 =	vge.s32 v3, v0;
	vm1 =	vlt.s32 v2, $0xC350  }
0x36f: {  	s17 =	simm.s32 $0x2;
	s16 =	simm.s32 $0x10;
	s18 =	simm.s32 @!p0 $0xFFFFFFFF;
	vm0 =	vmand vm0, vm1  }
.LBB2_18:
0x370: {  	p0 =	sne.s32 s17, $0xFF;
	s20 =	sand.u32 $0xF0, s16;
	s4 =	sand.u32 $0x3FFFFF00, s4;
	v2 =	vnsel vm0, s18, v2  }
0x371: {  	[tilespmem:s3+$0x1A7A0] =	vst v2;
	s3 =	sor.u32 s20, s4  }
0x372: {  	v3 =	vld [tilespmem:s3+$0x1A7A0];
	_ =	sdelay $0x2  }
.Ltmp8:
0x373: {  	(pc) =	sbr.rel @p0 .LBB2_18-.Ltmp8, $4  }
0x374: {  	_ = 	snop  }
0x375: {  	s4 =	sshrl.u32 s15, $0x4;
	s15 =	smov.u32 s17;
	v2 =	vsub.s32 v3, v0  }
0x376: {  	s16 =	sadd.s32 $0x10, s16;
	s18 =	smov.u32 s19;
	p1 =	seq.s32 s4, $0x0;
	vm0 =	vge.s32 v3, v0;
	vm1 =	vlt.s32 v2, $0xC350  }
0x377: {  	s17 =	sadd.s32 $0x1, s17;
	s4 =	sshll.u32 s15, $0x4;
	s18 =	simm.s32 @!p1 $0xFFFFFFFF;
	vm0 =	vmand vm0, vm1  }
0x378: {  	s16 =	sand.u32 $0xF0, s16;
	s4 =	sand.u32 $0x3FFFFF00, s4;
	v2 =	vnsel vm0, s18, v2  }
0x379: {  	s4 =	sor.u32 s16, s4;
	[tilespmem:s3+$0x1A7A0] =	vst v2  }
0x37a: {  	v2 =	vld [tilespmem:s4+$0x1A7A0];
	_ =	sdelay $0x4  }
0x37b: {  	s18 =	sshrl.u32 s15, $0x4;
	v3 =	vsub.s32 v2, v0  }
0x37c: {  	p0 =	seq.s32 s18, $0x0;
	s3 =	smov.u32 s19;
	vm0 =	vge.s32 v2, v0;
	vm1 =	vlt.s32 v3, $0xC350  }
0x37d: {  	s3 =	simm.s32 @!p0 $0xFFFFFFFF;
	vm0 =	vmand vm0, vm1  }
0x37e: {  	v2 =	vnsel vm0, s3, v3  }
0x37f: {  	[tilespmem:s4+$0x1A7A0] =	vst v2  }
0x380: {  	[tilespmem:s12], [sflag:$0x2] =	stream.indirect.gather [spmem:s2], $0x20, s31, s11, $0xb8;
	[tilespmem:$0x1F8A0] =	vst v63  }
0x381: {  	_ =	swait.ge [sflag:s14], $0x2000  }
0x382: {  	[sflag:s14] =	ssyncset.done $0x0  }
0x383: {  	s20 =	simm.s32 $0x1A8A0;
	[sflag:s14] =	ssyncadd.s32 $0xFFFFE000;
	(ifvalue) =	ssetifvalue $0xFFFFFFFF  }
0x384: {  	[tilespmem:s12], [sflag:$0x3] =	stream.indirect.gather.add.bf16 [spmem:s2], $0x20, s20, s11, $0x40b8;
	[tilespmem:$0x1F8A0] =	vst v63  }
0x385: {  	s4 =	simm.s32 $0x1A9A0;
	(ifvalue) =	ssetifvalue $0xFFFFFFFF  }
0x386: {  	[tilespmem:s12], [sflag:$0x3] =	stream.indirect.gather.add.bf16 [spmem:s2], $0x20, s4, s11, $0x40b8;
	[tilespmem:$0x1F8A0] =	vst v63  }
0x387: {  	s15 =	simm.s32 $0x1AAA0;
	(ifvalue) =	ssetifvalue $0xFFFFFFFF  }
0x388: {  	[tilespmem:s12], [sflag:$0x3] =	stream.indirect.gather.add.bf16 [spmem:s2], $0x20, s15, s11, $0x40b8;
	[tilespmem:$0x1F8A0] =	vst v63  }
0x389: {  	s16 =	simm.s32 $0x1ABA0;
	(ifvalue) =	ssetifvalue $0xFFFFFFFF  }
0x38a: {  	[tilespmem:s12], [sflag:$0x3] =	stream.indirect.gather.add.bf16 [spmem:s2], $0x20, s16, s11, $0x40b8;
	[tilespmem:$0x1F8A0] =	vst v63  }
0x38b: {  	s17 =	simm.s32 $0x1ACA0;
	(ifvalue) =	ssetifvalue $0xFFFFFFFF  }
0x38c: {  	[tilespmem:s12], [sflag:$0x3] =	stream.indirect.gather.add.bf16 [spmem:s2], $0x20, s17, s11, $0x40b8;
	[tilespmem:$0x1F8A0] =	vst v63  }
0x38d: {  	s18 =	simm.s32 $0x1ADA0;
	(ifvalue) =	ssetifvalue $0xFFFFFFFF  }
0x38e: {  	[tilespmem:s12], [sflag:$0x3] =	stream.indirect.gather.add.bf16 [spmem:s2], $0x20, s18, s11, $0x40b8;
	[tilespmem:$0x1F8A0] =	vst v63  }
0x38f: {  	s20 =	simm.s32 $0x1AEA0;
	(ifvalue) =	ssetifvalue $0xFFFFFFFF  }
0x390: {  	[tilespmem:s12], [sflag:$0x3] =	stream.indirect.gather.add.bf16 [spmem:s2], $0x20, s20, s11, $0x40b8;
	[tilespmem:$0x1F8A0] =	vst v63  }
0x391: {  	s4 =	simm.s32 $0x1AFA0;
	(ifvalue) =	ssetifvalue $0xFFFFFFFF  }
0x392: {  	[tilespmem:s12], [sflag:$0x3] =	stream.indirect.gather.add.bf16 [spmem:s2], $0x20, s4, s11, $0x40b8;
	[tilespmem:$0x1F8A0] =	vst v63  }
0x393: {  	s15 =	simm.s32 $0x1B0A0;
	(ifvalue) =	ssetifvalue $0xFFFFFFFF  }
0x394: {  	[tilespmem:s12], [sflag:$0x3] =	stream.indirect.gather.add.bf16 [spmem:s2], $0x20, s15, s11, $0x40b8;
	[tilespmem:$0x1F8A0] =	vst v63  }
0x395: {  	s16 =	simm.s32 $0x1B1A0;
	(ifvalue) =	ssetifvalue $0xFFFFFFFF  }
0x396: {  	[tilespmem:s12], [sflag:$0x3] =	stream.indirect.gather.add.bf16 [spmem:s2], $0x20, s16, s11, $0x40b8;
	[tilespmem:$0x1F8A0] =	vst v63  }
0x397: {  	s17 =	simm.s32 $0x1B2A0;
	(ifvalue) =	ssetifvalue $0xFFFFFFFF  }
0x398: {  	[tilespmem:s12], [sflag:$0x3] =	stream.indirect.gather.add.bf16 [spmem:s2], $0x20, s17, s11, $0x40b8;
	[tilespmem:$0x1F8A0] =	vst v63  }
0x399: {  	s18 =	simm.s32 $0x1B3A0;
	(ifvalue) =	ssetifvalue $0xFFFFFFFF  }
0x39a: {  	[tilespmem:s12], [sflag:$0x3] =	stream.indirect.gather.add.bf16 [spmem:s2], $0x20, s18, s11, $0x40b8;
	[tilespmem:$0x1F8A0] =	vst v63  }
0x39b: {  	s20 =	simm.s32 $0x1B4A0;
	(ifvalue) =	ssetifvalue $0xFFFFFFFF  }
0x39c: {  	[tilespmem:s12], [sflag:$0x3] =	stream.indirect.gather.add.bf16 [spmem:s2], $0x20, s20, s11, $0x40b8;
	[tilespmem:$0x1F8A0] =	vst v63  }
0x39d: {  	s4 =	simm.s32 $0x1B5A0;
	(ifvalue) =	ssetifvalue $0xFFFFFFFF  }
0x39e: {  	[tilespmem:s12], [sflag:$0x3] =	stream.indirect.gather.add.bf16 [spmem:s2], $0x20, s4, s11, $0x40b8;
	[tilespmem:$0x1F8A0] =	vst v63  }
0x39f: {  	s15 =	simm.s32 $0x1B6A0;
	(ifvalue) =	ssetifvalue $0xFFFFFFFF  }
0x3a0: {  	[tilespmem:s12], [sflag:$0x3] =	stream.indirect.gather.add.bf16 [spmem:s2], $0x20, s15, s11, $0x40b8;
	[tilespmem:$0x1F8A0] =	vst v63  }
0x3a1: {  	_ =	swait.ge [sflag:s6], $0x2000  }
0x3a2: {  	[sflag:s6] =	ssyncset.done $0x0  }
0x3a3: {  	[sflag:s6] =	ssyncadd.s32 $0xFFFFE000  }
0x3a4: {  	_ =	swait.ge [sflag:s6], $0x2000  }
0x3a5: {  	[sflag:s6] =	ssyncset.done $0x0  }
0x3a6: {  	[sflag:s6] =	ssyncadd.s32 $0xFFFFE000  }
0x3a7: {  	_ =	swait.ge [sflag:s6], $0x2000  }
0x3a8: {  	[sflag:s6] =	ssyncset.done $0x0  }
0x3a9: {  	[sflag:s6] =	ssyncadd.s32 $0xFFFFE000  }
0x3aa: {  	_ =	swait.ge [sflag:s6], $0x2000  }
0x3ab: {  	[sflag:s6] =	ssyncset.done $0x0  }
0x3ac: {  	[sflag:s6] =	ssyncadd.s32 $0xFFFFE000  }
0x3ad: {  	_ =	swait.ge [sflag:s6], $0x2000  }
0x3ae: {  	[sflag:s6] =	ssyncset.done $0x0  }
0x3af: {  	[sflag:s6] =	ssyncadd.s32 $0xFFFFE000  }
0x3b0: {  	_ =	swait.ge [sflag:s6], $0x2000  }
0x3b1: {  	[sflag:s6] =	ssyncset.done $0x0  }
0x3b2: {  	[sflag:s6] =	ssyncadd.s32 $0xFFFFE000  }
0x3b3: {  	_ =	swait.ge [sflag:s6], $0x2000  }
0x3b4: {  	[sflag:s6] =	ssyncset.done $0x0  }
0x3b5: {  	[sflag:s6] =	ssyncadd.s32 $0xFFFFE000  }
0x3b6: {  	_ =	swait.ge [sflag:s6], $0x2000  }
0x3b7: {  	[sflag:s6] =	ssyncset.done $0x0  }
0x3b8: {  	[sflag:s6] =	ssyncadd.s32 $0xFFFFE000  }
0x3b9: {  	_ =	swait.ge [sflag:s6], $0x2000  }
0x3ba: {  	[sflag:s6] =	ssyncset.done $0x0  }
0x3bb: {  	[sflag:s6] =	ssyncadd.s32 $0xFFFFE000  }
0x3bc: {  	_ =	swait.ge [sflag:s6], $0x2000  }
0x3bd: {  	[sflag:s6] =	ssyncset.done $0x0  }
0x3be: {  	[sflag:s6] =	ssyncadd.s32 $0xFFFFE000  }
0x3bf: {  	_ =	swait.ge [sflag:s6], $0x2000  }
0x3c0: {  	[sflag:s6] =	ssyncset.done $0x0  }
0x3c1: {  	[sflag:s6] =	ssyncadd.s32 $0xFFFFE000  }
0x3c2: {  	_ =	swait.ge [sflag:s6], $0x2000  }
0x3c3: {  	[sflag:s6] =	ssyncset.done $0x0  }
0x3c4: {  	[sflag:s6] =	ssyncadd.s32 $0xFFFFE000  }
0x3c5: {  	_ =	swait.ge [sflag:s6], $0x2000  }
0x3c6: {  	[sflag:s6] =	ssyncset.done $0x0  }
0x3c7: {  	[sflag:s6] =	ssyncadd.s32 $0xFFFFE000  }
0x3c8: {  	_ =	swait.ge [sflag:s6], $0x2000  }
0x3c9: {  	[sflag:s6] =	ssyncset.done $0x0  }
0x3ca: {  	[sflag:s6] =	ssyncadd.s32 $0xFFFFE000  }
0x3cb: {  	_ =	swait.ge [sflag:s6], $0x2000  }
0x3cc: {  	[sflag:s6] =	ssyncset.done $0x0  }
0x3cd: {  	s16 =	simm.s32 $0x0;
	s17 =	rddreg [dreg:$0x1b];
	[sflag:s6] =	ssyncadd.s32 $0xFFFFE000  }
0x3ce: {  	[hbm4b:s17+s16] =	stream.linear.scatter [tilespmem:s1], [sflag:$0x5], $0x2000, $0x38;
	[tilespmem:$0x1F8A0] =	vst v63  }
0x3cf: {  	_ =	swait.ge [sflag:s5], $0x2000  }
0x3d0: {  	[sflag:s5] =	ssyncset.done $0x0  }
0x3d1: {  	s18 =	rddreg [dreg:$0x12];
	[sflag:s5] =	ssyncadd.s32 $0xFFFFE000  }
0x3d2: {  	[tilespmem:s13], [sflag:$0x1] =	stream.linear.gather [hbm4b:s18+s16], $0x1000, $0x38;
	[tilespmem:$0x1F8A0] =	vst v63  }
0x3d3: {  	s20 =	simm.s32 $0x0;
	_ =	swait.ge [sflag:s10], $0x1000  }
0x3d4: {  	s3 =	sand.u32 $0xF0, s16;
	s4 =	sand.u32 $0x3FFFFF00, s20;
	[sflag:s10] =	ssyncset.done $0x0  }
0x3d5: {  	s3 =	sor.u32 s3, s4;
	[sflag:s10] =	ssyncadd.s32 $0xFFFFF000  }
0x3d6: {  	v3 =	vld [tilespmem:s3+$0x187A0];
	_ =	sdelay $0x4  }
0x3d7: {  	p0 =	por $0x1, $0x1;
	v2 =	vsub.s32 v3, v0  }
0x3d8: {  	s15 =	simm.s32 $0x1;
	s4 =	simm.s32 $0x10;
	s18 =	smov.u32 s19;
	vm0 =	vge.s32 v3, v0;
	vm1 =	vlt.s32 v2, $0xC350  }
0x3d9: {  	s17 =	simm.s32 $0x2;
	s16 =	simm.s32 $0x10;
	s18 =	simm.s32 @!p0 $0xFFFFFFFF;
	vm0 =	vmand vm0, vm1  }
.LBB2_20:
0x3da: {  	p0 =	sne.s32 s17, $0xFF;
	s20 =	sand.u32 $0xF0, s16;
	s4 =	sand.u32 $0x3FFFFF00, s4;
	v2 =	vnsel vm0, s18, v2  }
0x3db: {  	[tilespmem:s3+$0x187A0] =	vst v2;
	s3 =	sor.u32 s20, s4  }
0x3dc: {  	v3 =	vld [tilespmem:s3+$0x187A0];
	_ =	sdelay $0x2  }
.Ltmp9:
0x3dd: {  	(pc) =	sbr.rel @p0 .LBB2_20-.Ltmp9, $4  }
0x3de: {  	_ = 	snop  }
0x3df: {  	s4 =	sshrl.u32 s15, $0x4;
	s15 =	smov.u32 s17;
	v2 =	vsub.s32 v3, v0  }
0x3e0: {  	s16 =	sadd.s32 $0x10, s16;
	s18 =	smov.u32 s19;
	p1 =	seq.s32 s4, $0x0;
	vm0 =	vge.s32 v3, v0;
	vm1 =	vlt.s32 v2, $0xC350  }
0x3e1: {  	s17 =	sadd.s32 $0x1, s17;
	s4 =	sshll.u32 s15, $0x4;
	s18 =	simm.s32 @!p1 $0xFFFFFFFF;
	vm0 =	vmand vm0, vm1  }
0x3e2: {  	s16 =	sand.u32 $0xF0, s16;
	s4 =	sand.u32 $0x3FFFFF00, s4;
	v2 =	vnsel vm0, s18, v2  }
0x3e3: {  	s4 =	sor.u32 s16, s4;
	[tilespmem:s3+$0x187A0] =	vst v2  }
0x3e4: {  	v2 =	vld [tilespmem:s4+$0x187A0];
	_ =	sdelay $0x4  }
0x3e5: {  	s15 =	sshrl.u32 s15, $0x4;
	v3 =	vsub.s32 v2, v0  }
0x3e6: {  	p0 =	seq.s32 s15, $0x0;
	s3 =	smov.u32 s19;
	vm0 =	vge.s32 v2, v0;
	vm1 =	vlt.s32 v3, $0xC350  }
0x3e7: {  	s3 =	simm.s32 @!p0 $0xFFFFFFFF;
	vm0 =	vmand vm0, vm1  }
0x3e8: {  	v2 =	vnsel vm0, s3, v3  }
0x3e9: {  	[tilespmem:s4+$0x187A0] =	vst v2  }
0x3ea: {  	[tilespmem:s1], [sflag:$0x2] =	stream.indirect.gather [spmem:s2], $0x20, s9, s11, $0xb8;
	[tilespmem:$0x1F8A0] =	vst v63  }
0x3eb: {  	_ =	swait.ge [sflag:s14], $0x2000  }
0x3ec: {  	[sflag:s14] =	ssyncset.done $0x0  }
0x3ed: {  	s16 =	simm.s32 $0x188A0;
	[sflag:s14] =	ssyncadd.s32 $0xFFFFE000;
	(ifvalue) =	ssetifvalue $0xFFFFFFFF  }
0x3ee: {  	[tilespmem:s1], [sflag:$0x4] =	stream.indirect.gather.add.bf16 [spmem:s2], $0x20, s16, s11, $0x40b8;
	[tilespmem:$0x1F8A0] =	vst v63  }
0x3ef: {  	s17 =	simm.s32 $0x189A0;
	(ifvalue) =	ssetifvalue $0xFFFFFFFF  }
0x3f0: {  	[tilespmem:s1], [sflag:$0x4] =	stream.indirect.gather.add.bf16 [spmem:s2], $0x20, s17, s11, $0x40b8;
	[tilespmem:$0x1F8A0] =	vst v63  }
0x3f1: {  	s18 =	simm.s32 $0x18AA0;
	(ifvalue) =	ssetifvalue $0xFFFFFFFF  }
0x3f2: {  	[tilespmem:s1], [sflag:$0x4] =	stream.indirect.gather.add.bf16 [spmem:s2], $0x20, s18, s11, $0x40b8;
	[tilespmem:$0x1F8A0] =	vst v63  }
0x3f3: {  	s20 =	simm.s32 $0x18BA0;
	(ifvalue) =	ssetifvalue $0xFFFFFFFF  }
0x3f4: {  	[tilespmem:s1], [sflag:$0x4] =	stream.indirect.gather.add.bf16 [spmem:s2], $0x20, s20, s11, $0x40b8;
	[tilespmem:$0x1F8A0] =	vst v63  }
0x3f5: {  	s4 =	simm.s32 $0x18CA0;
	(ifvalue) =	ssetifvalue $0xFFFFFFFF  }
0x3f6: {  	[tilespmem:s1], [sflag:$0x4] =	stream.indirect.gather.add.bf16 [spmem:s2], $0x20, s4, s11, $0x40b8;
	[tilespmem:$0x1F8A0] =	vst v63  }
0x3f7: {  	s15 =	simm.s32 $0x18DA0;
	(ifvalue) =	ssetifvalue $0xFFFFFFFF  }
0x3f8: {  	[tilespmem:s1], [sflag:$0x4] =	stream.indirect.gather.add.bf16 [spmem:s2], $0x20, s15, s11, $0x40b8;
	[tilespmem:$0x1F8A0] =	vst v63  }
0x3f9: {  	(ifvalue) =	ssetifvalue $0xFFFFFFFF  }
0x3fa: {  	[tilespmem:s1], [sflag:$0x4] =	stream.indirect.gather.add.bf16 [spmem:s2], $0x20, s21, s11, $0x40b8;
	[tilespmem:$0x1F8A0] =	vst v63  }
0x3fb: {  	(ifvalue) =	ssetifvalue $0xFFFFFFFF  }
0x3fc: {  	[tilespmem:s1], [sflag:$0x4] =	stream.indirect.gather.add.bf16 [spmem:s2], $0x20, s22, s11, $0x40b8;
	[tilespmem:$0x1F8A0] =	vst v63  }
0x3fd: {  	(ifvalue) =	ssetifvalue $0xFFFFFFFF  }
0x3fe: {  	[tilespmem:s1], [sflag:$0x4] =	stream.indirect.gather.add.bf16 [spmem:s2], $0x20, s23, s11, $0x40b8;
	[tilespmem:$0x1F8A0] =	vst v63  }
0x3ff: {  	(ifvalue) =	ssetifvalue $0xFFFFFFFF  }
0x400: {  	[tilespmem:s1], [sflag:$0x4] =	stream.indirect.gather.add.bf16 [spmem:s2], $0x20, s24, s11, $0x40b8;
	[tilespmem:$0x1F8A0] =	vst v63  }
0x401: {  	(ifvalue) =	ssetifvalue $0xFFFFFFFF  }
0x402: {  	[tilespmem:s1], [sflag:$0x4] =	stream.indirect.gather.add.bf16 [spmem:s2], $0x20, s25, s11, $0x40b8;
	[tilespmem:$0x1F8A0] =	vst v63  }
0x403: {  	(ifvalue) =	ssetifvalue $0xFFFFFFFF  }
0x404: {  	[tilespmem:s1], [sflag:$0x4] =	stream.indirect.gather.add.bf16 [spmem:s2], $0x20, s26, s11, $0x40b8;
	[tilespmem:$0x1F8A0] =	vst v63  }
0x405: {  	(ifvalue) =	ssetifvalue $0xFFFFFFFF  }
0x406: {  	[tilespmem:s1], [sflag:$0x4] =	stream.indirect.gather.add.bf16 [spmem:s2], $0x20, s28, s11, $0x40b8;
	[tilespmem:$0x1F8A0] =	vst v63  }
0x407: {  	(ifvalue) =	ssetifvalue $0xFFFFFFFF  }
0x408: {  	[tilespmem:s1], [sflag:$0x4] =	stream.indirect.gather.add.bf16 [spmem:s2], $0x20, s29, s11, $0x40b8;
	[tilespmem:$0x1F8A0] =	vst v63  }
0x409: {  	(ifvalue) =	ssetifvalue $0xFFFFFFFF  }
0x40a: {  	[tilespmem:s1], [sflag:$0x4] =	stream.indirect.gather.add.bf16 [spmem:s2], $0x20, s30, s11, $0x40b8;
	[tilespmem:$0x1F8A0] =	vst v63  }
0x40b: {  	_ =	swait.ge [sflag:s0], $0x2000  }
0x40c: {  	[sflag:s0] =	ssyncset.done $0x0  }
0x40d: {  	[sflag:s0] =	ssyncadd.s32 $0xFFFFE000  }
0x40e: {  	_ =	swait.ge [sflag:s0], $0x2000  }
0x40f: {  	[sflag:s0] =	ssyncset.done $0x0  }
0x410: {  	[sflag:s0] =	ssyncadd.s32 $0xFFFFE000  }
0x411: {  	_ =	swait.ge [sflag:s0], $0x2000  }
0x412: {  	[sflag:s0] =	ssyncset.done $0x0  }
0x413: {  	[sflag:s0] =	ssyncadd.s32 $0xFFFFE000  }
0x414: {  	_ =	swait.ge [sflag:s0], $0x2000  }
0x415: {  	[sflag:s0] =	ssyncset.done $0x0  }
0x416: {  	[sflag:s0] =	ssyncadd.s32 $0xFFFFE000  }
0x417: {  	_ =	swait.ge [sflag:s0], $0x2000  }
0x418: {  	[sflag:s0] =	ssyncset.done $0x0  }
0x419: {  	[sflag:s0] =	ssyncadd.s32 $0xFFFFE000  }
0x41a: {  	_ =	swait.ge [sflag:s0], $0x2000  }
0x41b: {  	[sflag:s0] =	ssyncset.done $0x0  }
0x41c: {  	[sflag:s0] =	ssyncadd.s32 $0xFFFFE000  }
0x41d: {  	_ =	swait.ge [sflag:s0], $0x2000  }
0x41e: {  	[sflag:s0] =	ssyncset.done $0x0  }
0x41f: {  	[sflag:s0] =	ssyncadd.s32 $0xFFFFE000  }
0x420: {  	_ =	swait.ge [sflag:s0], $0x2000  }
0x421: {  	[sflag:s0] =	ssyncset.done $0x0  }
0x422: {  	[sflag:s0] =	ssyncadd.s32 $0xFFFFE000  }
0x423: {  	_ =	swait.ge [sflag:s0], $0x2000  }
0x424: {  	[sflag:s0] =	ssyncset.done $0x0  }
0x425: {  	[sflag:s0] =	ssyncadd.s32 $0xFFFFE000  }
0x426: {  	_ =	swait.ge [sflag:s0], $0x2000  }
0x427: {  	[sflag:s0] =	ssyncset.done $0x0  }
0x428: {  	[sflag:s0] =	ssyncadd.s32 $0xFFFFE000  }
0x429: {  	_ =	swait.ge [sflag:s0], $0x2000  }
0x42a: {  	[sflag:s0] =	ssyncset.done $0x0  }
0x42b: {  	[sflag:s0] =	ssyncadd.s32 $0xFFFFE000  }
0x42c: {  	_ =	swait.ge [sflag:s0], $0x2000  }
0x42d: {  	[sflag:s0] =	ssyncset.done $0x0  }
0x42e: {  	[sflag:s0] =	ssyncadd.s32 $0xFFFFE000  }
0x42f: {  	_ =	swait.ge [sflag:s0], $0x2000  }
0x430: {  	[sflag:s0] =	ssyncset.done $0x0  }
0x431: {  	[sflag:s0] =	ssyncadd.s32 $0xFFFFE000  }
0x432: {  	_ =	swait.ge [sflag:s0], $0x2000  }
0x433: {  	[sflag:s0] =	ssyncset.done $0x0  }
0x434: {  	[sflag:s0] =	ssyncadd.s32 $0xFFFFE000  }
0x435: {  	_ =	swait.ge [sflag:s0], $0x2000  }
0x436: {  	[sflag:s0] =	ssyncset.done $0x0  }
0x437: {  	s16 =	simm.s32 $0x0;
	s17 =	rddreg [dreg:$0x1c];
	[sflag:s0] =	ssyncadd.s32 $0xFFFFE000  }
0x438: {  	[hbm4b:s17+s16] =	stream.linear.scatter [tilespmem:s12], [sflag:$0x5], $0x2000, $0x38;
	[tilespmem:$0x1F8A0] =	vst v63  }
0x439: {  	_ =	swait.ge [sflag:s5], $0x2000  }
0x43a: {  	[sflag:s5] =	ssyncset.done $0x0  }
0x43b: {  	s18 =	rddreg [dreg:$0x13];
	[sflag:s5] =	ssyncadd.s32 $0xFFFFE000  }
0x43c: {  	[tilespmem:s31], [sflag:$0x1] =	stream.linear.gather [hbm4b:s18+s16], $0x1000, $0x38;
	[tilespmem:$0x1F8A0] =	vst v63  }
0x43d: {  	s20 =	simm.s32 $0x0;
	_ =	swait.ge [sflag:s10], $0x1000  }
0x43e: {  	s3 =	sand.u32 $0xF0, s16;
	s4 =	sand.u32 $0x3FFFFF00, s20;
	[sflag:s10] =	ssyncset.done $0x0  }
0x43f: {  	s3 =	sor.u32 s3, s4;
	[sflag:s10] =	ssyncadd.s32 $0xFFFFF000  }
0x440: {  	v3 =	vld [tilespmem:s3+$0x197A0];
	_ =	sdelay $0x4  }
0x441: {  	p0 =	por $0x1, $0x1;
	v2 =	vsub.s32 v3, v0  }
0x442: {  	s15 =	simm.s32 $0x1;
	s4 =	simm.s32 $0x10;
	s18 =	smov.u32 s19;
	vm0 =	vge.s32 v3, v0;
	vm1 =	vlt.s32 v2, $0xC350  }
0x443: {  	s17 =	simm.s32 $0x2;
	s16 =	simm.s32 $0x10;
	s18 =	simm.s32 @!p0 $0xFFFFFFFF;
	vm0 =	vmand vm0, vm1  }
.LBB2_22:
0x444: {  	p0 =	sne.s32 s17, $0xFF;
	s20 =	sand.u32 $0xF0, s16;
	s4 =	sand.u32 $0x3FFFFF00, s4;
	v2 =	vnsel vm0, s18, v2  }
0x445: {  	[tilespmem:s3+$0x197A0] =	vst v2;
	s3 =	sor.u32 s20, s4  }
0x446: {  	v3 =	vld [tilespmem:s3+$0x197A0];
	_ =	sdelay $0x2  }
.Ltmp10:
0x447: {  	(pc) =	sbr.rel @p0 .LBB2_22-.Ltmp10, $4  }
0x448: {  	_ = 	snop  }
0x449: {  	s4 =	sshrl.u32 s15, $0x4;
	s15 =	smov.u32 s17;
	v2 =	vsub.s32 v3, v0  }
0x44a: {  	s16 =	sadd.s32 $0x10, s16;
	s18 =	smov.u32 s19;
	p1 =	seq.s32 s4, $0x0;
	vm0 =	vge.s32 v3, v0;
	vm1 =	vlt.s32 v2, $0xC350  }
0x44b: {  	s17 =	sadd.s32 $0x1, s17;
	s4 =	sshll.u32 s15, $0x4;
	s18 =	simm.s32 @!p1 $0xFFFFFFFF;
	vm0 =	vmand vm0, vm1  }
0x44c: {  	s16 =	sand.u32 $0xF0, s16;
	s4 =	sand.u32 $0x3FFFFF00, s4;
	v2 =	vnsel vm0, s18, v2  }
0x44d: {  	s4 =	sor.u32 s16, s4;
	[tilespmem:s3+$0x197A0] =	vst v2  }
0x44e: {  	v2 =	vld [tilespmem:s4+$0x197A0];
	_ =	sdelay $0x4  }
0x44f: {  	s18 =	sshrl.u32 s15, $0x4;
	v3 =	vsub.s32 v2, v0  }
0x450: {  	p0 =	seq.s32 s18, $0x0;
	s3 =	smov.u32 s19;
	vm0 =	vge.s32 v2, v0;
	vm1 =	vlt.s32 v3, $0xC350  }
0x451: {  	s3 =	simm.s32 @!p0 $0xFFFFFFFF;
	vm0 =	vmand vm0, vm1  }
0x452: {  	v2 =	vnsel vm0, s3, v3  }
0x453: {  	[tilespmem:s4+$0x197A0] =	vst v2  }
0x454: {  	[tilespmem:s12], [sflag:$0x2] =	stream.indirect.gather [spmem:s2], $0x20, s13, s11, $0xb8;
	[tilespmem:$0x1F8A0] =	vst v63  }
0x455: {  	_ =	swait.ge [sflag:s14], $0x2000  }
0x456: {  	[sflag:s14] =	ssyncset.done $0x0  }
0x457: {  	s20 =	simm.s32 $0x198A0;
	[sflag:s14] =	ssyncadd.s32 $0xFFFFE000;
	(ifvalue) =	ssetifvalue $0xFFFFFFFF  }
0x458: {  	[tilespmem:s12], [sflag:$0x3] =	stream.indirect.gather.add.bf16 [spmem:s2], $0x20, s20, s11, $0x40b8;
	[tilespmem:$0x1F8A0] =	vst v63  }
0x459: {  	s4 =	simm.s32 $0x199A0;
	(ifvalue) =	ssetifvalue $0xFFFFFFFF  }
0x45a: {  	[tilespmem:s12], [sflag:$0x3] =	stream.indirect.gather.add.bf16 [spmem:s2], $0x20, s4, s11, $0x40b8;
	[tilespmem:$0x1F8A0] =	vst v63  }
0x45b: {  	s15 =	simm.s32 $0x19AA0;
	(ifvalue) =	ssetifvalue $0xFFFFFFFF  }
0x45c: {  	[tilespmem:s12], [sflag:$0x3] =	stream.indirect.gather.add.bf16 [spmem:s2], $0x20, s15, s11, $0x40b8;
	[tilespmem:$0x1F8A0] =	vst v63  }
0x45d: {  	s16 =	simm.s32 $0x19BA0;
	(ifvalue) =	ssetifvalue $0xFFFFFFFF  }
0x45e: {  	[tilespmem:s12], [sflag:$0x3] =	stream.indirect.gather.add.bf16 [spmem:s2], $0x20, s16, s11, $0x40b8;
	[tilespmem:$0x1F8A0] =	vst v63  }
0x45f: {  	s17 =	simm.s32 $0x19CA0;
	(ifvalue) =	ssetifvalue $0xFFFFFFFF  }
0x460: {  	[tilespmem:s12], [sflag:$0x3] =	stream.indirect.gather.add.bf16 [spmem:s2], $0x20, s17, s11, $0x40b8;
	[tilespmem:$0x1F8A0] =	vst v63  }
0x461: {  	s18 =	simm.s32 $0x19DA0;
	(ifvalue) =	ssetifvalue $0xFFFFFFFF  }
0x462: {  	[tilespmem:s12], [sflag:$0x3] =	stream.indirect.gather.add.bf16 [spmem:s2], $0x20, s18, s11, $0x40b8;
	[tilespmem:$0x1F8A0] =	vst v63  }
0x463: {  	s20 =	simm.s32 $0x19EA0;
	(ifvalue) =	ssetifvalue $0xFFFFFFFF  }
0x464: {  	[tilespmem:s12], [sflag:$0x3] =	stream.indirect.gather.add.bf16 [spmem:s2], $0x20, s20, s11, $0x40b8;
	[tilespmem:$0x1F8A0] =	vst v63  }
0x465: {  	s4 =	simm.s32 $0x19FA0;
	(ifvalue) =	ssetifvalue $0xFFFFFFFF  }
0x466: {  	[tilespmem:s12], [sflag:$0x3] =	stream.indirect.gather.add.bf16 [spmem:s2], $0x20, s4, s11, $0x40b8;
	[tilespmem:$0x1F8A0] =	vst v63  }
0x467: {  	s15 =	simm.s32 $0x1A0A0;
	(ifvalue) =	ssetifvalue $0xFFFFFFFF  }
0x468: {  	[tilespmem:s12], [sflag:$0x3] =	stream.indirect.gather.add.bf16 [spmem:s2], $0x20, s15, s11, $0x40b8;
	[tilespmem:$0x1F8A0] =	vst v63  }
0x469: {  	s16 =	simm.s32 $0x1A1A0;
	(ifvalue) =	ssetifvalue $0xFFFFFFFF  }
0x46a: {  	[tilespmem:s12], [sflag:$0x3] =	stream.indirect.gather.add.bf16 [spmem:s2], $0x20, s16, s11, $0x40b8;
	[tilespmem:$0x1F8A0] =	vst v63  }
0x46b: {  	s17 =	simm.s32 $0x1A2A0;
	(ifvalue) =	ssetifvalue $0xFFFFFFFF  }
0x46c: {  	[tilespmem:s12], [sflag:$0x3] =	stream.indirect.gather.add.bf16 [spmem:s2], $0x20, s17, s11, $0x40b8;
	[tilespmem:$0x1F8A0] =	vst v63  }
0x46d: {  	s18 =	simm.s32 $0x1A3A0;
	(ifvalue) =	ssetifvalue $0xFFFFFFFF  }
0x46e: {  	[tilespmem:s12], [sflag:$0x3] =	stream.indirect.gather.add.bf16 [spmem:s2], $0x20, s18, s11, $0x40b8;
	[tilespmem:$0x1F8A0] =	vst v63  }
0x46f: {  	s20 =	simm.s32 $0x1A4A0;
	(ifvalue) =	ssetifvalue $0xFFFFFFFF  }
0x470: {  	[tilespmem:s12], [sflag:$0x3] =	stream.indirect.gather.add.bf16 [spmem:s2], $0x20, s20, s11, $0x40b8;
	[tilespmem:$0x1F8A0] =	vst v63  }
0x471: {  	s4 =	simm.s32 $0x1A5A0;
	(ifvalue) =	ssetifvalue $0xFFFFFFFF  }
0x472: {  	[tilespmem:s12], [sflag:$0x3] =	stream.indirect.gather.add.bf16 [spmem:s2], $0x20, s4, s11, $0x40b8;
	[tilespmem:$0x1F8A0] =	vst v63  }
0x473: {  	s15 =	simm.s32 $0x1A6A0;
	(ifvalue) =	ssetifvalue $0xFFFFFFFF  }
0x474: {  	[tilespmem:s12], [sflag:$0x3] =	stream.indirect.gather.add.bf16 [spmem:s2], $0x20, s15, s11, $0x40b8;
	[tilespmem:$0x1F8A0] =	vst v63  }
0x475: {  	_ =	swait.ge [sflag:s6], $0x2000  }
0x476: {  	[sflag:s6] =	ssyncset.done $0x0  }
0x477: {  	[sflag:s6] =	ssyncadd.s32 $0xFFFFE000  }
0x478: {  	_ =	swait.ge [sflag:s6], $0x2000  }
0x479: {  	[sflag:s6] =	ssyncset.done $0x0  }
0x47a: {  	[sflag:s6] =	ssyncadd.s32 $0xFFFFE000  }
0x47b: {  	_ =	swait.ge [sflag:s6], $0x2000  }
0x47c: {  	[sflag:s6] =	ssyncset.done $0x0  }
0x47d: {  	[sflag:s6] =	ssyncadd.s32 $0xFFFFE000  }
0x47e: {  	_ =	swait.ge [sflag:s6], $0x2000  }
0x47f: {  	[sflag:s6] =	ssyncset.done $0x0  }
0x480: {  	[sflag:s6] =	ssyncadd.s32 $0xFFFFE000  }
0x481: {  	_ =	swait.ge [sflag:s6], $0x2000  }
0x482: {  	[sflag:s6] =	ssyncset.done $0x0  }
0x483: {  	[sflag:s6] =	ssyncadd.s32 $0xFFFFE000  }
0x484: {  	_ =	swait.ge [sflag:s6], $0x2000  }
0x485: {  	[sflag:s6] =	ssyncset.done $0x0  }
0x486: {  	[sflag:s6] =	ssyncadd.s32 $0xFFFFE000  }
0x487: {  	_ =	swait.ge [sflag:s6], $0x2000  }
0x488: {  	[sflag:s6] =	ssyncset.done $0x0  }
0x489: {  	[sflag:s6] =	ssyncadd.s32 $0xFFFFE000  }
0x48a: {  	_ =	swait.ge [sflag:s6], $0x2000  }
0x48b: {  	[sflag:s6] =	ssyncset.done $0x0  }
0x48c: {  	[sflag:s6] =	ssyncadd.s32 $0xFFFFE000  }
0x48d: {  	_ =	swait.ge [sflag:s6], $0x2000  }
0x48e: {  	[sflag:s6] =	ssyncset.done $0x0  }
0x48f: {  	[sflag:s6] =	ssyncadd.s32 $0xFFFFE000  }
0x490: {  	_ =	swait.ge [sflag:s6], $0x2000  }
0x491: {  	[sflag:s6] =	ssyncset.done $0x0  }
0x492: {  	[sflag:s6] =	ssyncadd.s32 $0xFFFFE000  }
0x493: {  	_ =	swait.ge [sflag:s6], $0x2000  }
0x494: {  	[sflag:s6] =	ssyncset.done $0x0  }
0x495: {  	[sflag:s6] =	ssyncadd.s32 $0xFFFFE000  }
0x496: {  	_ =	swait.ge [sflag:s6], $0x2000  }
0x497: {  	[sflag:s6] =	ssyncset.done $0x0  }
0x498: {  	[sflag:s6] =	ssyncadd.s32 $0xFFFFE000  }
0x499: {  	_ =	swait.ge [sflag:s6], $0x2000  }
0x49a: {  	[sflag:s6] =	ssyncset.done $0x0  }
0x49b: {  	[sflag:s6] =	ssyncadd.s32 $0xFFFFE000  }
0x49c: {  	_ =	swait.ge [sflag:s6], $0x2000  }
0x49d: {  	[sflag:s6] =	ssyncset.done $0x0  }
0x49e: {  	[sflag:s6] =	ssyncadd.s32 $0xFFFFE000  }
0x49f: {  	_ =	swait.ge [sflag:s6], $0x2000  }
0x4a0: {  	[sflag:s6] =	ssyncset.done $0x0  }
0x4a1: {  	s16 =	simm.s32 $0x0;
	s17 =	rddreg [dreg:$0x1d];
	[sflag:s6] =	ssyncadd.s32 $0xFFFFE000  }
0x4a2: {  	[hbm4b:s17+s16] =	stream.linear.scatter [tilespmem:s1], [sflag:$0x5], $0x2000, $0x38;
	[tilespmem:$0x1F8A0] =	vst v63  }
0x4a3: {  	_ =	swait.ge [sflag:s5], $0x2000  }
0x4a4: {  	[sflag:s5] =	ssyncset.done $0x0  }
0x4a5: {  	s18 =	rddreg [dreg:$0x14];
	[sflag:s5] =	ssyncadd.s32 $0xFFFFE000  }
0x4a6: {  	[tilespmem:s9], [sflag:$0x1] =	stream.linear.gather [hbm4b:s18+s16], $0x1000, $0x38;
	[tilespmem:$0x1F8A0] =	vst v63  }
0x4a7: {  	s20 =	simm.s32 $0x0;
	_ =	swait.ge [sflag:s10], $0x1000  }
0x4a8: {  	s3 =	sand.u32 $0xF0, s16;
	s4 =	sand.u32 $0x3FFFFF00, s20;
	[sflag:s10] =	ssyncset.done $0x0  }
0x4a9: {  	s3 =	sor.u32 s3, s4;
	[sflag:s10] =	ssyncadd.s32 $0xFFFFF000  }
0x4aa: {  	v3 =	vld [tilespmem:s3+$0x1A7A0];
	_ =	sdelay $0x4  }
0x4ab: {  	p0 =	por $0x1, $0x1;
	v2 =	vsub.s32 v3, v0  }
0x4ac: {  	s15 =	simm.s32 $0x1;
	s4 =	simm.s32 $0x10;
	s18 =	smov.u32 s19;
	vm0 =	vge.s32 v3, v0;
	vm1 =	vlt.s32 v2, $0xC350  }
0x4ad: {  	s17 =	simm.s32 $0x2;
	s16 =	simm.s32 $0x10;
	s18 =	simm.s32 @!p0 $0xFFFFFFFF;
	vm0 =	vmand vm0, vm1  }
.LBB2_24:
0x4ae: {  	p0 =	sne.s32 s17, $0xFF;
	s20 =	sand.u32 $0xF0, s16;
	s4 =	sand.u32 $0x3FFFFF00, s4;
	v2 =	vnsel vm0, s18, v2  }
0x4af: {  	[tilespmem:s3+$0x1A7A0] =	vst v2;
	s3 =	sor.u32 s20, s4  }
0x4b0: {  	v3 =	vld [tilespmem:s3+$0x1A7A0];
	_ =	sdelay $0x2  }
.Ltmp11:
0x4b1: {  	(pc) =	sbr.rel @p0 .LBB2_24-.Ltmp11, $4  }
0x4b2: {  	_ = 	snop  }
0x4b3: {  	s4 =	sshrl.u32 s15, $0x4;
	s15 =	smov.u32 s17;
	v2 =	vsub.s32 v3, v0  }
0x4b4: {  	s16 =	sadd.s32 $0x10, s16;
	s18 =	smov.u32 s19;
	p1 =	seq.s32 s4, $0x0;
	vm0 =	vge.s32 v3, v0;
	vm1 =	vlt.s32 v2, $0xC350  }
0x4b5: {  	s17 =	sadd.s32 $0x1, s17;
	s4 =	sshll.u32 s15, $0x4;
	s18 =	simm.s32 @!p1 $0xFFFFFFFF;
	vm0 =	vmand vm0, vm1  }
0x4b6: {  	s16 =	sand.u32 $0xF0, s16;
	s4 =	sand.u32 $0x3FFFFF00, s4;
	v2 =	vnsel vm0, s18, v2  }
0x4b7: {  	s4 =	sor.u32 s16, s4;
	[tilespmem:s3+$0x1A7A0] =	vst v2  }
0x4b8: {  	v2 =	vld [tilespmem:s4+$0x1A7A0];
	_ =	sdelay $0x4  }
0x4b9: {  	s20 =	sshrl.u32 s15, $0x4;
	v3 =	vsub.s32 v2, v0  }
0x4ba: {  	p0 =	seq.s32 s20, $0x0;
	s3 =	smov.u32 s19;
	vm0 =	vge.s32 v2, v0;
	vm1 =	vlt.s32 v3, $0xC350  }
0x4bb: {  	s3 =	simm.s32 @!p0 $0xFFFFFFFF;
	vm0 =	vmand vm0, vm1  }
0x4bc: {  	v2 =	vnsel vm0, s3, v3  }
0x4bd: {  	[tilespmem:s4+$0x1A7A0] =	vst v2  }
0x4be: {  	[tilespmem:s1], [sflag:$0x2] =	stream.indirect.gather [spmem:s2], $0x20, s31, s11, $0xb8;
	[tilespmem:$0x1F8A0] =	vst v63  }
0x4bf: {  	_ =	swait.ge [sflag:s14], $0x2000  }
0x4c0: {  	[sflag:s14] =	ssyncset.done $0x0  }
0x4c1: {  	s4 =	simm.s32 $0x1A8A0;
	[sflag:s14] =	ssyncadd.s32 $0xFFFFE000;
	(ifvalue) =	ssetifvalue $0xFFFFFFFF  }
0x4c2: {  	[tilespmem:s1], [sflag:$0x4] =	stream.indirect.gather.add.bf16 [spmem:s2], $0x20, s4, s11, $0x40b8;
	[tilespmem:$0x1F8A0] =	vst v63  }
0x4c3: {  	s15 =	simm.s32 $0x1A9A0;
	(ifvalue) =	ssetifvalue $0xFFFFFFFF  }
0x4c4: {  	[tilespmem:s1], [sflag:$0x4] =	stream.indirect.gather.add.bf16 [spmem:s2], $0x20, s15, s11, $0x40b8;
	[tilespmem:$0x1F8A0] =	vst v63  }
0x4c5: {  	s16 =	simm.s32 $0x1AAA0;
	(ifvalue) =	ssetifvalue $0xFFFFFFFF  }
0x4c6: {  	[tilespmem:s1], [sflag:$0x4] =	stream.indirect.gather.add.bf16 [spmem:s2], $0x20, s16, s11, $0x40b8;
	[tilespmem:$0x1F8A0] =	vst v63  }
0x4c7: {  	s17 =	simm.s32 $0x1ABA0;
	(ifvalue) =	ssetifvalue $0xFFFFFFFF  }
0x4c8: {  	[tilespmem:s1], [sflag:$0x4] =	stream.indirect.gather.add.bf16 [spmem:s2], $0x20, s17, s11, $0x40b8;
	[tilespmem:$0x1F8A0] =	vst v63  }
0x4c9: {  	s18 =	simm.s32 $0x1ACA0;
	(ifvalue) =	ssetifvalue $0xFFFFFFFF  }
0x4ca: {  	[tilespmem:s1], [sflag:$0x4] =	stream.indirect.gather.add.bf16 [spmem:s2], $0x20, s18, s11, $0x40b8;
	[tilespmem:$0x1F8A0] =	vst v63  }
0x4cb: {  	s20 =	simm.s32 $0x1ADA0;
	(ifvalue) =	ssetifvalue $0xFFFFFFFF  }
0x4cc: {  	[tilespmem:s1], [sflag:$0x4] =	stream.indirect.gather.add.bf16 [spmem:s2], $0x20, s20, s11, $0x40b8;
	[tilespmem:$0x1F8A0] =	vst v63  }
0x4cd: {  	s4 =	simm.s32 $0x1AEA0;
	(ifvalue) =	ssetifvalue $0xFFFFFFFF  }
0x4ce: {  	[tilespmem:s1], [sflag:$0x4] =	stream.indirect.gather.add.bf16 [spmem:s2], $0x20, s4, s11, $0x40b8;
	[tilespmem:$0x1F8A0] =	vst v63  }
0x4cf: {  	s15 =	simm.s32 $0x1AFA0;
	(ifvalue) =	ssetifvalue $0xFFFFFFFF  }
0x4d0: {  	[tilespmem:s1], [sflag:$0x4] =	stream.indirect.gather.add.bf16 [spmem:s2], $0x20, s15, s11, $0x40b8;
	[tilespmem:$0x1F8A0] =	vst v63  }
0x4d1: {  	s16 =	simm.s32 $0x1B0A0;
	(ifvalue) =	ssetifvalue $0xFFFFFFFF  }
0x4d2: {  	[tilespmem:s1], [sflag:$0x4] =	stream.indirect.gather.add.bf16 [spmem:s2], $0x20, s16, s11, $0x40b8;
	[tilespmem:$0x1F8A0] =	vst v63  }
0x4d3: {  	s17 =	simm.s32 $0x1B1A0;
	(ifvalue) =	ssetifvalue $0xFFFFFFFF  }
0x4d4: {  	[tilespmem:s1], [sflag:$0x4] =	stream.indirect.gather.add.bf16 [spmem:s2], $0x20, s17, s11, $0x40b8;
	[tilespmem:$0x1F8A0] =	vst v63  }
0x4d5: {  	s18 =	simm.s32 $0x1B2A0;
	(ifvalue) =	ssetifvalue $0xFFFFFFFF  }
0x4d6: {  	[tilespmem:s1], [sflag:$0x4] =	stream.indirect.gather.add.bf16 [spmem:s2], $0x20, s18, s11, $0x40b8;
	[tilespmem:$0x1F8A0] =	vst v63  }
0x4d7: {  	s20 =	simm.s32 $0x1B3A0;
	(ifvalue) =	ssetifvalue $0xFFFFFFFF  }
0x4d8: {  	[tilespmem:s1], [sflag:$0x4] =	stream.indirect.gather.add.bf16 [spmem:s2], $0x20, s20, s11, $0x40b8;
	[tilespmem:$0x1F8A0] =	vst v63  }
0x4d9: {  	s4 =	simm.s32 $0x1B4A0;
	(ifvalue) =	ssetifvalue $0xFFFFFFFF  }
0x4da: {  	[tilespmem:s1], [sflag:$0x4] =	stream.indirect.gather.add.bf16 [spmem:s2], $0x20, s4, s11, $0x40b8;
	[tilespmem:$0x1F8A0] =	vst v63  }
0x4db: {  	s15 =	simm.s32 $0x1B5A0;
	(ifvalue) =	ssetifvalue $0xFFFFFFFF  }
0x4dc: {  	[tilespmem:s1], [sflag:$0x4] =	stream.indirect.gather.add.bf16 [spmem:s2], $0x20, s15, s11, $0x40b8;
	[tilespmem:$0x1F8A0] =	vst v63  }
0x4dd: {  	s16 =	simm.s32 $0x1B6A0;
	(ifvalue) =	ssetifvalue $0xFFFFFFFF  }
0x4de: {  	[tilespmem:s1], [sflag:$0x4] =	stream.indirect.gather.add.bf16 [spmem:s2], $0x20, s16, s11, $0x40b8;
	[tilespmem:$0x1F8A0] =	vst v63  }
0x4df: {  	_ =	swait.ge [sflag:s0], $0x2000  }
0x4e0: {  	[sflag:s0] =	ssyncset.done $0x0  }
0x4e1: {  	[sflag:s0] =	ssyncadd.s32 $0xFFFFE000  }
0x4e2: {  	_ =	swait.ge [sflag:s0], $0x2000  }
0x4e3: {  	[sflag:s0] =	ssyncset.done $0x0  }
0x4e4: {  	[sflag:s0] =	ssyncadd.s32 $0xFFFFE000  }
0x4e5: {  	_ =	swait.ge [sflag:s0], $0x2000  }
0x4e6: {  	[sflag:s0] =	ssyncset.done $0x0  }
0x4e7: {  	[sflag:s0] =	ssyncadd.s32 $0xFFFFE000  }
0x4e8: {  	_ =	swait.ge [sflag:s0], $0x2000  }
0x4e9: {  	[sflag:s0] =	ssyncset.done $0x0  }
0x4ea: {  	[sflag:s0] =	ssyncadd.s32 $0xFFFFE000  }
0x4eb: {  	_ =	swait.ge [sflag:s0], $0x2000  }
0x4ec: {  	[sflag:s0] =	ssyncset.done $0x0  }
0x4ed: {  	[sflag:s0] =	ssyncadd.s32 $0xFFFFE000  }
0x4ee: {  	_ =	swait.ge [sflag:s0], $0x2000  }
0x4ef: {  	[sflag:s0] =	ssyncset.done $0x0  }
0x4f0: {  	[sflag:s0] =	ssyncadd.s32 $0xFFFFE000  }
0x4f1: {  	_ =	swait.ge [sflag:s0], $0x2000  }
0x4f2: {  	[sflag:s0] =	ssyncset.done $0x0  }
0x4f3: {  	[sflag:s0] =	ssyncadd.s32 $0xFFFFE000  }
0x4f4: {  	_ =	swait.ge [sflag:s0], $0x2000  }
0x4f5: {  	[sflag:s0] =	ssyncset.done $0x0  }
0x4f6: {  	[sflag:s0] =	ssyncadd.s32 $0xFFFFE000  }
0x4f7: {  	_ =	swait.ge [sflag:s0], $0x2000  }
0x4f8: {  	[sflag:s0] =	ssyncset.done $0x0  }
0x4f9: {  	[sflag:s0] =	ssyncadd.s32 $0xFFFFE000  }
0x4fa: {  	_ =	swait.ge [sflag:s0], $0x2000  }
0x4fb: {  	[sflag:s0] =	ssyncset.done $0x0  }
0x4fc: {  	[sflag:s0] =	ssyncadd.s32 $0xFFFFE000  }
0x4fd: {  	_ =	swait.ge [sflag:s0], $0x2000  }
0x4fe: {  	[sflag:s0] =	ssyncset.done $0x0  }
0x4ff: {  	[sflag:s0] =	ssyncadd.s32 $0xFFFFE000  }
0x500: {  	_ =	swait.ge [sflag:s0], $0x2000  }
0x501: {  	[sflag:s0] =	ssyncset.done $0x0  }
0x502: {  	[sflag:s0] =	ssyncadd.s32 $0xFFFFE000  }
0x503: {  	_ =	swait.ge [sflag:s0], $0x2000  }
0x504: {  	[sflag:s0] =	ssyncset.done $0x0  }
0x505: {  	[sflag:s0] =	ssyncadd.s32 $0xFFFFE000  }
0x506: {  	_ =	swait.ge [sflag:s0], $0x2000  }
0x507: {  	[sflag:s0] =	ssyncset.done $0x0  }
0x508: {  	[sflag:s0] =	ssyncadd.s32 $0xFFFFE000  }
0x509: {  	_ =	swait.ge [sflag:s0], $0x2000  }
0x50a: {  	[sflag:s0] =	ssyncset.done $0x0  }
0x50b: {  	s17 =	simm.s32 $0x0;
	s18 =	rddreg [dreg:$0x1e];
	[sflag:s0] =	ssyncadd.s32 $0xFFFFE000  }
0x50c: {  	[hbm4b:s18+s17] =	stream.linear.scatter [tilespmem:s12], [sflag:$0x5], $0x2000, $0x38;
	[tilespmem:$0x1F8A0] =	vst v63  }
0x50d: {  	_ =	swait.ge [sflag:s5], $0x2000  }
0x50e: {  	[sflag:s5] =	ssyncset.done $0x0  }
0x50f: {  	[sflag:s5] =	ssyncadd.s32 $0xFFFFE000  }
0x510: {  	s20 =	simm.s32 $0x0;
	_ =	swait.ge [sflag:s10], $0x1000  }
0x511: {  	s3 =	sand.u32 $0xF0, s17;
	s4 =	sand.u32 $0x3FFFFF00, s20;
	[sflag:s10] =	ssyncset.done $0x0  }
0x512: {  	s3 =	sor.u32 s3, s4;
	[sflag:s10] =	ssyncadd.s32 $0xFFFFF000  }
0x513: {  	v3 =	vld [tilespmem:s3+$0x187A0];
	_ =	sdelay $0x4  }
0x514: {  	p0 =	por $0x1, $0x1;
	v2 =	vsub.s32 v3, v0  }
0x515: {  	s15 =	simm.s32 $0x1;
	s4 =	smov.u32 s19;
	s16 =	simm.s32 $0x10;
	vm0 =	vge.s32 v3, v0;
	vm1 =	vlt.s32 v2, $0xC350  }
0x516: {  	s4 =	simm.s32 @!p0 $0xFFFFFFFF;
	s18 =	simm.s32 $0x10;
	s17 =	simm.s32 $0x2;
	vm0 =	vmand vm0, vm1  }
.LBB2_26:
0x517: {  	p0 =	sne.s32 s17, $0xFF;
	s20 =	sand.u32 $0xF0, s16;
	s18 =	sand.u32 $0x3FFFFF00, s18;
	v2 =	vnsel vm0, s4, v2  }
0x518: {  	[tilespmem:s3+$0x187A0] =	vst v2;
	s3 =	sor.u32 s20, s18  }
0x519: {  	v3 =	vld [tilespmem:s3+$0x187A0];
	_ =	sdelay $0x2  }
.Ltmp12:
0x51a: {  	(pc) =	sbr.rel @p0 .LBB2_26-.Ltmp12, $4  }
0x51b: {  	_ = 	snop  }
0x51c: {  	s4 =	sshrl.u32 s15, $0x4;
	s15 =	smov.u32 s17;
	v2 =	vsub.s32 v3, v0  }
0x51d: {  	s16 =	sadd.s32 $0x10, s16;
	p1 =	seq.s32 s4, $0x0;
	s4 =	smov.u32 s19;
	vm0 =	vge.s32 v3, v0;
	vm1 =	vlt.s32 v2, $0xC350  }
0x51e: {  	s17 =	sadd.s32 $0x1, s17;
	s18 =	sshll.u32 s15, $0x4;
	s4 =	simm.s32 @!p1 $0xFFFFFFFF;
	vm0 =	vmand vm0, vm1  }
0x51f: {  	v2 =	vnsel vm0, s4, v2;
	s17 =	sand.u32 $0xF0, s16;
	s20 =	sand.u32 $0x3FFFFF00, s18  }
0x520: {  	s4 =	sor.u32 s17, s20;
	[tilespmem:s3+$0x187A0] =	vst v2  }
0x521: {  	v2 =	vld [tilespmem:s4+$0x187A0];
	_ =	sdelay $0x4  }
0x522: {  	s16 =	sshrl.u32 s15, $0x4;
	v3 =	vsub.s32 v2, v0  }
0x523: {  	p0 =	seq.s32 s16, $0x0;
	s3 =	smov.u32 s19;
	vm15 =	vge.s32 v2, v0;
	vm1 =	vlt.s32 v3, $0xC350  }
0x524: {  	s3 =	simm.s32 @!p0 $0xFFFFFFFF;
	vm0 =	vmand vm15, vm1  }
0x525: {  	v2 =	vnsel vm0, s3, v3  }
0x526: {  	[tilespmem:s4+$0x187A0] =	vst v2  }
0x527: {  	[tilespmem:s12], [sflag:$0x2] =	stream.indirect.gather [spmem:s2], $0x20, s9, s11, $0xb8;
	[tilespmem:$0x1F8A0] =	vst v63  }
0x528: {  	_ =	swait.ge [sflag:s14], $0x2000  }
0x529: {  	[sflag:s14] =	ssyncset.done $0x0  }
0x52a: {  	s17 =	simm.s32 $0x188A0;
	[sflag:s14] =	ssyncadd.s32 $0xFFFFE000;
	(ifvalue) =	ssetifvalue $0xFFFFFFFF  }
0x52b: {  	[tilespmem:s12], [sflag:$0x3] =	stream.indirect.gather.add.bf16 [spmem:s2], $0x20, s17, s11, $0x40b8;
	[tilespmem:$0x1F8A0] =	vst v63  }
0x52c: {  	s18 =	simm.s32 $0x189A0;
	(ifvalue) =	ssetifvalue $0xFFFFFFFF  }
0x52d: {  	[tilespmem:s12], [sflag:$0x3] =	stream.indirect.gather.add.bf16 [spmem:s2], $0x20, s18, s11, $0x40b8;
	[tilespmem:$0x1F8A0] =	vst v63  }
0x52e: {  	s20 =	simm.s32 $0x18AA0;
	(ifvalue) =	ssetifvalue $0xFFFFFFFF  }
0x52f: {  	[tilespmem:s12], [sflag:$0x3] =	stream.indirect.gather.add.bf16 [spmem:s2], $0x20, s20, s11, $0x40b8;
	[tilespmem:$0x1F8A0] =	vst v63  }
0x530: {  	s4 =	simm.s32 $0x18BA0;
	(ifvalue) =	ssetifvalue $0xFFFFFFFF  }
0x531: {  	[tilespmem:s12], [sflag:$0x3] =	stream.indirect.gather.add.bf16 [spmem:s2], $0x20, s4, s11, $0x40b8;
	[tilespmem:$0x1F8A0] =	vst v63  }
0x532: {  	s15 =	simm.s32 $0x18CA0;
	(ifvalue) =	ssetifvalue $0xFFFFFFFF  }
0x533: {  	[tilespmem:s12], [sflag:$0x3] =	stream.indirect.gather.add.bf16 [spmem:s2], $0x20, s15, s11, $0x40b8;
	[tilespmem:$0x1F8A0] =	vst v63  }
0x534: {  	s16 =	simm.s32 $0x18DA0;
	(ifvalue) =	ssetifvalue $0xFFFFFFFF  }
0x535: {  	[tilespmem:s12], [sflag:$0x3] =	stream.indirect.gather.add.bf16 [spmem:s2], $0x20, s16, s11, $0x40b8;
	[tilespmem:$0x1F8A0] =	vst v63  }
0x536: {  	(ifvalue) =	ssetifvalue $0xFFFFFFFF  }
0x537: {  	[tilespmem:s12], [sflag:$0x3] =	stream.indirect.gather.add.bf16 [spmem:s2], $0x20, s21, s11, $0x40b8;
	[tilespmem:$0x1F8A0] =	vst v63  }
0x538: {  	(ifvalue) =	ssetifvalue $0xFFFFFFFF  }
0x539: {  	[tilespmem:s12], [sflag:$0x3] =	stream.indirect.gather.add.bf16 [spmem:s2], $0x20, s22, s11, $0x40b8;
	[tilespmem:$0x1F8A0] =	vst v63  }
0x53a: {  	(ifvalue) =	ssetifvalue $0xFFFFFFFF  }
0x53b: {  	[tilespmem:s12], [sflag:$0x3] =	stream.indirect.gather.add.bf16 [spmem:s2], $0x20, s23, s11, $0x40b8;
	[tilespmem:$0x1F8A0] =	vst v63  }
0x53c: {  	(ifvalue) =	ssetifvalue $0xFFFFFFFF  }
0x53d: {  	[tilespmem:s12], [sflag:$0x3] =	stream.indirect.gather.add.bf16 [spmem:s2], $0x20, s24, s11, $0x40b8;
	[tilespmem:$0x1F8A0] =	vst v63  }
0x53e: {  	(ifvalue) =	ssetifvalue $0xFFFFFFFF  }
0x53f: {  	[tilespmem:s12], [sflag:$0x3] =	stream.indirect.gather.add.bf16 [spmem:s2], $0x20, s25, s11, $0x40b8;
	[tilespmem:$0x1F8A0] =	vst v63  }
0x540: {  	(ifvalue) =	ssetifvalue $0xFFFFFFFF  }
0x541: {  	[tilespmem:s12], [sflag:$0x3] =	stream.indirect.gather.add.bf16 [spmem:s2], $0x20, s26, s11, $0x40b8;
	[tilespmem:$0x1F8A0] =	vst v63  }
0x542: {  	(ifvalue) =	ssetifvalue $0xFFFFFFFF  }
0x543: {  	[tilespmem:s12], [sflag:$0x3] =	stream.indirect.gather.add.bf16 [spmem:s2], $0x20, s28, s11, $0x40b8;
	[tilespmem:$0x1F8A0] =	vst v63  }
0x544: {  	(ifvalue) =	ssetifvalue $0xFFFFFFFF  }
0x545: {  	[tilespmem:s12], [sflag:$0x3] =	stream.indirect.gather.add.bf16 [spmem:s2], $0x20, s29, s11, $0x40b8;
	[tilespmem:$0x1F8A0] =	vst v63  }
0x546: {  	(ifvalue) =	ssetifvalue $0xFFFFFFFF  }
0x547: {  	[tilespmem:s12], [sflag:$0x3] =	stream.indirect.gather.add.bf16 [spmem:s2], $0x20, s30, s11, $0x40b8;
	[tilespmem:$0x1F8A0] =	vst v63  }
0x548: {  	_ =	swait.ge [sflag:s6], $0x2000  }
0x549: {  	[sflag:s6] =	ssyncset.done $0x0  }
0x54a: {  	[sflag:s6] =	ssyncadd.s32 $0xFFFFE000  }
0x54b: {  	_ =	swait.ge [sflag:s6], $0x2000  }
0x54c: {  	[sflag:s6] =	ssyncset.done $0x0  }
0x54d: {  	[sflag:s6] =	ssyncadd.s32 $0xFFFFE000  }
0x54e: {  	_ =	swait.ge [sflag:s6], $0x2000  }
0x54f: {  	[sflag:s6] =	ssyncset.done $0x0  }
0x550: {  	[sflag:s6] =	ssyncadd.s32 $0xFFFFE000  }
0x551: {  	_ =	swait.ge [sflag:s6], $0x2000  }
0x552: {  	[sflag:s6] =	ssyncset.done $0x0  }
0x553: {  	[sflag:s6] =	ssyncadd.s32 $0xFFFFE000  }
0x554: {  	_ =	swait.ge [sflag:s6], $0x2000  }
0x555: {  	[sflag:s6] =	ssyncset.done $0x0  }
0x556: {  	[sflag:s6] =	ssyncadd.s32 $0xFFFFE000  }
0x557: {  	_ =	swait.ge [sflag:s6], $0x2000  }
0x558: {  	[sflag:s6] =	ssyncset.done $0x0  }
0x559: {  	[sflag:s6] =	ssyncadd.s32 $0xFFFFE000  }
0x55a: {  	_ =	swait.ge [sflag:s6], $0x2000  }
0x55b: {  	[sflag:s6] =	ssyncset.done $0x0  }
0x55c: {  	[sflag:s6] =	ssyncadd.s32 $0xFFFFE000  }
0x55d: {  	_ =	swait.ge [sflag:s6], $0x2000  }
0x55e: {  	[sflag:s6] =	ssyncset.done $0x0  }
0x55f: {  	[sflag:s6] =	ssyncadd.s32 $0xFFFFE000  }
0x560: {  	_ =	swait.ge [sflag:s6], $0x2000  }
0x561: {  	[sflag:s6] =	ssyncset.done $0x0  }
0x562: {  	[sflag:s6] =	ssyncadd.s32 $0xFFFFE000  }
0x563: {  	_ =	swait.ge [sflag:s6], $0x2000  }
0x564: {  	[sflag:s6] =	ssyncset.done $0x0  }
0x565: {  	[sflag:s6] =	ssyncadd.s32 $0xFFFFE000  }
0x566: {  	_ =	swait.ge [sflag:s6], $0x2000  }
0x567: {  	[sflag:s6] =	ssyncset.done $0x0  }
0x568: {  	[sflag:s6] =	ssyncadd.s32 $0xFFFFE000  }
0x569: {  	_ =	swait.ge [sflag:s6], $0x2000  }
0x56a: {  	[sflag:s6] =	ssyncset.done $0x0  }
0x56b: {  	[sflag:s6] =	ssyncadd.s32 $0xFFFFE000  }
0x56c: {  	_ =	swait.ge [sflag:s6], $0x2000  }
0x56d: {  	[sflag:s6] =	ssyncset.done $0x0  }
0x56e: {  	[sflag:s6] =	ssyncadd.s32 $0xFFFFE000  }
0x56f: {  	_ =	swait.ge [sflag:s6], $0x2000  }
0x570: {  	[sflag:s6] =	ssyncset.done $0x0  }
0x571: {  	[sflag:s6] =	ssyncadd.s32 $0xFFFFE000  }
0x572: {  	_ =	swait.ge [sflag:s6], $0x2000  }
0x573: {  	[sflag:s6] =	ssyncset.done $0x0  }
0x574: {  	s15 =	simm.s32 $0x0;
	s17 =	rddreg [dreg:$0x1f];
	[sflag:s6] =	ssyncadd.s32 $0xFFFFE000  }
0x575: {  	[hbm4b:s17+s15] =	stream.linear.scatter [tilespmem:s1], [sflag:$0x5], $0x2000, $0x38;
	[tilespmem:$0x1F8A0] =	vst v63  }
0x576: {  	_ =	swait.ge [sflag:s5], $0x2000  }
0x577: {  	[sflag:s5] =	ssyncset.done $0x0  }
0x578: {  	[sflag:s5] =	ssyncadd.s32 $0xFFFFE000  }
0x579: {  	_ =	swait.ge [sflag:s0], $0x2000  }
0x57a: {  	[sflag:s0] =	ssyncset.done $0x0  }
0x57b: {  	[sflag:s0] =	ssyncadd.s32 $0xFFFFE000  }
0x57c: {  	_ =	swait.ge [sflag:s0], $0x2000  }
0x57d: {  	[sflag:s0] =	ssyncset.done $0x0  }
0x57e: {  	[sflag:s0] =	ssyncadd.s32 $0xFFFFE000  }
0x57f: {  	_ =	swait.ge [sflag:s0], $0x2000  }
0x580: {  	[sflag:s0] =	ssyncset.done $0x0  }
0x581: {  	[sflag:s0] =	ssyncadd.s32 $0xFFFFE000  }
0x582: {  	_ =	swait.ge [sflag:s0], $0x2000  }
0x583: {  	[sflag:s0] =	ssyncset.done $0x0  }
0x584: {  	[sflag:s0] =	ssyncadd.s32 $0xFFFFE000  }
0x585: {  	_ =	swait.ge [sflag:s0], $0x2000  }
0x586: {  	[sflag:s0] =	ssyncset.done $0x0  }
0x587: {  	[sflag:s0] =	ssyncadd.s32 $0xFFFFE000  }
0x588: {  	_ =	swait.ge [sflag:s0], $0x2000  }
0x589: {  	[sflag:s0] =	ssyncset.done $0x0  }
0x58a: {  	[sflag:s0] =	ssyncadd.s32 $0xFFFFE000  }
0x58b: {  	_ =	swait.ge [sflag:s0], $0x2000  }
0x58c: {  	[sflag:s0] =	ssyncset.done $0x0  }
0x58d: {  	[sflag:s0] =	ssyncadd.s32 $0xFFFFE000  }
0x58e: {  	_ =	swait.ge [sflag:s0], $0x2000  }
0x58f: {  	[sflag:s0] =	ssyncset.done $0x0  }
0x590: {  	[sflag:s0] =	ssyncadd.s32 $0xFFFFE000  }
0x591: {  	_ =	swait.ge [sflag:s0], $0x2000  }
0x592: {  	[sflag:s0] =	ssyncset.done $0x0  }
0x593: {  	[sflag:s0] =	ssyncadd.s32 $0xFFFFE000  }
0x594: {  	_ =	swait.ge [sflag:s0], $0x2000  }
0x595: {  	[sflag:s0] =	ssyncset.done $0x0  }
0x596: {  	[sflag:s0] =	ssyncadd.s32 $0xFFFFE000  }
0x597: {  	_ =	swait.ge [sflag:s0], $0x2000  }
0x598: {  	[sflag:s0] =	ssyncset.done $0x0  }
0x599: {  	[sflag:s0] =	ssyncadd.s32 $0xFFFFE000  }
0x59a: {  	_ =	swait.ge [sflag:s0], $0x2000  }
0x59b: {  	[sflag:s0] =	ssyncset.done $0x0  }
0x59c: {  	[sflag:s0] =	ssyncadd.s32 $0xFFFFE000  }
0x59d: {  	_ =	swait.ge [sflag:s0], $0x2000  }
0x59e: {  	[sflag:s0] =	ssyncset.done $0x0  }
0x59f: {  	[sflag:s0] =	ssyncadd.s32 $0xFFFFE000  }
0x5a0: {  	_ =	swait.ge [sflag:s0], $0x2000  }
0x5a1: {  	[sflag:s0] =	ssyncset.done $0x0  }
0x5a2: {  	[sflag:s0] =	ssyncadd.s32 $0xFFFFE000  }
0x5a3: {  	_ =	swait.ge [sflag:s0], $0x2000  }
0x5a4: {  	s18 =	sld [smem:$0x7FB]  }
0x5a5: {  	[sflag:s0] =	ssyncset.done $0x0  }
0x5a6: {  	[sflag:s0] =	ssyncadd.s32 $0xFFFFE000  }
0x5a7: {  	[hbm4b:s18+s15] =	stream.linear.scatter [tilespmem:s12], [sflag:$0x5], $0x2000, $0x38;
	[tilespmem:$0x1F8A0] =	vst v63  }
0x5a8: {  	_ =	swait.ge [sflag:s5], $0x2000  }
0x5a9: {  	s20 =	sld [smem:$0x7FC];
	_ =	sdelay $0x1  }
0x5aa: {  	s7 =	sadd.s32 $0x1, s7  }
0x5ab: {  	p0 =	sne.s32 s7, s20  }
.Ltmp13:
0x5ac: {  	_ = 	snop;
	(pc) =	sbr.rel @p0 .LBB2_1-.Ltmp13, $3  }
0x5ad: {  	_ =	sdelay $0x1  }
0x5ae: {  	[sflag:s5] =	ssyncset.done $0x0  }
0x5af: {  	[sflag:s5] =	ssyncadd.s32 $0xFFFFE000  }
0x5b0: {  	_ =	sfence.sel $0x180000  }
0x5b1: {  	[bflag:$0x0] =	sbarrier.arrive $0xFFFF  }
0x5b2: {  	_ =	strace $0x90000047  }
0x5b3: {  	s0 =	stileid.u32;
	[bflag:$0x2] =	sbarrier.arrive $0xFFFF  }
0x5b4: {  	p0 =	sne.s32 s0, $0x0;
	s0 =	rddreg [dreg:$0x3]  }
0x5b5: {  	s0 =	sadd.s32 @!p0 $0x100000, s0  }
0x5b6: {  	[sflag:s0] =	ssyncadd.tile.s32 @!p0 $0x1;
	_ =	shalt  }
.Lfunc_end2:
_tile_overlayer_lowered:
.L_overlay_start_2:
0x5b7: {  	(tag) =	ssettag $0x2  }
0x5b8: {  	s0 =	rddreg [dreg:$0x0];
	s2 =	stileid.u32  }
0x5b9: {  	s1 =	rddreg [dreg:$0x1];
	p0 =	sne.s32 s2, $0x0  }
0x5ba: {  	s3 =	rddreg [dreg:$0x2];
	[bflag:$0x3] =	sbarrier.arrive $0xFFFF;
	s2 =	simm.s32 @!p0 $0x1C06  }
0x5bb: {  	[timem:s3], [sflag:s2] =	dma.local @!p0 [hbm:s0], s1  }
0x5bc: {  	s0 =	simm.s32 @!p0 $0x6  }
0x5bd: {  	_ =	swait.ge @!p0 [sflag:s0], s1  }
0x5be: {  	s1 =	ssub.s32 @!p0 $0x0, s1;
	[sflag:s0] =	ssyncset.done @!p0 $0x0  }
0x5bf: {  	[sflag:s0] =	ssyncadd.s32 @!p0 s1  }
0x5c0: {  	[bflag:$0x3] =	sbarrier.arrive $0xFFFF  }
0x5c1: {  	_ =	shalt  }

</sc_bundles>
